<compile_context>
chip_gen: v7x
topology: tpu7x:2x2x1
jax: 0.10.2.dev20260603
libtpu: 0.0.44.dev20260713+nightly
codegen_flags: <defaults>
</compile_context>

<pallas_src>
import functools

import jax
import jax.numpy as jnp
from jax import lax
from jax.experimental import pallas as pl
from jax.experimental.pallas import tpu as pltpu
from jax.experimental.pallas import tpu_sc as plsc

N_ENT = 100000
N_REL = 100000
D = 100
B = 512
FEW = 5
M = 50
PROCESS_STEPS = 4

NB = 16
BSLOTS = 2 * B + 2 * FEW
BSLOTS_PAD = 1040
G = BSLOTS_PAD * 2 * M
G_PAD = 104448
ROWS_W = 3264
CHUNK = 408
EW = 128
SW = 16

_SCORE_BLK = 2000


def _score_kernel(rel_ref, w1_ref, w2_ref, w3_ref, b1_ref, b2_ref, b3_ref,
                  a1_ref, a2_ref, out_ref):
    rows = rel_ref[...]
    w1a = a1_ref[...][:, :D]
    w2a = a2_ref[...][:, :D]
    cols = []
    outs = []
    for w_ref, b_ref in ((w1_ref, b1_ref), (w2_ref, b2_ref), (w3_ref, b3_ref)):
        p = lax.dot_general(rows, w_ref[...], (((1,), (1,)), ((), ())),
                            preferred_element_type=jnp.float32)
        p = p + b_ref[...]
        n = jnp.maximum(jnp.sqrt(jnp.sum(p * p, axis=1, keepdims=True)), 1e-12)
        inv = 1.0 / n
        cols.append(jnp.sum(p * w1a, axis=1, keepdims=True) * inv)
        outs.append(jnp.sum(p * w2a, axis=1, keepdims=True) * inv)
    zero = jnp.zeros((rows.shape[0], SW - 6), jnp.float32)
    out_ref[...] = jnp.concatenate(cols + outs + [zero], axis=1)


def _rel_scores(rel_table, lw, lb, a1, a2):
    grid = N_REL // _SCORE_BLK
    full = lambda shape: pl.BlockSpec(shape, lambda i: (0, 0))
    return pl.pallas_call(
        _score_kernel,
        grid=(grid,),
        in_specs=[pl.BlockSpec((_SCORE_BLK, D), lambda i: (i, 0)),
                  full((D, D)), full((D, D)), full((D, D)),
                  full((1, D)), full((1, D)), full((1, D)),
                  full((1, 2 * D)), full((1, 2 * D))],
        out_specs=pl.BlockSpec((_SCORE_BLK, SW), lambda i: (i, 0)),
        out_shape=jax.ShapeDtypeStruct((N_REL, SW), jnp.float32),
    )(rel_table, lw[0], lw[1], lw[2], lb[0], lb[1], lb[2], a1, a2)


def _sc_gather(ent_table, score_tab, ent_idx, rel_idx):
    info = plsc.get_sparse_core_info()
    nc, ns = info.num_cores, info.num_subcores

    mesh = plsc.VectorSubcoreMesh(core_axis_name="c", subcore_axis_name="s")

    @functools.partial(
        pl.kernel, mesh=mesh,
        compiler_params=pltpu.CompilerParams(use_tc_tiling_on_sc=False),
        out_type=[jax.ShapeDtypeStruct((G_PAD, EW), jnp.float32),
                  jax.ShapeDtypeStruct((G_PAD, SW), jnp.float32)],
        scratch_types=[pltpu.VMEM((CHUNK,), jnp.int32),
                       pltpu.VMEM((CHUNK,), jnp.int32),
                       pltpu.VMEM((CHUNK, EW), jnp.float32),
                       pltpu.VMEM((CHUNK, EW), jnp.float32),
                       pltpu.VMEM((CHUNK,), jnp.int32),
                       pltpu.VMEM((CHUNK,), jnp.int32),
                       pltpu.VMEM((CHUNK, SW), jnp.float32),
                       pltpu.VMEM((CHUNK, SW), jnp.float32),
                       pltpu.SemaphoreType.DMA,
                       pltpu.SemaphoreType.DMA,
                       pltpu.SemaphoreType.DMA,
                       pltpu.SemaphoreType.DMA],
    )
    def k(ent_hbm, stab_hbm, eidx_hbm, ridx_hbm, erows_out, srows_out,
          eidx0, eidx1, erow0, erow1, sidx0, sidx1, srow0, srow1,
          esem0, esem1, ssem0, ssem1):
        wid = lax.axis_index("s") * nc + lax.axis_index("c")
        base = wid * ROWS_W
        eidx = (eidx0, eidx1)
        erow = (erow0, erow1)
        sidx = (sidx0, sidx1)
        srow = (srow0, srow1)
        esem = (esem0, esem1)
        ssem = (ssem0, ssem1)
        nchunks = ROWS_W // CHUNK

        def fire(kk):
            b = kk % 2
            off = base + kk * CHUNK
            pltpu.sync_copy(eidx_hbm.at[pl.ds(off, CHUNK)], eidx[b])
            pltpu.sync_copy(ridx_hbm.at[pl.ds(off, CHUNK)], sidx[b])
            eh = pltpu.async_copy(ent_hbm.at[eidx[b]], erow[b], esem[b])
            sh = pltpu.async_copy(stab_hbm.at[sidx[b]], srow[b], ssem[b])
            return eh, sh

        handles = fire(0)
        for kk in range(nchunks):
            b = kk % 2
            nxt = fire(kk + 1) if kk + 1 < nchunks else None
            handles[0].wait()
            handles[1].wait()
            off = base + kk * CHUNK
            pltpu.sync_copy(erow[b], erows_out.at[pl.ds(off, CHUNK)])
            pltpu.sync_copy(srow[b], srows_out.at[pl.ds(off, CHUNK)])
            handles = nxt

    return k(ent_table, score_tab, ent_idx, rel_idx)


def _neigh_kernel(rows_ref, sc_ref, w1_ref, w2_ref, w3_ref,
                  b1_ref, b2_ref, b3_ref, out_ref):
    rows = rows_ref[...][:, :D]
    scores = sc_ref[...]
    nrows = NB * 2 * M

    r_idx = lax.broadcasted_iota(jnp.int32, (2 * NB, nrows), 1)
    seg = ((r_idx // M) % 2) * NB + r_idx // (2 * M)
    s_idx = lax.broadcasted_iota(jnp.int32, (2 * NB, nrows), 0)
    S = (seg == s_idx).astype(jnp.float32)

    dir_row = (lax.broadcasted_iota(jnp.int32, (nrows, 1), 0) // M) % 2
    e_all = jnp.exp(scores)
    e_sel = jnp.where(dir_row == 0, e_all[:, 0:3], e_all[:, 3:6])
    z = lax.dot_general(S, e_sel, (((1,), (0,)), ((), ())),
                        preferred_element_type=jnp.float32)

    encs = []
    for c, (w_ref, b_ref) in enumerate(((w1_ref, b1_ref), (w2_ref, b2_ref),
                                        (w3_ref, b3_ref))):
        p = lax.dot_general(rows, w_ref[...], (((1,), (1,)), ((), ())),
                            preferred_element_type=jnp.float32)
        p = p + b_ref[...]
        n = jnp.maximum(jnp.sqrt(jnp.sum(p * p, axis=1, keepdims=True)), 1e-12)
        wy = e_sel[:, c:c + 1] * p / n
        h = lax.dot_general(S, wy, (((1,), (0,)), ((), ())),
                            preferred_element_type=jnp.float32)
        h = h / z[:, c:c + 1]
        h_in, h_out = h[0:NB], h[NB:2 * NB]
        e_in, e_out = jnp.exp(h_in), jnp.exp(h_out)
        enc = jnp.tanh((h_in * e_in + h_out * e_out) / (e_in + e_out))
        encs.append(enc[None, :, :])
    out_ref[...] = jnp.concatenate(encs, axis=0)


def _neighbor_encode(ent_rows, score_rows, lw, lb):
    grid = BSLOTS_PAD // NB
    nrows = NB * 2 * M
    full = lambda shape: pl.BlockSpec(shape, lambda i: (0, 0))
    return pl.pallas_call(
        _neigh_kernel,
        grid=(grid,),
        in_specs=[pl.BlockSpec((nrows, EW), lambda i: (i, 0)),
                  pl.BlockSpec((nrows, SW), lambda i: (i, 0)),
                  full((D, D)), full((D, D)), full((D, D)),
                  full((1, D)), full((1, D)), full((1, D))],
        out_specs=pl.BlockSpec((3, NB, D), lambda i: (0, i, 0)),
        out_shape=jax.ShapeDtypeStruct((3, BSLOTS_PAD, D), jnp.float32),
    )(ent_rows, score_rows, lw[0], lw[1], lw[2], lb[0], lb[1], lb[2])


def _head_kernel(enc_ref, p1w_ref, p1b_ref, p2w_ref, p2b_ref, g_ref, lb_ref,
                 *refs):
    wih_g = refs[0:4]
    whh_h = refs[4:8]
    whh_r = refs[8:12]
    b_g = refs[12:16]
    out_ref = refs[16]

    def dotb(x, w_ref):
        return lax.dot_general(x.astype(jnp.bfloat16), w_ref[...],
                               (((1,), (1,)), ((), ())),
                               preferred_element_type=jnp.float32)

    def se(x):
        h = lax.dot_general(x, p1w_ref[...], (((1,), (1,)), ((), ())),
                            preferred_element_type=jnp.float32) + p1b_ref[...]
        h = jnp.maximum(h, 0.0)
        h = lax.dot_general(h, p2w_ref[...], (((1,), (1,)), ((), ())),
                            preferred_element_type=jnp.float32) + p2b_ref[...]
        y = h + x
        mu = jnp.mean(y, axis=1, keepdims=True)
        var = jnp.mean((y - mu) ** 2, axis=1, keepdims=True)
        return g_ref[...] * (y - mu) / jnp.sqrt(var + 1e-5) + lb_ref[...]

    q_g = []
    sup_rows = []
    for c in range(3):
        qn = jnp.concatenate([enc_ref[c, 0:B, :], enc_ref[c, B:2 * B, :]],
                             axis=1)
        sn = jnp.concatenate([enc_ref[c, 2 * B:2 * B + FEW, :],
                              enc_ref[c, 2 * B + FEW:2 * B + 2 * FEW, :]],
                             axis=1)
        q_g.append(se(qn))
        sup_rows.append(jnp.mean(se(sn), axis=0, keepdims=True))
    sup = jnp.concatenate(sup_rows, axis=0)

    outs = []
    for c in range(3):
        q = q_g[c]
        qg = [dotb(q, w) + b_g[g][...] for g, w in enumerate(wih_g)]
        h = None
        r = None
        cst = None
        for t in range(PROCESS_STEPS):
            if t == 0:
                gates = qg
            else:
                gates = [qg[g] + dotb(h, whh_h[g]) + dotb(r, whh_r[g])
                         for g in range(4)]
            ig = jax.nn.sigmoid(gates[0])
            gg = jnp.tanh(gates[2])
            if t == 0:
                cst = ig * gg
            else:
                cst = jax.nn.sigmoid(gates[1]) * cst + ig * gg
            og = jax.nn.sigmoid(gates[3])
            h = q + og * jnp.tanh(cst)
            if t + 1 < PROCESS_STEPS:
                logits = lax.dot_general(h, sup, (((1,), (1,)), ((), ())),
                                         preferred_element_type=jnp.float32)
                logits = logits - jnp.max(logits, axis=1, keepdims=True)
                ea = jnp.exp(logits)
                attn = ea / jnp.sum(ea, axis=1, keepdims=True)
                r = lax.dot_general(attn, sup, (((1,), (0,)), ((), ())),
                                    preferred_element_type=jnp.float32)
        outs.append(jnp.sum(h * sup[c:c + 1, :], axis=1, keepdims=True))
    out_ref[...] = jnp.maximum(jnp.maximum(outs[0], outs[1]), outs[2])


def _head(enc, p):
    full2 = lambda shape: pl.BlockSpec(shape, lambda: (0, 0))
    specs = ([pl.BlockSpec((3, BSLOTS_PAD, D), lambda: (0, 0, 0)),
              full2((4 * D, 2 * D)), full2((1, 4 * D)),
              full2((2 * D, 4 * D)), full2((1, 2 * D)),
              full2((1, 2 * D)), full2((1, 2 * D))]
             + [full2((2 * D, 2 * D))] * 12 + [full2((1, 2 * D))] * 4)
    return pl.pallas_call(
        _head_kernel,
        in_specs=specs,
        out_specs=pl.BlockSpec((B, 1), lambda: (0, 0)),
        out_shape=jax.ShapeDtypeStruct((B, 1), jnp.float32),
    )(enc, p["se_p1_W"], p["se_p1_b"], p["se_p2_W"], p["se_p2_b"],
      p["se_ln_g"], p["se_ln_b"], *p["wih_g"], *p["whh_h"], *p["whh_r"],
      *p["b_g"])


def kernel(query, support, query_left_conn_out, query_left_conn_in,
           query_left_degrees, query_right_conn_out, query_right_conn_in,
           query_right_degrees, support_left_conn_out, support_left_conn_in,
           support_left_degrees, support_right_conn_out, support_right_conn_in,
           support_right_degrees, ent_table, rel_table, lin1_W, lin1_b,
           lin2_W, lin2_b, lin3_W, lin3_b, attn1_W, attn1_b, attn2_W,
           attn2_b, se_p1_W, se_p1_b, se_p2_W, se_p2_b, se_ln_g, se_ln_b,
           qe_Wih, qe_Whh, qe_bih, qe_bhh):
    def flat(conn_in, conn_out, col):
        return jnp.stack([conn_in[:, :, col], conn_out[:, :, col]],
                         axis=1).reshape(-1)

    sections = [(query_left_conn_in, query_left_conn_out),
                (query_right_conn_in, query_right_conn_out),
                (support_left_conn_in, support_left_conn_out),
                (support_right_conn_in, support_right_conn_out)]
    pad = jnp.zeros((G_PAD - 2 * M * BSLOTS,), jnp.int32)
    ent_idx = jnp.concatenate(
        [flat(ci, co, 1) for ci, co in sections] + [pad]).astype(jnp.int32)
    rel_idx = jnp.concatenate(
        [flat(ci, co, 0) for ci, co in sections] + [pad]).astype(jnp.int32)

    lw = (lin1_W, lin2_W, lin3_W)
    lb = (lin1_b.reshape(1, D), lin2_b.reshape(1, D), lin3_b.reshape(1, D))

    score_tab = _rel_scores(rel_table, lw, lb,
                            attn1_W.reshape(1, 2 * D),
                            attn2_W.reshape(1, 2 * D))
    ent_pad = jnp.pad(ent_table, ((0, 0), (0, EW - D)))
    ent_rows, score_rows = _sc_gather(ent_pad, score_tab, ent_idx, rel_idx)
    enc = _neighbor_encode(ent_rows, score_rows, lw, lb)

    bsum = qe_bih + qe_bhh
    wih_g, whh_h, whh_r, b_g = [], [], [], []
    for g in range(4):
        r0 = g * 4 * D
        wih_g.append(qe_Wih[r0:r0 + 2 * D, :].astype(jnp.bfloat16))
        whh_h.append(qe_Whh[r0:r0 + 2 * D, :2 * D].astype(jnp.bfloat16))
        whh_r.append(qe_Whh[r0:r0 + 2 * D, 2 * D:].astype(jnp.bfloat16))
        b_g.append(bsum[r0:r0 + 2 * D].reshape(1, 2 * D))
    p = dict(se_p1_W=se_p1_W, se_p1_b=se_p1_b.reshape(1, 4 * D),
             se_p2_W=se_p2_W, se_p2_b=se_p2_b.reshape(1, 2 * D),
             se_ln_g=se_ln_g.reshape(1, 2 * D), se_ln_b=se_ln_b.reshape(1, 2 * D),
             wih_g=wih_g, whh_h=whh_h, whh_r=whh_r, b_g=b_g)
    out = _head(enc, p)
    return out[:, 0]

# --- scband reference (transcript-rebuilt; emitter-appended) ---
"""Pipeline reference for scband-embed-matcher-11132555231899 (READ-ONLY COPY).

The authoritative reference and input builder live on the scoring server;
editing this copy changes nothing except your own understanding.
"""

import jax, jax.numpy as jnp
import numpy as np

N_ENT = 100000
N_REL = 100000
D = 100
B = 512
FEW = 5
M = 50
PROCESS_STEPS = 4

INT_NAMES = ["query", "support", "query_left_conn_out", "query_left_conn_in", "query_left_degrees", "query_right_conn_out", "query_right_conn_in", "query_right_degrees", "support_left_conn_out", "support_left_conn_in", "support_left_degrees", "support_right_conn_out", "support_right_conn_in", "support_right_degrees"]


def _xavier(k, shape):
    std = (2.0 / (shape[0] + shape[1])) ** 0.5
    return (std * jax.random.normal(k, shape)).astype(jnp.float32)


def setup_inputs():
    ks = jax.random.split(jax.random.key(0), 32)
    inp = {}
    inp["query"] = jax.random.randint(ks[0], (B, 2), 0, N_ENT)
    inp["support"] = jax.random.randint(ks[1], (FEW, 2), 0, N_ENT)
    inp["query_left_conn_out"] = jax.random.randint(ks[2], (B, M, 2), 0, N_ENT)
    inp["query_left_conn_in"] = jax.random.randint(ks[3], (B, M, 2), 0, N_ENT)
    inp["query_left_degrees"] = jax.random.randint(ks[4], (B,), 1, M)
    inp["query_right_conn_out"] = jax.random.randint(ks[5], (B, M, 2), 0, N_ENT)
    inp["query_right_conn_in"] = jax.random.randint(ks[6], (B, M, 2), 0, N_ENT)
    inp["query_right_degrees"] = jax.random.randint(ks[7], (B,), 1, M)
    inp["support_left_conn_out"] = jax.random.randint(ks[8], (FEW, M, 2), 0, N_ENT)
    inp["support_left_conn_in"] = jax.random.randint(ks[9], (FEW, M, 2), 0, N_ENT)
    inp["support_left_degrees"] = jax.random.randint(ks[10], (FEW,), 1, M)
    inp["support_right_conn_out"] = jax.random.randint(ks[11], (FEW, M, 2), 0, N_ENT)
    inp["support_right_conn_in"] = jax.random.randint(ks[12], (FEW, M, 2), 0, N_ENT)
    inp["support_right_degrees"] = jax.random.randint(ks[13], (FEW,), 1, M)
    inp["ent_table"] = 0.1 * jax.random.normal(ks[14], (N_ENT, D), dtype=jnp.float32)
    inp["rel_table"] = 0.1 * jax.random.normal(ks[15], (N_REL, D), dtype=jnp.float32)
    inp["lin1_W"] = _xavier(ks[16], (D, D)); inp["lin1_b"] = jnp.zeros((D,), jnp.float32)
    inp["lin2_W"] = _xavier(ks[17], (D, D)); inp["lin2_b"] = jnp.zeros((D,), jnp.float32)
    inp["lin3_W"] = _xavier(ks[18], (D, D)); inp["lin3_b"] = jnp.zeros((D,), jnp.float32)
    inp["attn1_W"] = _xavier(ks[19], (1, 2 * D)); inp["attn1_b"] = jnp.zeros((1,), jnp.float32)
    inp["attn2_W"] = _xavier(ks[20], (1, 2 * D)); inp["attn2_b"] = jnp.zeros((1,), jnp.float32)
    inp["se_p1_W"] = _xavier(ks[21], (4 * D, 2 * D)); inp["se_p1_b"] = jnp.zeros((4 * D,), jnp.float32)
    inp["se_p2_W"] = _xavier(ks[22], (2 * D, 4 * D)); inp["se_p2_b"] = jnp.zeros((2 * D,), jnp.float32)
    inp["se_ln_g"] = jnp.ones((2 * D,), jnp.float32); inp["se_ln_b"] = jnp.zeros((2 * D,), jnp.float32)
    inp["qe_Wih"] = _xavier(ks[23], (16 * D, 2 * D))
    inp["qe_Whh"] = _xavier(ks[24], (16 * D, 4 * D))
    inp["qe_bih"] = jnp.zeros((16 * D,), jnp.float32)
    inp["qe_bhh"] = jnp.zeros((16 * D,), jnp.float32)
    return inp


def _normalize(x):
    n = jnp.sqrt(jnp.sum(x * x, axis=1, keepdims=True))
    return x / jnp.maximum(n, 1e-12)


def _neighbor_encoder(left, right, conn_out, conn_in, rel_embeds, ent_embeds, p):
    relations_out = conn_out[:, :, 0]
    entities_out = conn_out[:, :, 1]
    relations_in = conn_in[:, :, 0]
    entities_in = conn_in[:, :, 1]
    rel_out = rel_embeds[relations_out]
    ent_out = ent_embeds[entities_out]
    rel_in = rel_embeds[relations_in]
    ent_in = ent_embeds[entities_in]
    left_e = ent_embeds[left]
    right_e = ent_embeds[right]
    real_rel = right_e - left_e
    real_rel = jnp.broadcast_to(real_rel[:, None, :, :], rel_out.shape)
    concat_in = jnp.concatenate([rel_in, real_rel], axis=-1)
    tmp_in = concat_in @ p["attn1_W"].T + p["attn1_b"]
    atten_in = jax.nn.softmax(tmp_in, axis=1)
    concat_out = jnp.concatenate([rel_out, real_rel], axis=-1)
    tmp_out = concat_out @ p["attn2_W"].T + p["attn2_b"]
    atten_out = jax.nn.softmax(tmp_out, axis=1)
    h_in = jnp.sum(atten_in * ent_in, axis=1)
    h_out = jnp.sum(atten_out * ent_out, axis=1)
    e_in = jnp.exp(h_in)
    e_out = jnp.exp(h_out)
    out = (h_in * e_in + h_out * e_out) / (e_in + e_out)
    return jnp.tanh(out)


def _support_encoder(x, p):
    h = jax.nn.relu(x @ p["se_p1_W"].T + p["se_p1_b"])
    h = h @ p["se_p2_W"].T + p["se_p2_b"]
    y = h + x
    mu = jnp.mean(y, axis=-1, keepdims=True)
    var = jnp.var(y, axis=-1, keepdims=True)
    return p["se_ln_g"] * (y - mu) / jnp.sqrt(var + 1e-5) + p["se_ln_b"]


def _lstm_cell(x, h, c, p):
    gates = x @ p["qe_Wih"].T + p["qe_bih"] + h @ p["qe_Whh"].T + p["qe_bhh"]
    i, f, g, o = jnp.split(gates, 4, axis=1)
    i = jax.nn.sigmoid(i); f = jax.nn.sigmoid(f)
    g = jnp.tanh(g); o = jax.nn.sigmoid(o)
    c = f * c + i * g
    return o * jnp.tanh(c), c


def _query_encoder(support, query, p):
    bsz = query.shape[0]
    d = query.shape[1]
    h_r = jnp.zeros((bsz, 2 * d), jnp.float32)
    c = jnp.zeros((bsz, 2 * d), jnp.float32)
    h = query
    for _ in range(PROCESS_STEPS):
        h_r_, c = _lstm_cell(query, h_r, c, p)
        h = query + h_r_[:, :d]
        attn = jax.nn.softmax(h @ support.T, axis=1)
        r = attn @ support
        h_r = jnp.concatenate([h, r], axis=1)
    return h


def _forward(p, ints):
    ent1 = _normalize(p["ent_table"] @ p["lin1_W"].T + p["lin1_b"])[:, None, :]
    ent2 = _normalize(p["ent_table"] @ p["lin2_W"].T + p["lin2_b"])[:, None, :]
    ent3 = _normalize(p["ent_table"] @ p["lin3_W"].T + p["lin3_b"])[:, None, :]
    rel1 = _normalize(p["rel_table"] @ p["lin1_W"].T + p["lin1_b"])[:, None, :]
    rel2 = _normalize(p["rel_table"] @ p["lin2_W"].T + p["lin2_b"])[:, None, :]
    rel3 = _normalize(p["rel_table"] @ p["lin3_W"].T + p["lin3_b"])[:, None, :]
    ent_embeds = jnp.concatenate([ent1, ent2, ent3], axis=1)
    rel_embeds = jnp.concatenate([rel1, rel2, rel3], axis=1)
    q = ints["query"]; s = ints["support"]
    query_left = _neighbor_encoder(q[:, 0], q[:, 1], ints["query_left_conn_out"], ints["query_left_conn_in"], rel_embeds, ent_embeds, p)
    query_right = _neighbor_encoder(q[:, 0], q[:, 1], ints["query_right_conn_out"], ints["query_right_conn_in"], rel_embeds, ent_embeds, p)
    support_left = _neighbor_encoder(s[:, 0], s[:, 1], ints["support_left_conn_out"], ints["support_left_conn_in"], rel_embeds, ent_embeds, p)
    support_right = _neighbor_encoder(s[:, 0], s[:, 1], ints["support_right_conn_out"], ints["support_right_conn_in"], rel_embeds, ent_embeds, p)
    query_neighbor = jnp.concatenate([query_left, query_right], axis=-1)
    support_neighbor = jnp.concatenate([support_left, support_right], axis=-1)
    support_g = _support_encoder(support_neighbor, p)
    query_g = _support_encoder(query_neighbor, p)
    support_g = jnp.mean(support_g, axis=0, keepdims=True)
    qf1 = _query_encoder(support_g[0], query_g[:, 0], p)
    qf2 = _query_encoder(support_g[0], query_g[:, 1], p)
    qf3 = _query_encoder(support_g[0], query_g[:, 2], p)
    s1 = (qf1 @ support_g[:, 0].T).squeeze()
    s2 = (qf2 @ support_g[:, 1].T).squeeze()
    s3 = (qf3 @ support_g[:, 2].T).squeeze()
    return jnp.maximum(jnp.maximum(s1, s2), s3)


def reference(query, support, query_left_conn_out, query_left_conn_in,
              query_left_degrees, query_right_conn_out, query_right_conn_in,
              query_right_degrees, support_left_conn_out, support_left_conn_in,
              support_left_degrees, support_right_conn_out, support_right_conn_in,
              support_right_degrees, ent_table, rel_table, lin1_W, lin1_b,
              lin2_W, lin2_b, lin3_W, lin3_b, attn1_W, attn1_b, attn2_W,
              attn2_b, se_p1_W, se_p1_b, se_p2_W, se_p2_b, se_ln_g, se_ln_b,
              qe_Wih, qe_Whh, qe_bih, qe_bhh):
    kw = dict(locals())
    ints = {n: kw.pop(n) for n in INT_NAMES}
    return _forward(kw, ints)

if __name__ == "__main__":
    import jax
    _d = setup_inputs()
    print(jax.jit(kernel)(*tuple(_d.values())))

</pallas_src>

<mosaic_0001>
#map = affine_map<(d0, d1) -> (0, 0)>
#map1 = affine_map<(d0, d1) -> (0)>
module attributes {stable_mosaic.version = 14 : i64} {
  func.func @k(%arg0: i32, %arg1: i32, %arg2: memref<100000x128xf32, #tpu.memory_space<hbm>>, %arg3: memref<100000x16xf32, #tpu.memory_space<hbm>>, %arg4: memref<104448xi32, #tpu.memory_space<hbm>>, %arg5: memref<104448xi32, #tpu.memory_space<hbm>>, %arg6: memref<104448x128xf32, #tpu.memory_space<hbm>>, %arg7: memref<104448x16xf32, #tpu.memory_space<hbm>>, %arg8: memref<408xi32, #tpu.memory_space<vmem>>, %arg9: memref<408xi32, #tpu.memory_space<vmem>>, %arg10: memref<408x128xf32, #tpu.memory_space<vmem>>, %arg11: memref<408x128xf32, #tpu.memory_space<vmem>>, %arg12: memref<408xi32, #tpu.memory_space<vmem>>, %arg13: memref<408xi32, #tpu.memory_space<vmem>>, %arg14: memref<408x16xf32, #tpu.memory_space<vmem>>, %arg15: memref<408x16xf32, #tpu.memory_space<vmem>>, %arg16: memref<!tpu.dma_semaphore, #tpu.memory_space<semaphore_mem>>, %arg17: memref<!tpu.dma_semaphore, #tpu.memory_space<semaphore_mem>>, %arg18: memref<!tpu.dma_semaphore, #tpu.memory_space<semaphore_mem>>, %arg19: memref<!tpu.dma_semaphore, #tpu.memory_space<semaphore_mem>>) attributes {dimension_semantics = [#tpu.dimension_semantics<core_parallel>, #tpu.dimension_semantics<subcore_parallel>], iteration_bounds = array<i64: 2, 16>, scalar_prefetch = 0 : i64, scratch_operands = 12 : i64, tpu.core_type = #tpu.core_type<sc_vector_subcore>, window_params = [{transform_indices = #map}, {transform_indices = #map}, {transform_indices = #map1}, {transform_indices = #map1}, {transform_indices = #map}, {transform_indices = #map}]} {
    %mul3A = arith.constant 2 : i32
    %mul3A_0 = arith.muli %arg1, %mul3A : i32
    %add3A = arith.addi %mul3A_0, %arg0 : i32
    %mul3A_1 = arith.constant 3264 : i32
    %mul3A_2 = arith.muli %add3A, %mul3A_1 : i32
    %add3A_3 = arith.constant 0 : i32
    %add3A_4 = arith.addi %mul3A_2, %add3A_3 : i32
    "tpu.region"() ({
      %run_scoped3A = tpu.sem_alloc : memref<!tpu.dma_semaphore, #tpu.memory_space<semaphore_mem>>
      %dma_start3A_129 = tpu.memref_slice %arg4[%add3A_4] : memref<104448xi32, #tpu.memory_space<hbm>> -> memref<408xi32, #tpu.memory_space<hbm>>
      %dma_start3A_130 = tpu.memref_slice %arg4[%add3A_4] : memref<104448xi32, #tpu.memory_space<hbm>> -> memref<408xi32, #tpu.memory_space<hbm>>
      tpu.enqueue_dma source(%dma_start3A_130 : memref<408xi32, #tpu.memory_space<hbm>>) target(%arg8 : memref<408xi32, #tpu.memory_space<vmem>>) target_semaphore(%run_scoped3A : memref<!tpu.dma_semaphore, #tpu.memory_space<semaphore_mem>>)
      %dma_wait3A_131 = tpu.memref_slice %arg4[%add3A_4] : memref<104448xi32, #tpu.memory_space<hbm>> -> memref<408xi32, #tpu.memory_space<hbm>>
      %dma_wait3A_132 = tpu.memref_slice %arg4[%add3A_4] : memref<104448xi32, #tpu.memory_space<hbm>> -> memref<408xi32, #tpu.memory_space<hbm>>
      tpu.wait_dma2 semaphore(%run_scoped3A : memref<!tpu.dma_semaphore, #tpu.memory_space<semaphore_mem>>) src(%dma_wait3A_132 : memref<408xi32, #tpu.memory_space<hbm>>) dst(%arg8 : memref<408xi32, #tpu.memory_space<vmem>>)
      tpu.yield
    }) : () -> ()
    "tpu.region"() ({
      %run_scoped3A = tpu.sem_alloc : memref<!tpu.dma_semaphore, #tpu.memory_space<semaphore_mem>>
      %dma_start3A_129 = tpu.memref_slice %arg5[%add3A_4] : memref<104448xi32, #tpu.memory_space<hbm>> -> memref<408xi32, #tpu.memory_space<hbm>>
      %dma_start3A_130 = tpu.memref_slice %arg5[%add3A_4] : memref<104448xi32, #tpu.memory_space<hbm>> -> memref<408xi32, #tpu.memory_space<hbm>>
      tpu.enqueue_dma source(%dma_start3A_130 : memref<408xi32, #tpu.memory_space<hbm>>) target(%arg12 : memref<408xi32, #tpu.memory_space<vmem>>) target_semaphore(%run_scoped3A : memref<!tpu.dma_semaphore, #tpu.memory_space<semaphore_mem>>)
      %dma_wait3A_131 = tpu.memref_slice %arg5[%add3A_4] : memref<104448xi32, #tpu.memory_space<hbm>> -> memref<408xi32, #tpu.memory_space<hbm>>
      %dma_wait3A_132 = tpu.memref_slice %arg5[%add3A_4] : memref<104448xi32, #tpu.memory_space<hbm>> -> memref<408xi32, #tpu.memory_space<hbm>>
      tpu.wait_dma2 semaphore(%run_scoped3A : memref<!tpu.dma_semaphore, #tpu.memory_space<semaphore_mem>>) src(%dma_wait3A_132 : memref<408xi32, #tpu.memory_space<hbm>>) dst(%arg12 : memref<408xi32, #tpu.memory_space<vmem>>)
      tpu.yield
    }) : () -> ()
    %dma_start3A = arith.constant 0 : i32
    %dma_start3A_5 = arith.constant 0 : i32
    %dma_start3A_6 = tpu.memref_slice %arg2[%dma_start3A, %dma_start3A_5] : memref<100000x128xf32, #tpu.memory_space<hbm>> -> memref<100000x128xf32, #tpu.memory_space<hbm>>
    tpu.enqueue_indirect_dma source(%dma_start3A_6 : memref<100000x128xf32, #tpu.memory_space<hbm>>) target(%arg10 : memref<408x128xf32, #tpu.memory_space<vmem>>) offsets(%arg8 : memref<408xi32, #tpu.memory_space<vmem>>) semaphore(%arg16 : memref<!tpu.dma_semaphore, #tpu.memory_space<semaphore_mem>>)
    %dma_start3A_7 = arith.constant 0 : i32
    %dma_start3A_8 = arith.constant 0 : i32
    %dma_start3A_9 = tpu.memref_slice %arg3[%dma_start3A_7, %dma_start3A_8] : memref<100000x16xf32, #tpu.memory_space<hbm>> -> memref<100000x16xf32, #tpu.memory_space<hbm>>
    tpu.enqueue_indirect_dma source(%dma_start3A_9 : memref<100000x16xf32, #tpu.memory_space<hbm>>) target(%arg14 : memref<408x16xf32, #tpu.memory_space<vmem>>) offsets(%arg12 : memref<408xi32, #tpu.memory_space<vmem>>) semaphore(%arg18 : memref<!tpu.dma_semaphore, #tpu.memory_space<semaphore_mem>>)
    %add3A_10 = arith.constant 408 : i32
    %add3A_11 = arith.addi %mul3A_2, %add3A_10 : i32
    "tpu.region"() ({
      %run_scoped3A = tpu.sem_alloc : memref<!tpu.dma_semaphore, #tpu.memory_space<semaphore_mem>>
      %dma_start3A_129 = tpu.memref_slice %arg4[%add3A_11] : memref<104448xi32, #tpu.memory_space<hbm>> -> memref<408xi32, #tpu.memory_space<hbm>>
      %dma_start3A_130 = tpu.memref_slice %arg4[%add3A_11] : memref<104448xi32, #tpu.memory_space<hbm>> -> memref<408xi32, #tpu.memory_space<hbm>>
      tpu.enqueue_dma source(%dma_start3A_130 : memref<408xi32, #tpu.memory_space<hbm>>) target(%arg9 : memref<408xi32, #tpu.memory_space<vmem>>) target_semaphore(%run_scoped3A : memref<!tpu.dma_semaphore, #tpu.memory_space<semaphore_mem>>)
      %dma_wait3A_131 = tpu.memref_slice %arg4[%add3A_11] : memref<104448xi32, #tpu.memory_space<hbm>> -> memref<408xi32, #tpu.memory_space<hbm>>
      %dma_wait3A_132 = tpu.memref_slice %arg4[%add3A_11] : memref<104448xi32, #tpu.memory_space<hbm>> -> memref<408xi32, #tpu.memory_space<hbm>>
      tpu.wait_dma2 semaphore(%run_scoped3A : memref<!tpu.dma_semaphore, #tpu.memory_space<semaphore_mem>>) src(%dma_wait3A_132 : memref<408xi32, #tpu.memory_space<hbm>>) dst(%arg9 : memref<408xi32, #tpu.memory_space<vmem>>)
      tpu.yield
    }) : () -> ()
    "tpu.region"() ({
      %run_scoped3A = tpu.sem_alloc : memref<!tpu.dma_semaphore, #tpu.memory_space<semaphore_mem>>
      %dma_start3A_129 = tpu.memref_slice %arg5[%add3A_11] : memref<104448xi32, #tpu.memory_space<hbm>> -> memref<408xi32, #tpu.memory_space<hbm>>
      %dma_start3A_130 = tpu.memref_slice %arg5[%add3A_11] : memref<104448xi32, #tpu.memory_space<hbm>> -> memref<408xi32, #tpu.memory_space<hbm>>
      tpu.enqueue_dma source(%dma_start3A_130 : memref<408xi32, #tpu.memory_space<hbm>>) target(%arg13 : memref<408xi32, #tpu.memory_space<vmem>>) target_semaphore(%run_scoped3A : memref<!tpu.dma_semaphore, #tpu.memory_space<semaphore_mem>>)
      %dma_wait3A_131 = tpu.memref_slice %arg5[%add3A_11] : memref<104448xi32, #tpu.memory_space<hbm>> -> memref<408xi32, #tpu.memory_space<hbm>>
      %dma_wait3A_132 = tpu.memref_slice %arg5[%add3A_11] : memref<104448xi32, #tpu.memory_space<hbm>> -> memref<408xi32, #tpu.memory_space<hbm>>
      tpu.wait_dma2 semaphore(%run_scoped3A : memref<!tpu.dma_semaphore, #tpu.memory_space<semaphore_mem>>) src(%dma_wait3A_132 : memref<408xi32, #tpu.memory_space<hbm>>) dst(%arg13 : memref<408xi32, #tpu.memory_space<vmem>>)
      tpu.yield
    }) : () -> ()
    %dma_start3A_12 = arith.constant 0 : i32
    %dma_start3A_13 = arith.constant 0 : i32
    %dma_start3A_14 = tpu.memref_slice %arg2[%dma_start3A_12, %dma_start3A_13] : memref<100000x128xf32, #tpu.memory_space<hbm>> -> memref<100000x128xf32, #tpu.memory_space<hbm>>
    tpu.enqueue_indirect_dma source(%dma_start3A_14 : memref<100000x128xf32, #tpu.memory_space<hbm>>) target(%arg11 : memref<408x128xf32, #tpu.memory_space<vmem>>) offsets(%arg9 : memref<408xi32, #tpu.memory_space<vmem>>) semaphore(%arg17 : memref<!tpu.dma_semaphore, #tpu.memory_space<semaphore_mem>>)
    %dma_start3A_15 = arith.constant 0 : i32
    %dma_start3A_16 = arith.constant 0 : i32
    %dma_start3A_17 = tpu.memref_slice %arg3[%dma_start3A_15, %dma_start3A_16] : memref<100000x16xf32, #tpu.memory_space<hbm>> -> memref<100000x16xf32, #tpu.memory_space<hbm>>
    tpu.enqueue_indirect_dma source(%dma_start3A_17 : memref<100000x16xf32, #tpu.memory_space<hbm>>) target(%arg15 : memref<408x16xf32, #tpu.memory_space<vmem>>) offsets(%arg13 : memref<408xi32, #tpu.memory_space<vmem>>) semaphore(%arg19 : memref<!tpu.dma_semaphore, #tpu.memory_space<semaphore_mem>>)
    %dma_wait3A = arith.constant 0 : i32
    %dma_wait3A_18 = arith.constant 0 : i32
    %dma_wait3A_19 = tpu.memref_slice %arg2[%dma_wait3A, %dma_wait3A_18] : memref<100000x128xf32, #tpu.memory_space<hbm>> -> memref<100000x128xf32, #tpu.memory_space<hbm>>
    tpu.wait_indirect_dma semaphore(%arg16 : memref<!tpu.dma_semaphore, #tpu.memory_space<semaphore_mem>>) src(%dma_wait3A_19 : memref<100000x128xf32, #tpu.memory_space<hbm>>) dst(%arg10 : memref<408x128xf32, #tpu.memory_space<vmem>>)
    %dma_wait3A_20 = arith.constant 0 : i32
    %dma_wait3A_21 = arith.constant 0 : i32
    %dma_wait3A_22 = tpu.memref_slice %arg3[%dma_wait3A_20, %dma_wait3A_21] : memref<100000x16xf32, #tpu.memory_space<hbm>> -> memref<100000x16xf32, #tpu.memory_space<hbm>>
    tpu.wait_indirect_dma semaphore(%arg18 : memref<!tpu.dma_semaphore, #tpu.memory_space<semaphore_mem>>) src(%dma_wait3A_22 : memref<100000x16xf32, #tpu.memory_space<hbm>>) dst(%arg14 : memref<408x16xf32, #tpu.memory_space<vmem>>)
    %add3A_23 = arith.constant 0 : i32
    %add3A_24 = arith.addi %mul3A_2, %add3A_23 : i32
    "tpu.region"() ({
      %run_scoped3A = tpu.sem_alloc : memref<!tpu.dma_semaphore, #tpu.memory_space<semaphore_mem>>
      %dma_start3A_129 = arith.constant 0 : i32
      %dma_start3A_130 = tpu.memref_slice %arg6[%add3A_24, %dma_start3A_129] : memref<104448x128xf32, #tpu.memory_space<hbm>> -> memref<408x128xf32, #tpu.memory_space<hbm>>
      %dma_start3A_131 = arith.constant 0 : i32
      %dma_start3A_132 = tpu.memref_slice %arg6[%add3A_24, %dma_start3A_131] : memref<104448x128xf32, #tpu.memory_space<hbm>> -> memref<408x128xf32, #tpu.memory_space<hbm>>
      tpu.enqueue_dma source(%arg10 : memref<408x128xf32, #tpu.memory_space<vmem>>) target(%dma_start3A_132 : memref<408x128xf32, #tpu.memory_space<hbm>>) target_semaphore(%run_scoped3A : memref<!tpu.dma_semaphore, #tpu.memory_space<semaphore_mem>>)
      %dma_wait3A_133 = arith.constant 0 : i32
      %dma_wait3A_134 = tpu.memref_slice %arg6[%add3A_24, %dma_wait3A_133] : memref<104448x128xf32, #tpu.memory_space<hbm>> -> memref<408x128xf32, #tpu.memory_space<hbm>>
      %dma_wait3A_135 = arith.constant 0 : i32
      %dma_wait3A_136 = tpu.memref_slice %arg6[%add3A_24, %dma_wait3A_135] : memref<104448x128xf32, #tpu.memory_space<hbm>> -> memref<408x128xf32, #tpu.memory_space<hbm>>
      tpu.wait_dma2 semaphore(%run_scoped3A : memref<!tpu.dma_semaphore, #tpu.memory_space<semaphore_mem>>) src(%arg10 : memref<408x128xf32, #tpu.memory_space<vmem>>) dst(%dma_wait3A_136 : memref<408x128xf32, #tpu.memory_space<hbm>>)
      tpu.yield
    }) : () -> ()
    "tpu.region"() ({
      %run_scoped3A = tpu.sem_alloc : memref<!tpu.dma_semaphore, #tpu.memory_space<semaphore_mem>>
      %dma_start3A_129 = arith.constant 0 : i32
      %dma_start3A_130 = tpu.memref_slice %arg7[%add3A_24, %dma_start3A_129] : memref<104448x16xf32, #tpu.memory_space<hbm>> -> memref<408x16xf32, #tpu.memory_space<hbm>>
      %dma_start3A_131 = arith.constant 0 : i32
      %dma_start3A_132 = tpu.memref_slice %arg7[%add3A_24, %dma_start3A_131] : memref<104448x16xf32, #tpu.memory_space<hbm>> -> memref<408x16xf32, #tpu.memory_space<hbm>>
      tpu.enqueue_dma source(%arg14 : memref<408x16xf32, #tpu.memory_space<vmem>>) target(%dma_start3A_132 : memref<408x16xf32, #tpu.memory_space<hbm>>) target_semaphore(%run_scoped3A : memref<!tpu.dma_semaphore, #tpu.memory_space<semaphore_mem>>)
      %dma_wait3A_133 = arith.constant 0 : i32
      %dma_wait3A_134 = tpu.memref_slice %arg7[%add3A_24, %dma_wait3A_133] : memref<104448x16xf32, #tpu.memory_space<hbm>> -> memref<408x16xf32, #tpu.memory_space<hbm>>
      %dma_wait3A_135 = arith.constant 0 : i32
      %dma_wait3A_136 = tpu.memref_slice %arg7[%add3A_24, %dma_wait3A_135] : memref<104448x16xf32, #tpu.memory_space<hbm>> -> memref<408x16xf32, #tpu.memory_space<hbm>>
      tpu.wait_dma2 semaphore(%run_scoped3A : memref<!tpu.dma_semaphore, #tpu.memory_space<semaphore_mem>>) src(%arg14 : memref<408x16xf32, #tpu.memory_space<vmem>>) dst(%dma_wait3A_136 : memref<408x16xf32, #tpu.memory_space<hbm>>)
      tpu.yield
    }) : () -> ()
    %add3A_25 = arith.constant 816 : i32
    %add3A_26 = arith.addi %mul3A_2, %add3A_25 : i32
    "tpu.region"() ({
      %run_scoped3A = tpu.sem_alloc : memref<!tpu.dma_semaphore, #tpu.memory_space<semaphore_mem>>
      %dma_start3A_129 = tpu.memref_slice %arg4[%add3A_26] : memref<104448xi32, #tpu.memory_space<hbm>> -> memref<408xi32, #tpu.memory_space<hbm>>
      %dma_start3A_130 = tpu.memref_slice %arg4[%add3A_26] : memref<104448xi32, #tpu.memory_space<hbm>> -> memref<408xi32, #tpu.memory_space<hbm>>
      tpu.enqueue_dma source(%dma_start3A_130 : memref<408xi32, #tpu.memory_space<hbm>>) target(%arg8 : memref<408xi32, #tpu.memory_space<vmem>>) target_semaphore(%run_scoped3A : memref<!tpu.dma_semaphore, #tpu.memory_space<semaphore_mem>>)
      %dma_wait3A_131 = tpu.memref_slice %arg4[%add3A_26] : memref<104448xi32, #tpu.memory_space<hbm>> -> memref<408xi32, #tpu.memory_space<hbm>>
      %dma_wait3A_132 = tpu.memref_slice %arg4[%add3A_26] : memref<104448xi32, #tpu.memory_space<hbm>> -> memref<408xi32, #tpu.memory_space<hbm>>
      tpu.wait_dma2 semaphore(%run_scoped3A : memref<!tpu.dma_semaphore, #tpu.memory_space<semaphore_mem>>) src(%dma_wait3A_132 : memref<408xi32, #tpu.memory_space<hbm>>) dst(%arg8 : memref<408xi32, #tpu.memory_space<vmem>>)
      tpu.yield
    }) : () -> ()
    "tpu.region"() ({
      %run_scoped3A = tpu.sem_alloc : memref<!tpu.dma_semaphore, #tpu.memory_space<semaphore_mem>>
      %dma_start3A_129 = tpu.memref_slice %arg5[%add3A_26] : memref<104448xi32, #tpu.memory_space<hbm>> -> memref<408xi32, #tpu.memory_space<hbm>>
      %dma_start3A_130 = tpu.memref_slice %arg5[%add3A_26] : memref<104448xi32, #tpu.memory_space<hbm>> -> memref<408xi32, #tpu.memory_space<hbm>>
      tpu.enqueue_dma source(%dma_start3A_130 : memref<408xi32, #tpu.memory_space<hbm>>) target(%arg12 : memref<408xi32, #tpu.memory_space<vmem>>) target_semaphore(%run_scoped3A : memref<!tpu.dma_semaphore, #tpu.memory_space<semaphore_mem>>)
      %dma_wait3A_131 = tpu.memref_slice %arg5[%add3A_26] : memref<104448xi32, #tpu.memory_space<hbm>> -> memref<408xi32, #tpu.memory_space<hbm>>
      %dma_wait3A_132 = tpu.memref_slice %arg5[%add3A_26] : memref<104448xi32, #tpu.memory_space<hbm>> -> memref<408xi32, #tpu.memory_space<hbm>>
      tpu.wait_dma2 semaphore(%run_scoped3A : memref<!tpu.dma_semaphore, #tpu.memory_space<semaphore_mem>>) src(%dma_wait3A_132 : memref<408xi32, #tpu.memory_space<hbm>>) dst(%arg12 : memref<408xi32, #tpu.memory_space<vmem>>)
      tpu.yield
    }) : () -> ()
    %dma_start3A_27 = arith.constant 0 : i32
    %dma_start3A_28 = arith.constant 0 : i32
    %dma_start3A_29 = tpu.memref_slice %arg2[%dma_start3A_27, %dma_start3A_28] : memref<100000x128xf32, #tpu.memory_space<hbm>> -> memref<100000x128xf32, #tpu.memory_space<hbm>>
    tpu.enqueue_indirect_dma source(%dma_start3A_29 : memref<100000x128xf32, #tpu.memory_space<hbm>>) target(%arg10 : memref<408x128xf32, #tpu.memory_space<vmem>>) offsets(%arg8 : memref<408xi32, #tpu.memory_space<vmem>>) semaphore(%arg16 : memref<!tpu.dma_semaphore, #tpu.memory_space<semaphore_mem>>)
    %dma_start3A_30 = arith.constant 0 : i32
    %dma_start3A_31 = arith.constant 0 : i32
    %dma_start3A_32 = tpu.memref_slice %arg3[%dma_start3A_30, %dma_start3A_31] : memref<100000x16xf32, #tpu.memory_space<hbm>> -> memref<100000x16xf32, #tpu.memory_space<hbm>>
    tpu.enqueue_indirect_dma source(%dma_start3A_32 : memref<100000x16xf32, #tpu.memory_space<hbm>>) target(%arg14 : memref<408x16xf32, #tpu.memory_space<vmem>>) offsets(%arg12 : memref<408xi32, #tpu.memory_space<vmem>>) semaphore(%arg18 : memref<!tpu.dma_semaphore, #tpu.memory_space<semaphore_mem>>)
    %dma_wait3A_33 = arith.constant 0 : i32
    %dma_wait3A_34 = arith.constant 0 : i32
    %dma_wait3A_35 = tpu.memref_slice %arg2[%dma_wait3A_33, %dma_wait3A_34] : memref<100000x128xf32, #tpu.memory_space<hbm>> -> memref<100000x128xf32, #tpu.memory_space<hbm>>
    tpu.wait_indirect_dma semaphore(%arg17 : memref<!tpu.dma_semaphore, #tpu.memory_space<semaphore_mem>>) src(%dma_wait3A_35 : memref<100000x128xf32, #tpu.memory_space<hbm>>) dst(%arg11 : memref<408x128xf32, #tpu.memory_space<vmem>>)
    %dma_wait3A_36 = arith.constant 0 : i32
    %dma_wait3A_37 = arith.constant 0 : i32
    %dma_wait3A_38 = tpu.memref_slice %arg3[%dma_wait3A_36, %dma_wait3A_37] : memref<100000x16xf32, #tpu.memory_space<hbm>> -> memref<100000x16xf32, #tpu.memory_space<hbm>>
    tpu.wait_indirect_dma semaphore(%arg19 : memref<!tpu.dma_semaphore, #tpu.memory_space<semaphore_mem>>) src(%dma_wait3A_38 : memref<100000x16xf32, #tpu.memory_space<hbm>>) dst(%arg15 : memref<408x16xf32, #tpu.memory_space<vmem>>)
    %add3A_39 = arith.constant 408 : i32
    %add3A_40 = arith.addi %mul3A_2, %add3A_39 : i32
    "tpu.region"() ({
      %run_scoped3A = tpu.sem_alloc : memref<!tpu.dma_semaphore, #tpu.memory_space<semaphore_mem>>
      %dma_start3A_129 = arith.constant 0 : i32
      %dma_start3A_130 = tpu.memref_slice %arg6[%add3A_40, %dma_start3A_129] : memref<104448x128xf32, #tpu.memory_space<hbm>> -> memref<408x128xf32, #tpu.memory_space<hbm>>
      %dma_start3A_131 = arith.constant 0 : i32
      %dma_start3A_132 = tpu.memref_slice %arg6[%add3A_40, %dma_start3A_131] : memref<104448x128xf32, #tpu.memory_space<hbm>> -> memref<408x128xf32, #tpu.memory_space<hbm>>
      tpu.enqueue_dma source(%arg11 : memref<408x128xf32, #tpu.memory_space<vmem>>) target(%dma_start3A_132 : memref<408x128xf32, #tpu.memory_space<hbm>>) target_semaphore(%run_scoped3A : memref<!tpu.dma_semaphore, #tpu.memory_space<semaphore_mem>>)
      %dma_wait3A_133 = arith.constant 0 : i32
      %dma_wait3A_134 = tpu.memref_slice %arg6[%add3A_40, %dma_wait3A_133] : memref<104448x128xf32, #tpu.memory_space<hbm>> -> memref<408x128xf32, #tpu.memory_space<hbm>>
      %dma_wait3A_135 = arith.constant 0 : i32
      %dma_wait3A_136 = tpu.memref_slice %arg6[%add3A_40, %dma_wait3A_135] : memref<104448x128xf32, #tpu.memory_space<hbm>> -> memref<408x128xf32, #tpu.memory_space<hbm>>
      tpu.wait_dma2 semaphore(%run_scoped3A : memref<!tpu.dma_semaphore, #tpu.memory_space<semaphore_mem>>) src(%arg11 : memref<408x128xf32, #tpu.memory_space<vmem>>) dst(%dma_wait3A_136 : memref<408x128xf32, #tpu.memory_space<hbm>>)
      tpu.yield
    }) : () -> ()
    "tpu.region"() ({
      %run_scoped3A = tpu.sem_alloc : memref<!tpu.dma_semaphore, #tpu.memory_space<semaphore_mem>>
      %dma_start3A_129 = arith.constant 0 : i32
      %dma_start3A_130 = tpu.memref_slice %arg7[%add3A_40, %dma_start3A_129] : memref<104448x16xf32, #tpu.memory_space<hbm>> -> memref<408x16xf32, #tpu.memory_space<hbm>>
      %dma_start3A_131 = arith.constant 0 : i32
      %dma_start3A_132 = tpu.memref_slice %arg7[%add3A_40, %dma_start3A_131] : memref<104448x16xf32, #tpu.memory_space<hbm>> -> memref<408x16xf32, #tpu.memory_space<hbm>>
      tpu.enqueue_dma source(%arg15 : memref<408x16xf32, #tpu.memory_space<vmem>>) target(%dma_start3A_132 : memref<408x16xf32, #tpu.memory_space<hbm>>) target_semaphore(%run_scoped3A : memref<!tpu.dma_semaphore, #tpu.memory_space<semaphore_mem>>)
      %dma_wait3A_133 = arith.constant 0 : i32
      %dma_wait3A_134 = tpu.memref_slice %arg7[%add3A_40, %dma_wait3A_133] : memref<104448x16xf32, #tpu.memory_space<hbm>> -> memref<408x16xf32, #tpu.memory_space<hbm>>
      %dma_wait3A_135 = arith.constant 0 : i32
      %dma_wait3A_136 = tpu.memref_slice %arg7[%add3A_40, %dma_wait3A_135] : memref<104448x16xf32, #tpu.memory_space<hbm>> -> memref<408x16xf32, #tpu.memory_space<hbm>>
      tpu.wait_dma2 semaphore(%run_scoped3A : memref<!tpu.dma_semaphore, #tpu.memory_space<semaphore_mem>>) src(%arg15 : memref<408x16xf32, #tpu.memory_space<vmem>>) dst(%dma_wait3A_136 : memref<408x16xf32, #tpu.memory_space<hbm>>)
      tpu.yield
    }) : () -> ()
    %add3A_41 = arith.constant 1224 : i32
    %add3A_42 = arith.addi %mul3A_2, %add3A_41 : i32
    "tpu.region"() ({
      %run_scoped3A = tpu.sem_alloc : memref<!tpu.dma_semaphore, #tpu.memory_space<semaphore_mem>>
      %dma_start3A_129 = tpu.memref_slice %arg4[%add3A_42] : memref<104448xi32, #tpu.memory_space<hbm>> -> memref<408xi32, #tpu.memory_space<hbm>>
      %dma_start3A_130 = tpu.memref_slice %arg4[%add3A_42] : memref<104448xi32, #tpu.memory_space<hbm>> -> memref<408xi32, #tpu.memory_space<hbm>>
      tpu.enqueue_dma source(%dma_start3A_130 : memref<408xi32, #tpu.memory_space<hbm>>) target(%arg9 : memref<408xi32, #tpu.memory_space<vmem>>) target_semaphore(%run_scoped3A : memref<!tpu.dma_semaphore, #tpu.memory_space<semaphore_mem>>)
      %dma_wait3A_131 = tpu.memref_slice %arg4[%add3A_42] : memref<104448xi32, #tpu.memory_space<hbm>> -> memref<408xi32, #tpu.memory_space<hbm>>
      %dma_wait3A_132 = tpu.memref_slice %arg4[%add3A_42] : memref<104448xi32, #tpu.memory_space<hbm>> -> memref<408xi32, #tpu.memory_space<hbm>>
      tpu.wait_dma2 semaphore(%run_scoped3A : memref<!tpu.dma_semaphore, #tpu.memory_space<semaphore_mem>>) src(%dma_wait3A_132 : memref<408xi32, #tpu.memory_space<hbm>>) dst(%arg9 : memref<408xi32, #tpu.memory_space<vmem>>)
      tpu.yield
    }) : () -> ()
    "tpu.region"() ({
      %run_scoped3A = tpu.sem_alloc : memref<!tpu.dma_semaphore, #tpu.memory_space<semaphore_mem>>
      %dma_start3A_129 = tpu.memref_slice %arg5[%add3A_42] : memref<104448xi32, #tpu.memory_space<hbm>> -> memref<408xi32, #tpu.memory_space<hbm>>
      %dma_start3A_130 = tpu.memref_slice %arg5[%add3A_42] : memref<104448xi32, #tpu.memory_space<hbm>> -> memref<408xi32, #tpu.memory_space<hbm>>
      tpu.enqueue_dma source(%dma_start3A_130 : memref<408xi32, #tpu.memory_space<hbm>>) target(%arg13 : memref<408xi32, #tpu.memory_space<vmem>>) target_semaphore(%run_scoped3A : memref<!tpu.dma_semaphore, #tpu.memory_space<semaphore_mem>>)
      %dma_wait3A_131 = tpu.memref_slice %arg5[%add3A_42] : memref<104448xi32, #tpu.memory_space<hbm>> -> memref<408xi32, #tpu.memory_space<hbm>>
      %dma_wait3A_132 = tpu.memref_slice %arg5[%add3A_42] : memref<104448xi32, #tpu.memory_space<hbm>> -> memref<408xi32, #tpu.memory_space<hbm>>
      tpu.wait_dma2 semaphore(%run_scoped3A : memref<!tpu.dma_semaphore, #tpu.memory_space<semaphore_mem>>) src(%dma_wait3A_132 : memref<408xi32, #tpu.memory_space<hbm>>) dst(%arg13 : memref<408xi32, #tpu.memory_space<vmem>>)
      tpu.yield
    }) : () -> ()
    %dma_start3A_43 = arith.constant 0 : i32
    %dma_start3A_44 = arith.constant 0 : i32
    %dma_start3A_45 = tpu.memref_slice %arg2[%dma_start3A_43, %dma_start3A_44] : memref<100000x128xf32, #tpu.memory_space<hbm>> -> memref<100000x128xf32, #tpu.memory_space<hbm>>
    tpu.enqueue_indirect_dma source(%dma_start3A_45 : memref<100000x128xf32, #tpu.memory_space<hbm>>) target(%arg11 : memref<408x128xf32, #tpu.memory_space<vmem>>) offsets(%arg9 : memref<408xi32, #tpu.memory_space<vmem>>) semaphore(%arg17 : memref<!tpu.dma_semaphore, #tpu.memory_space<semaphore_mem>>)
    %dma_start3A_46 = arith.constant 0 : i32
    %dma_start3A_47 = arith.constant 0 : i32
    %dma_start3A_48 = tpu.memref_slice %arg3[%dma_start3A_46, %dma_start3A_47] : memref<100000x16xf32, #tpu.memory_space<hbm>> -> memref<100000x16xf32, #tpu.memory_space<hbm>>
    tpu.enqueue_indirect_dma source(%dma_start3A_48 : memref<100000x16xf32, #tpu.memory_space<hbm>>) target(%arg15 : memref<408x16xf32, #tpu.memory_space<vmem>>) offsets(%arg13 : memref<408xi32, #tpu.memory_space<vmem>>) semaphore(%arg19 : memref<!tpu.dma_semaphore, #tpu.memory_space<semaphore_mem>>)
    %dma_wait3A_49 = arith.constant 0 : i32
    %dma_wait3A_50 = arith.constant 0 : i32
    %dma_wait3A_51 = tpu.memref_slice %arg2[%dma_wait3A_49, %dma_wait3A_50] : memref<100000x128xf32, #tpu.memory_space<hbm>> -> memref<100000x128xf32, #tpu.memory_space<hbm>>
    tpu.wait_indirect_dma semaphore(%arg16 : memref<!tpu.dma_semaphore, #tpu.memory_space<semaphore_mem>>) src(%dma_wait3A_51 : memref<100000x128xf32, #tpu.memory_space<hbm>>) dst(%arg10 : memref<408x128xf32, #tpu.memory_space<vmem>>)
    %dma_wait3A_52 = arith.constant 0 : i32
    %dma_wait3A_53 = arith.constant 0 : i32
    %dma_wait3A_54 = tpu.memref_slice %arg3[%dma_wait3A_52, %dma_wait3A_53] : memref<100000x16xf32, #tpu.memory_space<hbm>> -> memref<100000x16xf32, #tpu.memory_space<hbm>>
    tpu.wait_indirect_dma semaphore(%arg18 : memref<!tpu.dma_semaphore, #tpu.memory_space<semaphore_mem>>) src(%dma_wait3A_54 : memref<100000x16xf32, #tpu.memory_space<hbm>>) dst(%arg14 : memref<408x16xf32, #tpu.memory_space<vmem>>)
    %add3A_55 = arith.constant 816 : i32
    %add3A_56 = arith.addi %mul3A_2, %add3A_55 : i32
    "tpu.region"() ({
      %run_scoped3A = tpu.sem_alloc : memref<!tpu.dma_semaphore, #tpu.memory_space<semaphore_mem>>
      %dma_start3A_129 = arith.constant 0 : i32
      %dma_start3A_130 = tpu.memref_slice %arg6[%add3A_56, %dma_start3A_129] : memref<104448x128xf32, #tpu.memory_space<hbm>> -> memref<408x128xf32, #tpu.memory_space<hbm>>
      %dma_start3A_131 = arith.constant 0 : i32
      %dma_start3A_132 = tpu.memref_slice %arg6[%add3A_56, %dma_start3A_131] : memref<104448x128xf32, #tpu.memory_space<hbm>> -> memref<408x128xf32, #tpu.memory_space<hbm>>
      tpu.enqueue_dma source(%arg10 : memref<408x128xf32, #tpu.memory_space<vmem>>) target(%dma_start3A_132 : memref<408x128xf32, #tpu.memory_space<hbm>>) target_semaphore(%run_scoped3A : memref<!tpu.dma_semaphore, #tpu.memory_space<semaphore_mem>>)
      %dma_wait3A_133 = arith.constant 0 : i32
      %dma_wait3A_134 = tpu.memref_slice %arg6[%add3A_56, %dma_wait3A_133] : memref<104448x128xf32, #tpu.memory_space<hbm>> -> memref<408x128xf32, #tpu.memory_space<hbm>>
      %dma_wait3A_135 = arith.constant 0 : i32
      %dma_wait3A_136 = tpu.memref_slice %arg6[%add3A_56, %dma_wait3A_135] : memref<104448x128xf32, #tpu.memory_space<hbm>> -> memref<408x128xf32, #tpu.memory_space<hbm>>
      tpu.wait_dma2 semaphore(%run_scoped3A : memref<!tpu.dma_semaphore, #tpu.memory_space<semaphore_mem>>) src(%arg10 : memref<408x128xf32, #tpu.memory_space<vmem>>) dst(%dma_wait3A_136 : memref<408x128xf32, #tpu.memory_space<hbm>>)
      tpu.yield
    }) : () -> ()
    "tpu.region"() ({
      %run_scoped3A = tpu.sem_alloc : memref<!tpu.dma_semaphore, #tpu.memory_space<semaphore_mem>>
      %dma_start3A_129 = arith.constant 0 : i32
      %dma_start3A_130 = tpu.memref_slice %arg7[%add3A_56, %dma_start3A_129] : memref<104448x16xf32, #tpu.memory_space<hbm>> -> memref<408x16xf32, #tpu.memory_space<hbm>>
      %dma_start3A_131 = arith.constant 0 : i32
      %dma_start3A_132 = tpu.memref_slice %arg7[%add3A_56, %dma_start3A_131] : memref<104448x16xf32, #tpu.memory_space<hbm>> -> memref<408x16xf32, #tpu.memory_space<hbm>>
      tpu.enqueue_dma source(%arg14 : memref<408x16xf32, #tpu.memory_space<vmem>>) target(%dma_start3A_132 : memref<408x16xf32, #tpu.memory_space<hbm>>) target_semaphore(%run_scoped3A : memref<!tpu.dma_semaphore, #tpu.memory_space<semaphore_mem>>)
      %dma_wait3A_133 = arith.constant 0 : i32
      %dma_wait3A_134 = tpu.memref_slice %arg7[%add3A_56, %dma_wait3A_133] : memref<104448x16xf32, #tpu.memory_space<hbm>> -> memref<408x16xf32, #tpu.memory_space<hbm>>
      %dma_wait3A_135 = arith.constant 0 : i32
      %dma_wait3A_136 = tpu.memref_slice %arg7[%add3A_56, %dma_wait3A_135] : memref<104448x16xf32, #tpu.memory_space<hbm>> -> memref<408x16xf32, #tpu.memory_space<hbm>>
      tpu.wait_dma2 semaphore(%run_scoped3A : memref<!tpu.dma_semaphore, #tpu.memory_space<semaphore_mem>>) src(%arg14 : memref<408x16xf32, #tpu.memory_space<vmem>>) dst(%dma_wait3A_136 : memref<408x16xf32, #tpu.memory_space<hbm>>)
      tpu.yield
    }) : () -> ()
    %add3A_57 = arith.constant 1632 : i32
    %add3A_58 = arith.addi %mul3A_2, %add3A_57 : i32
    "tpu.region"() ({
      %run_scoped3A = tpu.sem_alloc : memref<!tpu.dma_semaphore, #tpu.memory_space<semaphore_mem>>
      %dma_start3A_129 = tpu.memref_slice %arg4[%add3A_58] : memref<104448xi32, #tpu.memory_space<hbm>> -> memref<408xi32, #tpu.memory_space<hbm>>
      %dma_start3A_130 = tpu.memref_slice %arg4[%add3A_58] : memref<104448xi32, #tpu.memory_space<hbm>> -> memref<408xi32, #tpu.memory_space<hbm>>
      tpu.enqueue_dma source(%dma_start3A_130 : memref<408xi32, #tpu.memory_space<hbm>>) target(%arg8 : memref<408xi32, #tpu.memory_space<vmem>>) target_semaphore(%run_scoped3A : memref<!tpu.dma_semaphore, #tpu.memory_space<semaphore_mem>>)
      %dma_wait3A_131 = tpu.memref_slice %arg4[%add3A_58] : memref<104448xi32, #tpu.memory_space<hbm>> -> memref<408xi32, #tpu.memory_space<hbm>>
      %dma_wait3A_132 = tpu.memref_slice %arg4[%add3A_58] : memref<104448xi32, #tpu.memory_space<hbm>> -> memref<408xi32, #tpu.memory_space<hbm>>
      tpu.wait_dma2 semaphore(%run_scoped3A : memref<!tpu.dma_semaphore, #tpu.memory_space<semaphore_mem>>) src(%dma_wait3A_132 : memref<408xi32, #tpu.memory_space<hbm>>) dst(%arg8 : memref<408xi32, #tpu.memory_space<vmem>>)
      tpu.yield
    }) : () -> ()
    "tpu.region"() ({
      %run_scoped3A = tpu.sem_alloc : memref<!tpu.dma_semaphore, #tpu.memory_space<semaphore_mem>>
      %dma_start3A_129 = tpu.memref_slice %arg5[%add3A_58] : memref<104448xi32, #tpu.memory_space<hbm>> -> memref<408xi32, #tpu.memory_space<hbm>>
      %dma_start3A_130 = tpu.memref_slice %arg5[%add3A_58] : memref<104448xi32, #tpu.memory_space<hbm>> -> memref<408xi32, #tpu.memory_space<hbm>>
      tpu.enqueue_dma source(%dma_start3A_130 : memref<408xi32, #tpu.memory_space<hbm>>) target(%arg12 : memref<408xi32, #tpu.memory_space<vmem>>) target_semaphore(%run_scoped3A : memref<!tpu.dma_semaphore, #tpu.memory_space<semaphore_mem>>)
      %dma_wait3A_131 = tpu.memref_slice %arg5[%add3A_58] : memref<104448xi32, #tpu.memory_space<hbm>> -> memref<408xi32, #tpu.memory_space<hbm>>
      %dma_wait3A_132 = tpu.memref_slice %arg5[%add3A_58] : memref<104448xi32, #tpu.memory_space<hbm>> -> memref<408xi32, #tpu.memory_space<hbm>>
      tpu.wait_dma2 semaphore(%run_scoped3A : memref<!tpu.dma_semaphore, #tpu.memory_space<semaphore_mem>>) src(%dma_wait3A_132 : memref<408xi32, #tpu.memory_space<hbm>>) dst(%arg12 : memref<408xi32, #tpu.memory_space<vmem>>)
      tpu.yield
    }) : () -> ()
    %dma_start3A_59 = arith.constant 0 : i32
    %dma_start3A_60 = arith.constant 0 : i32
    %dma_start3A_61 = tpu.memref_slice %arg2[%dma_start3A_59, %dma_start3A_60] : memref<100000x128xf32, #tpu.memory_space<hbm>> -> memref<100000x128xf32, #tpu.memory_space<hbm>>
    tpu.enqueue_indirect_dma source(%dma_start3A_61 : memref<100000x128xf32, #tpu.memory_space<hbm>>) target(%arg10 : memref<408x128xf32, #tpu.memory_space<vmem>>) offsets(%arg8 : memref<408xi32, #tpu.memory_space<vmem>>) semaphore(%arg16 : memref<!tpu.dma_semaphore, #tpu.memory_space<semaphore_mem>>)
    %dma_start3A_62 = arith.constant 0 : i32
    %dma_start3A_63 = arith.constant 0 : i32
    %dma_start3A_64 = tpu.memref_slice %arg3[%dma_start3A_62, %dma_start3A_63] : memref<100000x16xf32, #tpu.memory_space<hbm>> -> memref<100000x16xf32, #tpu.memory_space<hbm>>
    tpu.enqueue_indirect_dma source(%dma_start3A_64 : memref<100000x16xf32, #tpu.memory_space<hbm>>) target(%arg14 : memref<408x16xf32, #tpu.memory_space<vmem>>) offsets(%arg12 : memref<408xi32, #tpu.memory_space<vmem>>) semaphore(%arg18 : memref<!tpu.dma_semaphore, #tpu.memory_space<semaphore_mem>>)
    %dma_wait3A_65 = arith.constant 0 : i32
    %dma_wait3A_66 = arith.constant 0 : i32
    %dma_wait3A_67 = tpu.memref_slice %arg2[%dma_wait3A_65, %dma_wait3A_66] : memref<100000x128xf32, #tpu.memory_space<hbm>> -> memref<100000x128xf32, #tpu.memory_space<hbm>>
    tpu.wait_indirect_dma semaphore(%arg17 : memref<!tpu.dma_semaphore, #tpu.memory_space<semaphore_mem>>) src(%dma_wait3A_67 : memref<100000x128xf32, #tpu.memory_space<hbm>>) dst(%arg11 : memref<408x128xf32, #tpu.memory_space<vmem>>)
    %dma_wait3A_68 = arith.constant 0 : i32
    %dma_wait3A_69 = arith.constant 0 : i32
    %dma_wait3A_70 = tpu.memref_slice %arg3[%dma_wait3A_68, %dma_wait3A_69] : memref<100000x16xf32, #tpu.memory_space<hbm>> -> memref<100000x16xf32, #tpu.memory_space<hbm>>
    tpu.wait_indirect_dma semaphore(%arg19 : memref<!tpu.dma_semaphore, #tpu.memory_space<semaphore_mem>>) src(%dma_wait3A_70 : memref<100000x16xf32, #tpu.memory_space<hbm>>) dst(%arg15 : memref<408x16xf32, #tpu.memory_space<vmem>>)
    %add3A_71 = arith.constant 1224 : i32
    %add3A_72 = arith.addi %mul3A_2, %add3A_71 : i32
    "tpu.region"() ({
      %run_scoped3A = tpu.sem_alloc : memref<!tpu.dma_semaphore, #tpu.memory_space<semaphore_mem>>
      %dma_start3A_129 = arith.constant 0 : i32
      %dma_start3A_130 = tpu.memref_slice %arg6[%add3A_72, %dma_start3A_129] : memref<104448x128xf32, #tpu.memory_space<hbm>> -> memref<408x128xf32, #tpu.memory_space<hbm>>
      %dma_start3A_131 = arith.constant 0 : i32
      %dma_start3A_132 = tpu.memref_slice %arg6[%add3A_72, %dma_start3A_131] : memref<104448x128xf32, #tpu.memory_space<hbm>> -> memref<408x128xf32, #tpu.memory_space<hbm>>
      tpu.enqueue_dma source(%arg11 : memref<408x128xf32, #tpu.memory_space<vmem>>) target(%dma_start3A_132 : memref<408x128xf32, #tpu.memory_space<hbm>>) target_semaphore(%run_scoped3A : memref<!tpu.dma_semaphore, #tpu.memory_space<semaphore_mem>>)
      %dma_wait3A_133 = arith.constant 0 : i32
      %dma_wait3A_134 = tpu.memref_slice %arg6[%add3A_72, %dma_wait3A_133] : memref<104448x128xf32, #tpu.memory_space<hbm>> -> memref<408x128xf32, #tpu.memory_space<hbm>>
      %dma_wait3A_135 = arith.constant 0 : i32
      %dma_wait3A_136 = tpu.memref_slice %arg6[%add3A_72, %dma_wait3A_135] : memref<104448x128xf32, #tpu.memory_space<hbm>> -> memref<408x128xf32, #tpu.memory_space<hbm>>
      tpu.wait_dma2 semaphore(%run_scoped3A : memref<!tpu.dma_semaphore, #tpu.memory_space<semaphore_mem>>) src(%arg11 : memref<408x128xf32, #tpu.memory_space<vmem>>) dst(%dma_wait3A_136 : memref<408x128xf32, #tpu.memory_space<hbm>>)
      tpu.yield
    }) : () -> ()
    "tpu.region"() ({
      %run_scoped3A = tpu.sem_alloc : memref<!tpu.dma_semaphore, #tpu.memory_space<semaphore_mem>>
      %dma_start3A_129 = arith.constant 0 : i32
      %dma_start3A_130 = tpu.memref_slice %arg7[%add3A_72, %dma_start3A_129] : memref<104448x16xf32, #tpu.memory_space<hbm>> -> memref<408x16xf32, #tpu.memory_space<hbm>>
      %dma_start3A_131 = arith.constant 0 : i32
      %dma_start3A_132 = tpu.memref_slice %arg7[%add3A_72, %dma_start3A_131] : memref<104448x16xf32, #tpu.memory_space<hbm>> -> memref<408x16xf32, #tpu.memory_space<hbm>>
      tpu.enqueue_dma source(%arg15 : memref<408x16xf32, #tpu.memory_space<vmem>>) target(%dma_start3A_132 : memref<408x16xf32, #tpu.memory_space<hbm>>) target_semaphore(%run_scoped3A : memref<!tpu.dma_semaphore, #tpu.memory_space<semaphore_mem>>)
      %dma_wait3A_133 = arith.constant 0 : i32
      %dma_wait3A_134 = tpu.memref_slice %arg7[%add3A_72, %dma_wait3A_133] : memref<104448x16xf32, #tpu.memory_space<hbm>> -> memref<408x16xf32, #tpu.memory_space<hbm>>
      %dma_wait3A_135 = arith.constant 0 : i32
      %dma_wait3A_136 = tpu.memref_slice %arg7[%add3A_72, %dma_wait3A_135] : memref<104448x16xf32, #tpu.memory_space<hbm>> -> memref<408x16xf32, #tpu.memory_space<hbm>>
      tpu.wait_dma2 semaphore(%run_scoped3A : memref<!tpu.dma_semaphore, #tpu.memory_space<semaphore_mem>>) src(%arg15 : memref<408x16xf32, #tpu.memory_space<vmem>>) dst(%dma_wait3A_136 : memref<408x16xf32, #tpu.memory_space<hbm>>)
      tpu.yield
    }) : () -> ()
    %add3A_73 = arith.constant 2040 : i32
    %add3A_74 = arith.addi %mul3A_2, %add3A_73 : i32
    "tpu.region"() ({
      %run_scoped3A = tpu.sem_alloc : memref<!tpu.dma_semaphore, #tpu.memory_space<semaphore_mem>>
      %dma_start3A_129 = tpu.memref_slice %arg4[%add3A_74] : memref<104448xi32, #tpu.memory_space<hbm>> -> memref<408xi32, #tpu.memory_space<hbm>>
      %dma_start3A_130 = tpu.memref_slice %arg4[%add3A_74] : memref<104448xi32, #tpu.memory_space<hbm>> -> memref<408xi32, #tpu.memory_space<hbm>>
      tpu.enqueue_dma source(%dma_start3A_130 : memref<408xi32, #tpu.memory_space<hbm>>) target(%arg9 : memref<408xi32, #tpu.memory_space<vmem>>) target_semaphore(%run_scoped3A : memref<!tpu.dma_semaphore, #tpu.memory_space<semaphore_mem>>)
      %dma_wait3A_131 = tpu.memref_slice %arg4[%add3A_74] : memref<104448xi32, #tpu.memory_space<hbm>> -> memref<408xi32, #tpu.memory_space<hbm>>
      %dma_wait3A_132 = tpu.memref_slice %arg4[%add3A_74] : memref<104448xi32, #tpu.memory_space<hbm>> -> memref<408xi32, #tpu.memory_space<hbm>>
      tpu.wait_dma2 semaphore(%run_scoped3A : memref<!tpu.dma_semaphore, #tpu.memory_space<semaphore_mem>>) src(%dma_wait3A_132 : memref<408xi32, #tpu.memory_space<hbm>>) dst(%arg9 : memref<408xi32, #tpu.memory_space<vmem>>)
      tpu.yield
    }) : () -> ()
    "tpu.region"() ({
      %run_scoped3A = tpu.sem_alloc : memref<!tpu.dma_semaphore, #tpu.memory_space<semaphore_mem>>
      %dma_start3A_129 = tpu.memref_slice %arg5[%add3A_74] : memref<104448xi32, #tpu.memory_space<hbm>> -> memref<408xi32, #tpu.memory_space<hbm>>
      %dma_start3A_130 = tpu.memref_slice %arg5[%add3A_74] : memref<104448xi32, #tpu.memory_space<hbm>> -> memref<408xi32, #tpu.memory_space<hbm>>
      tpu.enqueue_dma source(%dma_start3A_130 : memref<408xi32, #tpu.memory_space<hbm>>) target(%arg13 : memref<408xi32, #tpu.memory_space<vmem>>) target_semaphore(%run_scoped3A : memref<!tpu.dma_semaphore, #tpu.memory_space<semaphore_mem>>)
      %dma_wait3A_131 = tpu.memref_slice %arg5[%add3A_74] : memref<104448xi32, #tpu.memory_space<hbm>> -> memref<408xi32, #tpu.memory_space<hbm>>
      %dma_wait3A_132 = tpu.memref_slice %arg5[%add3A_74] : memref<104448xi32, #tpu.memory_space<hbm>> -> memref<408xi32, #tpu.memory_space<hbm>>
      tpu.wait_dma2 semaphore(%run_scoped3A : memref<!tpu.dma_semaphore, #tpu.memory_space<semaphore_mem>>) src(%dma_wait3A_132 : memref<408xi32, #tpu.memory_space<hbm>>) dst(%arg13 : memref<408xi32, #tpu.memory_space<vmem>>)
      tpu.yield
    }) : () -> ()
    %dma_start3A_75 = arith.constant 0 : i32
    %dma_start3A_76 = arith.constant 0 : i32
    %dma_start3A_77 = tpu.memref_slice %arg2[%dma_start3A_75, %dma_start3A_76] : memref<100000x128xf32, #tpu.memory_space<hbm>> -> memref<100000x128xf32, #tpu.memory_space<hbm>>
    tpu.enqueue_indirect_dma source(%dma_start3A_77 : memref<100000x128xf32, #tpu.memory_space<hbm>>) target(%arg11 : memref<408x128xf32, #tpu.memory_space<vmem>>) offsets(%arg9 : memref<408xi32, #tpu.memory_space<vmem>>) semaphore(%arg17 : memref<!tpu.dma_semaphore, #tpu.memory_space<semaphore_mem>>)
    %dma_start3A_78 = arith.constant 0 : i32
    %dma_start3A_79 = arith.constant 0 : i32
    %dma_start3A_80 = tpu.memref_slice %arg3[%dma_start3A_78, %dma_start3A_79] : memref<100000x16xf32, #tpu.memory_space<hbm>> -> memref<100000x16xf32, #tpu.memory_space<hbm>>
    tpu.enqueue_indirect_dma source(%dma_start3A_80 : memref<100000x16xf32, #tpu.memory_space<hbm>>) target(%arg15 : memref<408x16xf32, #tpu.memory_space<vmem>>) offsets(%arg13 : memref<408xi32, #tpu.memory_space<vmem>>) semaphore(%arg19 : memref<!tpu.dma_semaphore, #tpu.memory_space<semaphore_mem>>)
    %dma_wait3A_81 = arith.constant 0 : i32
    %dma_wait3A_82 = arith.constant 0 : i32
    %dma_wait3A_83 = tpu.memref_slice %arg2[%dma_wait3A_81, %dma_wait3A_82] : memref<100000x128xf32, #tpu.memory_space<hbm>> -> memref<100000x128xf32, #tpu.memory_space<hbm>>
    tpu.wait_indirect_dma semaphore(%arg16 : memref<!tpu.dma_semaphore, #tpu.memory_space<semaphore_mem>>) src(%dma_wait3A_83 : memref<100000x128xf32, #tpu.memory_space<hbm>>) dst(%arg10 : memref<408x128xf32, #tpu.memory_space<vmem>>)
    %dma_wait3A_84 = arith.constant 0 : i32
    %dma_wait3A_85 = arith.constant 0 : i32
    %dma_wait3A_86 = tpu.memref_slice %arg3[%dma_wait3A_84, %dma_wait3A_85] : memref<100000x16xf32, #tpu.memory_space<hbm>> -> memref<100000x16xf32, #tpu.memory_space<hbm>>
    tpu.wait_indirect_dma semaphore(%arg18 : memref<!tpu.dma_semaphore, #tpu.memory_space<semaphore_mem>>) src(%dma_wait3A_86 : memref<100000x16xf32, #tpu.memory_space<hbm>>) dst(%arg14 : memref<408x16xf32, #tpu.memory_space<vmem>>)
    %add3A_87 = arith.constant 1632 : i32
    %add3A_88 = arith.addi %mul3A_2, %add3A_87 : i32
    "tpu.region"() ({
      %run_scoped3A = tpu.sem_alloc : memref<!tpu.dma_semaphore, #tpu.memory_space<semaphore_mem>>
      %dma_start3A_129 = arith.constant 0 : i32
      %dma_start3A_130 = tpu.memref_slice %arg6[%add3A_88, %dma_start3A_129] : memref<104448x128xf32, #tpu.memory_space<hbm>> -> memref<408x128xf32, #tpu.memory_space<hbm>>
      %dma_start3A_131 = arith.constant 0 : i32
      %dma_start3A_132 = tpu.memref_slice %arg6[%add3A_88, %dma_start3A_131] : memref<104448x128xf32, #tpu.memory_space<hbm>> -> memref<408x128xf32, #tpu.memory_space<hbm>>
      tpu.enqueue_dma source(%arg10 : memref<408x128xf32, #tpu.memory_space<vmem>>) target(%dma_start3A_132 : memref<408x128xf32, #tpu.memory_space<hbm>>) target_semaphore(%run_scoped3A : memref<!tpu.dma_semaphore, #tpu.memory_space<semaphore_mem>>)
      %dma_wait3A_133 = arith.constant 0 : i32
      %dma_wait3A_134 = tpu.memref_slice %arg6[%add3A_88, %dma_wait3A_133] : memref<104448x128xf32, #tpu.memory_space<hbm>> -> memref<408x128xf32, #tpu.memory_space<hbm>>
      %dma_wait3A_135 = arith.constant 0 : i32
      %dma_wait3A_136 = tpu.memref_slice %arg6[%add3A_88, %dma_wait3A_135] : memref<104448x128xf32, #tpu.memory_space<hbm>> -> memref<408x128xf32, #tpu.memory_space<hbm>>
      tpu.wait_dma2 semaphore(%run_scoped3A : memref<!tpu.dma_semaphore, #tpu.memory_space<semaphore_mem>>) src(%arg10 : memref<408x128xf32, #tpu.memory_space<vmem>>) dst(%dma_wait3A_136 : memref<408x128xf32, #tpu.memory_space<hbm>>)
      tpu.yield
    }) : () -> ()
    "tpu.region"() ({
      %run_scoped3A = tpu.sem_alloc : memref<!tpu.dma_semaphore, #tpu.memory_space<semaphore_mem>>
      %dma_start3A_129 = arith.constant 0 : i32
      %dma_start3A_130 = tpu.memref_slice %arg7[%add3A_88, %dma_start3A_129] : memref<104448x16xf32, #tpu.memory_space<hbm>> -> memref<408x16xf32, #tpu.memory_space<hbm>>
      %dma_start3A_131 = arith.constant 0 : i32
      %dma_start3A_132 = tpu.memref_slice %arg7[%add3A_88, %dma_start3A_131] : memref<104448x16xf32, #tpu.memory_space<hbm>> -> memref<408x16xf32, #tpu.memory_space<hbm>>
      tpu.enqueue_dma source(%arg14 : memref<408x16xf32, #tpu.memory_space<vmem>>) target(%dma_start3A_132 : memref<408x16xf32, #tpu.memory_space<hbm>>) target_semaphore(%run_scoped3A : memref<!tpu.dma_semaphore, #tpu.memory_space<semaphore_mem>>)
      %dma_wait3A_133 = arith.constant 0 : i32
      %dma_wait3A_134 = tpu.memref_slice %arg7[%add3A_88, %dma_wait3A_133] : memref<104448x16xf32, #tpu.memory_space<hbm>> -> memref<408x16xf32, #tpu.memory_space<hbm>>
      %dma_wait3A_135 = arith.constant 0 : i32
      %dma_wait3A_136 = tpu.memref_slice %arg7[%add3A_88, %dma_wait3A_135] : memref<104448x16xf32, #tpu.memory_space<hbm>> -> memref<408x16xf32, #tpu.memory_space<hbm>>
      tpu.wait_dma2 semaphore(%run_scoped3A : memref<!tpu.dma_semaphore, #tpu.memory_space<semaphore_mem>>) src(%arg14 : memref<408x16xf32, #tpu.memory_space<vmem>>) dst(%dma_wait3A_136 : memref<408x16xf32, #tpu.memory_space<hbm>>)
      tpu.yield
    }) : () -> ()
    %add3A_89 = arith.constant 2448 : i32
    %add3A_90 = arith.addi %mul3A_2, %add3A_89 : i32
    "tpu.region"() ({
      %run_scoped3A = tpu.sem_alloc : memref<!tpu.dma_semaphore, #tpu.memory_space<semaphore_mem>>
      %dma_start3A_129 = tpu.memref_slice %arg4[%add3A_90] : memref<104448xi32, #tpu.memory_space<hbm>> -> memref<408xi32, #tpu.memory_space<hbm>>
      %dma_start3A_130 = tpu.memref_slice %arg4[%add3A_90] : memref<104448xi32, #tpu.memory_space<hbm>> -> memref<408xi32, #tpu.memory_space<hbm>>
      tpu.enqueue_dma source(%dma_start3A_130 : memref<408xi32, #tpu.memory_space<hbm>>) target(%arg8 : memref<408xi32, #tpu.memory_space<vmem>>) target_semaphore(%run_scoped3A : memref<!tpu.dma_semaphore, #tpu.memory_space<semaphore_mem>>)
      %dma_wait3A_131 = tpu.memref_slice %arg4[%add3A_90] : memref<104448xi32, #tpu.memory_space<hbm>> -> memref<408xi32, #tpu.memory_space<hbm>>
      %dma_wait3A_132 = tpu.memref_slice %arg4[%add3A_90] : memref<104448xi32, #tpu.memory_space<hbm>> -> memref<408xi32, #tpu.memory_space<hbm>>
      tpu.wait_dma2 semaphore(%run_scoped3A : memref<!tpu.dma_semaphore, #tpu.memory_space<semaphore_mem>>) src(%dma_wait3A_132 : memref<408xi32, #tpu.memory_space<hbm>>) dst(%arg8 : memref<408xi32, #tpu.memory_space<vmem>>)
      tpu.yield
    }) : () -> ()
    "tpu.region"() ({
      %run_scoped3A = tpu.sem_alloc : memref<!tpu.dma_semaphore, #tpu.memory_space<semaphore_mem>>
      %dma_start3A_129 = tpu.memref_slice %arg5[%add3A_90] : memref<104448xi32, #tpu.memory_space<hbm>> -> memref<408xi32, #tpu.memory_space<hbm>>
      %dma_start3A_130 = tpu.memref_slice %arg5[%add3A_90] : memref<104448xi32, #tpu.memory_space<hbm>> -> memref<408xi32, #tpu.memory_space<hbm>>
      tpu.enqueue_dma source(%dma_start3A_130 : memref<408xi32, #tpu.memory_space<hbm>>) target(%arg12 : memref<408xi32, #tpu.memory_space<vmem>>) target_semaphore(%run_scoped3A : memref<!tpu.dma_semaphore, #tpu.memory_space<semaphore_mem>>)
      %dma_wait3A_131 = tpu.memref_slice %arg5[%add3A_90] : memref<104448xi32, #tpu.memory_space<hbm>> -> memref<408xi32, #tpu.memory_space<hbm>>
      %dma_wait3A_132 = tpu.memref_slice %arg5[%add3A_90] : memref<104448xi32, #tpu.memory_space<hbm>> -> memref<408xi32, #tpu.memory_space<hbm>>
      tpu.wait_dma2 semaphore(%run_scoped3A : memref<!tpu.dma_semaphore, #tpu.memory_space<semaphore_mem>>) src(%dma_wait3A_132 : memref<408xi32, #tpu.memory_space<hbm>>) dst(%arg12 : memref<408xi32, #tpu.memory_space<vmem>>)
      tpu.yield
    }) : () -> ()
    %dma_start3A_91 = arith.constant 0 : i32
    %dma_start3A_92 = arith.constant 0 : i32
    %dma_start3A_93 = tpu.memref_slice %arg2[%dma_start3A_91, %dma_start3A_92] : memref<100000x128xf32, #tpu.memory_space<hbm>> -> memref<100000x128xf32, #tpu.memory_space<hbm>>
    tpu.enqueue_indirect_dma source(%dma_start3A_93 : memref<100000x128xf32, #tpu.memory_space<hbm>>) target(%arg10 : memref<408x128xf32, #tpu.memory_space<vmem>>) offsets(%arg8 : memref<408xi32, #tpu.memory_space<vmem>>) semaphore(%arg16 : memref<!tpu.dma_semaphore, #tpu.memory_space<semaphore_mem>>)
    %dma_start3A_94 = arith.constant 0 : i32
    %dma_start3A_95 = arith.constant 0 : i32
    %dma_start3A_96 = tpu.memref_slice %arg3[%dma_start3A_94, %dma_start3A_95] : memref<100000x16xf32, #tpu.memory_space<hbm>> -> memref<100000x16xf32, #tpu.memory_space<hbm>>
    tpu.enqueue_indirect_dma source(%dma_start3A_96 : memref<100000x16xf32, #tpu.memory_space<hbm>>) target(%arg14 : memref<408x16xf32, #tpu.memory_space<vmem>>) offsets(%arg12 : memref<408xi32, #tpu.memory_space<vmem>>) semaphore(%arg18 : memref<!tpu.dma_semaphore, #tpu.memory_space<semaphore_mem>>)
    %dma_wait3A_97 = arith.constant 0 : i32
    %dma_wait3A_98 = arith.constant 0 : i32
    %dma_wait3A_99 = tpu.memref_slice %arg2[%dma_wait3A_97, %dma_wait3A_98] : memref<100000x128xf32, #tpu.memory_space<hbm>> -> memref<100000x128xf32, #tpu.memory_space<hbm>>
    tpu.wait_indirect_dma semaphore(%arg17 : memref<!tpu.dma_semaphore, #tpu.memory_space<semaphore_mem>>) src(%dma_wait3A_99 : memref<100000x128xf32, #tpu.memory_space<hbm>>) dst(%arg11 : memref<408x128xf32, #tpu.memory_space<vmem>>)
    %dma_wait3A_100 = arith.constant 0 : i32
    %dma_wait3A_101 = arith.constant 0 : i32
    %dma_wait3A_102 = tpu.memref_slice %arg3[%dma_wait3A_100, %dma_wait3A_101] : memref<100000x16xf32, #tpu.memory_space<hbm>> -> memref<100000x16xf32, #tpu.memory_space<hbm>>
    tpu.wait_indirect_dma semaphore(%arg19 : memref<!tpu.dma_semaphore, #tpu.memory_space<semaphore_mem>>) src(%dma_wait3A_102 : memref<100000x16xf32, #tpu.memory_space<hbm>>) dst(%arg15 : memref<408x16xf32, #tpu.memory_space<vmem>>)
    %add3A_103 = arith.constant 2040 : i32
    %add3A_104 = arith.addi %mul3A_2, %add3A_103 : i32
    "tpu.region"() ({
      %run_scoped3A = tpu.sem_alloc : memref<!tpu.dma_semaphore, #tpu.memory_space<semaphore_mem>>
      %dma_start3A_129 = arith.constant 0 : i32
      %dma_start3A_130 = tpu.memref_slice %arg6[%add3A_104, %dma_start3A_129] : memref<104448x128xf32, #tpu.memory_space<hbm>> -> memref<408x128xf32, #tpu.memory_space<hbm>>
      %dma_start3A_131 = arith.constant 0 : i32
      %dma_start3A_132 = tpu.memref_slice %arg6[%add3A_104, %dma_start3A_131] : memref<104448x128xf32, #tpu.memory_space<hbm>> -> memref<408x128xf32, #tpu.memory_space<hbm>>
      tpu.enqueue_dma source(%arg11 : memref<408x128xf32, #tpu.memory_space<vmem>>) target(%dma_start3A_132 : memref<408x128xf32, #tpu.memory_space<hbm>>) target_semaphore(%run_scoped3A : memref<!tpu.dma_semaphore, #tpu.memory_space<semaphore_mem>>)
      %dma_wait3A_133 = arith.constant 0 : i32
      %dma_wait3A_134 = tpu.memref_slice %arg6[%add3A_104, %dma_wait3A_133] : memref<104448x128xf32, #tpu.memory_space<hbm>> -> memref<408x128xf32, #tpu.memory_space<hbm>>
      %dma_wait3A_135 = arith.constant 0 : i32
      %dma_wait3A_136 = tpu.memref_slice %arg6[%add3A_104, %dma_wait3A_135] : memref<104448x128xf32, #tpu.memory_space<hbm>> -> memref<408x128xf32, #tpu.memory_space<hbm>>
      tpu.wait_dma2 semaphore(%run_scoped3A : memref<!tpu.dma_semaphore, #tpu.memory_space<semaphore_mem>>) src(%arg11 : memref<408x128xf32, #tpu.memory_space<vmem>>) dst(%dma_wait3A_136 : memref<408x128xf32, #tpu.memory_space<hbm>>)
      tpu.yield
    }) : () -> ()
    "tpu.region"() ({
      %run_scoped3A = tpu.sem_alloc : memref<!tpu.dma_semaphore, #tpu.memory_space<semaphore_mem>>
      %dma_start3A_129 = arith.constant 0 : i32
      %dma_start3A_130 = tpu.memref_slice %arg7[%add3A_104, %dma_start3A_129] : memref<104448x16xf32, #tpu.memory_space<hbm>> -> memref<408x16xf32, #tpu.memory_space<hbm>>
      %dma_start3A_131 = arith.constant 0 : i32
      %dma_start3A_132 = tpu.memref_slice %arg7[%add3A_104, %dma_start3A_131] : memref<104448x16xf32, #tpu.memory_space<hbm>> -> memref<408x16xf32, #tpu.memory_space<hbm>>
      tpu.enqueue_dma source(%arg15 : memref<408x16xf32, #tpu.memory_space<vmem>>) target(%dma_start3A_132 : memref<408x16xf32, #tpu.memory_space<hbm>>) target_semaphore(%run_scoped3A : memref<!tpu.dma_semaphore, #tpu.memory_space<semaphore_mem>>)
      %dma_wait3A_133 = arith.constant 0 : i32
      %dma_wait3A_134 = tpu.memref_slice %arg7[%add3A_104, %dma_wait3A_133] : memref<104448x16xf32, #tpu.memory_space<hbm>> -> memref<408x16xf32, #tpu.memory_space<hbm>>
      %dma_wait3A_135 = arith.constant 0 : i32
      %dma_wait3A_136 = tpu.memref_slice %arg7[%add3A_104, %dma_wait3A_135] : memref<104448x16xf32, #tpu.memory_space<hbm>> -> memref<408x16xf32, #tpu.memory_space<hbm>>
      tpu.wait_dma2 semaphore(%run_scoped3A : memref<!tpu.dma_semaphore, #tpu.memory_space<semaphore_mem>>) src(%arg15 : memref<408x16xf32, #tpu.memory_space<vmem>>) dst(%dma_wait3A_136 : memref<408x16xf32, #tpu.memory_space<hbm>>)
      tpu.yield
    }) : () -> ()
    %add3A_105 = arith.constant 2856 : i32
    %add3A_106 = arith.addi %mul3A_2, %add3A_105 : i32
    "tpu.region"() ({
      %run_scoped3A = tpu.sem_alloc : memref<!tpu.dma_semaphore, #tpu.memory_space<semaphore_mem>>
      %dma_start3A_129 = tpu.memref_slice %arg4[%add3A_106] : memref<104448xi32, #tpu.memory_space<hbm>> -> memref<408xi32, #tpu.memory_space<hbm>>
      %dma_start3A_130 = tpu.memref_slice %arg4[%add3A_106] : memref<104448xi32, #tpu.memory_space<hbm>> -> memref<408xi32, #tpu.memory_space<hbm>>
      tpu.enqueue_dma source(%dma_start3A_130 : memref<408xi32, #tpu.memory_space<hbm>>) target(%arg9 : memref<408xi32, #tpu.memory_space<vmem>>) target_semaphore(%run_scoped3A : memref<!tpu.dma_semaphore, #tpu.memory_space<semaphore_mem>>)
      %dma_wait3A_131 = tpu.memref_slice %arg4[%add3A_106] : memref<104448xi32, #tpu.memory_space<hbm>> -> memref<408xi32, #tpu.memory_space<hbm>>
      %dma_wait3A_132 = tpu.memref_slice %arg4[%add3A_106] : memref<104448xi32, #tpu.memory_space<hbm>> -> memref<408xi32, #tpu.memory_space<hbm>>
      tpu.wait_dma2 semaphore(%run_scoped3A : memref<!tpu.dma_semaphore, #tpu.memory_space<semaphore_mem>>) src(%dma_wait3A_132 : memref<408xi32, #tpu.memory_space<hbm>>) dst(%arg9 : memref<408xi32, #tpu.memory_space<vmem>>)
      tpu.yield
    }) : () -> ()
    "tpu.region"() ({
      %run_scoped3A = tpu.sem_alloc : memref<!tpu.dma_semaphore, #tpu.memory_space<semaphore_mem>>
      %dma_start3A_129 = tpu.memref_slice %arg5[%add3A_106] : memref<104448xi32, #tpu.memory_space<hbm>> -> memref<408xi32, #tpu.memory_space<hbm>>
      %dma_start3A_130 = tpu.memref_slice %arg5[%add3A_106] : memref<104448xi32, #tpu.memory_space<hbm>> -> memref<408xi32, #tpu.memory_space<hbm>>
      tpu.enqueue_dma source(%dma_start3A_130 : memref<408xi32, #tpu.memory_space<hbm>>) target(%arg13 : memref<408xi32, #tpu.memory_space<vmem>>) target_semaphore(%run_scoped3A : memref<!tpu.dma_semaphore, #tpu.memory_space<semaphore_mem>>)
      %dma_wait3A_131 = tpu.memref_slice %arg5[%add3A_106] : memref<104448xi32, #tpu.memory_space<hbm>> -> memref<408xi32, #tpu.memory_space<hbm>>
      %dma_wait3A_132 = tpu.memref_slice %arg5[%add3A_106] : memref<104448xi32, #tpu.memory_space<hbm>> -> memref<408xi32, #tpu.memory_space<hbm>>
      tpu.wait_dma2 semaphore(%run_scoped3A : memref<!tpu.dma_semaphore, #tpu.memory_space<semaphore_mem>>) src(%dma_wait3A_132 : memref<408xi32, #tpu.memory_space<hbm>>) dst(%arg13 : memref<408xi32, #tpu.memory_space<vmem>>)
      tpu.yield
    }) : () -> ()
    %dma_start3A_107 = arith.constant 0 : i32
    %dma_start3A_108 = arith.constant 0 : i32
    %dma_start3A_109 = tpu.memref_slice %arg2[%dma_start3A_107, %dma_start3A_108] : memref<100000x128xf32, #tpu.memory_space<hbm>> -> memref<100000x128xf32, #tpu.memory_space<hbm>>
    tpu.enqueue_indirect_dma source(%dma_start3A_109 : memref<100000x128xf32, #tpu.memory_space<hbm>>) target(%arg11 : memref<408x128xf32, #tpu.memory_space<vmem>>) offsets(%arg9 : memref<408xi32, #tpu.memory_space<vmem>>) semaphore(%arg17 : memref<!tpu.dma_semaphore, #tpu.memory_space<semaphore_mem>>)
    %dma_start3A_110 = arith.constant 0 : i32
    %dma_start3A_111 = arith.constant 0 : i32
    %dma_start3A_112 = tpu.memref_slice %arg3[%dma_start3A_110, %dma_start3A_111] : memref<100000x16xf32, #tpu.memory_space<hbm>> -> memref<100000x16xf32, #tpu.memory_space<hbm>>
    tpu.enqueue_indirect_dma source(%dma_start3A_112 : memref<100000x16xf32, #tpu.memory_space<hbm>>) target(%arg15 : memref<408x16xf32, #tpu.memory_space<vmem>>) offsets(%arg13 : memref<408xi32, #tpu.memory_space<vmem>>) semaphore(%arg19 : memref<!tpu.dma_semaphore, #tpu.memory_space<semaphore_mem>>)
    %dma_wait3A_113 = arith.constant 0 : i32
    %dma_wait3A_114 = arith.constant 0 : i32
    %dma_wait3A_115 = tpu.memref_slice %arg2[%dma_wait3A_113, %dma_wait3A_114] : memref<100000x128xf32, #tpu.memory_space<hbm>> -> memref<100000x128xf32, #tpu.memory_space<hbm>>
    tpu.wait_indirect_dma semaphore(%arg16 : memref<!tpu.dma_semaphore, #tpu.memory_space<semaphore_mem>>) src(%dma_wait3A_115 : memref<100000x128xf32, #tpu.memory_space<hbm>>) dst(%arg10 : memref<408x128xf32, #tpu.memory_space<vmem>>)
    %dma_wait3A_116 = arith.constant 0 : i32
    %dma_wait3A_117 = arith.constant 0 : i32
    %dma_wait3A_118 = tpu.memref_slice %arg3[%dma_wait3A_116, %dma_wait3A_117] : memref<100000x16xf32, #tpu.memory_space<hbm>> -> memref<100000x16xf32, #tpu.memory_space<hbm>>
    tpu.wait_indirect_dma semaphore(%arg18 : memref<!tpu.dma_semaphore, #tpu.memory_space<semaphore_mem>>) src(%dma_wait3A_118 : memref<100000x16xf32, #tpu.memory_space<hbm>>) dst(%arg14 : memref<408x16xf32, #tpu.memory_space<vmem>>)
    %add3A_119 = arith.constant 2448 : i32
    %add3A_120 = arith.addi %mul3A_2, %add3A_119 : i32
    "tpu.region"() ({
      %run_scoped3A = tpu.sem_alloc : memref<!tpu.dma_semaphore, #tpu.memory_space<semaphore_mem>>
      %dma_start3A_129 = arith.constant 0 : i32
      %dma_start3A_130 = tpu.memref_slice %arg6[%add3A_120, %dma_start3A_129] : memref<104448x128xf32, #tpu.memory_space<hbm>> -> memref<408x128xf32, #tpu.memory_space<hbm>>
      %dma_start3A_131 = arith.constant 0 : i32
      %dma_start3A_132 = tpu.memref_slice %arg6[%add3A_120, %dma_start3A_131] : memref<104448x128xf32, #tpu.memory_space<hbm>> -> memref<408x128xf32, #tpu.memory_space<hbm>>
      tpu.enqueue_dma source(%arg10 : memref<408x128xf32, #tpu.memory_space<vmem>>) target(%dma_start3A_132 : memref<408x128xf32, #tpu.memory_space<hbm>>) target_semaphore(%run_scoped3A : memref<!tpu.dma_semaphore, #tpu.memory_space<semaphore_mem>>)
      %dma_wait3A_133 = arith.constant 0 : i32
      %dma_wait3A_134 = tpu.memref_slice %arg6[%add3A_120, %dma_wait3A_133] : memref<104448x128xf32, #tpu.memory_space<hbm>> -> memref<408x128xf32, #tpu.memory_space<hbm>>
      %dma_wait3A_135 = arith.constant 0 : i32
      %dma_wait3A_136 = tpu.memref_slice %arg6[%add3A_120, %dma_wait3A_135] : memref<104448x128xf32, #tpu.memory_space<hbm>> -> memref<408x128xf32, #tpu.memory_space<hbm>>
      tpu.wait_dma2 semaphore(%run_scoped3A : memref<!tpu.dma_semaphore, #tpu.memory_space<semaphore_mem>>) src(%arg10 : memref<408x128xf32, #tpu.memory_space<vmem>>) dst(%dma_wait3A_136 : memref<408x128xf32, #tpu.memory_space<hbm>>)
      tpu.yield
    }) : () -> ()
    "tpu.region"() ({
      %run_scoped3A = tpu.sem_alloc : memref<!tpu.dma_semaphore, #tpu.memory_space<semaphore_mem>>
      %dma_start3A_129 = arith.constant 0 : i32
      %dma_start3A_130 = tpu.memref_slice %arg7[%add3A_120, %dma_start3A_129] : memref<104448x16xf32, #tpu.memory_space<hbm>> -> memref<408x16xf32, #tpu.memory_space<hbm>>
      %dma_start3A_131 = arith.constant 0 : i32
      %dma_start3A_132 = tpu.memref_slice %arg7[%add3A_120, %dma_start3A_131] : memref<104448x16xf32, #tpu.memory_space<hbm>> -> memref<408x16xf32, #tpu.memory_space<hbm>>
      tpu.enqueue_dma source(%arg14 : memref<408x16xf32, #tpu.memory_space<vmem>>) target(%dma_start3A_132 : memref<408x16xf32, #tpu.memory_space<hbm>>) target_semaphore(%run_scoped3A : memref<!tpu.dma_semaphore, #tpu.memory_space<semaphore_mem>>)
      %dma_wait3A_133 = arith.constant 0 : i32
      %dma_wait3A_134 = tpu.memref_slice %arg7[%add3A_120, %dma_wait3A_133] : memref<104448x16xf32, #tpu.memory_space<hbm>> -> memref<408x16xf32, #tpu.memory_space<hbm>>
      %dma_wait3A_135 = arith.constant 0 : i32
      %dma_wait3A_136 = tpu.memref_slice %arg7[%add3A_120, %dma_wait3A_135] : memref<104448x16xf32, #tpu.memory_space<hbm>> -> memref<408x16xf32, #tpu.memory_space<hbm>>
      tpu.wait_dma2 semaphore(%run_scoped3A : memref<!tpu.dma_semaphore, #tpu.memory_space<semaphore_mem>>) src(%arg14 : memref<408x16xf32, #tpu.memory_space<vmem>>) dst(%dma_wait3A_136 : memref<408x16xf32, #tpu.memory_space<hbm>>)
      tpu.yield
    }) : () -> ()
    %dma_wait3A_121 = arith.constant 0 : i32
    %dma_wait3A_122 = arith.constant 0 : i32
    %dma_wait3A_123 = tpu.memref_slice %arg2[%dma_wait3A_121, %dma_wait3A_122] : memref<100000x128xf32, #tpu.memory_space<hbm>> -> memref<100000x128xf32, #tpu.memory_space<hbm>>
    tpu.wait_indirect_dma semaphore(%arg17 : memref<!tpu.dma_semaphore, #tpu.memory_space<semaphore_mem>>) src(%dma_wait3A_123 : memref<100000x128xf32, #tpu.memory_space<hbm>>) dst(%arg11 : memref<408x128xf32, #tpu.memory_space<vmem>>)
    %dma_wait3A_124 = arith.constant 0 : i32
    %dma_wait3A_125 = arith.constant 0 : i32
    %dma_wait3A_126 = tpu.memref_slice %arg3[%dma_wait3A_124, %dma_wait3A_125] : memref<100000x16xf32, #tpu.memory_space<hbm>> -> memref<100000x16xf32, #tpu.memory_space<hbm>>
    tpu.wait_indirect_dma semaphore(%arg19 : memref<!tpu.dma_semaphore, #tpu.memory_space<semaphore_mem>>) src(%dma_wait3A_126 : memref<100000x16xf32, #tpu.memory_space<hbm>>) dst(%arg15 : memref<408x16xf32, #tpu.memory_space<vmem>>)
    %add3A_127 = arith.constant 2856 : i32
    %add3A_128 = arith.addi %mul3A_2, %add3A_127 : i32
    "tpu.region"() ({
      %run_scoped3A = tpu.sem_alloc : memref<!tpu.dma_semaphore, #tpu.memory_space<semaphore_mem>>
      %dma_start3A_129 = arith.constant 0 : i32
      %dma_start3A_130 = tpu.memref_slice %arg6[%add3A_128, %dma_start3A_129] : memref<104448x128xf32, #tpu.memory_space<hbm>> -> memref<408x128xf32, #tpu.memory_space<hbm>>
      %dma_start3A_131 = arith.constant 0 : i32
      %dma_start3A_132 = tpu.memref_slice %arg6[%add3A_128, %dma_start3A_131] : memref<104448x128xf32, #tpu.memory_space<hbm>> -> memref<408x128xf32, #tpu.memory_space<hbm>>
      tpu.enqueue_dma source(%arg11 : memref<408x128xf32, #tpu.memory_space<vmem>>) target(%dma_start3A_132 : memref<408x128xf32, #tpu.memory_space<hbm>>) target_semaphore(%run_scoped3A : memref<!tpu.dma_semaphore, #tpu.memory_space<semaphore_mem>>)
      %dma_wait3A_133 = arith.constant 0 : i32
      %dma_wait3A_134 = tpu.memref_slice %arg6[%add3A_128, %dma_wait3A_133] : memref<104448x128xf32, #tpu.memory_space<hbm>> -> memref<408x128xf32, #tpu.memory_space<hbm>>
      %dma_wait3A_135 = arith.constant 0 : i32
      %dma_wait3A_136 = tpu.memref_slice %arg6[%add3A_128, %dma_wait3A_135] : memref<104448x128xf32, #tpu.memory_space<hbm>> -> memref<408x128xf32, #tpu.memory_space<hbm>>
      tpu.wait_dma2 semaphore(%run_scoped3A : memref<!tpu.dma_semaphore, #tpu.memory_space<semaphore_mem>>) src(%arg11 : memref<408x128xf32, #tpu.memory_space<vmem>>) dst(%dma_wait3A_136 : memref<408x128xf32, #tpu.memory_space<hbm>>)
      tpu.yield
    }) : () -> ()
    "tpu.region"() ({
      %run_scoped3A = tpu.sem_alloc : memref<!tpu.dma_semaphore, #tpu.memory_space<semaphore_mem>>
      %dma_start3A_129 = arith.constant 0 : i32
      %dma_start3A_130 = tpu.memref_slice %arg7[%add3A_128, %dma_start3A_129] : memref<104448x16xf32, #tpu.memory_space<hbm>> -> memref<408x16xf32, #tpu.memory_space<hbm>>
      %dma_start3A_131 = arith.constant 0 : i32
      %dma_start3A_132 = tpu.memref_slice %arg7[%add3A_128, %dma_start3A_131] : memref<104448x16xf32, #tpu.memory_space<hbm>> -> memref<408x16xf32, #tpu.memory_space<hbm>>
      tpu.enqueue_dma source(%arg15 : memref<408x16xf32, #tpu.memory_space<vmem>>) target(%dma_start3A_132 : memref<408x16xf32, #tpu.memory_space<hbm>>) target_semaphore(%run_scoped3A : memref<!tpu.dma_semaphore, #tpu.memory_space<semaphore_mem>>)
      %dma_wait3A_133 = arith.constant 0 : i32
      %dma_wait3A_134 = tpu.memref_slice %arg7[%add3A_128, %dma_wait3A_133] : memref<104448x16xf32, #tpu.memory_space<hbm>> -> memref<408x16xf32, #tpu.memory_space<hbm>>
      %dma_wait3A_135 = arith.constant 0 : i32
      %dma_wait3A_136 = tpu.memref_slice %arg7[%add3A_128, %dma_wait3A_135] : memref<104448x16xf32, #tpu.memory_space<hbm>> -> memref<408x16xf32, #tpu.memory_space<hbm>>
      tpu.wait_dma2 semaphore(%run_scoped3A : memref<!tpu.dma_semaphore, #tpu.memory_space<semaphore_mem>>) src(%arg15 : memref<408x16xf32, #tpu.memory_space<vmem>>) dst(%dma_wait3A_136 : memref<408x16xf32, #tpu.memory_space<hbm>>)
      tpu.yield
    }) : () -> ()
    return
  }
}

module attributes {stable_mosaic.version = 14 : i64} {
  func.func @_score_kernel(%arg0: i32, %arg1: memref<2000x100xf32, #tpu.memory_space<vmem>>, %arg2: memref<100x100xf32, #tpu.memory_space<vmem>>, %arg3: memref<100x100xf32, #tpu.memory_space<vmem>>, %arg4: memref<100x100xf32, #tpu.memory_space<vmem>>, %arg5: memref<1x100xf32, #tpu.memory_space<vmem>>, %arg6: memref<1x100xf32, #tpu.memory_space<vmem>>, %arg7: memref<1x100xf32, #tpu.memory_space<vmem>>, %arg8: memref<1x200xf32, #tpu.memory_space<vmem>>, %arg9: memref<1x200xf32, #tpu.memory_space<vmem>>, %arg10: memref<2000x16xf32, #tpu.memory_space<vmem>>) attributes {dimension_semantics = [#tpu.dimension_semantics<arbitrary>], iteration_bounds = array<i64: 50>, scalar_prefetch = 0 : i64, scratch_operands = 0 : i64, tpu.core_type = #tpu.core_type<tc>, window_params = [{transform_indices = @transform_0, window_bounds = array<i64: 2000, 100>}, {pipeline_mode = #tpu.pipeline_mode<synchronous>, transform_indices = @transform_1, window_bounds = array<i64: 100, 100>}, {pipeline_mode = #tpu.pipeline_mode<synchronous>, transform_indices = @transform_2, window_bounds = array<i64: 100, 100>}, {pipeline_mode = #tpu.pipeline_mode<synchronous>, transform_indices = @transform_3, window_bounds = array<i64: 100, 100>}, {pipeline_mode = #tpu.pipeline_mode<synchronous>, transform_indices = @transform_4, window_bounds = array<i64: 1, 100>}, {pipeline_mode = #tpu.pipeline_mode<synchronous>, transform_indices = @transform_5, window_bounds = array<i64: 1, 100>}, {pipeline_mode = #tpu.pipeline_mode<synchronous>, transform_indices = @transform_6, window_bounds = array<i64: 1, 100>}, {pipeline_mode = #tpu.pipeline_mode<synchronous>, transform_indices = @transform_7, window_bounds = array<i64: 1, 200>}, {pipeline_mode = #tpu.pipeline_mode<synchronous>, transform_indices = @transform_8, window_bounds = array<i64: 1, 200>}, {transform_indices = @transform_9, window_bounds = array<i64: 2000, 16>}]} {
    %get3A = arith.constant 0 : index
    %get3A_0 = arith.constant 0 : index
    %get3A_1 = vector.load %arg1[%get3A, %get3A_0] : memref<2000x100xf32, #tpu.memory_space<vmem>>, vector<2000x100xf32>
    %get3A_2 = arith.constant 0 : index
    %get3A_3 = arith.constant 0 : index
    %get3A_4 = vector.load %arg8[%get3A_2, %get3A_3] : memref<1x200xf32, #tpu.memory_space<vmem>>, vector<1x200xf32>
    %slice3A = vector.extract_strided_slice %get3A_4 {offsets = [0, 0], sizes = [1, 100], strides = [1, 1]} : vector<1x200xf32> to vector<1x100xf32>
    %get3A_5 = arith.constant 0 : index
    %get3A_6 = arith.constant 0 : index
    %get3A_7 = vector.load %arg9[%get3A_5, %get3A_6] : memref<1x200xf32, #tpu.memory_space<vmem>>, vector<1x200xf32>
    %slice3A_8 = vector.extract_strided_slice %get3A_7 {offsets = [0, 0], sizes = [1, 100], strides = [1, 1]} : vector<1x200xf32> to vector<1x100xf32>
    %get3A_9 = arith.constant 0 : index
    %get3A_10 = arith.constant 0 : index
    %get3A_11 = vector.load %arg2[%get3A_9, %get3A_10] : memref<100x100xf32, #tpu.memory_space<vmem>>, vector<100x100xf32>
    %dot_general3A = arith.constant dense<0.000000e+00> : vector<2000x100xf32>
    %dot_general3A_12 = tpu.matmul %get3A_1, %get3A_11, %dot_general3A {dimension_numbers = #tpu.dot_dimension_numbers<[1], [1], [0], [0], [0, 0, 1, 0], [], []>, transpose_lhs_hint = false} : vector<2000x100xf32>, vector<100x100xf32>, vector<2000x100xf32> -> vector<2000x100xf32>
    %get3A_13 = arith.constant 0 : index
    %get3A_14 = arith.constant 0 : index
    %get3A_15 = vector.load %arg5[%get3A_13, %get3A_14] : memref<1x100xf32, #tpu.memory_space<vmem>>, vector<1x100xf32>
    %add3A = vector.broadcast %get3A_15 : vector<1x100xf32> to vector<2000x100xf32>
    %add3A_16 = arith.addf %dot_general3A_12, %add3A : vector<2000x100xf32>
    %mul3A = arith.mulf %add3A_16, %add3A_16 : vector<2000x100xf32>
    %reduce_sum3A = arith.constant dense<0.000000e+00> : vector<2000xf32>
    %reduce_sum3A_17 = vector.multi_reduction <add>, %mul3A, %reduce_sum3A [1] : vector<2000x100xf32> to vector<2000xf32>
    %broadcast_in_dim3A = vector.shape_cast %reduce_sum3A_17 : vector<2000xf32> to vector<2000x1xf32>
    %sqrt3A = math.sqrt %broadcast_in_dim3A : vector<2000x1xf32>
    %max3A = arith.constant 9.99999996E-13 : f32
    %max3A_18 = vector.broadcast %max3A : f32 to vector<2000x1xf32>
    %max3A_19 = arith.maximumf %sqrt3A, %max3A_18 : vector<2000x1xf32>
    %div3A = arith.constant 1.000000e+00 : f32
    %div3A_20 = vector.broadcast %div3A : f32 to vector<2000x1xf32>
    %div3A_21 = arith.divf %div3A_20, %max3A_19 : vector<2000x1xf32>
    %mul3A_22 = vector.broadcast %slice3A : vector<1x100xf32> to vector<2000x100xf32>
    %mul3A_23 = arith.mulf %add3A_16, %mul3A_22 : vector<2000x100xf32>
    %reduce_sum3A_24 = arith.constant dense<0.000000e+00> : vector<2000xf32>
    %reduce_sum3A_25 = vector.multi_reduction <add>, %mul3A_23, %reduce_sum3A_24 [1] : vector<2000x100xf32> to vector<2000xf32>
    %broadcast_in_dim3A_26 = vector.shape_cast %reduce_sum3A_25 : vector<2000xf32> to vector<2000x1xf32>
    %mul3A_27 = arith.mulf %broadcast_in_dim3A_26, %div3A_21 : vector<2000x1xf32>
    %mul3A_28 = vector.broadcast %slice3A_8 : vector<1x100xf32> to vector<2000x100xf32>
    %mul3A_29 = arith.mulf %add3A_16, %mul3A_28 : vector<2000x100xf32>
    %reduce_sum3A_30 = arith.constant dense<0.000000e+00> : vector<2000xf32>
    %reduce_sum3A_31 = vector.multi_reduction <add>, %mul3A_29, %reduce_sum3A_30 [1] : vector<2000x100xf32> to vector<2000xf32>
    %broadcast_in_dim3A_32 = vector.shape_cast %reduce_sum3A_31 : vector<2000xf32> to vector<2000x1xf32>
    %mul3A_33 = arith.mulf %broadcast_in_dim3A_32, %div3A_21 : vector<2000x1xf32>
    %get3A_34 = arith.constant 0 : index
    %get3A_35 = arith.constant 0 : index
    %get3A_36 = vector.load %arg3[%get3A_34, %get3A_35] : memref<100x100xf32, #tpu.memory_space<vmem>>, vector<100x100xf32>
    %dot_general3A_37 = arith.constant dense<0.000000e+00> : vector<2000x100xf32>
    %dot_general3A_38 = tpu.matmul %get3A_1, %get3A_36, %dot_general3A_37 {dimension_numbers = #tpu.dot_dimension_numbers<[1], [1], [0], [0], [0, 0, 1, 0], [], []>, transpose_lhs_hint = false} : vector<2000x100xf32>, vector<100x100xf32>, vector<2000x100xf32> -> vector<2000x100xf32>
    %get3A_39 = arith.constant 0 : index
    %get3A_40 = arith.constant 0 : index
    %get3A_41 = vector.load %arg6[%get3A_39, %get3A_40] : memref<1x100xf32, #tpu.memory_space<vmem>>, vector<1x100xf32>
    %add3A_42 = vector.broadcast %get3A_41 : vector<1x100xf32> to vector<2000x100xf32>
    %add3A_43 = arith.addf %dot_general3A_38, %add3A_42 : vector<2000x100xf32>
    %mul3A_44 = arith.mulf %add3A_43, %add3A_43 : vector<2000x100xf32>
    %reduce_sum3A_45 = arith.constant dense<0.000000e+00> : vector<2000xf32>
    %reduce_sum3A_46 = vector.multi_reduction <add>, %mul3A_44, %reduce_sum3A_45 [1] : vector<2000x100xf32> to vector<2000xf32>
    %broadcast_in_dim3A_47 = vector.shape_cast %reduce_sum3A_46 : vector<2000xf32> to vector<2000x1xf32>
    %sqrt3A_48 = math.sqrt %broadcast_in_dim3A_47 : vector<2000x1xf32>
    %max3A_49 = arith.constant 9.99999996E-13 : f32
    %max3A_50 = vector.broadcast %max3A_49 : f32 to vector<2000x1xf32>
    %max3A_51 = arith.maximumf %sqrt3A_48, %max3A_50 : vector<2000x1xf32>
    %div3A_52 = arith.constant 1.000000e+00 : f32
    %div3A_53 = vector.broadcast %div3A_52 : f32 to vector<2000x1xf32>
    %div3A_54 = arith.divf %div3A_53, %max3A_51 : vector<2000x1xf32>
    %mul3A_55 = vector.broadcast %slice3A : vector<1x100xf32> to vector<2000x100xf32>
    %mul3A_56 = arith.mulf %add3A_43, %mul3A_55 : vector<2000x100xf32>
    %reduce_sum3A_57 = arith.constant dense<0.000000e+00> : vector<2000xf32>
    %reduce_sum3A_58 = vector.multi_reduction <add>, %mul3A_56, %reduce_sum3A_57 [1] : vector<2000x100xf32> to vector<2000xf32>
    %broadcast_in_dim3A_59 = vector.shape_cast %reduce_sum3A_58 : vector<2000xf32> to vector<2000x1xf32>
    %mul3A_60 = arith.mulf %broadcast_in_dim3A_59, %div3A_54 : vector<2000x1xf32>
    %mul3A_61 = vector.broadcast %slice3A_8 : vector<1x100xf32> to vector<2000x100xf32>
    %mul3A_62 = arith.mulf %add3A_43, %mul3A_61 : vector<2000x100xf32>
    %reduce_sum3A_63 = arith.constant dense<0.000000e+00> : vector<2000xf32>
    %reduce_sum3A_64 = vector.multi_reduction <add>, %mul3A_62, %reduce_sum3A_63 [1] : vector<2000x100xf32> to vector<2000xf32>
    %broadcast_in_dim3A_65 = vector.shape_cast %reduce_sum3A_64 : vector<2000xf32> to vector<2000x1xf32>
    %mul3A_66 = arith.mulf %broadcast_in_dim3A_65, %div3A_54 : vector<2000x1xf32>
    %get3A_67 = arith.constant 0 : index
    %get3A_68 = arith.constant 0 : index
    %get3A_69 = vector.load %arg4[%get3A_67, %get3A_68] : memref<100x100xf32, #tpu.memory_space<vmem>>, vector<100x100xf32>
    %dot_general3A_70 = arith.constant dense<0.000000e+00> : vector<2000x100xf32>
    %dot_general3A_71 = tpu.matmul %get3A_1, %get3A_69, %dot_general3A_70 {dimension_numbers = #tpu.dot_dimension_numbers<[1], [1], [0], [0], [0, 0, 1, 0], [], []>, transpose_lhs_hint = false} : vector<2000x100xf32>, vector<100x100xf32>, vector<2000x100xf32> -> vector<2000x100xf32>
    %get3A_72 = arith.constant 0 : index
    %get3A_73 = arith.constant 0 : index
    %get3A_74 = vector.load %arg7[%get3A_72, %get3A_73] : memref<1x100xf32, #tpu.memory_space<vmem>>, vector<1x100xf32>
    %add3A_75 = vector.broadcast %get3A_74 : vector<1x100xf32> to vector<2000x100xf32>
    %add3A_76 = arith.addf %dot_general3A_71, %add3A_75 : vector<2000x100xf32>
    %mul3A_77 = arith.mulf %add3A_76, %add3A_76 : vector<2000x100xf32>
    %reduce_sum3A_78 = arith.constant dense<0.000000e+00> : vector<2000xf32>
    %reduce_sum3A_79 = vector.multi_reduction <add>, %mul3A_77, %reduce_sum3A_78 [1] : vector<2000x100xf32> to vector<2000xf32>
    %broadcast_in_dim3A_80 = vector.shape_cast %reduce_sum3A_79 : vector<2000xf32> to vector<2000x1xf32>
    %sqrt3A_81 = math.sqrt %broadcast_in_dim3A_80 : vector<2000x1xf32>
    %max3A_82 = arith.constant 9.99999996E-13 : f32
    %max3A_83 = vector.broadcast %max3A_82 : f32 to vector<2000x1xf32>
    %max3A_84 = arith.maximumf %sqrt3A_81, %max3A_83 : vector<2000x1xf32>
    %div3A_85 = arith.constant 1.000000e+00 : f32
    %div3A_86 = vector.broadcast %div3A_85 : f32 to vector<2000x1xf32>
    %div3A_87 = arith.divf %div3A_86, %max3A_84 : vector<2000x1xf32>
    %mul3A_88 = vector.broadcast %slice3A : vector<1x100xf32> to vector<2000x100xf32>
    %mul3A_89 = arith.mulf %add3A_76, %mul3A_88 : vector<2000x100xf32>
    %reduce_sum3A_90 = arith.constant dense<0.000000e+00> : vector<2000xf32>
    %reduce_sum3A_91 = vector.multi_reduction <add>, %mul3A_89, %reduce_sum3A_90 [1] : vector<2000x100xf32> to vector<2000xf32>
    %broadcast_in_dim3A_92 = vector.shape_cast %reduce_sum3A_91 : vector<2000xf32> to vector<2000x1xf32>
    %mul3A_93 = arith.mulf %broadcast_in_dim3A_92, %div3A_87 : vector<2000x1xf32>
    %mul3A_94 = vector.broadcast %slice3A_8 : vector<1x100xf32> to vector<2000x100xf32>
    %mul3A_95 = arith.mulf %add3A_76, %mul3A_94 : vector<2000x100xf32>
    %reduce_sum3A_96 = arith.constant dense<0.000000e+00> : vector<2000xf32>
    %reduce_sum3A_97 = vector.multi_reduction <add>, %mul3A_95, %reduce_sum3A_96 [1] : vector<2000x100xf32> to vector<2000xf32>
    %broadcast_in_dim3A_98 = vector.shape_cast %reduce_sum3A_97 : vector<2000xf32> to vector<2000x1xf32>
    %mul3A_99 = arith.mulf %broadcast_in_dim3A_98, %div3A_87 : vector<2000x1xf32>
    %broadcast_in_dim3A_100 = arith.constant 0.000000e+00 : f32
    %broadcast_in_dim3A_101 = vector.broadcast %broadcast_in_dim3A_100 : f32 to vector<2000x10xf32>
    %concatenate3A = tpu.concatenate %mul3A_27, %mul3A_60, %mul3A_93, %mul3A_33, %mul3A_66, %mul3A_99, %broadcast_in_dim3A_101 in 1 : vector<2000x1xf32>, vector<2000x1xf32>, vector<2000x1xf32>, vector<2000x1xf32>, vector<2000x1xf32>, vector<2000x1xf32>, vector<2000x10xf32> -> vector<2000x16xf32>
    %swap3A = arith.constant 0 : index
    %swap3A_102 = arith.constant 0 : index
    %swap3A_103 = vector.load %arg10[%swap3A, %swap3A_102] : memref<2000x16xf32, #tpu.memory_space<vmem>>, vector<2000x16xf32>
    tpu.vector_store %arg10[%swap3A, %swap3A_102], %concatenate3A {strides = array<i32>} : memref<2000x16xf32, #tpu.memory_space<vmem>>, vector<2000x16xf32>,
    return
  }
  func.func @transform_0(%arg0: i32) -> (i32, i32) {
    %c0_i32 = arith.constant 0 : i32
    %c0_i32_0 = arith.constant 0 : i32
    return %arg0, %c0_i32 : i32, i32
  }
  func.func @transform_1(%arg0: i32) -> (i32, i32) {
    %c0_i32 = arith.constant 0 : i32
    %c0_i32_0 = arith.constant 0 : i32
    %c0_i32_1 = arith.constant 0 : i32
    return %c0_i32, %c0_i32_0 : i32, i32
  }
  func.func @transform_2(%arg0: i32) -> (i32, i32) {
    %c0_i32 = arith.constant 0 : i32
    %c0_i32_0 = arith.constant 0 : i32
    %c0_i32_1 = arith.constant 0 : i32
    return %c0_i32, %c0_i32_0 : i32, i32
  }
  func.func @transform_3(%arg0: i32) -> (i32, i32) {
    %c0_i32 = arith.constant 0 : i32
    %c0_i32_0 = arith.constant 0 : i32
    %c0_i32_1 = arith.constant 0 : i32
    return %c0_i32, %c0_i32_0 : i32, i32
  }
  func.func @transform_4(%arg0: i32) -> (i32, i32) {
    %c0_i32 = arith.constant 0 : i32
    %c0_i32_0 = arith.constant 0 : i32
    %c0_i32_1 = arith.constant 0 : i32
    return %c0_i32, %c0_i32_0 : i32, i32
  }
  func.func @transform_5(%arg0: i32) -> (i32, i32) {
    %c0_i32 = arith.constant 0 : i32
    %c0_i32_0 = arith.constant 0 : i32
    %c0_i32_1 = arith.constant 0 : i32
    return %c0_i32, %c0_i32_0 : i32, i32
  }
  func.func @transform_6(%arg0: i32) -> (i32, i32) {
    %c0_i32 = arith.constant 0 : i32
    %c0_i32_0 = arith.constant 0 : i32
    %c0_i32_1 = arith.constant 0 : i32
    return %c0_i32, %c0_i32_0 : i32, i32
  }
  func.func @transform_7(%arg0: i32) -> (i32, i32) {
    %c0_i32 = arith.constant 0 : i32
    %c0_i32_0 = arith.constant 0 : i32
    %c0_i32_1 = arith.constant 0 : i32
    return %c0_i32, %c0_i32_0 : i32, i32
  }
  func.func @transform_8(%arg0: i32) -> (i32, i32) {
    %c0_i32 = arith.constant 0 : i32
    %c0_i32_0 = arith.constant 0 : i32
    %c0_i32_1 = arith.constant 0 : i32
    return %c0_i32, %c0_i32_0 : i32, i32
  }
  func.func @transform_9(%arg0: i32) -> (i32, i32) {
    %c0_i32 = arith.constant 0 : i32
    %c0_i32_0 = arith.constant 0 : i32
    return %arg0, %c0_i32 : i32, i32
  }
}

module attributes {stable_mosaic.version = 14 : i64} {
  func.func @_neigh_kernel(%arg0: i32, %arg1: memref<1600x128xf32, #tpu.memory_space<vmem>>, %arg2: memref<1600x16xf32, #tpu.memory_space<vmem>>, %arg3: memref<100x100xf32, #tpu.memory_space<vmem>>, %arg4: memref<100x100xf32, #tpu.memory_space<vmem>>, %arg5: memref<100x100xf32, #tpu.memory_space<vmem>>, %arg6: memref<1x100xf32, #tpu.memory_space<vmem>>, %arg7: memref<1x100xf32, #tpu.memory_space<vmem>>, %arg8: memref<1x100xf32, #tpu.memory_space<vmem>>, %arg9: memref<3x16x100xf32, #tpu.memory_space<vmem>>) attributes {dimension_semantics = [#tpu.dimension_semantics<arbitrary>], iteration_bounds = array<i64: 65>, scalar_prefetch = 0 : i64, scratch_operands = 0 : i64, tpu.core_type = #tpu.core_type<tc>, window_params = [{transform_indices = @transform_0, window_bounds = array<i64: 1600, 128>}, {transform_indices = @transform_1, window_bounds = array<i64: 1600, 16>}, {pipeline_mode = #tpu.pipeline_mode<synchronous>, transform_indices = @transform_2, window_bounds = array<i64: 100, 100>}, {pipeline_mode = #tpu.pipeline_mode<synchronous>, transform_indices = @transform_3, window_bounds = array<i64: 100, 100>}, {pipeline_mode = #tpu.pipeline_mode<synchronous>, transform_indices = @transform_4, window_bounds = array<i64: 100, 100>}, {pipeline_mode = #tpu.pipeline_mode<synchronous>, transform_indices = @transform_5, window_bounds = array<i64: 1, 100>}, {pipeline_mode = #tpu.pipeline_mode<synchronous>, transform_indices = @transform_6, window_bounds = array<i64: 1, 100>}, {pipeline_mode = #tpu.pipeline_mode<synchronous>, transform_indices = @transform_7, window_bounds = array<i64: 1, 100>}, {transform_indices = @transform_8, window_bounds = array<i64: 3, 16, 100>}]} {
    %get3A = arith.constant 0 : index
    %get3A_0 = arith.constant 0 : index
    %get3A_1 = vector.load %arg1[%get3A, %get3A_0] : memref<1600x128xf32, #tpu.memory_space<vmem>>, vector<1600x128xf32>
    %slice3A = vector.extract_strided_slice %get3A_1 {offsets = [0, 0], sizes = [1600, 100], strides = [1, 1]} : vector<1600x128xf32> to vector<1600x100xf32>
    %get3A_2 = arith.constant 0 : index
    %get3A_3 = arith.constant 0 : index
    %get3A_4 = vector.load %arg2[%get3A_2, %get3A_3] : memref<1600x16xf32, #tpu.memory_space<vmem>>, vector<1600x16xf32>
    %iota3A = tpu.iota {dimensions = array<i32: 1>} : vector<32x1600xi32>
    %jit3A = arith.constant 50 : i32
    %div3A = vector.broadcast %jit3A : i32 to vector<32x1600xi32>
    %div3A_5 = arith.divsi %iota3A, %div3A : vector<32x1600xi32>
    %sign3A = arith.constant 0 : i32
    %sign3A_6 = vector.broadcast %sign3A : i32 to vector<32x1600xi32>
    %sign3A_7 = arith.cmpi sgt, %iota3A, %sign3A_6 : vector<32x1600xi32>
    %sign3A_8 = arith.extui %sign3A_7 : vector<32x1600xi1> to vector<32x1600xi32>
    %sign3A_9 = arith.constant 0 : i32
    %sign3A_10 = vector.broadcast %sign3A_9 : i32 to vector<32x1600xi32>
    %sign3A_11 = arith.cmpi slt, %iota3A, %sign3A_10 : vector<32x1600xi32>
    %sign3A_12 = arith.extui %sign3A_11 : vector<32x1600xi1> to vector<32x1600xi32>
    %sign3A_13 = arith.subi %sign3A_8, %sign3A_12 : vector<32x1600xi32>
    %sign3A_14 = arith.constant 0 : i32
    %sign3A_15 = arith.cmpi sgt, %jit3A, %sign3A_14 : i32
    %sign3A_16 = arith.extui %sign3A_15 : i1 to i32
    %sign3A_17 = arith.constant 0 : i32
    %sign3A_18 = arith.cmpi slt, %jit3A, %sign3A_17 : i32
    %sign3A_19 = arith.extui %sign3A_18 : i1 to i32
    %sign3A_20 = arith.subi %sign3A_16, %sign3A_19 : i32
    %ne3A = vector.broadcast %sign3A_20 : i32 to vector<32x1600xi32>
    %ne3A_21 = arith.cmpi ne, %sign3A_13, %ne3A : vector<32x1600xi32>
    %rem3A = vector.broadcast %jit3A : i32 to vector<32x1600xi32>
    %rem3A_22 = arith.remsi %iota3A, %rem3A : vector<32x1600xi32>
    %ne3A_23 = arith.constant 0 : i32
    %ne3A_24 = vector.broadcast %ne3A_23 : i32 to vector<32x1600xi32>
    %ne3A_25 = arith.cmpi ne, %rem3A_22, %ne3A_24 : vector<32x1600xi32>
    %and3A = arith.andi %ne3A_21, %ne3A_25 : vector<32x1600xi1>
    %sub3A = arith.constant 1 : i32
    %sub3A_26 = vector.broadcast %sub3A : i32 to vector<32x1600xi32>
    %sub3A_27 = arith.subi %div3A_5, %sub3A_26 : vector<32x1600xi32>
    %select_n3A = arith.select %and3A, %sub3A_27, %div3A_5 : vector<32x1600xi1>, vector<32x1600xi32>
    %jit3A_28 = arith.constant 2 : i32
    %eq3A = arith.constant 0 : i32
    %eq3A_29 = arith.cmpi eq, %jit3A_28, %eq3A : i32
    %jit3A_30 = arith.constant 1 : i32
    %select_n3A_31 = arith.select %eq3A_29, %jit3A_30, %jit3A_28 : i32
    %rem3A_32 = vector.broadcast %select_n3A_31 : i32 to vector<32x1600xi32>
    %rem3A_33 = arith.remsi %select_n3A, %rem3A_32 : vector<32x1600xi32>
    %ne3A_34 = arith.constant 0 : i32
    %ne3A_35 = vector.broadcast %ne3A_34 : i32 to vector<32x1600xi32>
    %ne3A_36 = arith.cmpi ne, %rem3A_33, %ne3A_35 : vector<32x1600xi32>
    %lt3A = arith.constant 0 : i32
    %lt3A_37 = vector.broadcast %lt3A : i32 to vector<32x1600xi32>
    %lt3A_38 = arith.cmpi slt, %rem3A_33, %lt3A_37 : vector<32x1600xi32>
    %lt3A_39 = arith.constant 0 : i32
    %lt3A_40 = arith.cmpi slt, %select_n3A_31, %lt3A_39 : i32
    %ne3A_41 = vector.broadcast %lt3A_40 : i1 to vector<32x1600xi1>
    %ne3A_42 = vector.broadcast %ne3A_41 : vector<32x1600xi1> to vector<32x1600xi1>
    %ne3A_43 = arith.xori %lt3A_38, %ne3A_42 : vector<32x1600xi1>
    %and3A_44 = arith.andi %ne3A_43, %ne3A_36 : vector<32x1600xi1>
    %add3A = vector.broadcast %select_n3A_31 : i32 to vector<32x1600xi32>
    %add3A_45 = arith.addi %rem3A_33, %add3A : vector<32x1600xi32>
    %select_n3A_46 = arith.select %and3A_44, %add3A_45, %rem3A_33 : vector<32x1600xi1>, vector<32x1600xi32>
    %mul3A = arith.constant 16 : i32
    %mul3A_47 = vector.broadcast %mul3A : i32 to vector<32x1600xi32>
    %mul3A_48 = arith.muli %select_n3A_46, %mul3A_47 : vector<32x1600xi32>
    %jit3A_49 = arith.constant 100 : i32
    %div3A_50 = vector.broadcast %jit3A_49 : i32 to vector<32x1600xi32>
    %div3A_51 = arith.divsi %iota3A, %div3A_50 : vector<32x1600xi32>
    %sign3A_52 = arith.constant 0 : i32
    %sign3A_53 = vector.broadcast %sign3A_52 : i32 to vector<32x1600xi32>
    %sign3A_54 = arith.cmpi sgt, %iota3A, %sign3A_53 : vector<32x1600xi32>
    %sign3A_55 = arith.extui %sign3A_54 : vector<32x1600xi1> to vector<32x1600xi32>
    %sign3A_56 = arith.constant 0 : i32
    %sign3A_57 = vector.broadcast %sign3A_56 : i32 to vector<32x1600xi32>
    %sign3A_58 = arith.cmpi slt, %iota3A, %sign3A_57 : vector<32x1600xi32>
    %sign3A_59 = arith.extui %sign3A_58 : vector<32x1600xi1> to vector<32x1600xi32>
    %sign3A_60 = arith.subi %sign3A_55, %sign3A_59 : vector<32x1600xi32>
    %sign3A_61 = arith.constant 0 : i32
    %sign3A_62 = arith.cmpi sgt, %jit3A_49, %sign3A_61 : i32
    %sign3A_63 = arith.extui %sign3A_62 : i1 to i32
    %sign3A_64 = arith.constant 0 : i32
    %sign3A_65 = arith.cmpi slt, %jit3A_49, %sign3A_64 : i32
    %sign3A_66 = arith.extui %sign3A_65 : i1 to i32
    %sign3A_67 = arith.subi %sign3A_63, %sign3A_66 : i32
    %ne3A_68 = vector.broadcast %sign3A_67 : i32 to vector<32x1600xi32>
    %ne3A_69 = arith.cmpi ne, %sign3A_60, %ne3A_68 : vector<32x1600xi32>
    %rem3A_70 = vector.broadcast %jit3A_49 : i32 to vector<32x1600xi32>
    %rem3A_71 = arith.remsi %iota3A, %rem3A_70 : vector<32x1600xi32>
    %ne3A_72 = arith.constant 0 : i32
    %ne3A_73 = vector.broadcast %ne3A_72 : i32 to vector<32x1600xi32>
    %ne3A_74 = arith.cmpi ne, %rem3A_71, %ne3A_73 : vector<32x1600xi32>
    %and3A_75 = arith.andi %ne3A_69, %ne3A_74 : vector<32x1600xi1>
    %sub3A_76 = arith.constant 1 : i32
    %sub3A_77 = vector.broadcast %sub3A_76 : i32 to vector<32x1600xi32>
    %sub3A_78 = arith.subi %div3A_51, %sub3A_77 : vector<32x1600xi32>
    %select_n3A_79 = arith.select %and3A_75, %sub3A_78, %div3A_51 : vector<32x1600xi1>, vector<32x1600xi32>
    %add3A_80 = arith.addi %mul3A_48, %select_n3A_79 : vector<32x1600xi32>
    %iota3A_81 = tpu.iota {dimensions = array<i32: 0>} : vector<32x1600xi32>
    %eq3A_82 = arith.cmpi eq, %add3A_80, %iota3A_81 : vector<32x1600xi32>
    %convert_element_type3A = arith.extui %eq3A_82 : vector<32x1600xi1> to vector<32x1600xi32>
    %convert_element_type3A_83 = arith.sitofp %convert_element_type3A : vector<32x1600xi32> to vector<32x1600xf32>
    %iota3A_84 = tpu.iota {dimensions = array<i32: 0>} : vector<1600x1xi32>
    %jit3A_85 = arith.constant 50 : i32
    %div3A_86 = vector.broadcast %jit3A_85 : i32 to vector<1600x1xi32>
    %div3A_87 = arith.divsi %iota3A_84, %div3A_86 : vector<1600x1xi32>
    %sign3A_88 = arith.constant 0 : i32
    %sign3A_89 = vector.broadcast %sign3A_88 : i32 to vector<1600x1xi32>
    %sign3A_90 = arith.cmpi sgt, %iota3A_84, %sign3A_89 : vector<1600x1xi32>
    %sign3A_91 = arith.extui %sign3A_90 : vector<1600x1xi1> to vector<1600x1xi32>
    %sign3A_92 = arith.constant 0 : i32
    %sign3A_93 = vector.broadcast %sign3A_92 : i32 to vector<1600x1xi32>
    %sign3A_94 = arith.cmpi slt, %iota3A_84, %sign3A_93 : vector<1600x1xi32>
    %sign3A_95 = arith.extui %sign3A_94 : vector<1600x1xi1> to vector<1600x1xi32>
    %sign3A_96 = arith.subi %sign3A_91, %sign3A_95 : vector<1600x1xi32>
    %sign3A_97 = arith.constant 0 : i32
    %sign3A_98 = arith.cmpi sgt, %jit3A_85, %sign3A_97 : i32
    %sign3A_99 = arith.extui %sign3A_98 : i1 to i32
    %sign3A_100 = arith.constant 0 : i32
    %sign3A_101 = arith.cmpi slt, %jit3A_85, %sign3A_100 : i32
    %sign3A_102 = arith.extui %sign3A_101 : i1 to i32
    %sign3A_103 = arith.subi %sign3A_99, %sign3A_102 : i32
    %ne3A_104 = vector.broadcast %sign3A_103 : i32 to vector<1600x1xi32>
    %ne3A_105 = arith.cmpi ne, %sign3A_96, %ne3A_104 : vector<1600x1xi32>
    %rem3A_106 = vector.broadcast %jit3A_85 : i32 to vector<1600x1xi32>
    %rem3A_107 = arith.remsi %iota3A_84, %rem3A_106 : vector<1600x1xi32>
    %ne3A_108 = arith.constant 0 : i32
    %ne3A_109 = vector.broadcast %ne3A_108 : i32 to vector<1600x1xi32>
    %ne3A_110 = arith.cmpi ne, %rem3A_107, %ne3A_109 : vector<1600x1xi32>
    %and3A_111 = arith.andi %ne3A_105, %ne3A_110 : vector<1600x1xi1>
    %sub3A_112 = arith.constant 1 : i32
    %sub3A_113 = vector.broadcast %sub3A_112 : i32 to vector<1600x1xi32>
    %sub3A_114 = arith.subi %div3A_87, %sub3A_113 : vector<1600x1xi32>
    %select_n3A_115 = arith.select %and3A_111, %sub3A_114, %div3A_87 : vector<1600x1xi1>, vector<1600x1xi32>
    %jit3A_116 = arith.constant 2 : i32
    %eq3A_117 = arith.constant 0 : i32
    %eq3A_118 = arith.cmpi eq, %jit3A_116, %eq3A_117 : i32
    %jit3A_119 = arith.constant 1 : i32
    %select_n3A_120 = arith.select %eq3A_118, %jit3A_119, %jit3A_116 : i32
    %rem3A_121 = vector.broadcast %select_n3A_120 : i32 to vector<1600x1xi32>
    %rem3A_122 = arith.remsi %select_n3A_115, %rem3A_121 : vector<1600x1xi32>
    %ne3A_123 = arith.constant 0 : i32
    %ne3A_124 = vector.broadcast %ne3A_123 : i32 to vector<1600x1xi32>
    %ne3A_125 = arith.cmpi ne, %rem3A_122, %ne3A_124 : vector<1600x1xi32>
    %lt3A_126 = arith.constant 0 : i32
    %lt3A_127 = vector.broadcast %lt3A_126 : i32 to vector<1600x1xi32>
    %lt3A_128 = arith.cmpi slt, %rem3A_122, %lt3A_127 : vector<1600x1xi32>
    %lt3A_129 = arith.constant 0 : i32
    %lt3A_130 = arith.cmpi slt, %select_n3A_120, %lt3A_129 : i32
    %ne3A_131 = vector.broadcast %lt3A_130 : i1 to vector<1600x1xi1>
    %ne3A_132 = vector.broadcast %ne3A_131 : vector<1600x1xi1> to vector<1600x1xi1>
    %ne3A_133 = arith.xori %lt3A_128, %ne3A_132 : vector<1600x1xi1>
    %and3A_134 = arith.andi %ne3A_133, %ne3A_125 : vector<1600x1xi1>
    %add3A_135 = vector.broadcast %select_n3A_120 : i32 to vector<1600x1xi32>
    %add3A_136 = arith.addi %rem3A_122, %add3A_135 : vector<1600x1xi32>
    %select_n3A_137 = arith.select %and3A_134, %add3A_136, %rem3A_122 : vector<1600x1xi1>, vector<1600x1xi32>
    %exp3A = math.exp %get3A_4 : vector<1600x16xf32>
    %eq3A_138 = arith.constant 0 : i32
    %eq3A_139 = vector.broadcast %eq3A_138 : i32 to vector<1600x1xi32>
    %eq3A_140 = arith.cmpi eq, %select_n3A_137, %eq3A_139 : vector<1600x1xi32>
    %slice3A_141 = vector.extract_strided_slice %exp3A {offsets = [0, 0], sizes = [1600, 3], strides = [1, 1]} : vector<1600x16xf32> to vector<1600x3xf32>
    %slice3A_142 = vector.extract_strided_slice %exp3A {offsets = [0, 3], sizes = [1600, 3], strides = [1, 1]} : vector<1600x16xf32> to vector<1600x3xf32>
    %broadcast_in_dim3A = vector.shape_cast %eq3A_140 : vector<1600x1xi1> to vector<1600x1xi1>
    %broadcast_in_dim3A_143 = vector.broadcast %broadcast_in_dim3A : vector<1600x1xi1> to vector<1600x3xi1>
    %select_n3A_144 = arith.select %broadcast_in_dim3A_143, %slice3A_141, %slice3A_142 : vector<1600x3xi1>, vector<1600x3xf32>
    %dot_general3A = arith.constant dense<0.000000e+00> : vector<32x3xf32>
    %dot_general3A_145 = tpu.matmul %convert_element_type3A_83, %select_n3A_144, %dot_general3A {dimension_numbers = #tpu.dot_dimension_numbers<[1], [0], [0], [1], [0, 0, 1, 1], [], []>, transpose_lhs_hint = false} : vector<32x1600xf32>, vector<1600x3xf32>, vector<32x3xf32> -> vector<32x3xf32>
    %get3A_146 = arith.constant 0 : index
    %get3A_147 = arith.constant 0 : index
    %get3A_148 = vector.load %arg3[%get3A_146, %get3A_147] : memref<100x100xf32, #tpu.memory_space<vmem>>, vector<100x100xf32>
    %dot_general3A_149 = arith.constant dense<0.000000e+00> : vector<1600x100xf32>
    %dot_general3A_150 = tpu.matmul %slice3A, %get3A_148, %dot_general3A_149 {dimension_numbers = #tpu.dot_dimension_numbers<[1], [1], [0], [0], [0, 0, 1, 0], [], []>, transpose_lhs_hint = false} : vector<1600x100xf32>, vector<100x100xf32>, vector<1600x100xf32> -> vector<1600x100xf32>
    %get3A_151 = arith.constant 0 : index
    %get3A_152 = arith.constant 0 : index
    %get3A_153 = vector.load %arg6[%get3A_151, %get3A_152] : memref<1x100xf32, #tpu.memory_space<vmem>>, vector<1x100xf32>
    %add3A_154 = vector.broadcast %get3A_153 : vector<1x100xf32> to vector<1600x100xf32>
    %add3A_155 = arith.addf %dot_general3A_150, %add3A_154 : vector<1600x100xf32>
    %mul3A_156 = arith.mulf %add3A_155, %add3A_155 : vector<1600x100xf32>
    %reduce_sum3A = arith.constant dense<0.000000e+00> : vector<1600xf32>
    %reduce_sum3A_157 = vector.multi_reduction <add>, %mul3A_156, %reduce_sum3A [1] : vector<1600x100xf32> to vector<1600xf32>
    %broadcast_in_dim3A_158 = vector.shape_cast %reduce_sum3A_157 : vector<1600xf32> to vector<1600x1xf32>
    %sqrt3A = math.sqrt %broadcast_in_dim3A_158 : vector<1600x1xf32>
    %max3A = arith.constant 9.99999996E-13 : f32
    %max3A_159 = vector.broadcast %max3A : f32 to vector<1600x1xf32>
    %max3A_160 = arith.maximumf %sqrt3A, %max3A_159 : vector<1600x1xf32>
    %slice3A_161 = vector.extract_strided_slice %select_n3A_144 {offsets = [0, 0], sizes = [1600, 1], strides = [1, 1]} : vector<1600x3xf32> to vector<1600x1xf32>
    %mul3A_162 = vector.broadcast %slice3A_161 : vector<1600x1xf32> to vector<1600x100xf32>
    %mul3A_163 = arith.mulf %mul3A_162, %add3A_155 : vector<1600x100xf32>
    %div3A_164 = vector.broadcast %max3A_160 : vector<1600x1xf32> to vector<1600x100xf32>
    %div3A_165 = arith.divf %mul3A_163, %div3A_164 : vector<1600x100xf32>
    %dot_general3A_166 = arith.constant dense<0.000000e+00> : vector<32x100xf32>
    %dot_general3A_167 = tpu.matmul %convert_element_type3A_83, %div3A_165, %dot_general3A_166 {dimension_numbers = #tpu.dot_dimension_numbers<[1], [0], [0], [1], [0, 0, 1, 1], [], []>, transpose_lhs_hint = false} : vector<32x1600xf32>, vector<1600x100xf32>, vector<32x100xf32> -> vector<32x100xf32>
    %slice3A_168 = vector.extract_strided_slice %dot_general3A_145 {offsets = [0, 0], sizes = [32, 1], strides = [1, 1]} : vector<32x3xf32> to vector<32x1xf32>
    %div3A_169 = vector.broadcast %slice3A_168 : vector<32x1xf32> to vector<32x100xf32>
    %div3A_170 = arith.divf %dot_general3A_167, %div3A_169 : vector<32x100xf32>
    %slice3A_171 = vector.extract_strided_slice %div3A_170 {offsets = [0, 0], sizes = [16, 100], strides = [1, 1]} : vector<32x100xf32> to vector<16x100xf32>
    %slice3A_172 = vector.extract_strided_slice %div3A_170 {offsets = [16, 0], sizes = [16, 100], strides = [1, 1]} : vector<32x100xf32> to vector<16x100xf32>
    %exp3A_173 = math.exp %slice3A_171 : vector<16x100xf32>
    %exp3A_174 = math.exp %slice3A_172 : vector<16x100xf32>
    %mul3A_175 = arith.mulf %slice3A_171, %exp3A_173 : vector<16x100xf32>
    %mul3A_176 = arith.mulf %slice3A_172, %exp3A_174 : vector<16x100xf32>
    %add3A_177 = arith.addf %mul3A_175, %mul3A_176 : vector<16x100xf32>
    %add3A_178 = arith.addf %exp3A_173, %exp3A_174 : vector<16x100xf32>
    %div3A_179 = arith.divf %add3A_177, %add3A_178 : vector<16x100xf32>
    %tanh3A = math.tanh %div3A_179 : vector<16x100xf32>
    %broadcast_in_dim3A_180 = vector.shape_cast %tanh3A : vector<16x100xf32> to vector<1x16x100xf32>
    %get3A_181 = arith.constant 0 : index
    %get3A_182 = arith.constant 0 : index
    %get3A_183 = vector.load %arg4[%get3A_181, %get3A_182] : memref<100x100xf32, #tpu.memory_space<vmem>>, vector<100x100xf32>
    %dot_general3A_184 = arith.constant dense<0.000000e+00> : vector<1600x100xf32>
    %dot_general3A_185 = tpu.matmul %slice3A, %get3A_183, %dot_general3A_184 {dimension_numbers = #tpu.dot_dimension_numbers<[1], [1], [0], [0], [0, 0, 1, 0], [], []>, transpose_lhs_hint = false} : vector<1600x100xf32>, vector<100x100xf32>, vector<1600x100xf32> -> vector<1600x100xf32>
    %get3A_186 = arith.constant 0 : index
    %get3A_187 = arith.constant 0 : index
    %get3A_188 = vector.load %arg7[%get3A_186, %get3A_187] : memref<1x100xf32, #tpu.memory_space<vmem>>, vector<1x100xf32>
    %add3A_189 = vector.broadcast %get3A_188 : vector<1x100xf32> to vector<1600x100xf32>
    %add3A_190 = arith.addf %dot_general3A_185, %add3A_189 : vector<1600x100xf32>
    %mul3A_191 = arith.mulf %add3A_190, %add3A_190 : vector<1600x100xf32>
    %reduce_sum3A_192 = arith.constant dense<0.000000e+00> : vector<1600xf32>
    %reduce_sum3A_193 = vector.multi_reduction <add>, %mul3A_191, %reduce_sum3A_192 [1] : vector<1600x100xf32> to vector<1600xf32>
    %broadcast_in_dim3A_194 = vector.shape_cast %reduce_sum3A_193 : vector<1600xf32> to vector<1600x1xf32>
    %sqrt3A_195 = math.sqrt %broadcast_in_dim3A_194 : vector<1600x1xf32>
    %max3A_196 = arith.constant 9.99999996E-13 : f32
    %max3A_197 = vector.broadcast %max3A_196 : f32 to vector<1600x1xf32>
    %max3A_198 = arith.maximumf %sqrt3A_195, %max3A_197 : vector<1600x1xf32>
    %slice3A_199 = vector.extract_strided_slice %select_n3A_144 {offsets = [0, 1], sizes = [1600, 1], strides = [1, 1]} : vector<1600x3xf32> to vector<1600x1xf32>
    %mul3A_200 = vector.broadcast %slice3A_199 : vector<1600x1xf32> to vector<1600x100xf32>
    %mul3A_201 = arith.mulf %mul3A_200, %add3A_190 : vector<1600x100xf32>
    %div3A_202 = vector.broadcast %max3A_198 : vector<1600x1xf32> to vector<1600x100xf32>
    %div3A_203 = arith.divf %mul3A_201, %div3A_202 : vector<1600x100xf32>
    %dot_general3A_204 = arith.constant dense<0.000000e+00> : vector<32x100xf32>
    %dot_general3A_205 = tpu.matmul %convert_element_type3A_83, %div3A_203, %dot_general3A_204 {dimension_numbers = #tpu.dot_dimension_numbers<[1], [0], [0], [1], [0, 0, 1, 1], [], []>, transpose_lhs_hint = false} : vector<32x1600xf32>, vector<1600x100xf32>, vector<32x100xf32> -> vector<32x100xf32>
    %slice3A_206 = vector.extract_strided_slice %dot_general3A_145 {offsets = [0, 1], sizes = [32, 1], strides = [1, 1]} : vector<32x3xf32> to vector<32x1xf32>
    %div3A_207 = vector.broadcast %slice3A_206 : vector<32x1xf32> to vector<32x100xf32>
    %div3A_208 = arith.divf %dot_general3A_205, %div3A_207 : vector<32x100xf32>
    %slice3A_209 = vector.extract_strided_slice %div3A_208 {offsets = [0, 0], sizes = [16, 100], strides = [1, 1]} : vector<32x100xf32> to vector<16x100xf32>
    %slice3A_210 = vector.extract_strided_slice %div3A_208 {offsets = [16, 0], sizes = [16, 100], strides = [1, 1]} : vector<32x100xf32> to vector<16x100xf32>
    %exp3A_211 = math.exp %slice3A_209 : vector<16x100xf32>
    %exp3A_212 = math.exp %slice3A_210 : vector<16x100xf32>
    %mul3A_213 = arith.mulf %slice3A_209, %exp3A_211 : vector<16x100xf32>
    %mul3A_214 = arith.mulf %slice3A_210, %exp3A_212 : vector<16x100xf32>
    %add3A_215 = arith.addf %mul3A_213, %mul3A_214 : vector<16x100xf32>
    %add3A_216 = arith.addf %exp3A_211, %exp3A_212 : vector<16x100xf32>
    %div3A_217 = arith.divf %add3A_215, %add3A_216 : vector<16x100xf32>
    %tanh3A_218 = math.tanh %div3A_217 : vector<16x100xf32>
    %broadcast_in_dim3A_219 = vector.shape_cast %tanh3A_218 : vector<16x100xf32> to vector<1x16x100xf32>
    %get3A_220 = arith.constant 0 : index
    %get3A_221 = arith.constant 0 : index
    %get3A_222 = vector.load %arg5[%get3A_220, %get3A_221] : memref<100x100xf32, #tpu.memory_space<vmem>>, vector<100x100xf32>
    %dot_general3A_223 = arith.constant dense<0.000000e+00> : vector<1600x100xf32>
    %dot_general3A_224 = tpu.matmul %slice3A, %get3A_222, %dot_general3A_223 {dimension_numbers = #tpu.dot_dimension_numbers<[1], [1], [0], [0], [0, 0, 1, 0], [], []>, transpose_lhs_hint = false} : vector<1600x100xf32>, vector<100x100xf32>, vector<1600x100xf32> -> vector<1600x100xf32>
    %get3A_225 = arith.constant 0 : index
    %get3A_226 = arith.constant 0 : index
    %get3A_227 = vector.load %arg8[%get3A_225, %get3A_226] : memref<1x100xf32, #tpu.memory_space<vmem>>, vector<1x100xf32>
    %add3A_228 = vector.broadcast %get3A_227 : vector<1x100xf32> to vector<1600x100xf32>
    %add3A_229 = arith.addf %dot_general3A_224, %add3A_228 : vector<1600x100xf32>
    %mul3A_230 = arith.mulf %add3A_229, %add3A_229 : vector<1600x100xf32>
    %reduce_sum3A_231 = arith.constant dense<0.000000e+00> : vector<1600xf32>
    %reduce_sum3A_232 = vector.multi_reduction <add>, %mul3A_230, %reduce_sum3A_231 [1] : vector<1600x100xf32> to vector<1600xf32>
    %broadcast_in_dim3A_233 = vector.shape_cast %reduce_sum3A_232 : vector<1600xf32> to vector<1600x1xf32>
    %sqrt3A_234 = math.sqrt %broadcast_in_dim3A_233 : vector<1600x1xf32>
    %max3A_235 = arith.constant 9.99999996E-13 : f32
    %max3A_236 = vector.broadcast %max3A_235 : f32 to vector<1600x1xf32>
    %max3A_237 = arith.maximumf %sqrt3A_234, %max3A_236 : vector<1600x1xf32>
    %slice3A_238 = vector.extract_strided_slice %select_n3A_144 {offsets = [0, 2], sizes = [1600, 1], strides = [1, 1]} : vector<1600x3xf32> to vector<1600x1xf32>
    %mul3A_239 = vector.broadcast %slice3A_238 : vector<1600x1xf32> to vector<1600x100xf32>
    %mul3A_240 = arith.mulf %mul3A_239, %add3A_229 : vector<1600x100xf32>
    %div3A_241 = vector.broadcast %max3A_237 : vector<1600x1xf32> to vector<1600x100xf32>
    %div3A_242 = arith.divf %mul3A_240, %div3A_241 : vector<1600x100xf32>
    %dot_general3A_243 = arith.constant dense<0.000000e+00> : vector<32x100xf32>
    %dot_general3A_244 = tpu.matmul %convert_element_type3A_83, %div3A_242, %dot_general3A_243 {dimension_numbers = #tpu.dot_dimension_numbers<[1], [0], [0], [1], [0, 0, 1, 1], [], []>, transpose_lhs_hint = false} : vector<32x1600xf32>, vector<1600x100xf32>, vector<32x100xf32> -> vector<32x100xf32>
    %slice3A_245 = vector.extract_strided_slice %dot_general3A_145 {offsets = [0, 2], sizes = [32, 1], strides = [1, 1]} : vector<32x3xf32> to vector<32x1xf32>
    %div3A_246 = vector.broadcast %slice3A_245 : vector<32x1xf32> to vector<32x100xf32>
    %div3A_247 = arith.divf %dot_general3A_244, %div3A_246 : vector<32x100xf32>
    %slice3A_248 = vector.extract_strided_slice %div3A_247 {offsets = [0, 0], sizes = [16, 100], strides = [1, 1]} : vector<32x100xf32> to vector<16x100xf32>
    %slice3A_249 = vector.extract_strided_slice %div3A_247 {offsets = [16, 0], sizes = [16, 100], strides = [1, 1]} : vector<32x100xf32> to vector<16x100xf32>
    %exp3A_250 = math.exp %slice3A_248 : vector<16x100xf32>
    %exp3A_251 = math.exp %slice3A_249 : vector<16x100xf32>
    %mul3A_252 = arith.mulf %slice3A_248, %exp3A_250 : vector<16x100xf32>
    %mul3A_253 = arith.mulf %slice3A_249, %exp3A_251 : vector<16x100xf32>
    %add3A_254 = arith.addf %mul3A_252, %mul3A_253 : vector<16x100xf32>
    %add3A_255 = arith.addf %exp3A_250, %exp3A_251 : vector<16x100xf32>
    %div3A_256 = arith.divf %add3A_254, %add3A_255 : vector<16x100xf32>
    %tanh3A_257 = math.tanh %div3A_256 : vector<16x100xf32>
    %broadcast_in_dim3A_258 = vector.shape_cast %tanh3A_257 : vector<16x100xf32> to vector<1x16x100xf32>
    %concatenate3A = tpu.concatenate %broadcast_in_dim3A_180, %broadcast_in_dim3A_219, %broadcast_in_dim3A_258 in 0 : vector<1x16x100xf32>, vector<1x16x100xf32>, vector<1x16x100xf32> -> vector<3x16x100xf32>
    %swap3A = arith.constant 0 : index
    %swap3A_259 = arith.constant 0 : index
    %swap3A_260 = arith.constant 0 : index
    %swap3A_261 = vector.load %arg9[%swap3A, %swap3A_259, %swap3A_260] : memref<3x16x100xf32, #tpu.memory_space<vmem>>, vector<3x16x100xf32>
    tpu.vector_store %arg9[%swap3A, %swap3A_259, %swap3A_260], %concatenate3A {strides = array<i32>} : memref<3x16x100xf32, #tpu.memory_space<vmem>>, vector<3x16x100xf32>,
    return
  }
  func.func @transform_0(%arg0: i32) -> (i32, i32) {
    %c0_i32 = arith.constant 0 : i32
    %c0_i32_0 = arith.constant 0 : i32
    return %arg0, %c0_i32 : i32, i32
  }
  func.func @transform_1(%arg0: i32) -> (i32, i32) {
    %c0_i32 = arith.constant 0 : i32
    %c0_i32_0 = arith.constant 0 : i32
    return %arg0, %c0_i32 : i32, i32
  }
  func.func @transform_2(%arg0: i32) -> (i32, i32) {
    %c0_i32 = arith.constant 0 : i32
    %c0_i32_0 = arith.constant 0 : i32
    %c0_i32_1 = arith.constant 0 : i32
    return %c0_i32, %c0_i32_0 : i32, i32
  }
  func.func @transform_3(%arg0: i32) -> (i32, i32) {
    %c0_i32 = arith.constant 0 : i32
    %c0_i32_0 = arith.constant 0 : i32
    %c0_i32_1 = arith.constant 0 : i32
    return %c0_i32, %c0_i32_0 : i32, i32
  }
  func.func @transform_4(%arg0: i32) -> (i32, i32) {
    %c0_i32 = arith.constant 0 : i32
    %c0_i32_0 = arith.constant 0 : i32
    %c0_i32_1 = arith.constant 0 : i32
    return %c0_i32, %c0_i32_0 : i32, i32
  }
  func.func @transform_5(%arg0: i32) -> (i32, i32) {
    %c0_i32 = arith.constant 0 : i32
    %c0_i32_0 = arith.constant 0 : i32
    %c0_i32_1 = arith.constant 0 : i32
    return %c0_i32, %c0_i32_0 : i32, i32
  }
  func.func @transform_6(%arg0: i32) -> (i32, i32) {
    %c0_i32 = arith.constant 0 : i32
    %c0_i32_0 = arith.constant 0 : i32
    %c0_i32_1 = arith.constant 0 : i32
    return %c0_i32, %c0_i32_0 : i32, i32
  }
  func.func @transform_7(%arg0: i32) -> (i32, i32) {
    %c0_i32 = arith.constant 0 : i32
    %c0_i32_0 = arith.constant 0 : i32
    %c0_i32_1 = arith.constant 0 : i32
    return %c0_i32, %c0_i32_0 : i32, i32
  }
  func.func @transform_8(%arg0: i32) -> (i32, i32, i32) {
    %c0_i32 = arith.constant 0 : i32
    %c0_i32_0 = arith.constant 0 : i32
    %c0_i32_1 = arith.constant 0 : i32
    return %c0_i32, %arg0, %c0_i32_0 : i32, i32, i32
  }
}

module attributes {stable_mosaic.version = 14 : i64} {
  func.func @_head_kernel(%arg0: memref<3x1040x100xf32, #tpu.memory_space<vmem>>, %arg1: memref<400x200xf32, #tpu.memory_space<vmem>>, %arg2: memref<1x400xf32, #tpu.memory_space<vmem>>, %arg3: memref<200x400xf32, #tpu.memory_space<vmem>>, %arg4: memref<1x200xf32, #tpu.memory_space<vmem>>, %arg5: memref<1x200xf32, #tpu.memory_space<vmem>>, %arg6: memref<1x200xf32, #tpu.memory_space<vmem>>, %arg7: memref<200x200xbf16, #tpu.memory_space<vmem>>, %arg8: memref<200x200xbf16, #tpu.memory_space<vmem>>, %arg9: memref<200x200xbf16, #tpu.memory_space<vmem>>, %arg10: memref<200x200xbf16, #tpu.memory_space<vmem>>, %arg11: memref<200x200xbf16, #tpu.memory_space<vmem>>, %arg12: memref<200x200xbf16, #tpu.memory_space<vmem>>, %arg13: memref<200x200xbf16, #tpu.memory_space<vmem>>, %arg14: memref<200x200xbf16, #tpu.memory_space<vmem>>, %arg15: memref<200x200xbf16, #tpu.memory_space<vmem>>, %arg16: memref<200x200xbf16, #tpu.memory_space<vmem>>, %arg17: memref<200x200xbf16, #tpu.memory_space<vmem>>, %arg18: memref<200x200xbf16, #tpu.memory_space<vmem>>, %arg19: memref<1x200xf32, #tpu.memory_space<vmem>>, %arg20: memref<1x200xf32, #tpu.memory_space<vmem>>, %arg21: memref<1x200xf32, #tpu.memory_space<vmem>>, %arg22: memref<1x200xf32, #tpu.memory_space<vmem>>, %arg23: memref<512x1xf32, #tpu.memory_space<vmem>>) attributes {dimension_semantics = [], scalar_prefetch = 0 : i64, scratch_operands = 0 : i64, tpu.core_type = #tpu.core_type<tc>} {
    %get3A = arith.constant 0 : index
    %get3A_0 = arith.constant 0 : index
    %get3A_1 = arith.constant 0 : index
    %get3A_2 = vector.load %arg0[%get3A, %get3A_0, %get3A_1] : memref<3x1040x100xf32, #tpu.memory_space<vmem>>, vector<1x512x100xf32>
    %get3A_3 = vector.shape_cast %get3A_2 : vector<1x512x100xf32> to vector<512x100xf32>
    %get3A_4 = arith.constant 0 : index
    %get3A_5 = arith.constant 512 : index
    %get3A_6 = arith.constant 0 : index
    %get3A_7 = vector.load %arg0[%get3A_4, %get3A_5, %get3A_6] : memref<3x1040x100xf32, #tpu.memory_space<vmem>>, vector<1x512x100xf32>
    %get3A_8 = vector.shape_cast %get3A_7 : vector<1x512x100xf32> to vector<512x100xf32>
    %concatenate3A = tpu.concatenate %get3A_3, %get3A_8 in 1 : vector<512x100xf32>, vector<512x100xf32> -> vector<512x200xf32>
    %get3A_9 = arith.constant 0 : index
    %get3A_10 = arith.constant 1024 : index
    %get3A_11 = arith.constant 0 : index
    %get3A_12 = vector.load %arg0[%get3A_9, %get3A_10, %get3A_11] : memref<3x1040x100xf32, #tpu.memory_space<vmem>>, vector<1x5x100xf32>
    %get3A_13 = vector.shape_cast %get3A_12 : vector<1x5x100xf32> to vector<5x100xf32>
    %get3A_14 = arith.constant 0 : index
    %get3A_15 = arith.constant 1029 : index
    %get3A_16 = arith.constant 0 : index
    %get3A_17 = vector.load %arg0[%get3A_14, %get3A_15, %get3A_16] : memref<3x1040x100xf32, #tpu.memory_space<vmem>>, vector<1x5x100xf32>
    %get3A_18 = vector.shape_cast %get3A_17 : vector<1x5x100xf32> to vector<5x100xf32>
    %concatenate3A_19 = tpu.concatenate %get3A_13, %get3A_18 in 1 : vector<5x100xf32>, vector<5x100xf32> -> vector<5x200xf32>
    %get3A_20 = arith.constant 0 : index
    %get3A_21 = arith.constant 0 : index
    %get3A_22 = vector.load %arg1[%get3A_20, %get3A_21] : memref<400x200xf32, #tpu.memory_space<vmem>>, vector<400x200xf32>
    %dot_general3A = arith.constant dense<0.000000e+00> : vector<512x400xf32>
    %dot_general3A_23 = tpu.matmul %concatenate3A, %get3A_22, %dot_general3A {dimension_numbers = #tpu.dot_dimension_numbers<[1], [1], [0], [0], [0, 0, 1, 0], [], []>, transpose_lhs_hint = false} : vector<512x200xf32>, vector<400x200xf32>, vector<512x400xf32> -> vector<512x400xf32>
    %get3A_24 = arith.constant 0 : index
    %get3A_25 = arith.constant 0 : index
    %get3A_26 = vector.load %arg2[%get3A_24, %get3A_25] : memref<1x400xf32, #tpu.memory_space<vmem>>, vector<1x400xf32>
    %add3A = vector.broadcast %get3A_26 : vector<1x400xf32> to vector<512x400xf32>
    %add3A_27 = arith.addf %dot_general3A_23, %add3A : vector<512x400xf32>
    %max3A = arith.constant 0.000000e+00 : f32
    %max3A_28 = vector.broadcast %max3A : f32 to vector<512x400xf32>
    %max3A_29 = arith.maximumf %add3A_27, %max3A_28 : vector<512x400xf32>
    %get3A_30 = arith.constant 0 : index
    %get3A_31 = arith.constant 0 : index
    %get3A_32 = vector.load %arg3[%get3A_30, %get3A_31] : memref<200x400xf32, #tpu.memory_space<vmem>>, vector<200x400xf32>
    %dot_general3A_33 = arith.constant dense<0.000000e+00> : vector<512x200xf32>
    %dot_general3A_34 = tpu.matmul %max3A_29, %get3A_32, %dot_general3A_33 {dimension_numbers = #tpu.dot_dimension_numbers<[1], [1], [0], [0], [0, 0, 1, 0], [], []>, transpose_lhs_hint = false} : vector<512x400xf32>, vector<200x400xf32>, vector<512x200xf32> -> vector<512x200xf32>
    %get3A_35 = arith.constant 0 : index
    %get3A_36 = arith.constant 0 : index
    %get3A_37 = vector.load %arg4[%get3A_35, %get3A_36] : memref<1x200xf32, #tpu.memory_space<vmem>>, vector<1x200xf32>
    %add3A_38 = vector.broadcast %get3A_37 : vector<1x200xf32> to vector<512x200xf32>
    %add3A_39 = arith.addf %dot_general3A_34, %add3A_38 : vector<512x200xf32>
    %add3A_40 = arith.addf %add3A_39, %concatenate3A : vector<512x200xf32>
    %reduce_sum3A = arith.constant dense<0.000000e+00> : vector<512xf32>
    %reduce_sum3A_41 = vector.multi_reduction <add>, %add3A_40, %reduce_sum3A [1] : vector<512x200xf32> to vector<512xf32>
    %broadcast_in_dim3A = vector.shape_cast %reduce_sum3A_41 : vector<512xf32> to vector<512x1xf32>
    %div3A = arith.constant 2.000000e+02 : f32
    %div3A_42 = vector.broadcast %div3A : f32 to vector<512x1xf32>
    %div3A_43 = arith.divf %broadcast_in_dim3A, %div3A_42 : vector<512x1xf32>
    %sub3A = vector.broadcast %div3A_43 : vector<512x1xf32> to vector<512x200xf32>
    %sub3A_44 = arith.subf %add3A_40, %sub3A : vector<512x200xf32>
    %integer_pow3A = arith.mulf %sub3A_44, %sub3A_44 : vector<512x200xf32>
    %reduce_sum3A_45 = arith.constant dense<0.000000e+00> : vector<512xf32>
    %reduce_sum3A_46 = vector.multi_reduction <add>, %integer_pow3A, %reduce_sum3A_45 [1] : vector<512x200xf32> to vector<512xf32>
    %broadcast_in_dim3A_47 = vector.shape_cast %reduce_sum3A_46 : vector<512xf32> to vector<512x1xf32>
    %div3A_48 = arith.constant 2.000000e+02 : f32
    %div3A_49 = vector.broadcast %div3A_48 : f32 to vector<512x1xf32>
    %div3A_50 = arith.divf %broadcast_in_dim3A_47, %div3A_49 : vector<512x1xf32>
    %get3A_51 = arith.constant 0 : index
    %get3A_52 = arith.constant 0 : index
    %get3A_53 = vector.load %arg5[%get3A_51, %get3A_52] : memref<1x200xf32, #tpu.memory_space<vmem>>, vector<1x200xf32>
    %sub3A_54 = vector.broadcast %div3A_43 : vector<512x1xf32> to vector<512x200xf32>
    %sub3A_55 = arith.subf %add3A_40, %sub3A_54 : vector<512x200xf32>
    %mul3A = vector.broadcast %get3A_53 : vector<1x200xf32> to vector<512x200xf32>
    %mul3A_56 = arith.mulf %mul3A, %sub3A_55 : vector<512x200xf32>
    %add3A_57 = arith.constant 9.99999974E-6 : f32
    %add3A_58 = vector.broadcast %add3A_57 : f32 to vector<512x1xf32>
    %add3A_59 = arith.addf %div3A_50, %add3A_58 : vector<512x1xf32>
    %sqrt3A = math.sqrt %add3A_59 : vector<512x1xf32>
    %div3A_60 = vector.broadcast %sqrt3A : vector<512x1xf32> to vector<512x200xf32>
    %div3A_61 = arith.divf %mul3A_56, %div3A_60 : vector<512x200xf32>
    %get3A_62 = arith.constant 0 : index
    %get3A_63 = arith.constant 0 : index
    %get3A_64 = vector.load %arg6[%get3A_62, %get3A_63] : memref<1x200xf32, #tpu.memory_space<vmem>>, vector<1x200xf32>
    %add3A_65 = vector.broadcast %get3A_64 : vector<1x200xf32> to vector<512x200xf32>
    %add3A_66 = arith.addf %div3A_61, %add3A_65 : vector<512x200xf32>
    %get3A_67 = arith.constant 0 : index
    %get3A_68 = arith.constant 0 : index
    %get3A_69 = vector.load %arg1[%get3A_67, %get3A_68] : memref<400x200xf32, #tpu.memory_space<vmem>>, vector<400x200xf32>
    %dot_general3A_70 = arith.constant dense<0.000000e+00> : vector<5x400xf32>
    %dot_general3A_71 = tpu.matmul %concatenate3A_19, %get3A_69, %dot_general3A_70 {dimension_numbers = #tpu.dot_dimension_numbers<[1], [1], [0], [0], [0, 0, 1, 0], [], []>, transpose_lhs_hint = false} : vector<5x200xf32>, vector<400x200xf32>, vector<5x400xf32> -> vector<5x400xf32>
    %get3A_72 = arith.constant 0 : index
    %get3A_73 = arith.constant 0 : index
    %get3A_74 = vector.load %arg2[%get3A_72, %get3A_73] : memref<1x400xf32, #tpu.memory_space<vmem>>, vector<1x400xf32>
    %add3A_75 = vector.broadcast %get3A_74 : vector<1x400xf32> to vector<5x400xf32>
    %add3A_76 = arith.addf %dot_general3A_71, %add3A_75 : vector<5x400xf32>
    %max3A_77 = arith.constant 0.000000e+00 : f32
    %max3A_78 = vector.broadcast %max3A_77 : f32 to vector<5x400xf32>
    %max3A_79 = arith.maximumf %add3A_76, %max3A_78 : vector<5x400xf32>
    %get3A_80 = arith.constant 0 : index
    %get3A_81 = arith.constant 0 : index
    %get3A_82 = vector.load %arg3[%get3A_80, %get3A_81] : memref<200x400xf32, #tpu.memory_space<vmem>>, vector<200x400xf32>
    %dot_general3A_83 = arith.constant dense<0.000000e+00> : vector<5x200xf32>
    %dot_general3A_84 = tpu.matmul %max3A_79, %get3A_82, %dot_general3A_83 {dimension_numbers = #tpu.dot_dimension_numbers<[1], [1], [0], [0], [0, 0, 1, 0], [], []>, transpose_lhs_hint = false} : vector<5x400xf32>, vector<200x400xf32>, vector<5x200xf32> -> vector<5x200xf32>
    %get3A_85 = arith.constant 0 : index
    %get3A_86 = arith.constant 0 : index
    %get3A_87 = vector.load %arg4[%get3A_85, %get3A_86] : memref<1x200xf32, #tpu.memory_space<vmem>>, vector<1x200xf32>
    %add3A_88 = vector.broadcast %get3A_87 : vector<1x200xf32> to vector<5x200xf32>
    %add3A_89 = arith.addf %dot_general3A_84, %add3A_88 : vector<5x200xf32>
    %add3A_90 = arith.addf %add3A_89, %concatenate3A_19 : vector<5x200xf32>
    %reduce_sum3A_91 = arith.constant dense<0.000000e+00> : vector<5xf32>
    %reduce_sum3A_92 = vector.multi_reduction <add>, %add3A_90, %reduce_sum3A_91 [1] : vector<5x200xf32> to vector<5xf32>
    %broadcast_in_dim3A_93 = vector.shape_cast %reduce_sum3A_92 : vector<5xf32> to vector<5x1xf32>
    %div3A_94 = arith.constant 2.000000e+02 : f32
    %div3A_95 = vector.broadcast %div3A_94 : f32 to vector<5x1xf32>
    %div3A_96 = arith.divf %broadcast_in_dim3A_93, %div3A_95 : vector<5x1xf32>
    %sub3A_97 = vector.broadcast %div3A_96 : vector<5x1xf32> to vector<5x200xf32>
    %sub3A_98 = arith.subf %add3A_90, %sub3A_97 : vector<5x200xf32>
    %integer_pow3A_99 = arith.mulf %sub3A_98, %sub3A_98 : vector<5x200xf32>
    %reduce_sum3A_100 = arith.constant dense<0.000000e+00> : vector<5xf32>
    %reduce_sum3A_101 = vector.multi_reduction <add>, %integer_pow3A_99, %reduce_sum3A_100 [1] : vector<5x200xf32> to vector<5xf32>
    %broadcast_in_dim3A_102 = vector.shape_cast %reduce_sum3A_101 : vector<5xf32> to vector<5x1xf32>
    %div3A_103 = arith.constant 2.000000e+02 : f32
    %div3A_104 = vector.broadcast %div3A_103 : f32 to vector<5x1xf32>
    %div3A_105 = arith.divf %broadcast_in_dim3A_102, %div3A_104 : vector<5x1xf32>
    %get3A_106 = arith.constant 0 : index
    %get3A_107 = arith.constant 0 : index
    %get3A_108 = vector.load %arg5[%get3A_106, %get3A_107] : memref<1x200xf32, #tpu.memory_space<vmem>>, vector<1x200xf32>
    %sub3A_109 = vector.broadcast %div3A_96 : vector<5x1xf32> to vector<5x200xf32>
    %sub3A_110 = arith.subf %add3A_90, %sub3A_109 : vector<5x200xf32>
    %mul3A_111 = vector.broadcast %get3A_108 : vector<1x200xf32> to vector<5x200xf32>
    %mul3A_112 = arith.mulf %mul3A_111, %sub3A_110 : vector<5x200xf32>
    %add3A_113 = arith.constant 9.99999974E-6 : f32
    %add3A_114 = vector.broadcast %add3A_113 : f32 to vector<5x1xf32>
    %add3A_115 = arith.addf %div3A_105, %add3A_114 : vector<5x1xf32>
    %sqrt3A_116 = math.sqrt %add3A_115 : vector<5x1xf32>
    %div3A_117 = vector.broadcast %sqrt3A_116 : vector<5x1xf32> to vector<5x200xf32>
    %div3A_118 = arith.divf %mul3A_112, %div3A_117 : vector<5x200xf32>
    %get3A_119 = arith.constant 0 : index
    %get3A_120 = arith.constant 0 : index
    %get3A_121 = vector.load %arg6[%get3A_119, %get3A_120] : memref<1x200xf32, #tpu.memory_space<vmem>>, vector<1x200xf32>
    %add3A_122 = vector.broadcast %get3A_121 : vector<1x200xf32> to vector<5x200xf32>
    %add3A_123 = arith.addf %div3A_118, %add3A_122 : vector<5x200xf32>
    %reduce_sum3A_124 = arith.constant dense<0.000000e+00> : vector<200xf32>
    %reduce_sum3A_125 = vector.multi_reduction <add>, %add3A_123, %reduce_sum3A_124 [0] : vector<5x200xf32> to vector<200xf32>
    %broadcast_in_dim3A_126 = vector.shape_cast %reduce_sum3A_125 : vector<200xf32> to vector<1x200xf32>
    %div3A_127 = arith.constant 5.000000e+00 : f32
    %div3A_128 = vector.broadcast %div3A_127 : f32 to vector<1x200xf32>
    %div3A_129 = arith.divf %broadcast_in_dim3A_126, %div3A_128 : vector<1x200xf32>
    %get3A_130 = arith.constant 1 : index
    %get3A_131 = arith.constant 0 : index
    %get3A_132 = arith.constant 0 : index
    %get3A_133 = vector.load %arg0[%get3A_130, %get3A_131, %get3A_132] : memref<3x1040x100xf32, #tpu.memory_space<vmem>>, vector<1x512x100xf32>
    %get3A_134 = vector.shape_cast %get3A_133 : vector<1x512x100xf32> to vector<512x100xf32>
    %get3A_135 = arith.constant 1 : index
    %get3A_136 = arith.constant 512 : index
    %get3A_137 = arith.constant 0 : index
    %get3A_138 = vector.load %arg0[%get3A_135, %get3A_136, %get3A_137] : memref<3x1040x100xf32, #tpu.memory_space<vmem>>, vector<1x512x100xf32>
    %get3A_139 = vector.shape_cast %get3A_138 : vector<1x512x100xf32> to vector<512x100xf32>
    %concatenate3A_140 = tpu.concatenate %get3A_134, %get3A_139 in 1 : vector<512x100xf32>, vector<512x100xf32> -> vector<512x200xf32>
    %get3A_141 = arith.constant 1 : index
    %get3A_142 = arith.constant 1024 : index
    %get3A_143 = arith.constant 0 : index
    %get3A_144 = vector.load %arg0[%get3A_141, %get3A_142, %get3A_143] : memref<3x1040x100xf32, #tpu.memory_space<vmem>>, vector<1x5x100xf32>
    %get3A_145 = vector.shape_cast %get3A_144 : vector<1x5x100xf32> to vector<5x100xf32>
    %get3A_146 = arith.constant 1 : index
    %get3A_147 = arith.constant 1029 : index
    %get3A_148 = arith.constant 0 : index
    %get3A_149 = vector.load %arg0[%get3A_146, %get3A_147, %get3A_148] : memref<3x1040x100xf32, #tpu.memory_space<vmem>>, vector<1x5x100xf32>
    %get3A_150 = vector.shape_cast %get3A_149 : vector<1x5x100xf32> to vector<5x100xf32>
    %concatenate3A_151 = tpu.concatenate %get3A_145, %get3A_150 in 1 : vector<5x100xf32>, vector<5x100xf32> -> vector<5x200xf32>
    %get3A_152 = arith.constant 0 : index
    %get3A_153 = arith.constant 0 : index
    %get3A_154 = vector.load %arg1[%get3A_152, %get3A_153] : memref<400x200xf32, #tpu.memory_space<vmem>>, vector<400x200xf32>
    %dot_general3A_155 = arith.constant dense<0.000000e+00> : vector<512x400xf32>
    %dot_general3A_156 = tpu.matmul %concatenate3A_140, %get3A_154, %dot_general3A_155 {dimension_numbers = #tpu.dot_dimension_numbers<[1], [1], [0], [0], [0, 0, 1, 0], [], []>, transpose_lhs_hint = false} : vector<512x200xf32>, vector<400x200xf32>, vector<512x400xf32> -> vector<512x400xf32>
    %get3A_157 = arith.constant 0 : index
    %get3A_158 = arith.constant 0 : index
    %get3A_159 = vector.load %arg2[%get3A_157, %get3A_158] : memref<1x400xf32, #tpu.memory_space<vmem>>, vector<1x400xf32>
    %add3A_160 = vector.broadcast %get3A_159 : vector<1x400xf32> to vector<512x400xf32>
    %add3A_161 = arith.addf %dot_general3A_156, %add3A_160 : vector<512x400xf32>
    %max3A_162 = arith.constant 0.000000e+00 : f32
    %max3A_163 = vector.broadcast %max3A_162 : f32 to vector<512x400xf32>
    %max3A_164 = arith.maximumf %add3A_161, %max3A_163 : vector<512x400xf32>
    %get3A_165 = arith.constant 0 : index
    %get3A_166 = arith.constant 0 : index
    %get3A_167 = vector.load %arg3[%get3A_165, %get3A_166] : memref<200x400xf32, #tpu.memory_space<vmem>>, vector<200x400xf32>
    %dot_general3A_168 = arith.constant dense<0.000000e+00> : vector<512x200xf32>
    %dot_general3A_169 = tpu.matmul %max3A_164, %get3A_167, %dot_general3A_168 {dimension_numbers = #tpu.dot_dimension_numbers<[1], [1], [0], [0], [0, 0, 1, 0], [], []>, transpose_lhs_hint = false} : vector<512x400xf32>, vector<200x400xf32>, vector<512x200xf32> -> vector<512x200xf32>
    %get3A_170 = arith.constant 0 : index
    %get3A_171 = arith.constant 0 : index
    %get3A_172 = vector.load %arg4[%get3A_170, %get3A_171] : memref<1x200xf32, #tpu.memory_space<vmem>>, vector<1x200xf32>
    %add3A_173 = vector.broadcast %get3A_172 : vector<1x200xf32> to vector<512x200xf32>
    %add3A_174 = arith.addf %dot_general3A_169, %add3A_173 : vector<512x200xf32>
    %add3A_175 = arith.addf %add3A_174, %concatenate3A_140 : vector<512x200xf32>
    %reduce_sum3A_176 = arith.constant dense<0.000000e+00> : vector<512xf32>
    %reduce_sum3A_177 = vector.multi_reduction <add>, %add3A_175, %reduce_sum3A_176 [1] : vector<512x200xf32> to vector<512xf32>
    %broadcast_in_dim3A_178 = vector.shape_cast %reduce_sum3A_177 : vector<512xf32> to vector<512x1xf32>
    %div3A_179 = arith.constant 2.000000e+02 : f32
    %div3A_180 = vector.broadcast %div3A_179 : f32 to vector<512x1xf32>
    %div3A_181 = arith.divf %broadcast_in_dim3A_178, %div3A_180 : vector<512x1xf32>
    %sub3A_182 = vector.broadcast %div3A_181 : vector<512x1xf32> to vector<512x200xf32>
    %sub3A_183 = arith.subf %add3A_175, %sub3A_182 : vector<512x200xf32>
    %integer_pow3A_184 = arith.mulf %sub3A_183, %sub3A_183 : vector<512x200xf32>
    %reduce_sum3A_185 = arith.constant dense<0.000000e+00> : vector<512xf32>
    %reduce_sum3A_186 = vector.multi_reduction <add>, %integer_pow3A_184, %reduce_sum3A_185 [1] : vector<512x200xf32> to vector<512xf32>
    %broadcast_in_dim3A_187 = vector.shape_cast %reduce_sum3A_186 : vector<512xf32> to vector<512x1xf32>
    %div3A_188 = arith.constant 2.000000e+02 : f32
    %div3A_189 = vector.broadcast %div3A_188 : f32 to vector<512x1xf32>
    %div3A_190 = arith.divf %broadcast_in_dim3A_187, %div3A_189 : vector<512x1xf32>
    %get3A_191 = arith.constant 0 : index
    %get3A_192 = arith.constant 0 : index
    %get3A_193 = vector.load %arg5[%get3A_191, %get3A_192] : memref<1x200xf32, #tpu.memory_space<vmem>>, vector<1x200xf32>
    %sub3A_194 = vector.broadcast %div3A_181 : vector<512x1xf32> to vector<512x200xf32>
    %sub3A_195 = arith.subf %add3A_175, %sub3A_194 : vector<512x200xf32>
    %mul3A_196 = vector.broadcast %get3A_193 : vector<1x200xf32> to vector<512x200xf32>
    %mul3A_197 = arith.mulf %mul3A_196, %sub3A_195 : vector<512x200xf32>
    %add3A_198 = arith.constant 9.99999974E-6 : f32
    %add3A_199 = vector.broadcast %add3A_198 : f32 to vector<512x1xf32>
    %add3A_200 = arith.addf %div3A_190, %add3A_199 : vector<512x1xf32>
    %sqrt3A_201 = math.sqrt %add3A_200 : vector<512x1xf32>
    %div3A_202 = vector.broadcast %sqrt3A_201 : vector<512x1xf32> to vector<512x200xf32>
    %div3A_203 = arith.divf %mul3A_197, %div3A_202 : vector<512x200xf32>
    %get3A_204 = arith.constant 0 : index
    %get3A_205 = arith.constant 0 : index
    %get3A_206 = vector.load %arg6[%get3A_204, %get3A_205] : memref<1x200xf32, #tpu.memory_space<vmem>>, vector<1x200xf32>
    %add3A_207 = vector.broadcast %get3A_206 : vector<1x200xf32> to vector<512x200xf32>
    %add3A_208 = arith.addf %div3A_203, %add3A_207 : vector<512x200xf32>
    %get3A_209 = arith.constant 0 : index
    %get3A_210 = arith.constant 0 : index
    %get3A_211 = vector.load %arg1[%get3A_209, %get3A_210] : memref<400x200xf32, #tpu.memory_space<vmem>>, vector<400x200xf32>
    %dot_general3A_212 = arith.constant dense<0.000000e+00> : vector<5x400xf32>
    %dot_general3A_213 = tpu.matmul %concatenate3A_151, %get3A_211, %dot_general3A_212 {dimension_numbers = #tpu.dot_dimension_numbers<[1], [1], [0], [0], [0, 0, 1, 0], [], []>, transpose_lhs_hint = false} : vector<5x200xf32>, vector<400x200xf32>, vector<5x400xf32> -> vector<5x400xf32>
    %get3A_214 = arith.constant 0 : index
    %get3A_215 = arith.constant 0 : index
    %get3A_216 = vector.load %arg2[%get3A_214, %get3A_215] : memref<1x400xf32, #tpu.memory_space<vmem>>, vector<1x400xf32>
    %add3A_217 = vector.broadcast %get3A_216 : vector<1x400xf32> to vector<5x400xf32>
    %add3A_218 = arith.addf %dot_general3A_213, %add3A_217 : vector<5x400xf32>
    %max3A_219 = arith.constant 0.000000e+00 : f32
    %max3A_220 = vector.broadcast %max3A_219 : f32 to vector<5x400xf32>
    %max3A_221 = arith.maximumf %add3A_218, %max3A_220 : vector<5x400xf32>
    %get3A_222 = arith.constant 0 : index
    %get3A_223 = arith.constant 0 : index
    %get3A_224 = vector.load %arg3[%get3A_222, %get3A_223] : memref<200x400xf32, #tpu.memory_space<vmem>>, vector<200x400xf32>
    %dot_general3A_225 = arith.constant dense<0.000000e+00> : vector<5x200xf32>
    %dot_general3A_226 = tpu.matmul %max3A_221, %get3A_224, %dot_general3A_225 {dimension_numbers = #tpu.dot_dimension_numbers<[1], [1], [0], [0], [0, 0, 1, 0], [], []>, transpose_lhs_hint = false} : vector<5x400xf32>, vector<200x400xf32>, vector<5x200xf32> -> vector<5x200xf32>
    %get3A_227 = arith.constant 0 : index
    %get3A_228 = arith.constant 0 : index
    %get3A_229 = vector.load %arg4[%get3A_227, %get3A_228] : memref<1x200xf32, #tpu.memory_space<vmem>>, vector<1x200xf32>
    %add3A_230 = vector.broadcast %get3A_229 : vector<1x200xf32> to vector<5x200xf32>
    %add3A_231 = arith.addf %dot_general3A_226, %add3A_230 : vector<5x200xf32>
    %add3A_232 = arith.addf %add3A_231, %concatenate3A_151 : vector<5x200xf32>
    %reduce_sum3A_233 = arith.constant dense<0.000000e+00> : vector<5xf32>
    %reduce_sum3A_234 = vector.multi_reduction <add>, %add3A_232, %reduce_sum3A_233 [1] : vector<5x200xf32> to vector<5xf32>
    %broadcast_in_dim3A_235 = vector.shape_cast %reduce_sum3A_234 : vector<5xf32> to vector<5x1xf32>
    %div3A_236 = arith.constant 2.000000e+02 : f32
    %div3A_237 = vector.broadcast %div3A_236 : f32 to vector<5x1xf32>
    %div3A_238 = arith.divf %broadcast_in_dim3A_235, %div3A_237 : vector<5x1xf32>
    %sub3A_239 = vector.broadcast %div3A_238 : vector<5x1xf32> to vector<5x200xf32>
    %sub3A_240 = arith.subf %add3A_232, %sub3A_239 : vector<5x200xf32>
    %integer_pow3A_241 = arith.mulf %sub3A_240, %sub3A_240 : vector<5x200xf32>
    %reduce_sum3A_242 = arith.constant dense<0.000000e+00> : vector<5xf32>
    %reduce_sum3A_243 = vector.multi_reduction <add>, %integer_pow3A_241, %reduce_sum3A_242 [1] : vector<5x200xf32> to vector<5xf32>
    %broadcast_in_dim3A_244 = vector.shape_cast %reduce_sum3A_243 : vector<5xf32> to vector<5x1xf32>
    %div3A_245 = arith.constant 2.000000e+02 : f32
    %div3A_246 = vector.broadcast %div3A_245 : f32 to vector<5x1xf32>
    %div3A_247 = arith.divf %broadcast_in_dim3A_244, %div3A_246 : vector<5x1xf32>
    %get3A_248 = arith.constant 0 : index
    %get3A_249 = arith.constant 0 : index
    %get3A_250 = vector.load %arg5[%get3A_248, %get3A_249] : memref<1x200xf32, #tpu.memory_space<vmem>>, vector<1x200xf32>
    %sub3A_251 = vector.broadcast %div3A_238 : vector<5x1xf32> to vector<5x200xf32>
    %sub3A_252 = arith.subf %add3A_232, %sub3A_251 : vector<5x200xf32>
    %mul3A_253 = vector.broadcast %get3A_250 : vector<1x200xf32> to vector<5x200xf32>
    %mul3A_254 = arith.mulf %mul3A_253, %sub3A_252 : vector<5x200xf32>
    %add3A_255 = arith.constant 9.99999974E-6 : f32
    %add3A_256 = vector.broadcast %add3A_255 : f32 to vector<5x1xf32>
    %add3A_257 = arith.addf %div3A_247, %add3A_256 : vector<5x1xf32>
    %sqrt3A_258 = math.sqrt %add3A_257 : vector<5x1xf32>
    %div3A_259 = vector.broadcast %sqrt3A_258 : vector<5x1xf32> to vector<5x200xf32>
    %div3A_260 = arith.divf %mul3A_254, %div3A_259 : vector<5x200xf32>
    %get3A_261 = arith.constant 0 : index
    %get3A_262 = arith.constant 0 : index
    %get3A_263 = vector.load %arg6[%get3A_261, %get3A_262] : memref<1x200xf32, #tpu.memory_space<vmem>>, vector<1x200xf32>
    %add3A_264 = vector.broadcast %get3A_263 : vector<1x200xf32> to vector<5x200xf32>
    %add3A_265 = arith.addf %div3A_260, %add3A_264 : vector<5x200xf32>
    %reduce_sum3A_266 = arith.constant dense<0.000000e+00> : vector<200xf32>
    %reduce_sum3A_267 = vector.multi_reduction <add>, %add3A_265, %reduce_sum3A_266 [0] : vector<5x200xf32> to vector<200xf32>
    %broadcast_in_dim3A_268 = vector.shape_cast %reduce_sum3A_267 : vector<200xf32> to vector<1x200xf32>
    %div3A_269 = arith.constant 5.000000e+00 : f32
    %div3A_270 = vector.broadcast %div3A_269 : f32 to vector<1x200xf32>
    %div3A_271 = arith.divf %broadcast_in_dim3A_268, %div3A_270 : vector<1x200xf32>
    %get3A_272 = arith.constant 2 : index
    %get3A_273 = arith.constant 0 : index
    %get3A_274 = arith.constant 0 : index
    %get3A_275 = vector.load %arg0[%get3A_272, %get3A_273, %get3A_274] : memref<3x1040x100xf32, #tpu.memory_space<vmem>>, vector<1x512x100xf32>
    %get3A_276 = vector.shape_cast %get3A_275 : vector<1x512x100xf32> to vector<512x100xf32>
    %get3A_277 = arith.constant 2 : index
    %get3A_278 = arith.constant 512 : index
    %get3A_279 = arith.constant 0 : index
    %get3A_280 = vector.load %arg0[%get3A_277, %get3A_278, %get3A_279] : memref<3x1040x100xf32, #tpu.memory_space<vmem>>, vector<1x512x100xf32>
    %get3A_281 = vector.shape_cast %get3A_280 : vector<1x512x100xf32> to vector<512x100xf32>
    %concatenate3A_282 = tpu.concatenate %get3A_276, %get3A_281 in 1 : vector<512x100xf32>, vector<512x100xf32> -> vector<512x200xf32>
    %get3A_283 = arith.constant 2 : index
    %get3A_284 = arith.constant 1024 : index
    %get3A_285 = arith.constant 0 : index
    %get3A_286 = vector.load %arg0[%get3A_283, %get3A_284, %get3A_285] : memref<3x1040x100xf32, #tpu.memory_space<vmem>>, vector<1x5x100xf32>
    %get3A_287 = vector.shape_cast %get3A_286 : vector<1x5x100xf32> to vector<5x100xf32>
    %get3A_288 = arith.constant 2 : index
    %get3A_289 = arith.constant 1029 : index
    %get3A_290 = arith.constant 0 : index
    %get3A_291 = vector.load %arg0[%get3A_288, %get3A_289, %get3A_290] : memref<3x1040x100xf32, #tpu.memory_space<vmem>>, vector<1x5x100xf32>
    %get3A_292 = vector.shape_cast %get3A_291 : vector<1x5x100xf32> to vector<5x100xf32>
    %concatenate3A_293 = tpu.concatenate %get3A_287, %get3A_292 in 1 : vector<5x100xf32>, vector<5x100xf32> -> vector<5x200xf32>
    %get3A_294 = arith.constant 0 : index
    %get3A_295 = arith.constant 0 : index
    %get3A_296 = vector.load %arg1[%get3A_294, %get3A_295] : memref<400x200xf32, #tpu.memory_space<vmem>>, vector<400x200xf32>
    %dot_general3A_297 = arith.constant dense<0.000000e+00> : vector<512x400xf32>
    %dot_general3A_298 = tpu.matmul %concatenate3A_282, %get3A_296, %dot_general3A_297 {dimension_numbers = #tpu.dot_dimension_numbers<[1], [1], [0], [0], [0, 0, 1, 0], [], []>, transpose_lhs_hint = false} : vector<512x200xf32>, vector<400x200xf32>, vector<512x400xf32> -> vector<512x400xf32>
    %get3A_299 = arith.constant 0 : index
    %get3A_300 = arith.constant 0 : index
    %get3A_301 = vector.load %arg2[%get3A_299, %get3A_300] : memref<1x400xf32, #tpu.memory_space<vmem>>, vector<1x400xf32>
    %add3A_302 = vector.broadcast %get3A_301 : vector<1x400xf32> to vector<512x400xf32>
    %add3A_303 = arith.addf %dot_general3A_298, %add3A_302 : vector<512x400xf32>
    %max3A_304 = arith.constant 0.000000e+00 : f32
    %max3A_305 = vector.broadcast %max3A_304 : f32 to vector<512x400xf32>
    %max3A_306 = arith.maximumf %add3A_303, %max3A_305 : vector<512x400xf32>
    %get3A_307 = arith.constant 0 : index
    %get3A_308 = arith.constant 0 : index
    %get3A_309 = vector.load %arg3[%get3A_307, %get3A_308] : memref<200x400xf32, #tpu.memory_space<vmem>>, vector<200x400xf32>
    %dot_general3A_310 = arith.constant dense<0.000000e+00> : vector<512x200xf32>
    %dot_general3A_311 = tpu.matmul %max3A_306, %get3A_309, %dot_general3A_310 {dimension_numbers = #tpu.dot_dimension_numbers<[1], [1], [0], [0], [0, 0, 1, 0], [], []>, transpose_lhs_hint = false} : vector<512x400xf32>, vector<200x400xf32>, vector<512x200xf32> -> vector<512x200xf32>
    %get3A_312 = arith.constant 0 : index
    %get3A_313 = arith.constant 0 : index
    %get3A_314 = vector.load %arg4[%get3A_312, %get3A_313] : memref<1x200xf32, #tpu.memory_space<vmem>>, vector<1x200xf32>
    %add3A_315 = vector.broadcast %get3A_314 : vector<1x200xf32> to vector<512x200xf32>
    %add3A_316 = arith.addf %dot_general3A_311, %add3A_315 : vector<512x200xf32>
    %add3A_317 = arith.addf %add3A_316, %concatenate3A_282 : vector<512x200xf32>
    %reduce_sum3A_318 = arith.constant dense<0.000000e+00> : vector<512xf32>
    %reduce_sum3A_319 = vector.multi_reduction <add>, %add3A_317, %reduce_sum3A_318 [1] : vector<512x200xf32> to vector<512xf32>
    %broadcast_in_dim3A_320 = vector.shape_cast %reduce_sum3A_319 : vector<512xf32> to vector<512x1xf32>
    %div3A_321 = arith.constant 2.000000e+02 : f32
    %div3A_322 = vector.broadcast %div3A_321 : f32 to vector<512x1xf32>
    %div3A_323 = arith.divf %broadcast_in_dim3A_320, %div3A_322 : vector<512x1xf32>
    %sub3A_324 = vector.broadcast %div3A_323 : vector<512x1xf32> to vector<512x200xf32>
    %sub3A_325 = arith.subf %add3A_317, %sub3A_324 : vector<512x200xf32>
    %integer_pow3A_326 = arith.mulf %sub3A_325, %sub3A_325 : vector<512x200xf32>
    %reduce_sum3A_327 = arith.constant dense<0.000000e+00> : vector<512xf32>
    %reduce_sum3A_328 = vector.multi_reduction <add>, %integer_pow3A_326, %reduce_sum3A_327 [1] : vector<512x200xf32> to vector<512xf32>
    %broadcast_in_dim3A_329 = vector.shape_cast %reduce_sum3A_328 : vector<512xf32> to vector<512x1xf32>
    %div3A_330 = arith.constant 2.000000e+02 : f32
    %div3A_331 = vector.broadcast %div3A_330 : f32 to vector<512x1xf32>
    %div3A_332 = arith.divf %broadcast_in_dim3A_329, %div3A_331 : vector<512x1xf32>
    %get3A_333 = arith.constant 0 : index
    %get3A_334 = arith.constant 0 : index
    %get3A_335 = vector.load %arg5[%get3A_333, %get3A_334] : memref<1x200xf32, #tpu.memory_space<vmem>>, vector<1x200xf32>
    %sub3A_336 = vector.broadcast %div3A_323 : vector<512x1xf32> to vector<512x200xf32>
    %sub3A_337 = arith.subf %add3A_317, %sub3A_336 : vector<512x200xf32>
    %mul3A_338 = vector.broadcast %get3A_335 : vector<1x200xf32> to vector<512x200xf32>
    %mul3A_339 = arith.mulf %mul3A_338, %sub3A_337 : vector<512x200xf32>
    %add3A_340 = arith.constant 9.99999974E-6 : f32
    %add3A_341 = vector.broadcast %add3A_340 : f32 to vector<512x1xf32>
    %add3A_342 = arith.addf %div3A_332, %add3A_341 : vector<512x1xf32>
    %sqrt3A_343 = math.sqrt %add3A_342 : vector<512x1xf32>
    %div3A_344 = vector.broadcast %sqrt3A_343 : vector<512x1xf32> to vector<512x200xf32>
    %div3A_345 = arith.divf %mul3A_339, %div3A_344 : vector<512x200xf32>
    %get3A_346 = arith.constant 0 : index
    %get3A_347 = arith.constant 0 : index
    %get3A_348 = vector.load %arg6[%get3A_346, %get3A_347] : memref<1x200xf32, #tpu.memory_space<vmem>>, vector<1x200xf32>
    %add3A_349 = vector.broadcast %get3A_348 : vector<1x200xf32> to vector<512x200xf32>
    %add3A_350 = arith.addf %div3A_345, %add3A_349 : vector<512x200xf32>
    %get3A_351 = arith.constant 0 : index
    %get3A_352 = arith.constant 0 : index
    %get3A_353 = vector.load %arg1[%get3A_351, %get3A_352] : memref<400x200xf32, #tpu.memory_space<vmem>>, vector<400x200xf32>
    %dot_general3A_354 = arith.constant dense<0.000000e+00> : vector<5x400xf32>
    %dot_general3A_355 = tpu.matmul %concatenate3A_293, %get3A_353, %dot_general3A_354 {dimension_numbers = #tpu.dot_dimension_numbers<[1], [1], [0], [0], [0, 0, 1, 0], [], []>, transpose_lhs_hint = false} : vector<5x200xf32>, vector<400x200xf32>, vector<5x400xf32> -> vector<5x400xf32>
    %get3A_356 = arith.constant 0 : index
    %get3A_357 = arith.constant 0 : index
    %get3A_358 = vector.load %arg2[%get3A_356, %get3A_357] : memref<1x400xf32, #tpu.memory_space<vmem>>, vector<1x400xf32>
    %add3A_359 = vector.broadcast %get3A_358 : vector<1x400xf32> to vector<5x400xf32>
    %add3A_360 = arith.addf %dot_general3A_355, %add3A_359 : vector<5x400xf32>
    %max3A_361 = arith.constant 0.000000e+00 : f32
    %max3A_362 = vector.broadcast %max3A_361 : f32 to vector<5x400xf32>
    %max3A_363 = arith.maximumf %add3A_360, %max3A_362 : vector<5x400xf32>
    %get3A_364 = arith.constant 0 : index
    %get3A_365 = arith.constant 0 : index
    %get3A_366 = vector.load %arg3[%get3A_364, %get3A_365] : memref<200x400xf32, #tpu.memory_space<vmem>>, vector<200x400xf32>
    %dot_general3A_367 = arith.constant dense<0.000000e+00> : vector<5x200xf32>
    %dot_general3A_368 = tpu.matmul %max3A_363, %get3A_366, %dot_general3A_367 {dimension_numbers = #tpu.dot_dimension_numbers<[1], [1], [0], [0], [0, 0, 1, 0], [], []>, transpose_lhs_hint = false} : vector<5x400xf32>, vector<200x400xf32>, vector<5x200xf32> -> vector<5x200xf32>
    %get3A_369 = arith.constant 0 : index
    %get3A_370 = arith.constant 0 : index
    %get3A_371 = vector.load %arg4[%get3A_369, %get3A_370] : memref<1x200xf32, #tpu.memory_space<vmem>>, vector<1x200xf32>
    %add3A_372 = vector.broadcast %get3A_371 : vector<1x200xf32> to vector<5x200xf32>
    %add3A_373 = arith.addf %dot_general3A_368, %add3A_372 : vector<5x200xf32>
    %add3A_374 = arith.addf %add3A_373, %concatenate3A_293 : vector<5x200xf32>
    %reduce_sum3A_375 = arith.constant dense<0.000000e+00> : vector<5xf32>
    %reduce_sum3A_376 = vector.multi_reduction <add>, %add3A_374, %reduce_sum3A_375 [1] : vector<5x200xf32> to vector<5xf32>
    %broadcast_in_dim3A_377 = vector.shape_cast %reduce_sum3A_376 : vector<5xf32> to vector<5x1xf32>
    %div3A_378 = arith.constant 2.000000e+02 : f32
    %div3A_379 = vector.broadcast %div3A_378 : f32 to vector<5x1xf32>
    %div3A_380 = arith.divf %broadcast_in_dim3A_377, %div3A_379 : vector<5x1xf32>
    %sub3A_381 = vector.broadcast %div3A_380 : vector<5x1xf32> to vector<5x200xf32>
    %sub3A_382 = arith.subf %add3A_374, %sub3A_381 : vector<5x200xf32>
    %integer_pow3A_383 = arith.mulf %sub3A_382, %sub3A_382 : vector<5x200xf32>
    %reduce_sum3A_384 = arith.constant dense<0.000000e+00> : vector<5xf32>
    %reduce_sum3A_385 = vector.multi_reduction <add>, %integer_pow3A_383, %reduce_sum3A_384 [1] : vector<5x200xf32> to vector<5xf32>
    %broadcast_in_dim3A_386 = vector.shape_cast %reduce_sum3A_385 : vector<5xf32> to vector<5x1xf32>
    %div3A_387 = arith.constant 2.000000e+02 : f32
    %div3A_388 = vector.broadcast %div3A_387 : f32 to vector<5x1xf32>
    %div3A_389 = arith.divf %broadcast_in_dim3A_386, %div3A_388 : vector<5x1xf32>
    %get3A_390 = arith.constant 0 : index
    %get3A_391 = arith.constant 0 : index
    %get3A_392 = vector.load %arg5[%get3A_390, %get3A_391] : memref<1x200xf32, #tpu.memory_space<vmem>>, vector<1x200xf32>
    %sub3A_393 = vector.broadcast %div3A_380 : vector<5x1xf32> to vector<5x200xf32>
    %sub3A_394 = arith.subf %add3A_374, %sub3A_393 : vector<5x200xf32>
    %mul3A_395 = vector.broadcast %get3A_392 : vector<1x200xf32> to vector<5x200xf32>
    %mul3A_396 = arith.mulf %mul3A_395, %sub3A_394 : vector<5x200xf32>
    %add3A_397 = arith.constant 9.99999974E-6 : f32
    %add3A_398 = vector.broadcast %add3A_397 : f32 to vector<5x1xf32>
    %add3A_399 = arith.addf %div3A_389, %add3A_398 : vector<5x1xf32>
    %sqrt3A_400 = math.sqrt %add3A_399 : vector<5x1xf32>
    %div3A_401 = vector.broadcast %sqrt3A_400 : vector<5x1xf32> to vector<5x200xf32>
    %div3A_402 = arith.divf %mul3A_396, %div3A_401 : vector<5x200xf32>
    %get3A_403 = arith.constant 0 : index
    %get3A_404 = arith.constant 0 : index
    %get3A_405 = vector.load %arg6[%get3A_403, %get3A_404] : memref<1x200xf32, #tpu.memory_space<vmem>>, vector<1x200xf32>
    %add3A_406 = vector.broadcast %get3A_405 : vector<1x200xf32> to vector<5x200xf32>
    %add3A_407 = arith.addf %div3A_402, %add3A_406 : vector<5x200xf32>
    %reduce_sum3A_408 = arith.constant dense<0.000000e+00> : vector<200xf32>
    %reduce_sum3A_409 = vector.multi_reduction <add>, %add3A_407, %reduce_sum3A_408 [0] : vector<5x200xf32> to vector<200xf32>
    %broadcast_in_dim3A_410 = vector.shape_cast %reduce_sum3A_409 : vector<200xf32> to vector<1x200xf32>
    %div3A_411 = arith.constant 5.000000e+00 : f32
    %div3A_412 = vector.broadcast %div3A_411 : f32 to vector<1x200xf32>
    %div3A_413 = arith.divf %broadcast_in_dim3A_410, %div3A_412 : vector<1x200xf32>
    %concatenate3A_414 = tpu.concatenate %div3A_129, %div3A_271, %div3A_413 in 0 : vector<1x200xf32>, vector<1x200xf32>, vector<1x200xf32> -> vector<3x200xf32>
    %convert_element_type3A = arith.truncf %add3A_66 : vector<512x200xf32> to vector<512x200xbf16>
    %get3A_415 = arith.constant 0 : index
    %get3A_416 = arith.constant 0 : index
    %get3A_417 = vector.load %arg7[%get3A_415, %get3A_416] : memref<200x200xbf16, #tpu.memory_space<vmem>>, vector<200x200xbf16>
    %dot_general3A_418 = arith.constant dense<0.000000e+00> : vector<512x200xf32>
    %dot_general3A_419 = tpu.matmul %convert_element_type3A, %get3A_417, %dot_general3A_418 {dimension_numbers = #tpu.dot_dimension_numbers<[1], [1], [0], [0], [0, 0, 1, 0], [], []>, transpose_lhs_hint = false} : vector<512x200xbf16>, vector<200x200xbf16>, vector<512x200xf32> -> vector<512x200xf32>
    %get3A_420 = arith.constant 0 : index
    %get3A_421 = arith.constant 0 : index
    %get3A_422 = vector.load %arg19[%get3A_420, %get3A_421] : memref<1x200xf32, #tpu.memory_space<vmem>>, vector<1x200xf32>
    %add3A_423 = vector.broadcast %get3A_422 : vector<1x200xf32> to vector<512x200xf32>
    %add3A_424 = arith.addf %dot_general3A_419, %add3A_423 : vector<512x200xf32>
    %convert_element_type3A_425 = arith.truncf %add3A_66 : vector<512x200xf32> to vector<512x200xbf16>
    %get3A_426 = arith.constant 0 : index
    %get3A_427 = arith.constant 0 : index
    %get3A_428 = vector.load %arg8[%get3A_426, %get3A_427] : memref<200x200xbf16, #tpu.memory_space<vmem>>, vector<200x200xbf16>
    %dot_general3A_429 = arith.constant dense<0.000000e+00> : vector<512x200xf32>
    %dot_general3A_430 = tpu.matmul %convert_element_type3A_425, %get3A_428, %dot_general3A_429 {dimension_numbers = #tpu.dot_dimension_numbers<[1], [1], [0], [0], [0, 0, 1, 0], [], []>, transpose_lhs_hint = false} : vector<512x200xbf16>, vector<200x200xbf16>, vector<512x200xf32> -> vector<512x200xf32>
    %get3A_431 = arith.constant 0 : index
    %get3A_432 = arith.constant 0 : index
    %get3A_433 = vector.load %arg20[%get3A_431, %get3A_432] : memref<1x200xf32, #tpu.memory_space<vmem>>, vector<1x200xf32>
    %add3A_434 = vector.broadcast %get3A_433 : vector<1x200xf32> to vector<512x200xf32>
    %add3A_435 = arith.addf %dot_general3A_430, %add3A_434 : vector<512x200xf32>
    %convert_element_type3A_436 = arith.truncf %add3A_66 : vector<512x200xf32> to vector<512x200xbf16>
    %get3A_437 = arith.constant 0 : index
    %get3A_438 = arith.constant 0 : index
    %get3A_439 = vector.load %arg9[%get3A_437, %get3A_438] : memref<200x200xbf16, #tpu.memory_space<vmem>>, vector<200x200xbf16>
    %dot_general3A_440 = arith.constant dense<0.000000e+00> : vector<512x200xf32>
    %dot_general3A_441 = tpu.matmul %convert_element_type3A_436, %get3A_439, %dot_general3A_440 {dimension_numbers = #tpu.dot_dimension_numbers<[1], [1], [0], [0], [0, 0, 1, 0], [], []>, transpose_lhs_hint = false} : vector<512x200xbf16>, vector<200x200xbf16>, vector<512x200xf32> -> vector<512x200xf32>
    %get3A_442 = arith.constant 0 : index
    %get3A_443 = arith.constant 0 : index
    %get3A_444 = vector.load %arg21[%get3A_442, %get3A_443] : memref<1x200xf32, #tpu.memory_space<vmem>>, vector<1x200xf32>
    %add3A_445 = vector.broadcast %get3A_444 : vector<1x200xf32> to vector<512x200xf32>
    %add3A_446 = arith.addf %dot_general3A_441, %add3A_445 : vector<512x200xf32>
    %convert_element_type3A_447 = arith.truncf %add3A_66 : vector<512x200xf32> to vector<512x200xbf16>
    %get3A_448 = arith.constant 0 : index
    %get3A_449 = arith.constant 0 : index
    %get3A_450 = vector.load %arg10[%get3A_448, %get3A_449] : memref<200x200xbf16, #tpu.memory_space<vmem>>, vector<200x200xbf16>
    %dot_general3A_451 = arith.constant dense<0.000000e+00> : vector<512x200xf32>
    %dot_general3A_452 = tpu.matmul %convert_element_type3A_447, %get3A_450, %dot_general3A_451 {dimension_numbers = #tpu.dot_dimension_numbers<[1], [1], [0], [0], [0, 0, 1, 0], [], []>, transpose_lhs_hint = false} : vector<512x200xbf16>, vector<200x200xbf16>, vector<512x200xf32> -> vector<512x200xf32>
    %get3A_453 = arith.constant 0 : index
    %get3A_454 = arith.constant 0 : index
    %get3A_455 = vector.load %arg22[%get3A_453, %get3A_454] : memref<1x200xf32, #tpu.memory_space<vmem>>, vector<1x200xf32>
    %add3A_456 = vector.broadcast %get3A_455 : vector<1x200xf32> to vector<512x200xf32>
    %add3A_457 = arith.addf %dot_general3A_452, %add3A_456 : vector<512x200xf32>
    %logistic3A = arith.negf %add3A_424 : vector<512x200xf32>
    %logistic3A_458 = math.exp %logistic3A : vector<512x200xf32>
    %logistic3A_459 = arith.constant 1.000000e+00 : f32
    %logistic3A_460 = vector.broadcast %logistic3A_459 : f32 to vector<512x200xf32>
    %logistic3A_461 = arith.addf %logistic3A_460, %logistic3A_458 : vector<512x200xf32>
    %logistic3A_462 = arith.divf %logistic3A_460, %logistic3A_461 : vector<512x200xf32>
    %tanh3A = math.tanh %add3A_446 : vector<512x200xf32>
    %mul3A_463 = arith.mulf %logistic3A_462, %tanh3A : vector<512x200xf32>
    %logistic3A_464 = arith.negf %add3A_457 : vector<512x200xf32>
    %logistic3A_465 = math.exp %logistic3A_464 : vector<512x200xf32>
    %logistic3A_466 = arith.constant 1.000000e+00 : f32
    %logistic3A_467 = vector.broadcast %logistic3A_466 : f32 to vector<512x200xf32>
    %logistic3A_468 = arith.addf %logistic3A_467, %logistic3A_465 : vector<512x200xf32>
    %logistic3A_469 = arith.divf %logistic3A_467, %logistic3A_468 : vector<512x200xf32>
    %tanh3A_470 = math.tanh %mul3A_463 : vector<512x200xf32>
    %mul3A_471 = arith.mulf %logistic3A_469, %tanh3A_470 : vector<512x200xf32>
    %add3A_472 = arith.addf %add3A_66, %mul3A_471 : vector<512x200xf32>
    %dot_general3A_473 = arith.constant dense<0.000000e+00> : vector<512x3xf32>
    %dot_general3A_474 = tpu.matmul %add3A_472, %concatenate3A_414, %dot_general3A_473 {dimension_numbers = #tpu.dot_dimension_numbers<[1], [1], [0], [0], [0, 0, 1, 0], [], []>, transpose_lhs_hint = false} : vector<512x200xf32>, vector<3x200xf32>, vector<512x3xf32> -> vector<512x3xf32>
    %reduce_max3A = arith.constant dense<0xFF800000> : vector<512xf32>
    %reduce_max3A_475 = vector.multi_reduction <maximumf>, %dot_general3A_474, %reduce_max3A [1] : vector<512x3xf32> to vector<512xf32>
    %broadcast_in_dim3A_476 = vector.shape_cast %reduce_max3A_475 : vector<512xf32> to vector<512x1xf32>
    %sub3A_477 = vector.broadcast %broadcast_in_dim3A_476 : vector<512x1xf32> to vector<512x3xf32>
    %sub3A_478 = arith.subf %dot_general3A_474, %sub3A_477 : vector<512x3xf32>
    %exp3A = math.exp %sub3A_478 : vector<512x3xf32>
    %reduce_sum3A_479 = arith.constant dense<0.000000e+00> : vector<512xf32>
    %reduce_sum3A_480 = vector.multi_reduction <add>, %exp3A, %reduce_sum3A_479 [1] : vector<512x3xf32> to vector<512xf32>
    %broadcast_in_dim3A_481 = vector.shape_cast %reduce_sum3A_480 : vector<512xf32> to vector<512x1xf32>
    %div3A_482 = vector.broadcast %broadcast_in_dim3A_481 : vector<512x1xf32> to vector<512x3xf32>
    %div3A_483 = arith.divf %exp3A, %div3A_482 : vector<512x3xf32>
    %dot_general3A_484 = arith.constant dense<0.000000e+00> : vector<512x200xf32>
    %dot_general3A_485 = tpu.matmul %div3A_483, %concatenate3A_414, %dot_general3A_484 {dimension_numbers = #tpu.dot_dimension_numbers<[1], [0], [0], [1], [0, 0, 1, 1], [], []>, transpose_lhs_hint = false} : vector<512x3xf32>, vector<3x200xf32>, vector<512x200xf32> -> vector<512x200xf32>
    %convert_element_type3A_486 = arith.truncf %add3A_472 : vector<512x200xf32> to vector<512x200xbf16>
    %get3A_487 = arith.constant 0 : index
    %get3A_488 = arith.constant 0 : index
    %get3A_489 = vector.load %arg11[%get3A_487, %get3A_488] : memref<200x200xbf16, #tpu.memory_space<vmem>>, vector<200x200xbf16>
    %dot_general3A_490 = arith.constant dense<0.000000e+00> : vector<512x200xf32>
    %dot_general3A_491 = tpu.matmul %convert_element_type3A_486, %get3A_489, %dot_general3A_490 {dimension_numbers = #tpu.dot_dimension_numbers<[1], [1], [0], [0], [0, 0, 1, 0], [], []>, transpose_lhs_hint = false} : vector<512x200xbf16>, vector<200x200xbf16>, vector<512x200xf32> -> vector<512x200xf32>
    %add3A_492 = arith.addf %add3A_424, %dot_general3A_491 : vector<512x200xf32>
    %convert_element_type3A_493 = arith.truncf %dot_general3A_485 : vector<512x200xf32> to vector<512x200xbf16>
    %get3A_494 = arith.constant 0 : index
    %get3A_495 = arith.constant 0 : index
    %get3A_496 = vector.load %arg15[%get3A_494, %get3A_495] : memref<200x200xbf16, #tpu.memory_space<vmem>>, vector<200x200xbf16>
    %dot_general3A_497 = arith.constant dense<0.000000e+00> : vector<512x200xf32>
    %dot_general3A_498 = tpu.matmul %convert_element_type3A_493, %get3A_496, %dot_general3A_497 {dimension_numbers = #tpu.dot_dimension_numbers<[1], [1], [0], [0], [0, 0, 1, 0], [], []>, transpose_lhs_hint = false} : vector<512x200xbf16>, vector<200x200xbf16>, vector<512x200xf32> -> vector<512x200xf32>
    %add3A_499 = arith.addf %add3A_492, %dot_general3A_498 : vector<512x200xf32>
    %convert_element_type3A_500 = arith.truncf %add3A_472 : vector<512x200xf32> to vector<512x200xbf16>
    %get3A_501 = arith.constant 0 : index
    %get3A_502 = arith.constant 0 : index
    %get3A_503 = vector.load %arg12[%get3A_501, %get3A_502] : memref<200x200xbf16, #tpu.memory_space<vmem>>, vector<200x200xbf16>
    %dot_general3A_504 = arith.constant dense<0.000000e+00> : vector<512x200xf32>
    %dot_general3A_505 = tpu.matmul %convert_element_type3A_500, %get3A_503, %dot_general3A_504 {dimension_numbers = #tpu.dot_dimension_numbers<[1], [1], [0], [0], [0, 0, 1, 0], [], []>, transpose_lhs_hint = false} : vector<512x200xbf16>, vector<200x200xbf16>, vector<512x200xf32> -> vector<512x200xf32>
    %add3A_506 = arith.addf %add3A_435, %dot_general3A_505 : vector<512x200xf32>
    %convert_element_type3A_507 = arith.truncf %dot_general3A_485 : vector<512x200xf32> to vector<512x200xbf16>
    %get3A_508 = arith.constant 0 : index
    %get3A_509 = arith.constant 0 : index
    %get3A_510 = vector.load %arg16[%get3A_508, %get3A_509] : memref<200x200xbf16, #tpu.memory_space<vmem>>, vector<200x200xbf16>
    %dot_general3A_511 = arith.constant dense<0.000000e+00> : vector<512x200xf32>
    %dot_general3A_512 = tpu.matmul %convert_element_type3A_507, %get3A_510, %dot_general3A_511 {dimension_numbers = #tpu.dot_dimension_numbers<[1], [1], [0], [0], [0, 0, 1, 0], [], []>, transpose_lhs_hint = false} : vector<512x200xbf16>, vector<200x200xbf16>, vector<512x200xf32> -> vector<512x200xf32>
    %add3A_513 = arith.addf %add3A_506, %dot_general3A_512 : vector<512x200xf32>
    %convert_element_type3A_514 = arith.truncf %add3A_472 : vector<512x200xf32> to vector<512x200xbf16>
    %get3A_515 = arith.constant 0 : index
    %get3A_516 = arith.constant 0 : index
    %get3A_517 = vector.load %arg13[%get3A_515, %get3A_516] : memref<200x200xbf16, #tpu.memory_space<vmem>>, vector<200x200xbf16>
    %dot_general3A_518 = arith.constant dense<0.000000e+00> : vector<512x200xf32>
    %dot_general3A_519 = tpu.matmul %convert_element_type3A_514, %get3A_517, %dot_general3A_518 {dimension_numbers = #tpu.dot_dimension_numbers<[1], [1], [0], [0], [0, 0, 1, 0], [], []>, transpose_lhs_hint = false} : vector<512x200xbf16>, vector<200x200xbf16>, vector<512x200xf32> -> vector<512x200xf32>
    %add3A_520 = arith.addf %add3A_446, %dot_general3A_519 : vector<512x200xf32>
    %convert_element_type3A_521 = arith.truncf %dot_general3A_485 : vector<512x200xf32> to vector<512x200xbf16>
    %get3A_522 = arith.constant 0 : index
    %get3A_523 = arith.constant 0 : index
    %get3A_524 = vector.load %arg17[%get3A_522, %get3A_523] : memref<200x200xbf16, #tpu.memory_space<vmem>>, vector<200x200xbf16>
    %dot_general3A_525 = arith.constant dense<0.000000e+00> : vector<512x200xf32>
    %dot_general3A_526 = tpu.matmul %convert_element_type3A_521, %get3A_524, %dot_general3A_525 {dimension_numbers = #tpu.dot_dimension_numbers<[1], [1], [0], [0], [0, 0, 1, 0], [], []>, transpose_lhs_hint = false} : vector<512x200xbf16>, vector<200x200xbf16>, vector<512x200xf32> -> vector<512x200xf32>
    %add3A_527 = arith.addf %add3A_520, %dot_general3A_526 : vector<512x200xf32>
    %convert_element_type3A_528 = arith.truncf %add3A_472 : vector<512x200xf32> to vector<512x200xbf16>
    %get3A_529 = arith.constant 0 : index
    %get3A_530 = arith.constant 0 : index
    %get3A_531 = vector.load %arg14[%get3A_529, %get3A_530] : memref<200x200xbf16, #tpu.memory_space<vmem>>, vector<200x200xbf16>
    %dot_general3A_532 = arith.constant dense<0.000000e+00> : vector<512x200xf32>
    %dot_general3A_533 = tpu.matmul %convert_element_type3A_528, %get3A_531, %dot_general3A_532 {dimension_numbers = #tpu.dot_dimension_numbers<[1], [1], [0], [0], [0, 0, 1, 0], [], []>, transpose_lhs_hint = false} : vector<512x200xbf16>, vector<200x200xbf16>, vector<512x200xf32> -> vector<512x200xf32>
    %add3A_534 = arith.addf %add3A_457, %dot_general3A_533 : vector<512x200xf32>
    %convert_element_type3A_535 = arith.truncf %dot_general3A_485 : vector<512x200xf32> to vector<512x200xbf16>
    %get3A_536 = arith.constant 0 : index
    %get3A_537 = arith.constant 0 : index
    %get3A_538 = vector.load %arg18[%get3A_536, %get3A_537] : memref<200x200xbf16, #tpu.memory_space<vmem>>, vector<200x200xbf16>
    %dot_general3A_539 = arith.constant dense<0.000000e+00> : vector<512x200xf32>
    %dot_general3A_540 = tpu.matmul %convert_element_type3A_535, %get3A_538, %dot_general3A_539 {dimension_numbers = #tpu.dot_dimension_numbers<[1], [1], [0], [0], [0, 0, 1, 0], [], []>, transpose_lhs_hint = false} : vector<512x200xbf16>, vector<200x200xbf16>, vector<512x200xf32> -> vector<512x200xf32>
    %add3A_541 = arith.addf %add3A_534, %dot_general3A_540 : vector<512x200xf32>
    %logistic3A_542 = arith.negf %add3A_499 : vector<512x200xf32>
    %logistic3A_543 = math.exp %logistic3A_542 : vector<512x200xf32>
    %logistic3A_544 = arith.constant 1.000000e+00 : f32
    %logistic3A_545 = vector.broadcast %logistic3A_544 : f32 to vector<512x200xf32>
    %logistic3A_546 = arith.addf %logistic3A_545, %logistic3A_543 : vector<512x200xf32>
    %logistic3A_547 = arith.divf %logistic3A_545, %logistic3A_546 : vector<512x200xf32>
    %tanh3A_548 = math.tanh %add3A_527 : vector<512x200xf32>
    %logistic3A_549 = arith.negf %add3A_513 : vector<512x200xf32>
    %logistic3A_550 = math.exp %logistic3A_549 : vector<512x200xf32>
    %logistic3A_551 = arith.constant 1.000000e+00 : f32
    %logistic3A_552 = vector.broadcast %logistic3A_551 : f32 to vector<512x200xf32>
    %logistic3A_553 = arith.addf %logistic3A_552, %logistic3A_550 : vector<512x200xf32>
    %logistic3A_554 = arith.divf %logistic3A_552, %logistic3A_553 : vector<512x200xf32>
    %mul3A_555 = arith.mulf %logistic3A_554, %mul3A_463 : vector<512x200xf32>
    %mul3A_556 = arith.mulf %logistic3A_547, %tanh3A_548 : vector<512x200xf32>
    %add3A_557 = arith.addf %mul3A_555, %mul3A_556 : vector<512x200xf32>
    %logistic3A_558 = arith.negf %add3A_541 : vector<512x200xf32>
    %logistic3A_559 = math.exp %logistic3A_558 : vector<512x200xf32>
    %logistic3A_560 = arith.constant 1.000000e+00 : f32
    %logistic3A_561 = vector.broadcast %logistic3A_560 : f32 to vector<512x200xf32>
    %logistic3A_562 = arith.addf %logistic3A_561, %logistic3A_559 : vector<512x200xf32>
    %logistic3A_563 = arith.divf %logistic3A_561, %logistic3A_562 : vector<512x200xf32>
    %tanh3A_564 = math.tanh %add3A_557 : vector<512x200xf32>
    %mul3A_565 = arith.mulf %logistic3A_563, %tanh3A_564 : vector<512x200xf32>
    %add3A_566 = arith.addf %add3A_66, %mul3A_565 : vector<512x200xf32>
    %dot_general3A_567 = arith.constant dense<0.000000e+00> : vector<512x3xf32>
    %dot_general3A_568 = tpu.matmul %add3A_566, %concatenate3A_414, %dot_general3A_567 {dimension_numbers = #tpu.dot_dimension_numbers<[1], [1], [0], [0], [0, 0, 1, 0], [], []>, transpose_lhs_hint = false} : vector<512x200xf32>, vector<3x200xf32>, vector<512x3xf32> -> vector<512x3xf32>
    %reduce_max3A_569 = arith.constant dense<0xFF800000> : vector<512xf32>
    %reduce_max3A_570 = vector.multi_reduction <maximumf>, %dot_general3A_568, %reduce_max3A_569 [1] : vector<512x3xf32> to vector<512xf32>
    %broadcast_in_dim3A_571 = vector.shape_cast %reduce_max3A_570 : vector<512xf32> to vector<512x1xf32>
    %sub3A_572 = vector.broadcast %broadcast_in_dim3A_571 : vector<512x1xf32> to vector<512x3xf32>
    %sub3A_573 = arith.subf %dot_general3A_568, %sub3A_572 : vector<512x3xf32>
    %exp3A_574 = math.exp %sub3A_573 : vector<512x3xf32>
    %reduce_sum3A_575 = arith.constant dense<0.000000e+00> : vector<512xf32>
    %reduce_sum3A_576 = vector.multi_reduction <add>, %exp3A_574, %reduce_sum3A_575 [1] : vector<512x3xf32> to vector<512xf32>
    %broadcast_in_dim3A_577 = vector.shape_cast %reduce_sum3A_576 : vector<512xf32> to vector<512x1xf32>
    %div3A_578 = vector.broadcast %broadcast_in_dim3A_577 : vector<512x1xf32> to vector<512x3xf32>
    %div3A_579 = arith.divf %exp3A_574, %div3A_578 : vector<512x3xf32>
    %dot_general3A_580 = arith.constant dense<0.000000e+00> : vector<512x200xf32>
    %dot_general3A_581 = tpu.matmul %div3A_579, %concatenate3A_414, %dot_general3A_580 {dimension_numbers = #tpu.dot_dimension_numbers<[1], [0], [0], [1], [0, 0, 1, 1], [], []>, transpose_lhs_hint = false} : vector<512x3xf32>, vector<3x200xf32>, vector<512x200xf32> -> vector<512x200xf32>
    %convert_element_type3A_582 = arith.truncf %add3A_566 : vector<512x200xf32> to vector<512x200xbf16>
    %get3A_583 = arith.constant 0 : index
    %get3A_584 = arith.constant 0 : index
    %get3A_585 = vector.load %arg11[%get3A_583, %get3A_584] : memref<200x200xbf16, #tpu.memory_space<vmem>>, vector<200x200xbf16>
    %dot_general3A_586 = arith.constant dense<0.000000e+00> : vector<512x200xf32>
    %dot_general3A_587 = tpu.matmul %convert_element_type3A_582, %get3A_585, %dot_general3A_586 {dimension_numbers = #tpu.dot_dimension_numbers<[1], [1], [0], [0], [0, 0, 1, 0], [], []>, transpose_lhs_hint = false} : vector<512x200xbf16>, vector<200x200xbf16>, vector<512x200xf32> -> vector<512x200xf32>
    %add3A_588 = arith.addf %add3A_424, %dot_general3A_587 : vector<512x200xf32>
    %convert_element_type3A_589 = arith.truncf %dot_general3A_581 : vector<512x200xf32> to vector<512x200xbf16>
    %get3A_590 = arith.constant 0 : index
    %get3A_591 = arith.constant 0 : index
    %get3A_592 = vector.load %arg15[%get3A_590, %get3A_591] : memref<200x200xbf16, #tpu.memory_space<vmem>>, vector<200x200xbf16>
    %dot_general3A_593 = arith.constant dense<0.000000e+00> : vector<512x200xf32>
    %dot_general3A_594 = tpu.matmul %convert_element_type3A_589, %get3A_592, %dot_general3A_593 {dimension_numbers = #tpu.dot_dimension_numbers<[1], [1], [0], [0], [0, 0, 1, 0], [], []>, transpose_lhs_hint = false} : vector<512x200xbf16>, vector<200x200xbf16>, vector<512x200xf32> -> vector<512x200xf32>
    %add3A_595 = arith.addf %add3A_588, %dot_general3A_594 : vector<512x200xf32>
    %convert_element_type3A_596 = arith.truncf %add3A_566 : vector<512x200xf32> to vector<512x200xbf16>
    %get3A_597 = arith.constant 0 : index
    %get3A_598 = arith.constant 0 : index
    %get3A_599 = vector.load %arg12[%get3A_597, %get3A_598] : memref<200x200xbf16, #tpu.memory_space<vmem>>, vector<200x200xbf16>
    %dot_general3A_600 = arith.constant dense<0.000000e+00> : vector<512x200xf32>
    %dot_general3A_601 = tpu.matmul %convert_element_type3A_596, %get3A_599, %dot_general3A_600 {dimension_numbers = #tpu.dot_dimension_numbers<[1], [1], [0], [0], [0, 0, 1, 0], [], []>, transpose_lhs_hint = false} : vector<512x200xbf16>, vector<200x200xbf16>, vector<512x200xf32> -> vector<512x200xf32>
    %add3A_602 = arith.addf %add3A_435, %dot_general3A_601 : vector<512x200xf32>
    %convert_element_type3A_603 = arith.truncf %dot_general3A_581 : vector<512x200xf32> to vector<512x200xbf16>
    %get3A_604 = arith.constant 0 : index
    %get3A_605 = arith.constant 0 : index
    %get3A_606 = vector.load %arg16[%get3A_604, %get3A_605] : memref<200x200xbf16, #tpu.memory_space<vmem>>, vector<200x200xbf16>
    %dot_general3A_607 = arith.constant dense<0.000000e+00> : vector<512x200xf32>
    %dot_general3A_608 = tpu.matmul %convert_element_type3A_603, %get3A_606, %dot_general3A_607 {dimension_numbers = #tpu.dot_dimension_numbers<[1], [1], [0], [0], [0, 0, 1, 0], [], []>, transpose_lhs_hint = false} : vector<512x200xbf16>, vector<200x200xbf16>, vector<512x200xf32> -> vector<512x200xf32>
    %add3A_609 = arith.addf %add3A_602, %dot_general3A_608 : vector<512x200xf32>
    %convert_element_type3A_610 = arith.truncf %add3A_566 : vector<512x200xf32> to vector<512x200xbf16>
    %get3A_611 = arith.constant 0 : index
    %get3A_612 = arith.constant 0 : index
    %get3A_613 = vector.load %arg13[%get3A_611, %get3A_612] : memref<200x200xbf16, #tpu.memory_space<vmem>>, vector<200x200xbf16>
    %dot_general3A_614 = arith.constant dense<0.000000e+00> : vector<512x200xf32>
    %dot_general3A_615 = tpu.matmul %convert_element_type3A_610, %get3A_613, %dot_general3A_614 {dimension_numbers = #tpu.dot_dimension_numbers<[1], [1], [0], [0], [0, 0, 1, 0], [], []>, transpose_lhs_hint = false} : vector<512x200xbf16>, vector<200x200xbf16>, vector<512x200xf32> -> vector<512x200xf32>
    %add3A_616 = arith.addf %add3A_446, %dot_general3A_615 : vector<512x200xf32>
    %convert_element_type3A_617 = arith.truncf %dot_general3A_581 : vector<512x200xf32> to vector<512x200xbf16>
    %get3A_618 = arith.constant 0 : index
    %get3A_619 = arith.constant 0 : index
    %get3A_620 = vector.load %arg17[%get3A_618, %get3A_619] : memref<200x200xbf16, #tpu.memory_space<vmem>>, vector<200x200xbf16>
    %dot_general3A_621 = arith.constant dense<0.000000e+00> : vector<512x200xf32>
    %dot_general3A_622 = tpu.matmul %convert_element_type3A_617, %get3A_620, %dot_general3A_621 {dimension_numbers = #tpu.dot_dimension_numbers<[1], [1], [0], [0], [0, 0, 1, 0], [], []>, transpose_lhs_hint = false} : vector<512x200xbf16>, vector<200x200xbf16>, vector<512x200xf32> -> vector<512x200xf32>
    %add3A_623 = arith.addf %add3A_616, %dot_general3A_622 : vector<512x200xf32>
    %convert_element_type3A_624 = arith.truncf %add3A_566 : vector<512x200xf32> to vector<512x200xbf16>
    %get3A_625 = arith.constant 0 : index
    %get3A_626 = arith.constant 0 : index
    %get3A_627 = vector.load %arg14[%get3A_625, %get3A_626] : memref<200x200xbf16, #tpu.memory_space<vmem>>, vector<200x200xbf16>
    %dot_general3A_628 = arith.constant dense<0.000000e+00> : vector<512x200xf32>
    %dot_general3A_629 = tpu.matmul %convert_element_type3A_624, %get3A_627, %dot_general3A_628 {dimension_numbers = #tpu.dot_dimension_numbers<[1], [1], [0], [0], [0, 0, 1, 0], [], []>, transpose_lhs_hint = false} : vector<512x200xbf16>, vector<200x200xbf16>, vector<512x200xf32> -> vector<512x200xf32>
    %add3A_630 = arith.addf %add3A_457, %dot_general3A_629 : vector<512x200xf32>
    %convert_element_type3A_631 = arith.truncf %dot_general3A_581 : vector<512x200xf32> to vector<512x200xbf16>
    %get3A_632 = arith.constant 0 : index
    %get3A_633 = arith.constant 0 : index
    %get3A_634 = vector.load %arg18[%get3A_632, %get3A_633] : memref<200x200xbf16, #tpu.memory_space<vmem>>, vector<200x200xbf16>
    %dot_general3A_635 = arith.constant dense<0.000000e+00> : vector<512x200xf32>
    %dot_general3A_636 = tpu.matmul %convert_element_type3A_631, %get3A_634, %dot_general3A_635 {dimension_numbers = #tpu.dot_dimension_numbers<[1], [1], [0], [0], [0, 0, 1, 0], [], []>, transpose_lhs_hint = false} : vector<512x200xbf16>, vector<200x200xbf16>, vector<512x200xf32> -> vector<512x200xf32>
    %add3A_637 = arith.addf %add3A_630, %dot_general3A_636 : vector<512x200xf32>
    %logistic3A_638 = arith.negf %add3A_595 : vector<512x200xf32>
    %logistic3A_639 = math.exp %logistic3A_638 : vector<512x200xf32>
    %logistic3A_640 = arith.constant 1.000000e+00 : f32
    %logistic3A_641 = vector.broadcast %logistic3A_640 : f32 to vector<512x200xf32>
    %logistic3A_642 = arith.addf %logistic3A_641, %logistic3A_639 : vector<512x200xf32>
    %logistic3A_643 = arith.divf %logistic3A_641, %logistic3A_642 : vector<512x200xf32>
    %tanh3A_644 = math.tanh %add3A_623 : vector<512x200xf32>
    %logistic3A_645 = arith.negf %add3A_609 : vector<512x200xf32>
    %logistic3A_646 = math.exp %logistic3A_645 : vector<512x200xf32>
    %logistic3A_647 = arith.constant 1.000000e+00 : f32
    %logistic3A_648 = vector.broadcast %logistic3A_647 : f32 to vector<512x200xf32>
    %logistic3A_649 = arith.addf %logistic3A_648, %logistic3A_646 : vector<512x200xf32>
    %logistic3A_650 = arith.divf %logistic3A_648, %logistic3A_649 : vector<512x200xf32>
    %mul3A_651 = arith.mulf %logistic3A_650, %add3A_557 : vector<512x200xf32>
    %mul3A_652 = arith.mulf %logistic3A_643, %tanh3A_644 : vector<512x200xf32>
    %add3A_653 = arith.addf %mul3A_651, %mul3A_652 : vector<512x200xf32>
    %logistic3A_654 = arith.negf %add3A_637 : vector<512x200xf32>
    %logistic3A_655 = math.exp %logistic3A_654 : vector<512x200xf32>
    %logistic3A_656 = arith.constant 1.000000e+00 : f32
    %logistic3A_657 = vector.broadcast %logistic3A_656 : f32 to vector<512x200xf32>
    %logistic3A_658 = arith.addf %logistic3A_657, %logistic3A_655 : vector<512x200xf32>
    %logistic3A_659 = arith.divf %logistic3A_657, %logistic3A_658 : vector<512x200xf32>
    %tanh3A_660 = math.tanh %add3A_653 : vector<512x200xf32>
    %mul3A_661 = arith.mulf %logistic3A_659, %tanh3A_660 : vector<512x200xf32>
    %add3A_662 = arith.addf %add3A_66, %mul3A_661 : vector<512x200xf32>
    %dot_general3A_663 = arith.constant dense<0.000000e+00> : vector<512x3xf32>
    %dot_general3A_664 = tpu.matmul %add3A_662, %concatenate3A_414, %dot_general3A_663 {dimension_numbers = #tpu.dot_dimension_numbers<[1], [1], [0], [0], [0, 0, 1, 0], [], []>, transpose_lhs_hint = false} : vector<512x200xf32>, vector<3x200xf32>, vector<512x3xf32> -> vector<512x3xf32>
    %reduce_max3A_665 = arith.constant dense<0xFF800000> : vector<512xf32>
    %reduce_max3A_666 = vector.multi_reduction <maximumf>, %dot_general3A_664, %reduce_max3A_665 [1] : vector<512x3xf32> to vector<512xf32>
    %broadcast_in_dim3A_667 = vector.shape_cast %reduce_max3A_666 : vector<512xf32> to vector<512x1xf32>
    %sub3A_668 = vector.broadcast %broadcast_in_dim3A_667 : vector<512x1xf32> to vector<512x3xf32>
    %sub3A_669 = arith.subf %dot_general3A_664, %sub3A_668 : vector<512x3xf32>
    %exp3A_670 = math.exp %sub3A_669 : vector<512x3xf32>
    %reduce_sum3A_671 = arith.constant dense<0.000000e+00> : vector<512xf32>
    %reduce_sum3A_672 = vector.multi_reduction <add>, %exp3A_670, %reduce_sum3A_671 [1] : vector<512x3xf32> to vector<512xf32>
    %broadcast_in_dim3A_673 = vector.shape_cast %reduce_sum3A_672 : vector<512xf32> to vector<512x1xf32>
    %div3A_674 = vector.broadcast %broadcast_in_dim3A_673 : vector<512x1xf32> to vector<512x3xf32>
    %div3A_675 = arith.divf %exp3A_670, %div3A_674 : vector<512x3xf32>
    %dot_general3A_676 = arith.constant dense<0.000000e+00> : vector<512x200xf32>
    %dot_general3A_677 = tpu.matmul %div3A_675, %concatenate3A_414, %dot_general3A_676 {dimension_numbers = #tpu.dot_dimension_numbers<[1], [0], [0], [1], [0, 0, 1, 1], [], []>, transpose_lhs_hint = false} : vector<512x3xf32>, vector<3x200xf32>, vector<512x200xf32> -> vector<512x200xf32>
    %convert_element_type3A_678 = arith.truncf %add3A_662 : vector<512x200xf32> to vector<512x200xbf16>
    %get3A_679 = arith.constant 0 : index
    %get3A_680 = arith.constant 0 : index
    %get3A_681 = vector.load %arg11[%get3A_679, %get3A_680] : memref<200x200xbf16, #tpu.memory_space<vmem>>, vector<200x200xbf16>
    %dot_general3A_682 = arith.constant dense<0.000000e+00> : vector<512x200xf32>
    %dot_general3A_683 = tpu.matmul %convert_element_type3A_678, %get3A_681, %dot_general3A_682 {dimension_numbers = #tpu.dot_dimension_numbers<[1], [1], [0], [0], [0, 0, 1, 0], [], []>, transpose_lhs_hint = false} : vector<512x200xbf16>, vector<200x200xbf16>, vector<512x200xf32> -> vector<512x200xf32>
    %add3A_684 = arith.addf %add3A_424, %dot_general3A_683 : vector<512x200xf32>
    %convert_element_type3A_685 = arith.truncf %dot_general3A_677 : vector<512x200xf32> to vector<512x200xbf16>
    %get3A_686 = arith.constant 0 : index
    %get3A_687 = arith.constant 0 : index
    %get3A_688 = vector.load %arg15[%get3A_686, %get3A_687] : memref<200x200xbf16, #tpu.memory_space<vmem>>, vector<200x200xbf16>
    %dot_general3A_689 = arith.constant dense<0.000000e+00> : vector<512x200xf32>
    %dot_general3A_690 = tpu.matmul %convert_element_type3A_685, %get3A_688, %dot_general3A_689 {dimension_numbers = #tpu.dot_dimension_numbers<[1], [1], [0], [0], [0, 0, 1, 0], [], []>, transpose_lhs_hint = false} : vector<512x200xbf16>, vector<200x200xbf16>, vector<512x200xf32> -> vector<512x200xf32>
    %add3A_691 = arith.addf %add3A_684, %dot_general3A_690 : vector<512x200xf32>
    %convert_element_type3A_692 = arith.truncf %add3A_662 : vector<512x200xf32> to vector<512x200xbf16>
    %get3A_693 = arith.constant 0 : index
    %get3A_694 = arith.constant 0 : index
    %get3A_695 = vector.load %arg12[%get3A_693, %get3A_694] : memref<200x200xbf16, #tpu.memory_space<vmem>>, vector<200x200xbf16>
    %dot_general3A_696 = arith.constant dense<0.000000e+00> : vector<512x200xf32>
    %dot_general3A_697 = tpu.matmul %convert_element_type3A_692, %get3A_695, %dot_general3A_696 {dimension_numbers = #tpu.dot_dimension_numbers<[1], [1], [0], [0], [0, 0, 1, 0], [], []>, transpose_lhs_hint = false} : vector<512x200xbf16>, vector<200x200xbf16>, vector<512x200xf32> -> vector<512x200xf32>
    %add3A_698 = arith.addf %add3A_435, %dot_general3A_697 : vector<512x200xf32>
    %convert_element_type3A_699 = arith.truncf %dot_general3A_677 : vector<512x200xf32> to vector<512x200xbf16>
    %get3A_700 = arith.constant 0 : index
    %get3A_701 = arith.constant 0 : index
    %get3A_702 = vector.load %arg16[%get3A_700, %get3A_701] : memref<200x200xbf16, #tpu.memory_space<vmem>>, vector<200x200xbf16>
    %dot_general3A_703 = arith.constant dense<0.000000e+00> : vector<512x200xf32>
    %dot_general3A_704 = tpu.matmul %convert_element_type3A_699, %get3A_702, %dot_general3A_703 {dimension_numbers = #tpu.dot_dimension_numbers<[1], [1], [0], [0], [0, 0, 1, 0], [], []>, transpose_lhs_hint = false} : vector<512x200xbf16>, vector<200x200xbf16>, vector<512x200xf32> -> vector<512x200xf32>
    %add3A_705 = arith.addf %add3A_698, %dot_general3A_704 : vector<512x200xf32>
    %convert_element_type3A_706 = arith.truncf %add3A_662 : vector<512x200xf32> to vector<512x200xbf16>
    %get3A_707 = arith.constant 0 : index
    %get3A_708 = arith.constant 0 : index
    %get3A_709 = vector.load %arg13[%get3A_707, %get3A_708] : memref<200x200xbf16, #tpu.memory_space<vmem>>, vector<200x200xbf16>
    %dot_general3A_710 = arith.constant dense<0.000000e+00> : vector<512x200xf32>
    %dot_general3A_711 = tpu.matmul %convert_element_type3A_706, %get3A_709, %dot_general3A_710 {dimension_numbers = #tpu.dot_dimension_numbers<[1], [1], [0], [0], [0, 0, 1, 0], [], []>, transpose_lhs_hint = false} : vector<512x200xbf16>, vector<200x200xbf16>, vector<512x200xf32> -> vector<512x200xf32>
    %add3A_712 = arith.addf %add3A_446, %dot_general3A_711 : vector<512x200xf32>
    %convert_element_type3A_713 = arith.truncf %dot_general3A_677 : vector<512x200xf32> to vector<512x200xbf16>
    %get3A_714 = arith.constant 0 : index
    %get3A_715 = arith.constant 0 : index
    %get3A_716 = vector.load %arg17[%get3A_714, %get3A_715] : memref<200x200xbf16, #tpu.memory_space<vmem>>, vector<200x200xbf16>
    %dot_general3A_717 = arith.constant dense<0.000000e+00> : vector<512x200xf32>
    %dot_general3A_718 = tpu.matmul %convert_element_type3A_713, %get3A_716, %dot_general3A_717 {dimension_numbers = #tpu.dot_dimension_numbers<[1], [1], [0], [0], [0, 0, 1, 0], [], []>, transpose_lhs_hint = false} : vector<512x200xbf16>, vector<200x200xbf16>, vector<512x200xf32> -> vector<512x200xf32>
    %add3A_719 = arith.addf %add3A_712, %dot_general3A_718 : vector<512x200xf32>
    %convert_element_type3A_720 = arith.truncf %add3A_662 : vector<512x200xf32> to vector<512x200xbf16>
    %get3A_721 = arith.constant 0 : index
    %get3A_722 = arith.constant 0 : index
    %get3A_723 = vector.load %arg14[%get3A_721, %get3A_722] : memref<200x200xbf16, #tpu.memory_space<vmem>>, vector<200x200xbf16>
    %dot_general3A_724 = arith.constant dense<0.000000e+00> : vector<512x200xf32>
    %dot_general3A_725 = tpu.matmul %convert_element_type3A_720, %get3A_723, %dot_general3A_724 {dimension_numbers = #tpu.dot_dimension_numbers<[1], [1], [0], [0], [0, 0, 1, 0], [], []>, transpose_lhs_hint = false} : vector<512x200xbf16>, vector<200x200xbf16>, vector<512x200xf32> -> vector<512x200xf32>
    %add3A_726 = arith.addf %add3A_457, %dot_general3A_725 : vector<512x200xf32>
    %convert_element_type3A_727 = arith.truncf %dot_general3A_677 : vector<512x200xf32> to vector<512x200xbf16>
    %get3A_728 = arith.constant 0 : index
    %get3A_729 = arith.constant 0 : index
    %get3A_730 = vector.load %arg18[%get3A_728, %get3A_729] : memref<200x200xbf16, #tpu.memory_space<vmem>>, vector<200x200xbf16>
    %dot_general3A_731 = arith.constant dense<0.000000e+00> : vector<512x200xf32>
    %dot_general3A_732 = tpu.matmul %convert_element_type3A_727, %get3A_730, %dot_general3A_731 {dimension_numbers = #tpu.dot_dimension_numbers<[1], [1], [0], [0], [0, 0, 1, 0], [], []>, transpose_lhs_hint = false} : vector<512x200xbf16>, vector<200x200xbf16>, vector<512x200xf32> -> vector<512x200xf32>
    %add3A_733 = arith.addf %add3A_726, %dot_general3A_732 : vector<512x200xf32>
    %logistic3A_734 = arith.negf %add3A_691 : vector<512x200xf32>
    %logistic3A_735 = math.exp %logistic3A_734 : vector<512x200xf32>
    %logistic3A_736 = arith.constant 1.000000e+00 : f32
    %logistic3A_737 = vector.broadcast %logistic3A_736 : f32 to vector<512x200xf32>
    %logistic3A_738 = arith.addf %logistic3A_737, %logistic3A_735 : vector<512x200xf32>
    %logistic3A_739 = arith.divf %logistic3A_737, %logistic3A_738 : vector<512x200xf32>
    %tanh3A_740 = math.tanh %add3A_719 : vector<512x200xf32>
    %logistic3A_741 = arith.negf %add3A_705 : vector<512x200xf32>
    %logistic3A_742 = math.exp %logistic3A_741 : vector<512x200xf32>
    %logistic3A_743 = arith.constant 1.000000e+00 : f32
    %logistic3A_744 = vector.broadcast %logistic3A_743 : f32 to vector<512x200xf32>
    %logistic3A_745 = arith.addf %logistic3A_744, %logistic3A_742 : vector<512x200xf32>
    %logistic3A_746 = arith.divf %logistic3A_744, %logistic3A_745 : vector<512x200xf32>
    %mul3A_747 = arith.mulf %logistic3A_746, %add3A_653 : vector<512x200xf32>
    %mul3A_748 = arith.mulf %logistic3A_739, %tanh3A_740 : vector<512x200xf32>
    %add3A_749 = arith.addf %mul3A_747, %mul3A_748 : vector<512x200xf32>
    %logistic3A_750 = arith.negf %add3A_733 : vector<512x200xf32>
    %logistic3A_751 = math.exp %logistic3A_750 : vector<512x200xf32>
    %logistic3A_752 = arith.constant 1.000000e+00 : f32
    %logistic3A_753 = vector.broadcast %logistic3A_752 : f32 to vector<512x200xf32>
    %logistic3A_754 = arith.addf %logistic3A_753, %logistic3A_751 : vector<512x200xf32>
    %logistic3A_755 = arith.divf %logistic3A_753, %logistic3A_754 : vector<512x200xf32>
    %tanh3A_756 = math.tanh %add3A_749 : vector<512x200xf32>
    %mul3A_757 = arith.mulf %logistic3A_755, %tanh3A_756 : vector<512x200xf32>
    %add3A_758 = arith.addf %add3A_66, %mul3A_757 : vector<512x200xf32>
    %slice3A = vector.extract_strided_slice %concatenate3A_414 {offsets = [0, 0], sizes = [1, 200], strides = [1, 1]} : vector<3x200xf32> to vector<1x200xf32>
    %mul3A_759 = vector.broadcast %slice3A : vector<1x200xf32> to vector<512x200xf32>
    %mul3A_760 = arith.mulf %add3A_758, %mul3A_759 : vector<512x200xf32>
    %reduce_sum3A_761 = arith.constant dense<0.000000e+00> : vector<512xf32>
    %reduce_sum3A_762 = vector.multi_reduction <add>, %mul3A_760, %reduce_sum3A_761 [1] : vector<512x200xf32> to vector<512xf32>
    %broadcast_in_dim3A_763 = vector.shape_cast %reduce_sum3A_762 : vector<512xf32> to vector<512x1xf32>
    %convert_element_type3A_764 = arith.truncf %add3A_208 : vector<512x200xf32> to vector<512x200xbf16>
    %get3A_765 = arith.constant 0 : index
    %get3A_766 = arith.constant 0 : index
    %get3A_767 = vector.load %arg7[%get3A_765, %get3A_766] : memref<200x200xbf16, #tpu.memory_space<vmem>>, vector<200x200xbf16>
    %dot_general3A_768 = arith.constant dense<0.000000e+00> : vector<512x200xf32>
    %dot_general3A_769 = tpu.matmul %convert_element_type3A_764, %get3A_767, %dot_general3A_768 {dimension_numbers = #tpu.dot_dimension_numbers<[1], [1], [0], [0], [0, 0, 1, 0], [], []>, transpose_lhs_hint = false} : vector<512x200xbf16>, vector<200x200xbf16>, vector<512x200xf32> -> vector<512x200xf32>
    %get3A_770 = arith.constant 0 : index
    %get3A_771 = arith.constant 0 : index
    %get3A_772 = vector.load %arg19[%get3A_770, %get3A_771] : memref<1x200xf32, #tpu.memory_space<vmem>>, vector<1x200xf32>
    %add3A_773 = vector.broadcast %get3A_772 : vector<1x200xf32> to vector<512x200xf32>
    %add3A_774 = arith.addf %dot_general3A_769, %add3A_773 : vector<512x200xf32>
    %convert_element_type3A_775 = arith.truncf %add3A_208 : vector<512x200xf32> to vector<512x200xbf16>
    %get3A_776 = arith.constant 0 : index
    %get3A_777 = arith.constant 0 : index
    %get3A_778 = vector.load %arg8[%get3A_776, %get3A_777] : memref<200x200xbf16, #tpu.memory_space<vmem>>, vector<200x200xbf16>
    %dot_general3A_779 = arith.constant dense<0.000000e+00> : vector<512x200xf32>
    %dot_general3A_780 = tpu.matmul %convert_element_type3A_775, %get3A_778, %dot_general3A_779 {dimension_numbers = #tpu.dot_dimension_numbers<[1], [1], [0], [0], [0, 0, 1, 0], [], []>, transpose_lhs_hint = false} : vector<512x200xbf16>, vector<200x200xbf16>, vector<512x200xf32> -> vector<512x200xf32>
    %get3A_781 = arith.constant 0 : index
    %get3A_782 = arith.constant 0 : index
    %get3A_783 = vector.load %arg20[%get3A_781, %get3A_782] : memref<1x200xf32, #tpu.memory_space<vmem>>, vector<1x200xf32>
    %add3A_784 = vector.broadcast %get3A_783 : vector<1x200xf32> to vector<512x200xf32>
    %add3A_785 = arith.addf %dot_general3A_780, %add3A_784 : vector<512x200xf32>
    %convert_element_type3A_786 = arith.truncf %add3A_208 : vector<512x200xf32> to vector<512x200xbf16>
    %get3A_787 = arith.constant 0 : index
    %get3A_788 = arith.constant 0 : index
    %get3A_789 = vector.load %arg9[%get3A_787, %get3A_788] : memref<200x200xbf16, #tpu.memory_space<vmem>>, vector<200x200xbf16>
    %dot_general3A_790 = arith.constant dense<0.000000e+00> : vector<512x200xf32>
    %dot_general3A_791 = tpu.matmul %convert_element_type3A_786, %get3A_789, %dot_general3A_790 {dimension_numbers = #tpu.dot_dimension_numbers<[1], [1], [0], [0], [0, 0, 1, 0], [], []>, transpose_lhs_hint = false} : vector<512x200xbf16>, vector<200x200xbf16>, vector<512x200xf32> -> vector<512x200xf32>
    %get3A_792 = arith.constant 0 : index
    %get3A_793 = arith.constant 0 : index
    %get3A_794 = vector.load %arg21[%get3A_792, %get3A_793] : memref<1x200xf32, #tpu.memory_space<vmem>>, vector<1x200xf32>
    %add3A_795 = vector.broadcast %get3A_794 : vector<1x200xf32> to vector<512x200xf32>
    %add3A_796 = arith.addf %dot_general3A_791, %add3A_795 : vector<512x200xf32>
    %convert_element_type3A_797 = arith.truncf %add3A_208 : vector<512x200xf32> to vector<512x200xbf16>
    %get3A_798 = arith.constant 0 : index
    %get3A_799 = arith.constant 0 : index
    %get3A_800 = vector.load %arg10[%get3A_798, %get3A_799] : memref<200x200xbf16, #tpu.memory_space<vmem>>, vector<200x200xbf16>
    %dot_general3A_801 = arith.constant dense<0.000000e+00> : vector<512x200xf32>
    %dot_general3A_802 = tpu.matmul %convert_element_type3A_797, %get3A_800, %dot_general3A_801 {dimension_numbers = #tpu.dot_dimension_numbers<[1], [1], [0], [0], [0, 0, 1, 0], [], []>, transpose_lhs_hint = false} : vector<512x200xbf16>, vector<200x200xbf16>, vector<512x200xf32> -> vector<512x200xf32>
    %get3A_803 = arith.constant 0 : index
    %get3A_804 = arith.constant 0 : index
    %get3A_805 = vector.load %arg22[%get3A_803, %get3A_804] : memref<1x200xf32, #tpu.memory_space<vmem>>, vector<1x200xf32>
    %add3A_806 = vector.broadcast %get3A_805 : vector<1x200xf32> to vector<512x200xf32>
    %add3A_807 = arith.addf %dot_general3A_802, %add3A_806 : vector<512x200xf32>
    %logistic3A_808 = arith.negf %add3A_774 : vector<512x200xf32>
    %logistic3A_809 = math.exp %logistic3A_808 : vector<512x200xf32>
    %logistic3A_810 = arith.constant 1.000000e+00 : f32
    %logistic3A_811 = vector.broadcast %logistic3A_810 : f32 to vector<512x200xf32>
    %logistic3A_812 = arith.addf %logistic3A_811, %logistic3A_809 : vector<512x200xf32>
    %logistic3A_813 = arith.divf %logistic3A_811, %logistic3A_812 : vector<512x200xf32>
    %tanh3A_814 = math.tanh %add3A_796 : vector<512x200xf32>
    %mul3A_815 = arith.mulf %logistic3A_813, %tanh3A_814 : vector<512x200xf32>
    %logistic3A_816 = arith.negf %add3A_807 : vector<512x200xf32>
    %logistic3A_817 = math.exp %logistic3A_816 : vector<512x200xf32>
    %logistic3A_818 = arith.constant 1.000000e+00 : f32
    %logistic3A_819 = vector.broadcast %logistic3A_818 : f32 to vector<512x200xf32>
    %logistic3A_820 = arith.addf %logistic3A_819, %logistic3A_817 : vector<512x200xf32>
    %logistic3A_821 = arith.divf %logistic3A_819, %logistic3A_820 : vector<512x200xf32>
    %tanh3A_822 = math.tanh %mul3A_815 : vector<512x200xf32>
    %mul3A_823 = arith.mulf %logistic3A_821, %tanh3A_822 : vector<512x200xf32>
    %add3A_824 = arith.addf %add3A_208, %mul3A_823 : vector<512x200xf32>
    %dot_general3A_825 = arith.constant dense<0.000000e+00> : vector<512x3xf32>
    %dot_general3A_826 = tpu.matmul %add3A_824, %concatenate3A_414, %dot_general3A_825 {dimension_numbers = #tpu.dot_dimension_numbers<[1], [1], [0], [0], [0, 0, 1, 0], [], []>, transpose_lhs_hint = false} : vector<512x200xf32>, vector<3x200xf32>, vector<512x3xf32> -> vector<512x3xf32>
    %reduce_max3A_827 = arith.constant dense<0xFF800000> : vector<512xf32>
    %reduce_max3A_828 = vector.multi_reduction <maximumf>, %dot_general3A_826, %reduce_max3A_827 [1] : vector<512x3xf32> to vector<512xf32>
    %broadcast_in_dim3A_829 = vector.shape_cast %reduce_max3A_828 : vector<512xf32> to vector<512x1xf32>
    %sub3A_830 = vector.broadcast %broadcast_in_dim3A_829 : vector<512x1xf32> to vector<512x3xf32>
    %sub3A_831 = arith.subf %dot_general3A_826, %sub3A_830 : vector<512x3xf32>
    %exp3A_832 = math.exp %sub3A_831 : vector<512x3xf32>
    %reduce_sum3A_833 = arith.constant dense<0.000000e+00> : vector<512xf32>
    %reduce_sum3A_834 = vector.multi_reduction <add>, %exp3A_832, %reduce_sum3A_833 [1] : vector<512x3xf32> to vector<512xf32>
    %broadcast_in_dim3A_835 = vector.shape_cast %reduce_sum3A_834 : vector<512xf32> to vector<512x1xf32>
    %div3A_836 = vector.broadcast %broadcast_in_dim3A_835 : vector<512x1xf32> to vector<512x3xf32>
    %div3A_837 = arith.divf %exp3A_832, %div3A_836 : vector<512x3xf32>
    %dot_general3A_838 = arith.constant dense<0.000000e+00> : vector<512x200xf32>
    %dot_general3A_839 = tpu.matmul %div3A_837, %concatenate3A_414, %dot_general3A_838 {dimension_numbers = #tpu.dot_dimension_numbers<[1], [0], [0], [1], [0, 0, 1, 1], [], []>, transpose_lhs_hint = false} : vector<512x3xf32>, vector<3x200xf32>, vector<512x200xf32> -> vector<512x200xf32>
    %convert_element_type3A_840 = arith.truncf %add3A_824 : vector<512x200xf32> to vector<512x200xbf16>
    %get3A_841 = arith.constant 0 : index
    %get3A_842 = arith.constant 0 : index
    %get3A_843 = vector.load %arg11[%get3A_841, %get3A_842] : memref<200x200xbf16, #tpu.memory_space<vmem>>, vector<200x200xbf16>
    %dot_general3A_844 = arith.constant dense<0.000000e+00> : vector<512x200xf32>
    %dot_general3A_845 = tpu.matmul %convert_element_type3A_840, %get3A_843, %dot_general3A_844 {dimension_numbers = #tpu.dot_dimension_numbers<[1], [1], [0], [0], [0, 0, 1, 0], [], []>, transpose_lhs_hint = false} : vector<512x200xbf16>, vector<200x200xbf16>, vector<512x200xf32> -> vector<512x200xf32>
    %add3A_846 = arith.addf %add3A_774, %dot_general3A_845 : vector<512x200xf32>
    %convert_element_type3A_847 = arith.truncf %dot_general3A_839 : vector<512x200xf32> to vector<512x200xbf16>
    %get3A_848 = arith.constant 0 : index
    %get3A_849 = arith.constant 0 : index
    %get3A_850 = vector.load %arg15[%get3A_848, %get3A_849] : memref<200x200xbf16, #tpu.memory_space<vmem>>, vector<200x200xbf16>
    %dot_general3A_851 = arith.constant dense<0.000000e+00> : vector<512x200xf32>
    %dot_general3A_852 = tpu.matmul %convert_element_type3A_847, %get3A_850, %dot_general3A_851 {dimension_numbers = #tpu.dot_dimension_numbers<[1], [1], [0], [0], [0, 0, 1, 0], [], []>, transpose_lhs_hint = false} : vector<512x200xbf16>, vector<200x200xbf16>, vector<512x200xf32> -> vector<512x200xf32>
    %add3A_853 = arith.addf %add3A_846, %dot_general3A_852 : vector<512x200xf32>
    %convert_element_type3A_854 = arith.truncf %add3A_824 : vector<512x200xf32> to vector<512x200xbf16>
    %get3A_855 = arith.constant 0 : index
    %get3A_856 = arith.constant 0 : index
    %get3A_857 = vector.load %arg12[%get3A_855, %get3A_856] : memref<200x200xbf16, #tpu.memory_space<vmem>>, vector<200x200xbf16>
    %dot_general3A_858 = arith.constant dense<0.000000e+00> : vector<512x200xf32>
    %dot_general3A_859 = tpu.matmul %convert_element_type3A_854, %get3A_857, %dot_general3A_858 {dimension_numbers = #tpu.dot_dimension_numbers<[1], [1], [0], [0], [0, 0, 1, 0], [], []>, transpose_lhs_hint = false} : vector<512x200xbf16>, vector<200x200xbf16>, vector<512x200xf32> -> vector<512x200xf32>
    %add3A_860 = arith.addf %add3A_785, %dot_general3A_859 : vector<512x200xf32>
    %convert_element_type3A_861 = arith.truncf %dot_general3A_839 : vector<512x200xf32> to vector<512x200xbf16>
    %get3A_862 = arith.constant 0 : index
    %get3A_863 = arith.constant 0 : index
    %get3A_864 = vector.load %arg16[%get3A_862, %get3A_863] : memref<200x200xbf16, #tpu.memory_space<vmem>>, vector<200x200xbf16>
    %dot_general3A_865 = arith.constant dense<0.000000e+00> : vector<512x200xf32>
    %dot_general3A_866 = tpu.matmul %convert_element_type3A_861, %get3A_864, %dot_general3A_865 {dimension_numbers = #tpu.dot_dimension_numbers<[1], [1], [0], [0], [0, 0, 1, 0], [], []>, transpose_lhs_hint = false} : vector<512x200xbf16>, vector<200x200xbf16>, vector<512x200xf32> -> vector<512x200xf32>
    %add3A_867 = arith.addf %add3A_860, %dot_general3A_866 : vector<512x200xf32>
    %convert_element_type3A_868 = arith.truncf %add3A_824 : vector<512x200xf32> to vector<512x200xbf16>
    %get3A_869 = arith.constant 0 : index
    %get3A_870 = arith.constant 0 : index
    %get3A_871 = vector.load %arg13[%get3A_869, %get3A_870] : memref<200x200xbf16, #tpu.memory_space<vmem>>, vector<200x200xbf16>
    %dot_general3A_872 = arith.constant dense<0.000000e+00> : vector<512x200xf32>
    %dot_general3A_873 = tpu.matmul %convert_element_type3A_868, %get3A_871, %dot_general3A_872 {dimension_numbers = #tpu.dot_dimension_numbers<[1], [1], [0], [0], [0, 0, 1, 0], [], []>, transpose_lhs_hint = false} : vector<512x200xbf16>, vector<200x200xbf16>, vector<512x200xf32> -> vector<512x200xf32>
    %add3A_874 = arith.addf %add3A_796, %dot_general3A_873 : vector<512x200xf32>
    %convert_element_type3A_875 = arith.truncf %dot_general3A_839 : vector<512x200xf32> to vector<512x200xbf16>
    %get3A_876 = arith.constant 0 : index
    %get3A_877 = arith.constant 0 : index
    %get3A_878 = vector.load %arg17[%get3A_876, %get3A_877] : memref<200x200xbf16, #tpu.memory_space<vmem>>, vector<200x200xbf16>
    %dot_general3A_879 = arith.constant dense<0.000000e+00> : vector<512x200xf32>
    %dot_general3A_880 = tpu.matmul %convert_element_type3A_875, %get3A_878, %dot_general3A_879 {dimension_numbers = #tpu.dot_dimension_numbers<[1], [1], [0], [0], [0, 0, 1, 0], [], []>, transpose_lhs_hint = false} : vector<512x200xbf16>, vector<200x200xbf16>, vector<512x200xf32> -> vector<512x200xf32>
    %add3A_881 = arith.addf %add3A_874, %dot_general3A_880 : vector<512x200xf32>
    %convert_element_type3A_882 = arith.truncf %add3A_824 : vector<512x200xf32> to vector<512x200xbf16>
    %get3A_883 = arith.constant 0 : index
    %get3A_884 = arith.constant 0 : index
    %get3A_885 = vector.load %arg14[%get3A_883, %get3A_884] : memref<200x200xbf16, #tpu.memory_space<vmem>>, vector<200x200xbf16>
    %dot_general3A_886 = arith.constant dense<0.000000e+00> : vector<512x200xf32>
    %dot_general3A_887 = tpu.matmul %convert_element_type3A_882, %get3A_885, %dot_general3A_886 {dimension_numbers = #tpu.dot_dimension_numbers<[1], [1], [0], [0], [0, 0, 1, 0], [], []>, transpose_lhs_hint = false} : vector<512x200xbf16>, vector<200x200xbf16>, vector<512x200xf32> -> vector<512x200xf32>
    %add3A_888 = arith.addf %add3A_807, %dot_general3A_887 : vector<512x200xf32>
    %convert_element_type3A_889 = arith.truncf %dot_general3A_839 : vector<512x200xf32> to vector<512x200xbf16>
    %get3A_890 = arith.constant 0 : index
    %get3A_891 = arith.constant 0 : index
    %get3A_892 = vector.load %arg18[%get3A_890, %get3A_891] : memref<200x200xbf16, #tpu.memory_space<vmem>>, vector<200x200xbf16>
    %dot_general3A_893 = arith.constant dense<0.000000e+00> : vector<512x200xf32>
    %dot_general3A_894 = tpu.matmul %convert_element_type3A_889, %get3A_892, %dot_general3A_893 {dimension_numbers = #tpu.dot_dimension_numbers<[1], [1], [0], [0], [0, 0, 1, 0], [], []>, transpose_lhs_hint = false} : vector<512x200xbf16>, vector<200x200xbf16>, vector<512x200xf32> -> vector<512x200xf32>
    %add3A_895 = arith.addf %add3A_888, %dot_general3A_894 : vector<512x200xf32>
    %logistic3A_896 = arith.negf %add3A_853 : vector<512x200xf32>
    %logistic3A_897 = math.exp %logistic3A_896 : vector<512x200xf32>
    %logistic3A_898 = arith.constant 1.000000e+00 : f32
    %logistic3A_899 = vector.broadcast %logistic3A_898 : f32 to vector<512x200xf32>
    %logistic3A_900 = arith.addf %logistic3A_899, %logistic3A_897 : vector<512x200xf32>
    %logistic3A_901 = arith.divf %logistic3A_899, %logistic3A_900 : vector<512x200xf32>
    %tanh3A_902 = math.tanh %add3A_881 : vector<512x200xf32>
    %logistic3A_903 = arith.negf %add3A_867 : vector<512x200xf32>
    %logistic3A_904 = math.exp %logistic3A_903 : vector<512x200xf32>
    %logistic3A_905 = arith.constant 1.000000e+00 : f32
    %logistic3A_906 = vector.broadcast %logistic3A_905 : f32 to vector<512x200xf32>
    %logistic3A_907 = arith.addf %logistic3A_906, %logistic3A_904 : vector<512x200xf32>
    %logistic3A_908 = arith.divf %logistic3A_906, %logistic3A_907 : vector<512x200xf32>
    %mul3A_909 = arith.mulf %logistic3A_908, %mul3A_815 : vector<512x200xf32>
    %mul3A_910 = arith.mulf %logistic3A_901, %tanh3A_902 : vector<512x200xf32>
    %add3A_911 = arith.addf %mul3A_909, %mul3A_910 : vector<512x200xf32>
    %logistic3A_912 = arith.negf %add3A_895 : vector<512x200xf32>
    %logistic3A_913 = math.exp %logistic3A_912 : vector<512x200xf32>
    %logistic3A_914 = arith.constant 1.000000e+00 : f32
    %logistic3A_915 = vector.broadcast %logistic3A_914 : f32 to vector<512x200xf32>
    %logistic3A_916 = arith.addf %logistic3A_915, %logistic3A_913 : vector<512x200xf32>
    %logistic3A_917 = arith.divf %logistic3A_915, %logistic3A_916 : vector<512x200xf32>
    %tanh3A_918 = math.tanh %add3A_911 : vector<512x200xf32>
    %mul3A_919 = arith.mulf %logistic3A_917, %tanh3A_918 : vector<512x200xf32>
    %add3A_920 = arith.addf %add3A_208, %mul3A_919 : vector<512x200xf32>
    %dot_general3A_921 = arith.constant dense<0.000000e+00> : vector<512x3xf32>
    %dot_general3A_922 = tpu.matmul %add3A_920, %concatenate3A_414, %dot_general3A_921 {dimension_numbers = #tpu.dot_dimension_numbers<[1], [1], [0], [0], [0, 0, 1, 0], [], []>, transpose_lhs_hint = false} : vector<512x200xf32>, vector<3x200xf32>, vector<512x3xf32> -> vector<512x3xf32>
    %reduce_max3A_923 = arith.constant dense<0xFF800000> : vector<512xf32>
    %reduce_max3A_924 = vector.multi_reduction <maximumf>, %dot_general3A_922, %reduce_max3A_923 [1] : vector<512x3xf32> to vector<512xf32>
    %broadcast_in_dim3A_925 = vector.shape_cast %reduce_max3A_924 : vector<512xf32> to vector<512x1xf32>
    %sub3A_926 = vector.broadcast %broadcast_in_dim3A_925 : vector<512x1xf32> to vector<512x3xf32>
    %sub3A_927 = arith.subf %dot_general3A_922, %sub3A_926 : vector<512x3xf32>
    %exp3A_928 = math.exp %sub3A_927 : vector<512x3xf32>
    %reduce_sum3A_929 = arith.constant dense<0.000000e+00> : vector<512xf32>
    %reduce_sum3A_930 = vector.multi_reduction <add>, %exp3A_928, %reduce_sum3A_929 [1] : vector<512x3xf32> to vector<512xf32>
    %broadcast_in_dim3A_931 = vector.shape_cast %reduce_sum3A_930 : vector<512xf32> to vector<512x1xf32>
    %div3A_932 = vector.broadcast %broadcast_in_dim3A_931 : vector<512x1xf32> to vector<512x3xf32>
    %div3A_933 = arith.divf %exp3A_928, %div3A_932 : vector<512x3xf32>
    %dot_general3A_934 = arith.constant dense<0.000000e+00> : vector<512x200xf32>
    %dot_general3A_935 = tpu.matmul %div3A_933, %concatenate3A_414, %dot_general3A_934 {dimension_numbers = #tpu.dot_dimension_numbers<[1], [0], [0], [1], [0, 0, 1, 1], [], []>, transpose_lhs_hint = false} : vector<512x3xf32>, vector<3x200xf32>, vector<512x200xf32> -> vector<512x200xf32>
    %convert_element_type3A_936 = arith.truncf %add3A_920 : vector<512x200xf32> to vector<512x200xbf16>
    %get3A_937 = arith.constant 0 : index
    %get3A_938 = arith.constant 0 : index
    %get3A_939 = vector.load %arg11[%get3A_937, %get3A_938] : memref<200x200xbf16, #tpu.memory_space<vmem>>, vector<200x200xbf16>
    %dot_general3A_940 = arith.constant dense<0.000000e+00> : vector<512x200xf32>
    %dot_general3A_941 = tpu.matmul %convert_element_type3A_936, %get3A_939, %dot_general3A_940 {dimension_numbers = #tpu.dot_dimension_numbers<[1], [1], [0], [0], [0, 0, 1, 0], [], []>, transpose_lhs_hint = false} : vector<512x200xbf16>, vector<200x200xbf16>, vector<512x200xf32> -> vector<512x200xf32>
    %add3A_942 = arith.addf %add3A_774, %dot_general3A_941 : vector<512x200xf32>
    %convert_element_type3A_943 = arith.truncf %dot_general3A_935 : vector<512x200xf32> to vector<512x200xbf16>
    %get3A_944 = arith.constant 0 : index
    %get3A_945 = arith.constant 0 : index
    %get3A_946 = vector.load %arg15[%get3A_944, %get3A_945] : memref<200x200xbf16, #tpu.memory_space<vmem>>, vector<200x200xbf16>
    %dot_general3A_947 = arith.constant dense<0.000000e+00> : vector<512x200xf32>
    %dot_general3A_948 = tpu.matmul %convert_element_type3A_943, %get3A_946, %dot_general3A_947 {dimension_numbers = #tpu.dot_dimension_numbers<[1], [1], [0], [0], [0, 0, 1, 0], [], []>, transpose_lhs_hint = false} : vector<512x200xbf16>, vector<200x200xbf16>, vector<512x200xf32> -> vector<512x200xf32>
    %add3A_949 = arith.addf %add3A_942, %dot_general3A_948 : vector<512x200xf32>
    %convert_element_type3A_950 = arith.truncf %add3A_920 : vector<512x200xf32> to vector<512x200xbf16>
    %get3A_951 = arith.constant 0 : index
    %get3A_952 = arith.constant 0 : index
    %get3A_953 = vector.load %arg12[%get3A_951, %get3A_952] : memref<200x200xbf16, #tpu.memory_space<vmem>>, vector<200x200xbf16>
    %dot_general3A_954 = arith.constant dense<0.000000e+00> : vector<512x200xf32>
    %dot_general3A_955 = tpu.matmul %convert_element_type3A_950, %get3A_953, %dot_general3A_954 {dimension_numbers = #tpu.dot_dimension_numbers<[1], [1], [0], [0], [0, 0, 1, 0], [], []>, transpose_lhs_hint = false} : vector<512x200xbf16>, vector<200x200xbf16>, vector<512x200xf32> -> vector<512x200xf32>
    %add3A_956 = arith.addf %add3A_785, %dot_general3A_955 : vector<512x200xf32>
    %convert_element_type3A_957 = arith.truncf %dot_general3A_935 : vector<512x200xf32> to vector<512x200xbf16>
    %get3A_958 = arith.constant 0 : index
    %get3A_959 = arith.constant 0 : index
    %get3A_960 = vector.load %arg16[%get3A_958, %get3A_959] : memref<200x200xbf16, #tpu.memory_space<vmem>>, vector<200x200xbf16>
    %dot_general3A_961 = arith.constant dense<0.000000e+00> : vector<512x200xf32>
    %dot_general3A_962 = tpu.matmul %convert_element_type3A_957, %get3A_960, %dot_general3A_961 {dimension_numbers = #tpu.dot_dimension_numbers<[1], [1], [0], [0], [0, 0, 1, 0], [], []>, transpose_lhs_hint = false} : vector<512x200xbf16>, vector<200x200xbf16>, vector<512x200xf32> -> vector<512x200xf32>
    %add3A_963 = arith.addf %add3A_956, %dot_general3A_962 : vector<512x200xf32>
    %convert_element_type3A_964 = arith.truncf %add3A_920 : vector<512x200xf32> to vector<512x200xbf16>
    %get3A_965 = arith.constant 0 : index
    %get3A_966 = arith.constant 0 : index
    %get3A_967 = vector.load %arg13[%get3A_965, %get3A_966] : memref<200x200xbf16, #tpu.memory_space<vmem>>, vector<200x200xbf16>
    %dot_general3A_968 = arith.constant dense<0.000000e+00> : vector<512x200xf32>
    %dot_general3A_969 = tpu.matmul %convert_element_type3A_964, %get3A_967, %dot_general3A_968 {dimension_numbers = #tpu.dot_dimension_numbers<[1], [1], [0], [0], [0, 0, 1, 0], [], []>, transpose_lhs_hint = false} : vector<512x200xbf16>, vector<200x200xbf16>, vector<512x200xf32> -> vector<512x200xf32>
    %add3A_970 = arith.addf %add3A_796, %dot_general3A_969 : vector<512x200xf32>
    %convert_element_type3A_971 = arith.truncf %dot_general3A_935 : vector<512x200xf32> to vector<512x200xbf16>
    %get3A_972 = arith.constant 0 : index
    %get3A_973 = arith.constant 0 : index
    %get3A_974 = vector.load %arg17[%get3A_972, %get3A_973] : memref<200x200xbf16, #tpu.memory_space<vmem>>, vector<200x200xbf16>
    %dot_general3A_975 = arith.constant dense<0.000000e+00> : vector<512x200xf32>
    %dot_general3A_976 = tpu.matmul %convert_element_type3A_971, %get3A_974, %dot_general3A_975 {dimension_numbers = #tpu.dot_dimension_numbers<[1], [1], [0], [0], [0, 0, 1, 0], [], []>, transpose_lhs_hint = false} : vector<512x200xbf16>, vector<200x200xbf16>, vector<512x200xf32> -> vector<512x200xf32>
    %add3A_977 = arith.addf %add3A_970, %dot_general3A_976 : vector<512x200xf32>
    %convert_element_type3A_978 = arith.truncf %add3A_920 : vector<512x200xf32> to vector<512x200xbf16>
    %get3A_979 = arith.constant 0 : index
    %get3A_980 = arith.constant 0 : index
    %get3A_981 = vector.load %arg14[%get3A_979, %get3A_980] : memref<200x200xbf16, #tpu.memory_space<vmem>>, vector<200x200xbf16>
    %dot_general3A_982 = arith.constant dense<0.000000e+00> : vector<512x200xf32>
    %dot_general3A_983 = tpu.matmul %convert_element_type3A_978, %get3A_981, %dot_general3A_982 {dimension_numbers = #tpu.dot_dimension_numbers<[1], [1], [0], [0], [0, 0, 1, 0], [], []>, transpose_lhs_hint = false} : vector<512x200xbf16>, vector<200x200xbf16>, vector<512x200xf32> -> vector<512x200xf32>
    %add3A_984 = arith.addf %add3A_807, %dot_general3A_983 : vector<512x200xf32>
    %convert_element_type3A_985 = arith.truncf %dot_general3A_935 : vector<512x200xf32> to vector<512x200xbf16>
    %get3A_986 = arith.constant 0 : index
    %get3A_987 = arith.constant 0 : index
    %get3A_988 = vector.load %arg18[%get3A_986, %get3A_987] : memref<200x200xbf16, #tpu.memory_space<vmem>>, vector<200x200xbf16>
    %dot_general3A_989 = arith.constant dense<0.000000e+00> : vector<512x200xf32>
    %dot_general3A_990 = tpu.matmul %convert_element_type3A_985, %get3A_988, %dot_general3A_989 {dimension_numbers = #tpu.dot_dimension_numbers<[1], [1], [0], [0], [0, 0, 1, 0], [], []>, transpose_lhs_hint = false} : vector<512x200xbf16>, vector<200x200xbf16>, vector<512x200xf32> -> vector<512x200xf32>
    %add3A_991 = arith.addf %add3A_984, %dot_general3A_990 : vector<512x200xf32>
    %logistic3A_992 = arith.negf %add3A_949 : vector<512x200xf32>
    %logistic3A_993 = math.exp %logistic3A_992 : vector<512x200xf32>
    %logistic3A_994 = arith.constant 1.000000e+00 : f32
    %logistic3A_995 = vector.broadcast %logistic3A_994 : f32 to vector<512x200xf32>
    %logistic3A_996 = arith.addf %logistic3A_995, %logistic3A_993 : vector<512x200xf32>
    %logistic3A_997 = arith.divf %logistic3A_995, %logistic3A_996 : vector<512x200xf32>
    %tanh3A_998 = math.tanh %add3A_977 : vector<512x200xf32>
    %logistic3A_999 = arith.negf %add3A_963 : vector<512x200xf32>
    %logistic3A_1000 = math.exp %logistic3A_999 : vector<512x200xf32>
    %logistic3A_1001 = arith.constant 1.000000e+00 : f32
    %logistic3A_1002 = vector.broadcast %logistic3A_1001 : f32 to vector<512x200xf32>
    %logistic3A_1003 = arith.addf %logistic3A_1002, %logistic3A_1000 : vector<512x200xf32>
    %logistic3A_1004 = arith.divf %logistic3A_1002, %logistic3A_1003 : vector<512x200xf32>
    %mul3A_1005 = arith.mulf %logistic3A_1004, %add3A_911 : vector<512x200xf32>
    %mul3A_1006 = arith.mulf %logistic3A_997, %tanh3A_998 : vector<512x200xf32>
    %add3A_1007 = arith.addf %mul3A_1005, %mul3A_1006 : vector<512x200xf32>
    %logistic3A_1008 = arith.negf %add3A_991 : vector<512x200xf32>
    %logistic3A_1009 = math.exp %logistic3A_1008 : vector<512x200xf32>
    %logistic3A_1010 = arith.constant 1.000000e+00 : f32
    %logistic3A_1011 = vector.broadcast %logistic3A_1010 : f32 to vector<512x200xf32>
    %logistic3A_1012 = arith.addf %logistic3A_1011, %logistic3A_1009 : vector<512x200xf32>
    %logistic3A_1013 = arith.divf %logistic3A_1011, %logistic3A_1012 : vector<512x200xf32>
    %tanh3A_1014 = math.tanh %add3A_1007 : vector<512x200xf32>
    %mul3A_1015 = arith.mulf %logistic3A_1013, %tanh3A_1014 : vector<512x200xf32>
    %add3A_1016 = arith.addf %add3A_208, %mul3A_1015 : vector<512x200xf32>
    %dot_general3A_1017 = arith.constant dense<0.000000e+00> : vector<512x3xf32>
    %dot_general3A_1018 = tpu.matmul %add3A_1016, %concatenate3A_414, %dot_general3A_1017 {dimension_numbers = #tpu.dot_dimension_numbers<[1], [1], [0], [0], [0, 0, 1, 0], [], []>, transpose_lhs_hint = false} : vector<512x200xf32>, vector<3x200xf32>, vector<512x3xf32> -> vector<512x3xf32>
    %reduce_max3A_1019 = arith.constant dense<0xFF800000> : vector<512xf32>
    %reduce_max3A_1020 = vector.multi_reduction <maximumf>, %dot_general3A_1018, %reduce_max3A_1019 [1] : vector<512x3xf32> to vector<512xf32>
    %broadcast_in_dim3A_1021 = vector.shape_cast %reduce_max3A_1020 : vector<512xf32> to vector<512x1xf32>
    %sub3A_1022 = vector.broadcast %broadcast_in_dim3A_1021 : vector<512x1xf32> to vector<512x3xf32>
    %sub3A_1023 = arith.subf %dot_general3A_1018, %sub3A_1022 : vector<512x3xf32>
    %exp3A_1024 = math.exp %sub3A_1023 : vector<512x3xf32>
    %reduce_sum3A_1025 = arith.constant dense<0.000000e+00> : vector<512xf32>
    %reduce_sum3A_1026 = vector.multi_reduction <add>, %exp3A_1024, %reduce_sum3A_1025 [1] : vector<512x3xf32> to vector<512xf32>
    %broadcast_in_dim3A_1027 = vector.shape_cast %reduce_sum3A_1026 : vector<512xf32> to vector<512x1xf32>
    %div3A_1028 = vector.broadcast %broadcast_in_dim3A_1027 : vector<512x1xf32> to vector<512x3xf32>
    %div3A_1029 = arith.divf %exp3A_1024, %div3A_1028 : vector<512x3xf32>
    %dot_general3A_1030 = arith.constant dense<0.000000e+00> : vector<512x200xf32>
    %dot_general3A_1031 = tpu.matmul %div3A_1029, %concatenate3A_414, %dot_general3A_1030 {dimension_numbers = #tpu.dot_dimension_numbers<[1], [0], [0], [1], [0, 0, 1, 1], [], []>, transpose_lhs_hint = false} : vector<512x3xf32>, vector<3x200xf32>, vector<512x200xf32> -> vector<512x200xf32>
    %convert_element_type3A_1032 = arith.truncf %add3A_1016 : vector<512x200xf32> to vector<512x200xbf16>
    %get3A_1033 = arith.constant 0 : index
    %get3A_1034 = arith.constant 0 : index
    %get3A_1035 = vector.load %arg11[%get3A_1033, %get3A_1034] : memref<200x200xbf16, #tpu.memory_space<vmem>>, vector<200x200xbf16>
    %dot_general3A_1036 = arith.constant dense<0.000000e+00> : vector<512x200xf32>
    %dot_general3A_1037 = tpu.matmul %convert_element_type3A_1032, %get3A_1035, %dot_general3A_1036 {dimension_numbers = #tpu.dot_dimension_numbers<[1], [1], [0], [0], [0, 0, 1, 0], [], []>, transpose_lhs_hint = false} : vector<512x200xbf16>, vector<200x200xbf16>, vector<512x200xf32> -> vector<512x200xf32>
    %add3A_1038 = arith.addf %add3A_774, %dot_general3A_1037 : vector<512x200xf32>
    %convert_element_type3A_1039 = arith.truncf %dot_general3A_1031 : vector<512x200xf32> to vector<512x200xbf16>
    %get3A_1040 = arith.constant 0 : index
    %get3A_1041 = arith.constant 0 : index
    %get3A_1042 = vector.load %arg15[%get3A_1040, %get3A_1041] : memref<200x200xbf16, #tpu.memory_space<vmem>>, vector<200x200xbf16>
    %dot_general3A_1043 = arith.constant dense<0.000000e+00> : vector<512x200xf32>
    %dot_general3A_1044 = tpu.matmul %convert_element_type3A_1039, %get3A_1042, %dot_general3A_1043 {dimension_numbers = #tpu.dot_dimension_numbers<[1], [1], [0], [0], [0, 0, 1, 0], [], []>, transpose_lhs_hint = false} : vector<512x200xbf16>, vector<200x200xbf16>, vector<512x200xf32> -> vector<512x200xf32>
    %add3A_1045 = arith.addf %add3A_1038, %dot_general3A_1044 : vector<512x200xf32>
    %convert_element_type3A_1046 = arith.truncf %add3A_1016 : vector<512x200xf32> to vector<512x200xbf16>
    %get3A_1047 = arith.constant 0 : index
    %get3A_1048 = arith.constant 0 : index
    %get3A_1049 = vector.load %arg12[%get3A_1047, %get3A_1048] : memref<200x200xbf16, #tpu.memory_space<vmem>>, vector<200x200xbf16>
    %dot_general3A_1050 = arith.constant dense<0.000000e+00> : vector<512x200xf32>
    %dot_general3A_1051 = tpu.matmul %convert_element_type3A_1046, %get3A_1049, %dot_general3A_1050 {dimension_numbers = #tpu.dot_dimension_numbers<[1], [1], [0], [0], [0, 0, 1, 0], [], []>, transpose_lhs_hint = false} : vector<512x200xbf16>, vector<200x200xbf16>, vector<512x200xf32> -> vector<512x200xf32>
    %add3A_1052 = arith.addf %add3A_785, %dot_general3A_1051 : vector<512x200xf32>
    %convert_element_type3A_1053 = arith.truncf %dot_general3A_1031 : vector<512x200xf32> to vector<512x200xbf16>
    %get3A_1054 = arith.constant 0 : index
    %get3A_1055 = arith.constant 0 : index
    %get3A_1056 = vector.load %arg16[%get3A_1054, %get3A_1055] : memref<200x200xbf16, #tpu.memory_space<vmem>>, vector<200x200xbf16>
    %dot_general3A_1057 = arith.constant dense<0.000000e+00> : vector<512x200xf32>
    %dot_general3A_1058 = tpu.matmul %convert_element_type3A_1053, %get3A_1056, %dot_general3A_1057 {dimension_numbers = #tpu.dot_dimension_numbers<[1], [1], [0], [0], [0, 0, 1, 0], [], []>, transpose_lhs_hint = false} : vector<512x200xbf16>, vector<200x200xbf16>, vector<512x200xf32> -> vector<512x200xf32>
    %add3A_1059 = arith.addf %add3A_1052, %dot_general3A_1058 : vector<512x200xf32>
    %convert_element_type3A_1060 = arith.truncf %add3A_1016 : vector<512x200xf32> to vector<512x200xbf16>
    %get3A_1061 = arith.constant 0 : index
    %get3A_1062 = arith.constant 0 : index
    %get3A_1063 = vector.load %arg13[%get3A_1061, %get3A_1062] : memref<200x200xbf16, #tpu.memory_space<vmem>>, vector<200x200xbf16>
    %dot_general3A_1064 = arith.constant dense<0.000000e+00> : vector<512x200xf32>
    %dot_general3A_1065 = tpu.matmul %convert_element_type3A_1060, %get3A_1063, %dot_general3A_1064 {dimension_numbers = #tpu.dot_dimension_numbers<[1], [1], [0], [0], [0, 0, 1, 0], [], []>, transpose_lhs_hint = false} : vector<512x200xbf16>, vector<200x200xbf16>, vector<512x200xf32> -> vector<512x200xf32>
    %add3A_1066 = arith.addf %add3A_796, %dot_general3A_1065 : vector<512x200xf32>
    %convert_element_type3A_1067 = arith.truncf %dot_general3A_1031 : vector<512x200xf32> to vector<512x200xbf16>
    %get3A_1068 = arith.constant 0 : index
    %get3A_1069 = arith.constant 0 : index
    %get3A_1070 = vector.load %arg17[%get3A_1068, %get3A_1069] : memref<200x200xbf16, #tpu.memory_space<vmem>>, vector<200x200xbf16>
    %dot_general3A_1071 = arith.constant dense<0.000000e+00> : vector<512x200xf32>
    %dot_general3A_1072 = tpu.matmul %convert_element_type3A_1067, %get3A_1070, %dot_general3A_1071 {dimension_numbers = #tpu.dot_dimension_numbers<[1], [1], [0], [0], [0, 0, 1, 0], [], []>, transpose_lhs_hint = false} : vector<512x200xbf16>, vector<200x200xbf16>, vector<512x200xf32> -> vector<512x200xf32>
    %add3A_1073 = arith.addf %add3A_1066, %dot_general3A_1072 : vector<512x200xf32>
    %convert_element_type3A_1074 = arith.truncf %add3A_1016 : vector<512x200xf32> to vector<512x200xbf16>
    %get3A_1075 = arith.constant 0 : index
    %get3A_1076 = arith.constant 0 : index
    %get3A_1077 = vector.load %arg14[%get3A_1075, %get3A_1076] : memref<200x200xbf16, #tpu.memory_space<vmem>>, vector<200x200xbf16>
    %dot_general3A_1078 = arith.constant dense<0.000000e+00> : vector<512x200xf32>
    %dot_general3A_1079 = tpu.matmul %convert_element_type3A_1074, %get3A_1077, %dot_general3A_1078 {dimension_numbers = #tpu.dot_dimension_numbers<[1], [1], [0], [0], [0, 0, 1, 0], [], []>, transpose_lhs_hint = false} : vector<512x200xbf16>, vector<200x200xbf16>, vector<512x200xf32> -> vector<512x200xf32>
    %add3A_1080 = arith.addf %add3A_807, %dot_general3A_1079 : vector<512x200xf32>
    %convert_element_type3A_1081 = arith.truncf %dot_general3A_1031 : vector<512x200xf32> to vector<512x200xbf16>
    %get3A_1082 = arith.constant 0 : index
    %get3A_1083 = arith.constant 0 : index
    %get3A_1084 = vector.load %arg18[%get3A_1082, %get3A_1083] : memref<200x200xbf16, #tpu.memory_space<vmem>>, vector<200x200xbf16>
    %dot_general3A_1085 = arith.constant dense<0.000000e+00> : vector<512x200xf32>
    %dot_general3A_1086 = tpu.matmul %convert_element_type3A_1081, %get3A_1084, %dot_general3A_1085 {dimension_numbers = #tpu.dot_dimension_numbers<[1], [1], [0], [0], [0, 0, 1, 0], [], []>, transpose_lhs_hint = false} : vector<512x200xbf16>, vector<200x200xbf16>, vector<512x200xf32> -> vector<512x200xf32>
    %add3A_1087 = arith.addf %add3A_1080, %dot_general3A_1086 : vector<512x200xf32>
    %logistic3A_1088 = arith.negf %add3A_1045 : vector<512x200xf32>
    %logistic3A_1089 = math.exp %logistic3A_1088 : vector<512x200xf32>
    %logistic3A_1090 = arith.constant 1.000000e+00 : f32
    %logistic3A_1091 = vector.broadcast %logistic3A_1090 : f32 to vector<512x200xf32>
    %logistic3A_1092 = arith.addf %logistic3A_1091, %logistic3A_1089 : vector<512x200xf32>
    %logistic3A_1093 = arith.divf %logistic3A_1091, %logistic3A_1092 : vector<512x200xf32>
    %tanh3A_1094 = math.tanh %add3A_1073 : vector<512x200xf32>
    %logistic3A_1095 = arith.negf %add3A_1059 : vector<512x200xf32>
    %logistic3A_1096 = math.exp %logistic3A_1095 : vector<512x200xf32>
    %logistic3A_1097 = arith.constant 1.000000e+00 : f32
    %logistic3A_1098 = vector.broadcast %logistic3A_1097 : f32 to vector<512x200xf32>
    %logistic3A_1099 = arith.addf %logistic3A_1098, %logistic3A_1096 : vector<512x200xf32>
    %logistic3A_1100 = arith.divf %logistic3A_1098, %logistic3A_1099 : vector<512x200xf32>
    %mul3A_1101 = arith.mulf %logistic3A_1100, %add3A_1007 : vector<512x200xf32>
    %mul3A_1102 = arith.mulf %logistic3A_1093, %tanh3A_1094 : vector<512x200xf32>
    %add3A_1103 = arith.addf %mul3A_1101, %mul3A_1102 : vector<512x200xf32>
    %logistic3A_1104 = arith.negf %add3A_1087 : vector<512x200xf32>
    %logistic3A_1105 = math.exp %logistic3A_1104 : vector<512x200xf32>
    %logistic3A_1106 = arith.constant 1.000000e+00 : f32
    %logistic3A_1107 = vector.broadcast %logistic3A_1106 : f32 to vector<512x200xf32>
    %logistic3A_1108 = arith.addf %logistic3A_1107, %logistic3A_1105 : vector<512x200xf32>
    %logistic3A_1109 = arith.divf %logistic3A_1107, %logistic3A_1108 : vector<512x200xf32>
    %tanh3A_1110 = math.tanh %add3A_1103 : vector<512x200xf32>
    %mul3A_1111 = arith.mulf %logistic3A_1109, %tanh3A_1110 : vector<512x200xf32>
    %add3A_1112 = arith.addf %add3A_208, %mul3A_1111 : vector<512x200xf32>
    %slice3A_1113 = vector.extract_strided_slice %concatenate3A_414 {offsets = [1, 0], sizes = [1, 200], strides = [1, 1]} : vector<3x200xf32> to vector<1x200xf32>
    %mul3A_1114 = vector.broadcast %slice3A_1113 : vector<1x200xf32> to vector<512x200xf32>
    %mul3A_1115 = arith.mulf %add3A_1112, %mul3A_1114 : vector<512x200xf32>
    %reduce_sum3A_1116 = arith.constant dense<0.000000e+00> : vector<512xf32>
    %reduce_sum3A_1117 = vector.multi_reduction <add>, %mul3A_1115, %reduce_sum3A_1116 [1] : vector<512x200xf32> to vector<512xf32>
    %broadcast_in_dim3A_1118 = vector.shape_cast %reduce_sum3A_1117 : vector<512xf32> to vector<512x1xf32>
    %convert_element_type3A_1119 = arith.truncf %add3A_350 : vector<512x200xf32> to vector<512x200xbf16>
    %get3A_1120 = arith.constant 0 : index
    %get3A_1121 = arith.constant 0 : index
    %get3A_1122 = vector.load %arg7[%get3A_1120, %get3A_1121] : memref<200x200xbf16, #tpu.memory_space<vmem>>, vector<200x200xbf16>
    %dot_general3A_1123 = arith.constant dense<0.000000e+00> : vector<512x200xf32>
    %dot_general3A_1124 = tpu.matmul %convert_element_type3A_1119, %get3A_1122, %dot_general3A_1123 {dimension_numbers = #tpu.dot_dimension_numbers<[1], [1], [0], [0], [0, 0, 1, 0], [], []>, transpose_lhs_hint = false} : vector<512x200xbf16>, vector<200x200xbf16>, vector<512x200xf32> -> vector<512x200xf32>
    %get3A_1125 = arith.constant 0 : index
    %get3A_1126 = arith.constant 0 : index
    %get3A_1127 = vector.load %arg19[%get3A_1125, %get3A_1126] : memref<1x200xf32, #tpu.memory_space<vmem>>, vector<1x200xf32>
    %add3A_1128 = vector.broadcast %get3A_1127 : vector<1x200xf32> to vector<512x200xf32>
    %add3A_1129 = arith.addf %dot_general3A_1124, %add3A_1128 : vector<512x200xf32>
    %convert_element_type3A_1130 = arith.truncf %add3A_350 : vector<512x200xf32> to vector<512x200xbf16>
    %get3A_1131 = arith.constant 0 : index
    %get3A_1132 = arith.constant 0 : index
    %get3A_1133 = vector.load %arg8[%get3A_1131, %get3A_1132] : memref<200x200xbf16, #tpu.memory_space<vmem>>, vector<200x200xbf16>
    %dot_general3A_1134 = arith.constant dense<0.000000e+00> : vector<512x200xf32>
    %dot_general3A_1135 = tpu.matmul %convert_element_type3A_1130, %get3A_1133, %dot_general3A_1134 {dimension_numbers = #tpu.dot_dimension_numbers<[1], [1], [0], [0], [0, 0, 1, 0], [], []>, transpose_lhs_hint = false} : vector<512x200xbf16>, vector<200x200xbf16>, vector<512x200xf32> -> vector<512x200xf32>
    %get3A_1136 = arith.constant 0 : index
    %get3A_1137 = arith.constant 0 : index
    %get3A_1138 = vector.load %arg20[%get3A_1136, %get3A_1137] : memref<1x200xf32, #tpu.memory_space<vmem>>, vector<1x200xf32>
    %add3A_1139 = vector.broadcast %get3A_1138 : vector<1x200xf32> to vector<512x200xf32>
    %add3A_1140 = arith.addf %dot_general3A_1135, %add3A_1139 : vector<512x200xf32>
    %convert_element_type3A_1141 = arith.truncf %add3A_350 : vector<512x200xf32> to vector<512x200xbf16>
    %get3A_1142 = arith.constant 0 : index
    %get3A_1143 = arith.constant 0 : index
    %get3A_1144 = vector.load %arg9[%get3A_1142, %get3A_1143] : memref<200x200xbf16, #tpu.memory_space<vmem>>, vector<200x200xbf16>
    %dot_general3A_1145 = arith.constant dense<0.000000e+00> : vector<512x200xf32>
    %dot_general3A_1146 = tpu.matmul %convert_element_type3A_1141, %get3A_1144, %dot_general3A_1145 {dimension_numbers = #tpu.dot_dimension_numbers<[1], [1], [0], [0], [0, 0, 1, 0], [], []>, transpose_lhs_hint = false} : vector<512x200xbf16>, vector<200x200xbf16>, vector<512x200xf32> -> vector<512x200xf32>
    %get3A_1147 = arith.constant 0 : index
    %get3A_1148 = arith.constant 0 : index
    %get3A_1149 = vector.load %arg21[%get3A_1147, %get3A_1148] : memref<1x200xf32, #tpu.memory_space<vmem>>, vector<1x200xf32>
    %add3A_1150 = vector.broadcast %get3A_1149 : vector<1x200xf32> to vector<512x200xf32>
    %add3A_1151 = arith.addf %dot_general3A_1146, %add3A_1150 : vector<512x200xf32>
    %convert_element_type3A_1152 = arith.truncf %add3A_350 : vector<512x200xf32> to vector<512x200xbf16>
    %get3A_1153 = arith.constant 0 : index
    %get3A_1154 = arith.constant 0 : index
    %get3A_1155 = vector.load %arg10[%get3A_1153, %get3A_1154] : memref<200x200xbf16, #tpu.memory_space<vmem>>, vector<200x200xbf16>
    %dot_general3A_1156 = arith.constant dense<0.000000e+00> : vector<512x200xf32>
    %dot_general3A_1157 = tpu.matmul %convert_element_type3A_1152, %get3A_1155, %dot_general3A_1156 {dimension_numbers = #tpu.dot_dimension_numbers<[1], [1], [0], [0], [0, 0, 1, 0], [], []>, transpose_lhs_hint = false} : vector<512x200xbf16>, vector<200x200xbf16>, vector<512x200xf32> -> vector<512x200xf32>
    %get3A_1158 = arith.constant 0 : index
    %get3A_1159 = arith.constant 0 : index
    %get3A_1160 = vector.load %arg22[%get3A_1158, %get3A_1159] : memref<1x200xf32, #tpu.memory_space<vmem>>, vector<1x200xf32>
    %add3A_1161 = vector.broadcast %get3A_1160 : vector<1x200xf32> to vector<512x200xf32>
    %add3A_1162 = arith.addf %dot_general3A_1157, %add3A_1161 : vector<512x200xf32>
    %logistic3A_1163 = arith.negf %add3A_1129 : vector<512x200xf32>
    %logistic3A_1164 = math.exp %logistic3A_1163 : vector<512x200xf32>
    %logistic3A_1165 = arith.constant 1.000000e+00 : f32
    %logistic3A_1166 = vector.broadcast %logistic3A_1165 : f32 to vector<512x200xf32>
    %logistic3A_1167 = arith.addf %logistic3A_1166, %logistic3A_1164 : vector<512x200xf32>
    %logistic3A_1168 = arith.divf %logistic3A_1166, %logistic3A_1167 : vector<512x200xf32>
    %tanh3A_1169 = math.tanh %add3A_1151 : vector<512x200xf32>
    %mul3A_1170 = arith.mulf %logistic3A_1168, %tanh3A_1169 : vector<512x200xf32>
    %logistic3A_1171 = arith.negf %add3A_1162 : vector<512x200xf32>
    %logistic3A_1172 = math.exp %logistic3A_1171 : vector<512x200xf32>
    %logistic3A_1173 = arith.constant 1.000000e+00 : f32
    %logistic3A_1174 = vector.broadcast %logistic3A_1173 : f32 to vector<512x200xf32>
    %logistic3A_1175 = arith.addf %logistic3A_1174, %logistic3A_1172 : vector<512x200xf32>
    %logistic3A_1176 = arith.divf %logistic3A_1174, %logistic3A_1175 : vector<512x200xf32>
    %tanh3A_1177 = math.tanh %mul3A_1170 : vector<512x200xf32>
    %mul3A_1178 = arith.mulf %logistic3A_1176, %tanh3A_1177 : vector<512x200xf32>
    %add3A_1179 = arith.addf %add3A_350, %mul3A_1178 : vector<512x200xf32>
    %dot_general3A_1180 = arith.constant dense<0.000000e+00> : vector<512x3xf32>
    %dot_general3A_1181 = tpu.matmul %add3A_1179, %concatenate3A_414, %dot_general3A_1180 {dimension_numbers = #tpu.dot_dimension_numbers<[1], [1], [0], [0], [0, 0, 1, 0], [], []>, transpose_lhs_hint = false} : vector<512x200xf32>, vector<3x200xf32>, vector<512x3xf32> -> vector<512x3xf32>
    %reduce_max3A_1182 = arith.constant dense<0xFF800000> : vector<512xf32>
    %reduce_max3A_1183 = vector.multi_reduction <maximumf>, %dot_general3A_1181, %reduce_max3A_1182 [1] : vector<512x3xf32> to vector<512xf32>
    %broadcast_in_dim3A_1184 = vector.shape_cast %reduce_max3A_1183 : vector<512xf32> to vector<512x1xf32>
    %sub3A_1185 = vector.broadcast %broadcast_in_dim3A_1184 : vector<512x1xf32> to vector<512x3xf32>
    %sub3A_1186 = arith.subf %dot_general3A_1181, %sub3A_1185 : vector<512x3xf32>
    %exp3A_1187 = math.exp %sub3A_1186 : vector<512x3xf32>
    %reduce_sum3A_1188 = arith.constant dense<0.000000e+00> : vector<512xf32>
    %reduce_sum3A_1189 = vector.multi_reduction <add>, %exp3A_1187, %reduce_sum3A_1188 [1] : vector<512x3xf32> to vector<512xf32>
    %broadcast_in_dim3A_1190 = vector.shape_cast %reduce_sum3A_1189 : vector<512xf32> to vector<512x1xf32>
    %div3A_1191 = vector.broadcast %broadcast_in_dim3A_1190 : vector<512x1xf32> to vector<512x3xf32>
    %div3A_1192 = arith.divf %exp3A_1187, %div3A_1191 : vector<512x3xf32>
    %dot_general3A_1193 = arith.constant dense<0.000000e+00> : vector<512x200xf32>
    %dot_general3A_1194 = tpu.matmul %div3A_1192, %concatenate3A_414, %dot_general3A_1193 {dimension_numbers = #tpu.dot_dimension_numbers<[1], [0], [0], [1], [0, 0, 1, 1], [], []>, transpose_lhs_hint = false} : vector<512x3xf32>, vector<3x200xf32>, vector<512x200xf32> -> vector<512x200xf32>
    %convert_element_type3A_1195 = arith.truncf %add3A_1179 : vector<512x200xf32> to vector<512x200xbf16>
    %get3A_1196 = arith.constant 0 : index
    %get3A_1197 = arith.constant 0 : index
    %get3A_1198 = vector.load %arg11[%get3A_1196, %get3A_1197] : memref<200x200xbf16, #tpu.memory_space<vmem>>, vector<200x200xbf16>
    %dot_general3A_1199 = arith.constant dense<0.000000e+00> : vector<512x200xf32>
    %dot_general3A_1200 = tpu.matmul %convert_element_type3A_1195, %get3A_1198, %dot_general3A_1199 {dimension_numbers = #tpu.dot_dimension_numbers<[1], [1], [0], [0], [0, 0, 1, 0], [], []>, transpose_lhs_hint = false} : vector<512x200xbf16>, vector<200x200xbf16>, vector<512x200xf32> -> vector<512x200xf32>
    %add3A_1201 = arith.addf %add3A_1129, %dot_general3A_1200 : vector<512x200xf32>
    %convert_element_type3A_1202 = arith.truncf %dot_general3A_1194 : vector<512x200xf32> to vector<512x200xbf16>
    %get3A_1203 = arith.constant 0 : index
    %get3A_1204 = arith.constant 0 : index
    %get3A_1205 = vector.load %arg15[%get3A_1203, %get3A_1204] : memref<200x200xbf16, #tpu.memory_space<vmem>>, vector<200x200xbf16>
    %dot_general3A_1206 = arith.constant dense<0.000000e+00> : vector<512x200xf32>
    %dot_general3A_1207 = tpu.matmul %convert_element_type3A_1202, %get3A_1205, %dot_general3A_1206 {dimension_numbers = #tpu.dot_dimension_numbers<[1], [1], [0], [0], [0, 0, 1, 0], [], []>, transpose_lhs_hint = false} : vector<512x200xbf16>, vector<200x200xbf16>, vector<512x200xf32> -> vector<512x200xf32>
    %add3A_1208 = arith.addf %add3A_1201, %dot_general3A_1207 : vector<512x200xf32>
    %convert_element_type3A_1209 = arith.truncf %add3A_1179 : vector<512x200xf32> to vector<512x200xbf16>
    %get3A_1210 = arith.constant 0 : index
    %get3A_1211 = arith.constant 0 : index
    %get3A_1212 = vector.load %arg12[%get3A_1210, %get3A_1211] : memref<200x200xbf16, #tpu.memory_space<vmem>>, vector<200x200xbf16>
    %dot_general3A_1213 = arith.constant dense<0.000000e+00> : vector<512x200xf32>
    %dot_general3A_1214 = tpu.matmul %convert_element_type3A_1209, %get3A_1212, %dot_general3A_1213 {dimension_numbers = #tpu.dot_dimension_numbers<[1], [1], [0], [0], [0, 0, 1, 0], [], []>, transpose_lhs_hint = false} : vector<512x200xbf16>, vector<200x200xbf16>, vector<512x200xf32> -> vector<512x200xf32>
    %add3A_1215 = arith.addf %add3A_1140, %dot_general3A_1214 : vector<512x200xf32>
    %convert_element_type3A_1216 = arith.truncf %dot_general3A_1194 : vector<512x200xf32> to vector<512x200xbf16>
    %get3A_1217 = arith.constant 0 : index
    %get3A_1218 = arith.constant 0 : index
    %get3A_1219 = vector.load %arg16[%get3A_1217, %get3A_1218] : memref<200x200xbf16, #tpu.memory_space<vmem>>, vector<200x200xbf16>
    %dot_general3A_1220 = arith.constant dense<0.000000e+00> : vector<512x200xf32>
    %dot_general3A_1221 = tpu.matmul %convert_element_type3A_1216, %get3A_1219, %dot_general3A_1220 {dimension_numbers = #tpu.dot_dimension_numbers<[1], [1], [0], [0], [0, 0, 1, 0], [], []>, transpose_lhs_hint = false} : vector<512x200xbf16>, vector<200x200xbf16>, vector<512x200xf32> -> vector<512x200xf32>
    %add3A_1222 = arith.addf %add3A_1215, %dot_general3A_1221 : vector<512x200xf32>
    %convert_element_type3A_1223 = arith.truncf %add3A_1179 : vector<512x200xf32> to vector<512x200xbf16>
    %get3A_1224 = arith.constant 0 : index
    %get3A_1225 = arith.constant 0 : index
    %get3A_1226 = vector.load %arg13[%get3A_1224, %get3A_1225] : memref<200x200xbf16, #tpu.memory_space<vmem>>, vector<200x200xbf16>
    %dot_general3A_1227 = arith.constant dense<0.000000e+00> : vector<512x200xf32>
    %dot_general3A_1228 = tpu.matmul %convert_element_type3A_1223, %get3A_1226, %dot_general3A_1227 {dimension_numbers = #tpu.dot_dimension_numbers<[1], [1], [0], [0], [0, 0, 1, 0], [], []>, transpose_lhs_hint = false} : vector<512x200xbf16>, vector<200x200xbf16>, vector<512x200xf32> -> vector<512x200xf32>
    %add3A_1229 = arith.addf %add3A_1151, %dot_general3A_1228 : vector<512x200xf32>
    %convert_element_type3A_1230 = arith.truncf %dot_general3A_1194 : vector<512x200xf32> to vector<512x200xbf16>
    %get3A_1231 = arith.constant 0 : index
    %get3A_1232 = arith.constant 0 : index
    %get3A_1233 = vector.load %arg17[%get3A_1231, %get3A_1232] : memref<200x200xbf16, #tpu.memory_space<vmem>>, vector<200x200xbf16>
    %dot_general3A_1234 = arith.constant dense<0.000000e+00> : vector<512x200xf32>
    %dot_general3A_1235 = tpu.matmul %convert_element_type3A_1230, %get3A_1233, %dot_general3A_1234 {dimension_numbers = #tpu.dot_dimension_numbers<[1], [1], [0], [0], [0, 0, 1, 0], [], []>, transpose_lhs_hint = false} : vector<512x200xbf16>, vector<200x200xbf16>, vector<512x200xf32> -> vector<512x200xf32>
    %add3A_1236 = arith.addf %add3A_1229, %dot_general3A_1235 : vector<512x200xf32>
    %convert_element_type3A_1237 = arith.truncf %add3A_1179 : vector<512x200xf32> to vector<512x200xbf16>
    %get3A_1238 = arith.constant 0 : index
    %get3A_1239 = arith.constant 0 : index
    %get3A_1240 = vector.load %arg14[%get3A_1238, %get3A_1239] : memref<200x200xbf16, #tpu.memory_space<vmem>>, vector<200x200xbf16>
    %dot_general3A_1241 = arith.constant dense<0.000000e+00> : vector<512x200xf32>
    %dot_general3A_1242 = tpu.matmul %convert_element_type3A_1237, %get3A_1240, %dot_general3A_1241 {dimension_numbers = #tpu.dot_dimension_numbers<[1], [1], [0], [0], [0, 0, 1, 0], [], []>, transpose_lhs_hint = false} : vector<512x200xbf16>, vector<200x200xbf16>, vector<512x200xf32> -> vector<512x200xf32>
    %add3A_1243 = arith.addf %add3A_1162, %dot_general3A_1242 : vector<512x200xf32>
    %convert_element_type3A_1244 = arith.truncf %dot_general3A_1194 : vector<512x200xf32> to vector<512x200xbf16>
    %get3A_1245 = arith.constant 0 : index
    %get3A_1246 = arith.constant 0 : index
    %get3A_1247 = vector.load %arg18[%get3A_1245, %get3A_1246] : memref<200x200xbf16, #tpu.memory_space<vmem>>, vector<200x200xbf16>
    %dot_general3A_1248 = arith.constant dense<0.000000e+00> : vector<512x200xf32>
    %dot_general3A_1249 = tpu.matmul %convert_element_type3A_1244, %get3A_1247, %dot_general3A_1248 {dimension_numbers = #tpu.dot_dimension_numbers<[1], [1], [0], [0], [0, 0, 1, 0], [], []>, transpose_lhs_hint = false} : vector<512x200xbf16>, vector<200x200xbf16>, vector<512x200xf32> -> vector<512x200xf32>
    %add3A_1250 = arith.addf %add3A_1243, %dot_general3A_1249 : vector<512x200xf32>
    %logistic3A_1251 = arith.negf %add3A_1208 : vector<512x200xf32>
    %logistic3A_1252 = math.exp %logistic3A_1251 : vector<512x200xf32>
    %logistic3A_1253 = arith.constant 1.000000e+00 : f32
    %logistic3A_1254 = vector.broadcast %logistic3A_1253 : f32 to vector<512x200xf32>
    %logistic3A_1255 = arith.addf %logistic3A_1254, %logistic3A_1252 : vector<512x200xf32>
    %logistic3A_1256 = arith.divf %logistic3A_1254, %logistic3A_1255 : vector<512x200xf32>
    %tanh3A_1257 = math.tanh %add3A_1236 : vector<512x200xf32>
    %logistic3A_1258 = arith.negf %add3A_1222 : vector<512x200xf32>
    %logistic3A_1259 = math.exp %logistic3A_1258 : vector<512x200xf32>
    %logistic3A_1260 = arith.constant 1.000000e+00 : f32
    %logistic3A_1261 = vector.broadcast %logistic3A_1260 : f32 to vector<512x200xf32>
    %logistic3A_1262 = arith.addf %logistic3A_1261, %logistic3A_1259 : vector<512x200xf32>
    %logistic3A_1263 = arith.divf %logistic3A_1261, %logistic3A_1262 : vector<512x200xf32>
    %mul3A_1264 = arith.mulf %logistic3A_1263, %mul3A_1170 : vector<512x200xf32>
    %mul3A_1265 = arith.mulf %logistic3A_1256, %tanh3A_1257 : vector<512x200xf32>
    %add3A_1266 = arith.addf %mul3A_1264, %mul3A_1265 : vector<512x200xf32>
    %logistic3A_1267 = arith.negf %add3A_1250 : vector<512x200xf32>
    %logistic3A_1268 = math.exp %logistic3A_1267 : vector<512x200xf32>
    %logistic3A_1269 = arith.constant 1.000000e+00 : f32
    %logistic3A_1270 = vector.broadcast %logistic3A_1269 : f32 to vector<512x200xf32>
    %logistic3A_1271 = arith.addf %logistic3A_1270, %logistic3A_1268 : vector<512x200xf32>
    %logistic3A_1272 = arith.divf %logistic3A_1270, %logistic3A_1271 : vector<512x200xf32>
    %tanh3A_1273 = math.tanh %add3A_1266 : vector<512x200xf32>
    %mul3A_1274 = arith.mulf %logistic3A_1272, %tanh3A_1273 : vector<512x200xf32>
    %add3A_1275 = arith.addf %add3A_350, %mul3A_1274 : vector<512x200xf32>
    %dot_general3A_1276 = arith.constant dense<0.000000e+00> : vector<512x3xf32>
    %dot_general3A_1277 = tpu.matmul %add3A_1275, %concatenate3A_414, %dot_general3A_1276 {dimension_numbers = #tpu.dot_dimension_numbers<[1], [1], [0], [0], [0, 0, 1, 0], [], []>, transpose_lhs_hint = false} : vector<512x200xf32>, vector<3x200xf32>, vector<512x3xf32> -> vector<512x3xf32>
    %reduce_max3A_1278 = arith.constant dense<0xFF800000> : vector<512xf32>
    %reduce_max3A_1279 = vector.multi_reduction <maximumf>, %dot_general3A_1277, %reduce_max3A_1278 [1] : vector<512x3xf32> to vector<512xf32>
    %broadcast_in_dim3A_1280 = vector.shape_cast %reduce_max3A_1279 : vector<512xf32> to vector<512x1xf32>
    %sub3A_1281 = vector.broadcast %broadcast_in_dim3A_1280 : vector<512x1xf32> to vector<512x3xf32>
    %sub3A_1282 = arith.subf %dot_general3A_1277, %sub3A_1281 : vector<512x3xf32>
    %exp3A_1283 = math.exp %sub3A_1282 : vector<512x3xf32>
    %reduce_sum3A_1284 = arith.constant dense<0.000000e+00> : vector<512xf32>
    %reduce_sum3A_1285 = vector.multi_reduction <add>, %exp3A_1283, %reduce_sum3A_1284 [1] : vector<512x3xf32> to vector<512xf32>
    %broadcast_in_dim3A_1286 = vector.shape_cast %reduce_sum3A_1285 : vector<512xf32> to vector<512x1xf32>
    %div3A_1287 = vector.broadcast %broadcast_in_dim3A_1286 : vector<512x1xf32> to vector<512x3xf32>
    %div3A_1288 = arith.divf %exp3A_1283, %div3A_1287 : vector<512x3xf32>
    %dot_general3A_1289 = arith.constant dense<0.000000e+00> : vector<512x200xf32>
    %dot_general3A_1290 = tpu.matmul %div3A_1288, %concatenate3A_414, %dot_general3A_1289 {dimension_numbers = #tpu.dot_dimension_numbers<[1], [0], [0], [1], [0, 0, 1, 1], [], []>, transpose_lhs_hint = false} : vector<512x3xf32>, vector<3x200xf32>, vector<512x200xf32> -> vector<512x200xf32>
    %convert_element_type3A_1291 = arith.truncf %add3A_1275 : vector<512x200xf32> to vector<512x200xbf16>
    %get3A_1292 = arith.constant 0 : index
    %get3A_1293 = arith.constant 0 : index
    %get3A_1294 = vector.load %arg11[%get3A_1292, %get3A_1293] : memref<200x200xbf16, #tpu.memory_space<vmem>>, vector<200x200xbf16>
    %dot_general3A_1295 = arith.constant dense<0.000000e+00> : vector<512x200xf32>
    %dot_general3A_1296 = tpu.matmul %convert_element_type3A_1291, %get3A_1294, %dot_general3A_1295 {dimension_numbers = #tpu.dot_dimension_numbers<[1], [1], [0], [0], [0, 0, 1, 0], [], []>, transpose_lhs_hint = false} : vector<512x200xbf16>, vector<200x200xbf16>, vector<512x200xf32> -> vector<512x200xf32>
    %add3A_1297 = arith.addf %add3A_1129, %dot_general3A_1296 : vector<512x200xf32>
    %convert_element_type3A_1298 = arith.truncf %dot_general3A_1290 : vector<512x200xf32> to vector<512x200xbf16>
    %get3A_1299 = arith.constant 0 : index
    %get3A_1300 = arith.constant 0 : index
    %get3A_1301 = vector.load %arg15[%get3A_1299, %get3A_1300] : memref<200x200xbf16, #tpu.memory_space<vmem>>, vector<200x200xbf16>
    %dot_general3A_1302 = arith.constant dense<0.000000e+00> : vector<512x200xf32>
    %dot_general3A_1303 = tpu.matmul %convert_element_type3A_1298, %get3A_1301, %dot_general3A_1302 {dimension_numbers = #tpu.dot_dimension_numbers<[1], [1], [0], [0], [0, 0, 1, 0], [], []>, transpose_lhs_hint = false} : vector<512x200xbf16>, vector<200x200xbf16>, vector<512x200xf32> -> vector<512x200xf32>
    %add3A_1304 = arith.addf %add3A_1297, %dot_general3A_1303 : vector<512x200xf32>
    %convert_element_type3A_1305 = arith.truncf %add3A_1275 : vector<512x200xf32> to vector<512x200xbf16>
    %get3A_1306 = arith.constant 0 : index
    %get3A_1307 = arith.constant 0 : index
    %get3A_1308 = vector.load %arg12[%get3A_1306, %get3A_1307] : memref<200x200xbf16, #tpu.memory_space<vmem>>, vector<200x200xbf16>
    %dot_general3A_1309 = arith.constant dense<0.000000e+00> : vector<512x200xf32>
    %dot_general3A_1310 = tpu.matmul %convert_element_type3A_1305, %get3A_1308, %dot_general3A_1309 {dimension_numbers = #tpu.dot_dimension_numbers<[1], [1], [0], [0], [0, 0, 1, 0], [], []>, transpose_lhs_hint = false} : vector<512x200xbf16>, vector<200x200xbf16>, vector<512x200xf32> -> vector<512x200xf32>
    %add3A_1311 = arith.addf %add3A_1140, %dot_general3A_1310 : vector<512x200xf32>
    %convert_element_type3A_1312 = arith.truncf %dot_general3A_1290 : vector<512x200xf32> to vector<512x200xbf16>
    %get3A_1313 = arith.constant 0 : index
    %get3A_1314 = arith.constant 0 : index
    %get3A_1315 = vector.load %arg16[%get3A_1313, %get3A_1314] : memref<200x200xbf16, #tpu.memory_space<vmem>>, vector<200x200xbf16>
    %dot_general3A_1316 = arith.constant dense<0.000000e+00> : vector<512x200xf32>
    %dot_general3A_1317 = tpu.matmul %convert_element_type3A_1312, %get3A_1315, %dot_general3A_1316 {dimension_numbers = #tpu.dot_dimension_numbers<[1], [1], [0], [0], [0, 0, 1, 0], [], []>, transpose_lhs_hint = false} : vector<512x200xbf16>, vector<200x200xbf16>, vector<512x200xf32> -> vector<512x200xf32>
    %add3A_1318 = arith.addf %add3A_1311, %dot_general3A_1317 : vector<512x200xf32>
    %convert_element_type3A_1319 = arith.truncf %add3A_1275 : vector<512x200xf32> to vector<512x200xbf16>
    %get3A_1320 = arith.constant 0 : index
    %get3A_1321 = arith.constant 0 : index
    %get3A_1322 = vector.load %arg13[%get3A_1320, %get3A_1321] : memref<200x200xbf16, #tpu.memory_space<vmem>>, vector<200x200xbf16>
    %dot_general3A_1323 = arith.constant dense<0.000000e+00> : vector<512x200xf32>
    %dot_general3A_1324 = tpu.matmul %convert_element_type3A_1319, %get3A_1322, %dot_general3A_1323 {dimension_numbers = #tpu.dot_dimension_numbers<[1], [1], [0], [0], [0, 0, 1, 0], [], []>, transpose_lhs_hint = false} : vector<512x200xbf16>, vector<200x200xbf16>, vector<512x200xf32> -> vector<512x200xf32>
    %add3A_1325 = arith.addf %add3A_1151, %dot_general3A_1324 : vector<512x200xf32>
    %convert_element_type3A_1326 = arith.truncf %dot_general3A_1290 : vector<512x200xf32> to vector<512x200xbf16>
    %get3A_1327 = arith.constant 0 : index
    %get3A_1328 = arith.constant 0 : index
    %get3A_1329 = vector.load %arg17[%get3A_1327, %get3A_1328] : memref<200x200xbf16, #tpu.memory_space<vmem>>, vector<200x200xbf16>
    %dot_general3A_1330 = arith.constant dense<0.000000e+00> : vector<512x200xf32>
    %dot_general3A_1331 = tpu.matmul %convert_element_type3A_1326, %get3A_1329, %dot_general3A_1330 {dimension_numbers = #tpu.dot_dimension_numbers<[1], [1], [0], [0], [0, 0, 1, 0], [], []>, transpose_lhs_hint = false} : vector<512x200xbf16>, vector<200x200xbf16>, vector<512x200xf32> -> vector<512x200xf32>
    %add3A_1332 = arith.addf %add3A_1325, %dot_general3A_1331 : vector<512x200xf32>
    %convert_element_type3A_1333 = arith.truncf %add3A_1275 : vector<512x200xf32> to vector<512x200xbf16>
    %get3A_1334 = arith.constant 0 : index
    %get3A_1335 = arith.constant 0 : index
    %get3A_1336 = vector.load %arg14[%get3A_1334, %get3A_1335] : memref<200x200xbf16, #tpu.memory_space<vmem>>, vector<200x200xbf16>
    %dot_general3A_1337 = arith.constant dense<0.000000e+00> : vector<512x200xf32>
    %dot_general3A_1338 = tpu.matmul %convert_element_type3A_1333, %get3A_1336, %dot_general3A_1337 {dimension_numbers = #tpu.dot_dimension_numbers<[1], [1], [0], [0], [0, 0, 1, 0], [], []>, transpose_lhs_hint = false} : vector<512x200xbf16>, vector<200x200xbf16>, vector<512x200xf32> -> vector<512x200xf32>
    %add3A_1339 = arith.addf %add3A_1162, %dot_general3A_1338 : vector<512x200xf32>
    %convert_element_type3A_1340 = arith.truncf %dot_general3A_1290 : vector<512x200xf32> to vector<512x200xbf16>
    %get3A_1341 = arith.constant 0 : index
    %get3A_1342 = arith.constant 0 : index
    %get3A_1343 = vector.load %arg18[%get3A_1341, %get3A_1342] : memref<200x200xbf16, #tpu.memory_space<vmem>>, vector<200x200xbf16>
    %dot_general3A_1344 = arith.constant dense<0.000000e+00> : vector<512x200xf32>
    %dot_general3A_1345 = tpu.matmul %convert_element_type3A_1340, %get3A_1343, %dot_general3A_1344 {dimension_numbers = #tpu.dot_dimension_numbers<[1], [1], [0], [0], [0, 0, 1, 0], [], []>, transpose_lhs_hint = false} : vector<512x200xbf16>, vector<200x200xbf16>, vector<512x200xf32> -> vector<512x200xf32>
    %add3A_1346 = arith.addf %add3A_1339, %dot_general3A_1345 : vector<512x200xf32>
    %logistic3A_1347 = arith.negf %add3A_1304 : vector<512x200xf32>
    %logistic3A_1348 = math.exp %logistic3A_1347 : vector<512x200xf32>
    %logistic3A_1349 = arith.constant 1.000000e+00 : f32
    %logistic3A_1350 = vector.broadcast %logistic3A_1349 : f32 to vector<512x200xf32>
    %logistic3A_1351 = arith.addf %logistic3A_1350, %logistic3A_1348 : vector<512x200xf32>
    %logistic3A_1352 = arith.divf %logistic3A_1350, %logistic3A_1351 : vector<512x200xf32>
    %tanh3A_1353 = math.tanh %add3A_1332 : vector<512x200xf32>
    %logistic3A_1354 = arith.negf %add3A_1318 : vector<512x200xf32>
    %logistic3A_1355 = math.exp %logistic3A_1354 : vector<512x200xf32>
    %logistic3A_1356 = arith.constant 1.000000e+00 : f32
    %logistic3A_1357 = vector.broadcast %logistic3A_1356 : f32 to vector<512x200xf32>
    %logistic3A_1358 = arith.addf %logistic3A_1357, %logistic3A_1355 : vector<512x200xf32>
    %logistic3A_1359 = arith.divf %logistic3A_1357, %logistic3A_1358 : vector<512x200xf32>
    %mul3A_1360 = arith.mulf %logistic3A_1359, %add3A_1266 : vector<512x200xf32>
    %mul3A_1361 = arith.mulf %logistic3A_1352, %tanh3A_1353 : vector<512x200xf32>
    %add3A_1362 = arith.addf %mul3A_1360, %mul3A_1361 : vector<512x200xf32>
    %logistic3A_1363 = arith.negf %add3A_1346 : vector<512x200xf32>
    %logistic3A_1364 = math.exp %logistic3A_1363 : vector<512x200xf32>
    %logistic3A_1365 = arith.constant 1.000000e+00 : f32
    %logistic3A_1366 = vector.broadcast %logistic3A_1365 : f32 to vector<512x200xf32>
    %logistic3A_1367 = arith.addf %logistic3A_1366, %logistic3A_1364 : vector<512x200xf32>
    %logistic3A_1368 = arith.divf %logistic3A_1366, %logistic3A_1367 : vector<512x200xf32>
    %tanh3A_1369 = math.tanh %add3A_1362 : vector<512x200xf32>
    %mul3A_1370 = arith.mulf %logistic3A_1368, %tanh3A_1369 : vector<512x200xf32>
    %add3A_1371 = arith.addf %add3A_350, %mul3A_1370 : vector<512x200xf32>
    %dot_general3A_1372 = arith.constant dense<0.000000e+00> : vector<512x3xf32>
    %dot_general3A_1373 = tpu.matmul %add3A_1371, %concatenate3A_414, %dot_general3A_1372 {dimension_numbers = #tpu.dot_dimension_numbers<[1], [1], [0], [0], [0, 0, 1, 0], [], []>, transpose_lhs_hint = false} : vector<512x200xf32>, vector<3x200xf32>, vector<512x3xf32> -> vector<512x3xf32>
    %reduce_max3A_1374 = arith.constant dense<0xFF800000> : vector<512xf32>
    %reduce_max3A_1375 = vector.multi_reduction <maximumf>, %dot_general3A_1373, %reduce_max3A_1374 [1] : vector<512x3xf32> to vector<512xf32>
    %broadcast_in_dim3A_1376 = vector.shape_cast %reduce_max3A_1375 : vector<512xf32> to vector<512x1xf32>
    %sub3A_1377 = vector.broadcast %broadcast_in_dim3A_1376 : vector<512x1xf32> to vector<512x3xf32>
    %sub3A_1378 = arith.subf %dot_general3A_1373, %sub3A_1377 : vector<512x3xf32>
    %exp3A_1379 = math.exp %sub3A_1378 : vector<512x3xf32>
    %reduce_sum3A_1380 = arith.constant dense<0.000000e+00> : vector<512xf32>
    %reduce_sum3A_1381 = vector.multi_reduction <add>, %exp3A_1379, %reduce_sum3A_1380 [1] : vector<512x3xf32> to vector<512xf32>
    %broadcast_in_dim3A_1382 = vector.shape_cast %reduce_sum3A_1381 : vector<512xf32> to vector<512x1xf32>
    %div3A_1383 = vector.broadcast %broadcast_in_dim3A_1382 : vector<512x1xf32> to vector<512x3xf32>
    %div3A_1384 = arith.divf %exp3A_1379, %div3A_1383 : vector<512x3xf32>
    %dot_general3A_1385 = arith.constant dense<0.000000e+00> : vector<512x200xf32>
    %dot_general3A_1386 = tpu.matmul %div3A_1384, %concatenate3A_414, %dot_general3A_1385 {dimension_numbers = #tpu.dot_dimension_numbers<[1], [0], [0], [1], [0, 0, 1, 1], [], []>, transpose_lhs_hint = false} : vector<512x3xf32>, vector<3x200xf32>, vector<512x200xf32> -> vector<512x200xf32>
    %convert_element_type3A_1387 = arith.truncf %add3A_1371 : vector<512x200xf32> to vector<512x200xbf16>
    %get3A_1388 = arith.constant 0 : index
    %get3A_1389 = arith.constant 0 : index
    %get3A_1390 = vector.load %arg11[%get3A_1388, %get3A_1389] : memref<200x200xbf16, #tpu.memory_space<vmem>>, vector<200x200xbf16>
    %dot_general3A_1391 = arith.constant dense<0.000000e+00> : vector<512x200xf32>
    %dot_general3A_1392 = tpu.matmul %convert_element_type3A_1387, %get3A_1390, %dot_general3A_1391 {dimension_numbers = #tpu.dot_dimension_numbers<[1], [1], [0], [0], [0, 0, 1, 0], [], []>, transpose_lhs_hint = false} : vector<512x200xbf16>, vector<200x200xbf16>, vector<512x200xf32> -> vector<512x200xf32>
    %add3A_1393 = arith.addf %add3A_1129, %dot_general3A_1392 : vector<512x200xf32>
    %convert_element_type3A_1394 = arith.truncf %dot_general3A_1386 : vector<512x200xf32> to vector<512x200xbf16>
    %get3A_1395 = arith.constant 0 : index
    %get3A_1396 = arith.constant 0 : index
    %get3A_1397 = vector.load %arg15[%get3A_1395, %get3A_1396] : memref<200x200xbf16, #tpu.memory_space<vmem>>, vector<200x200xbf16>
    %dot_general3A_1398 = arith.constant dense<0.000000e+00> : vector<512x200xf32>
    %dot_general3A_1399 = tpu.matmul %convert_element_type3A_1394, %get3A_1397, %dot_general3A_1398 {dimension_numbers = #tpu.dot_dimension_numbers<[1], [1], [0], [0], [0, 0, 1, 0], [], []>, transpose_lhs_hint = false} : vector<512x200xbf16>, vector<200x200xbf16>, vector<512x200xf32> -> vector<512x200xf32>
    %add3A_1400 = arith.addf %add3A_1393, %dot_general3A_1399 : vector<512x200xf32>
    %convert_element_type3A_1401 = arith.truncf %add3A_1371 : vector<512x200xf32> to vector<512x200xbf16>
    %get3A_1402 = arith.constant 0 : index
    %get3A_1403 = arith.constant 0 : index
    %get3A_1404 = vector.load %arg12[%get3A_1402, %get3A_1403] : memref<200x200xbf16, #tpu.memory_space<vmem>>, vector<200x200xbf16>
    %dot_general3A_1405 = arith.constant dense<0.000000e+00> : vector<512x200xf32>
    %dot_general3A_1406 = tpu.matmul %convert_element_type3A_1401, %get3A_1404, %dot_general3A_1405 {dimension_numbers = #tpu.dot_dimension_numbers<[1], [1], [0], [0], [0, 0, 1, 0], [], []>, transpose_lhs_hint = false} : vector<512x200xbf16>, vector<200x200xbf16>, vector<512x200xf32> -> vector<512x200xf32>
    %add3A_1407 = arith.addf %add3A_1140, %dot_general3A_1406 : vector<512x200xf32>
    %convert_element_type3A_1408 = arith.truncf %dot_general3A_1386 : vector<512x200xf32> to vector<512x200xbf16>
    %get3A_1409 = arith.constant 0 : index
    %get3A_1410 = arith.constant 0 : index
    %get3A_1411 = vector.load %arg16[%get3A_1409, %get3A_1410] : memref<200x200xbf16, #tpu.memory_space<vmem>>, vector<200x200xbf16>
    %dot_general3A_1412 = arith.constant dense<0.000000e+00> : vector<512x200xf32>
    %dot_general3A_1413 = tpu.matmul %convert_element_type3A_1408, %get3A_1411, %dot_general3A_1412 {dimension_numbers = #tpu.dot_dimension_numbers<[1], [1], [0], [0], [0, 0, 1, 0], [], []>, transpose_lhs_hint = false} : vector<512x200xbf16>, vector<200x200xbf16>, vector<512x200xf32> -> vector<512x200xf32>
    %add3A_1414 = arith.addf %add3A_1407, %dot_general3A_1413 : vector<512x200xf32>
    %convert_element_type3A_1415 = arith.truncf %add3A_1371 : vector<512x200xf32> to vector<512x200xbf16>
    %get3A_1416 = arith.constant 0 : index
    %get3A_1417 = arith.constant 0 : index
    %get3A_1418 = vector.load %arg13[%get3A_1416, %get3A_1417] : memref<200x200xbf16, #tpu.memory_space<vmem>>, vector<200x200xbf16>
    %dot_general3A_1419 = arith.constant dense<0.000000e+00> : vector<512x200xf32>
    %dot_general3A_1420 = tpu.matmul %convert_element_type3A_1415, %get3A_1418, %dot_general3A_1419 {dimension_numbers = #tpu.dot_dimension_numbers<[1], [1], [0], [0], [0, 0, 1, 0], [], []>, transpose_lhs_hint = false} : vector<512x200xbf16>, vector<200x200xbf16>, vector<512x200xf32> -> vector<512x200xf32>
    %add3A_1421 = arith.addf %add3A_1151, %dot_general3A_1420 : vector<512x200xf32>
    %convert_element_type3A_1422 = arith.truncf %dot_general3A_1386 : vector<512x200xf32> to vector<512x200xbf16>
    %get3A_1423 = arith.constant 0 : index
    %get3A_1424 = arith.constant 0 : index
    %get3A_1425 = vector.load %arg17[%get3A_1423, %get3A_1424] : memref<200x200xbf16, #tpu.memory_space<vmem>>, vector<200x200xbf16>
    %dot_general3A_1426 = arith.constant dense<0.000000e+00> : vector<512x200xf32>
    %dot_general3A_1427 = tpu.matmul %convert_element_type3A_1422, %get3A_1425, %dot_general3A_1426 {dimension_numbers = #tpu.dot_dimension_numbers<[1], [1], [0], [0], [0, 0, 1, 0], [], []>, transpose_lhs_hint = false} : vector<512x200xbf16>, vector<200x200xbf16>, vector<512x200xf32> -> vector<512x200xf32>
    %add3A_1428 = arith.addf %add3A_1421, %dot_general3A_1427 : vector<512x200xf32>
    %convert_element_type3A_1429 = arith.truncf %add3A_1371 : vector<512x200xf32> to vector<512x200xbf16>
    %get3A_1430 = arith.constant 0 : index
    %get3A_1431 = arith.constant 0 : index
    %get3A_1432 = vector.load %arg14[%get3A_1430, %get3A_1431] : memref<200x200xbf16, #tpu.memory_space<vmem>>, vector<200x200xbf16>
    %dot_general3A_1433 = arith.constant dense<0.000000e+00> : vector<512x200xf32>
    %dot_general3A_1434 = tpu.matmul %convert_element_type3A_1429, %get3A_1432, %dot_general3A_1433 {dimension_numbers = #tpu.dot_dimension_numbers<[1], [1], [0], [0], [0, 0, 1, 0], [], []>, transpose_lhs_hint = false} : vector<512x200xbf16>, vector<200x200xbf16>, vector<512x200xf32> -> vector<512x200xf32>
    %add3A_1435 = arith.addf %add3A_1162, %dot_general3A_1434 : vector<512x200xf32>
    %convert_element_type3A_1436 = arith.truncf %dot_general3A_1386 : vector<512x200xf32> to vector<512x200xbf16>
    %get3A_1437 = arith.constant 0 : index
    %get3A_1438 = arith.constant 0 : index
    %get3A_1439 = vector.load %arg18[%get3A_1437, %get3A_1438] : memref<200x200xbf16, #tpu.memory_space<vmem>>, vector<200x200xbf16>
    %dot_general3A_1440 = arith.constant dense<0.000000e+00> : vector<512x200xf32>
    %dot_general3A_1441 = tpu.matmul %convert_element_type3A_1436, %get3A_1439, %dot_general3A_1440 {dimension_numbers = #tpu.dot_dimension_numbers<[1], [1], [0], [0], [0, 0, 1, 0], [], []>, transpose_lhs_hint = false} : vector<512x200xbf16>, vector<200x200xbf16>, vector<512x200xf32> -> vector<512x200xf32>
    %add3A_1442 = arith.addf %add3A_1435, %dot_general3A_1441 : vector<512x200xf32>
    %logistic3A_1443 = arith.negf %add3A_1400 : vector<512x200xf32>
    %logistic3A_1444 = math.exp %logistic3A_1443 : vector<512x200xf32>
    %logistic3A_1445 = arith.constant 1.000000e+00 : f32
    %logistic3A_1446 = vector.broadcast %logistic3A_1445 : f32 to vector<512x200xf32>
    %logistic3A_1447 = arith.addf %logistic3A_1446, %logistic3A_1444 : vector<512x200xf32>
    %logistic3A_1448 = arith.divf %logistic3A_1446, %logistic3A_1447 : vector<512x200xf32>
    %tanh3A_1449 = math.tanh %add3A_1428 : vector<512x200xf32>
    %logistic3A_1450 = arith.negf %add3A_1414 : vector<512x200xf32>
    %logistic3A_1451 = math.exp %logistic3A_1450 : vector<512x200xf32>
    %logistic3A_1452 = arith.constant 1.000000e+00 : f32
    %logistic3A_1453 = vector.broadcast %logistic3A_1452 : f32 to vector<512x200xf32>
    %logistic3A_1454 = arith.addf %logistic3A_1453, %logistic3A_1451 : vector<512x200xf32>
    %logistic3A_1455 = arith.divf %logistic3A_1453, %logistic3A_1454 : vector<512x200xf32>
    %mul3A_1456 = arith.mulf %logistic3A_1455, %add3A_1362 : vector<512x200xf32>
    %mul3A_1457 = arith.mulf %logistic3A_1448, %tanh3A_1449 : vector<512x200xf32>
    %add3A_1458 = arith.addf %mul3A_1456, %mul3A_1457 : vector<512x200xf32>
    %logistic3A_1459 = arith.negf %add3A_1442 : vector<512x200xf32>
    %logistic3A_1460 = math.exp %logistic3A_1459 : vector<512x200xf32>
    %logistic3A_1461 = arith.constant 1.000000e+00 : f32
    %logistic3A_1462 = vector.broadcast %logistic3A_1461 : f32 to vector<512x200xf32>
    %logistic3A_1463 = arith.addf %logistic3A_1462, %logistic3A_1460 : vector<512x200xf32>
    %logistic3A_1464 = arith.divf %logistic3A_1462, %logistic3A_1463 : vector<512x200xf32>
    %tanh3A_1465 = math.tanh %add3A_1458 : vector<512x200xf32>
    %mul3A_1466 = arith.mulf %logistic3A_1464, %tanh3A_1465 : vector<512x200xf32>
    %add3A_1467 = arith.addf %add3A_350, %mul3A_1466 : vector<512x200xf32>
    %slice3A_1468 = vector.extract_strided_slice %concatenate3A_414 {offsets = [2, 0], sizes = [1, 200], strides = [1, 1]} : vector<3x200xf32> to vector<1x200xf32>
    %mul3A_1469 = vector.broadcast %slice3A_1468 : vector<1x200xf32> to vector<512x200xf32>
    %mul3A_1470 = arith.mulf %add3A_1467, %mul3A_1469 : vector<512x200xf32>
    %reduce_sum3A_1471 = arith.constant dense<0.000000e+00> : vector<512xf32>
    %reduce_sum3A_1472 = vector.multi_reduction <add>, %mul3A_1470, %reduce_sum3A_1471 [1] : vector<512x200xf32> to vector<512xf32>
    %broadcast_in_dim3A_1473 = vector.shape_cast %reduce_sum3A_1472 : vector<512xf32> to vector<512x1xf32>
    %max3A_1474 = arith.maximumf %broadcast_in_dim3A_763, %broadcast_in_dim3A_1118 : vector<512x1xf32>
    %max3A_1475 = arith.maximumf %max3A_1474, %broadcast_in_dim3A_1473 : vector<512x1xf32>
    %swap3A = arith.constant 0 : index
    %swap3A_1476 = arith.constant 0 : index
    %swap3A_1477 = vector.load %arg23[%swap3A, %swap3A_1476] : memref<512x1xf32, #tpu.memory_space<vmem>>, vector<512x1xf32>
    tpu.vector_store %arg23[%swap3A, %swap3A_1476], %max3A_1475 {strides = array<i32>} : memref<512x1xf32, #tpu.memory_space<vmem>>, vector<512x1xf32>,
    return
  }
}

</mosaic_0001>

<sc_bundles>
// kernel: kernel.6.cloned.1.call-start
scs
__scs_entry_jumppad:
0x0: {  	(pc) =	sbr.rel $0x88, $3  }
0x1: {  	(tag) =	ssettag $0x0;
	lr =	simm.s32 $0x1  }
0x2: {  	[smem:$0x3F85] =	sst lr;
	_ =	strace $0xD0000000  }
0x3: {  	_ = 	snop  }
0x4: {  	_ = 	snop  }
0x5: {  	_ = 	snop  }
0x6: {  	_ = 	snop  }
0x7: {  	_ = 	snop  }
__scs_overlays_trampoline_lowered:
0x8: {  	[smem:$0x3F94] =	sst s0  }
0x9: {  	[smem:$0x3F95] =	sst s1  }
0xa: {  	[smem:$0x3F96] =	sst s2  }
0xb: {  	[smem:$0x3F97] =	sst s3  }
0xc: {  	[smem:$0x3F98] =	sst s4  }
0xd: {  	[smem:$0x3F99] =	sst s5  }
0xe: {  	[smem:$0x3F9A] =	sst s6  }
0xf: {  	[smem:$0x3F9B] =	sst s7  }
0x10: {  	[smem:$0x3F9C] =	sst s8  }
0x11: {  	[smem:$0x3F9D] =	sst s9;
	s0 =	simm.s32 @!p0 $0x0  }
0x12: {  	s1 =	sld [smem:$0x3F83];
	s0 =	simm.s32 @p0 $0x1  }
0x13: {  	[smem:$0x3F9E] =	sst s0;
	s0 =	simm.s32 @!p1 $0x0  }
0x14: {  	s2 =	sld [smem:$0x3F82];
	s0 =	simm.s32 @p1 $0x1  }
0x15: {  	[smem:$0x3F9F] =	sst s0;
	s0 =	simm.s32 @!p2 $0x0  }
0x16: {  	s3 =	sld [smem:$0x3FDB];
	s0 =	simm.s32 @p2 $0x1  }
0x17: {  	s4 =	simm.s32 $0x1BF5;
	[smem:$0x3FA1] =	sst s0  }
0x18: {  	s0 =	sld [smem:$0x3F84];
	_ =	swait.ge [sflag:s4], $0x0  }
0x19: {  	s7 =	sld [smem:$0x3F85]  }
0x1a: {  	s8 =	sadd.s32 $0xFFFFE003, lr  }
0x1b: {  	s9 =	sadd.s32 $0xFFFFFEF7, lr;
	s5 =	simm.s32 $0xFFFFFFFF;
	p2 =	slt.u32 s8, $0xFFFFF086  }
0x1c: {  	p1 =	slt.u32 s9, $0xF7A;
	s5 =	simm.s32 @!p2 $0x0  }
0x1d: {  	s5 =	simm.s32 @p1 $0x1;
	p0 =	seq.s32 s7, s2  }
0x1e: {  	s7 =	smul.u32 @!p0 $0xF7A, s2;
	p2 =	seq.s32 @!p0 s5, $0x0  }
0x1f: {  	s9 =	smul.u32 $0xF7A, s1;
	s8 =	simm.s32 @!p0 $0x1BF5;
	p2 =	por !p2, p0  }
0x20: {  	[sflag:s8] =	ssyncset.s32 @!p0 $0xFFFFF086;
	s6 =	sadd.s32 @!p0 s3, s7;
	s7 =	simm.s32 @!p0 $0x108  }
0x21: {  	s3 =	sadd.s32 s3, s9;
	s6 =	sadd.s32 @!p0 $0x88, s6;
	s7 =	simm.s32 @p2 $0x1082  }
0x22: {  	[simem:s7], [sflag:s8] =	dma.local @!p0 [hbm:s6], $0xF7A  }
0x23: {  	s9 =	sor.u32 $0xD0000000, s2;
	s6 =	simm.s32 $0x108;
	_ =	swait.ge @!p0 [sflag:s8], $0x0  }
0x24: {  	s3 =	sadd.s32 $0x88, s3;
	s6 =	simm.s32 @!p1 $0x1082;
	[sflag:s4] =	ssyncset.s32 $0xFFFFF086  }
0x25: {  	[simem:s6], [sflag:s4] =	dma.local [hbm:s3], $0xF7A  }
0x26: {  	[smem:$0x3F85] =	sst s1;
	(tag) =	ssettag s2;
	_ =	strace s9  }
0x27: {  	s1 =	sld [smem:$0x3F95]  }
0x28: {  	s2 =	sld [smem:$0x3F96]  }
0x29: {  	s4 =	sld [smem:$0x3F98]  }
0x2a: {  	p0 =	seq.s32 s5, $0x0;
	s5 =	sld [smem:$0x3F99]  }
0x2b: {  	s6 =	sld [smem:$0x3F9A]  }
0x2c: {  	s7 =	sld [smem:$0x3F9B]  }
0x2d: {  	s3 =	simm.s32 $0x108;
	s8 =	sld [smem:$0x3F9C]  }
0x2e: {  	s3 =	simm.s32 @!p0 $0x1082;
	s9 =	sld [smem:$0x3F9D]  }
0x2f: {  	lr =	sadd.s32 s0, s3;
	s0 =	sld [smem:$0x3F94]  }
0x30: {  	s3 =	sld [smem:$0x3F97]  }
0x31: {  	[smem:$0x3FA0] =	sst s10  }
0x32: {  	s10 =	sld [smem:$0x3F9E];
	_ =	sdelay $0x3  }
0x33: {  	p0 =	seq.s32 s10, $0x1;
	s10 =	sld [smem:$0x3FA0];
	_ =	sdelay $0x3  }
0x34: {  	[smem:$0x3FA0] =	sst s10  }
0x35: {  	s10 =	sld [smem:$0x3F9F];
	_ =	sdelay $0x3  }
0x36: {  	p1 =	seq.s32 s10, $0x1;
	s10 =	sld [smem:$0x3FA0];
	_ =	sdelay $0x3  }
0x37: {  	[smem:$0x3FA0] =	sst s10  }
0x38: {  	s10 =	sld [smem:$0x3FA1]  }
0x39: {  	_ = 	snop;
	(pc) =	sbr.ind lr, $3  }
0x3a: {  	_ = 	snop  }
0x3b: {  	_ = 	snop  }
0x3c: {  	p2 =	seq.s32 s10, $0x1;
	s10 =	sld [smem:$0x3FA0]  }
0x3d: {  	_ =	shalt  }
0x3e: {  	_ =	shalt  }
0x3f: {  	_ =	shalt  }
0x40: {  	_ =	shalt  }
0x41: {  	_ =	shalt  }
0x42: {  	_ =	shalt  }
0x43: {  	_ =	shalt  }
0x44: {  	_ =	shalt  }
0x45: {  	_ =	shalt  }
0x46: {  	_ =	shalt  }
0x47: {  	_ =	shalt  }
0x48: {  	_ =	shalt  }
0x49: {  	_ =	shalt  }
0x4a: {  	_ =	shalt  }
0x4b: {  	_ =	shalt  }
0x4c: {  	_ =	shalt  }
0x4d: {  	_ =	shalt  }
0x4e: {  	_ =	shalt  }
0x4f: {  	_ =	shalt  }
0x50: {  	_ =	shalt  }
0x51: {  	_ =	shalt  }
0x52: {  	_ =	shalt  }
0x53: {  	_ =	shalt  }
0x54: {  	_ =	shalt  }
0x55: {  	_ =	shalt  }
0x56: {  	_ =	shalt  }
0x57: {  	_ =	shalt  }
0x58: {  	_ =	shalt  }
0x59: {  	_ =	shalt  }
0x5a: {  	_ =	shalt  }
0x5b: {  	_ =	shalt  }
0x5c: {  	_ =	shalt  }
0x5d: {  	_ =	shalt  }
0x5e: {  	_ =	shalt  }
0x5f: {  	_ =	shalt  }
0x60: {  	_ =	shalt  }
0x61: {  	_ =	shalt  }
0x62: {  	_ =	shalt  }
0x63: {  	_ =	shalt  }
0x64: {  	_ =	shalt  }
0x65: {  	_ =	shalt  }
0x66: {  	_ =	shalt  }
0x67: {  	_ =	shalt  }
0x68: {  	_ =	shalt  }
0x69: {  	_ =	shalt  }
0x6a: {  	_ =	shalt  }
0x6b: {  	_ =	shalt  }
0x6c: {  	_ =	shalt  }
0x6d: {  	_ =	shalt  }
0x6e: {  	_ =	shalt  }
0x6f: {  	_ =	shalt  }
0x70: {  	_ =	shalt  }
0x71: {  	_ =	shalt  }
0x72: {  	_ =	shalt  }
0x73: {  	_ =	shalt  }
0x74: {  	_ =	shalt  }
0x75: {  	_ =	shalt  }
0x76: {  	_ =	shalt  }
0x77: {  	_ =	shalt  }
0x78: {  	_ =	shalt  }
0x79: {  	_ =	shalt  }
0x7a: {  	_ =	shalt  }
0x7b: {  	_ =	shalt  }
0x7c: {  	_ =	shalt  }
0x7d: {  	_ =	shalt  }
0x7e: {  	_ =	shalt  }
0x7f: {  	_ =	shalt  }
0x80: {  	_ =	shalt  }
0x81: {  	_ =	shalt  }
0x82: {  	_ =	shalt  }
0x83: {  	_ =	shalt  }
0x84: {  	_ =	shalt  }
0x85: {  	_ =	shalt  }
0x86: {  	_ =	shalt  }
0x87: {  	_ =	shalt  }
.Lfunc_end0:
.L_simem_size_0:
called_computation_lowered:
.L_overlay_start_0:
0x88: {  	s2 =	sld [smem:$0x3FD9]  }
0x89: {  	s3 =	sld [smem:$0x3FFE];
	_ =	sdelay $0x1  }
0x8a: {  	s1 =	srdreg.scid  }
0x8b: {  	s0 =	sand.u32 $0x1, s1  }
0x8c: {  	s16 =	sshll.u32 s0, $0xA;
	s2 =	sadd.s32 s3, s2  }
0x8d: {  	s2 =	sadd.s32 s2, s16  }
0x8e: {  	[smem:$0x3FAC] =	sst s2  }
0x8f: {  	_ = 	snop  }
0x90: {  	(tm) =	ssettm $0x1  }
0x91: {  	s17 =	sld [smem:$0x3FFB];
	_ =	sdelay $0x3  }
0x92: {  	_ =	strace s17  }
0x93: {  	s2 =	sld [smem:$0x3FFC];
	_ =	sdelay $0x3  }
0x94: {  	_ =	strace s2  }
0x95: {  	s2 =	sld [smem:$0x3FFD];
	_ =	sdelay $0x3  }
0x96: {  	_ =	strace s2  }
0x97: {  	_ =	strace $0x8FFFFFFF  }
0x98: {  	s18 =	sld [smem:$0x3FDB];
	_ =	sdelay $0x1  }
0x99: {  	s19 =	simm.s32 $_scs_section_size  }
0x9a: {  	s4 =	simm.s32 $_size__tile_overlayer_lowered;
	s5 =	simm.s32 $_tile_overlayer_lowered  }
0x9b: {  	s22 =	simm.s32 $0x1BFF;
	s21 =	sshll.u32 s5, $0x1;
	s2 =	sadd.s32 s19, s18  }
0x9c: {  	s6 =	simm.s32 $0x0;
	s20 =	sshll.u32 s4, $0x1;
	s4 =	sadd.s32 s21, s2  }
0x9d: {  	[timem:s6], [sflag:s22] =	dma.local [hbm:s4], s20  }
0x9e: {  	_ =	swait.ge [sflag:s22], s20  }
0x9f: {  	s3 =	ssub.s32 $0x0, s20;
	[sflag:s22] =	ssyncset.done $0x0  }
0xa0: {  	[sflag:s22] =	ssyncadd.s32 s3;
	_ =	sdelay $0x1  }
0xa1: {  	s23 =	simm.s32 $0x1B8B  }
0xa2: {  	_ =	swait.ge [sflag:s23], $0x1  }
0xa3: {  	[sflag:s23] =	ssyncset.done $0x0  }
0xa4: {  	s25 =	simm.s32 $0x1B8E;
	s24 =	sld [smem:$0x3FFE];
	[sflag:s23] =	ssyncadd.s32 $0xFFFFFFFF  }
0xa5: {  	s26 =	simm.s32 $execute0_lowered;
	[smem:$0x3FD2] =	sst s25  }
0xa6: {  	s4 =	sshll.u32 s26, $0x1;
	_ =	strace $0x80000046;
	[dreg:$0x1] =	wrdreg $0xFFFFFFFF  }
0xa7: {  	s28 =	simm.s32 $_size_execute0_lowered;
	s2 =	sadd.s32 s2, s4;
	[dreg:$0x0] =	wrdreg $0x0  }
0xa8: {  	s4 =	sshll.u32 s28, $0x1;
	[dreg:$0x2] =	wrdreg s2  }
0xa9: {  	[dreg:$0x3] =	wrdreg s4  }
0xaa: {  	[dreg:$0x4] =	wrdreg $0xC0  }
0xab: {  	_ =	task [dreg:s6], $0x5FFFF  }
0xac: {  	[dreg:$0x1] =	wrdreg $0xFFFFFFFF  }
0xad: {  	[dreg:$0x0] =	wrdreg $0x60  }
0xae: {  	[dreg:$0x2] =	wrdreg s24  }
0xaf: {  	[dreg:$0x3] =	wrdreg $0x9  }
0xb0: {  	_ =	task.clear_ibuf [dreg:s6], $0x4FFFF;
	_ =	strace $0x90000046  }
0xb1: {  	s29 =	simm.s32 $0x9;
	_ =	strace $0x80000048  }
0xb2: {  	_ =	swait.ge [sflag:s29], $0x1  }
0xb3: {  	[sflag:s29] =	ssyncadd.s32 $0xFFFFFFFF  }
0xb4: {  	_ =	strace $0x90000048  }
0xb5: {  	_ =	sfence  }
0xb6: {  	s30 =	sld [smem:$0x0];
	_ =	sdelay $0x2  }
0xb7: {  	s31 =	sshll.u32 s1, $0xD;
	s1 =	sshrl.u32 s1, $0x2  }
0xb8: {  	s3 =	sand.u32 $0x4000, s31;
	s1 =	sadd.s32 s1, s30  }
0xb9: {  	s0 =	sor.u32 s3, s0;
	s1 =	sshll.u32 s1, $0x11  }
0xba: {  	s0 =	sor.u32 s1, s0  }
0xbb: {  	s0 =	sadd.s32 $0x8F2B, s0  }
0xbc: {  	[sflag:s0] =	ssyncadd.remote.s32 $0x1  }
0xbd: {  	_ =	sfence.sel $0xFFFF  }
0xbe: {  	[dreg:$0x0] =	wrdreg $0xFFFFFFFF;
	(pc) =	sbr.abs _section_cstart, $3  }
0xbf: {  	[dreg:$0x1] =	wrdreg $0xFFFFFFFF  }
0xc0: {  	_ =	task.clear_ibuf [dreg:s6], $0x2FFFF;
	_ =	strace $0x9FFFFFFF  }
0xc1: {  	(tm) =	ssettm $0x7FFFFFFF  }
tec
execute0_lowered:
.L_overlay_start_1:
0x0: {  	(tag) =	ssettag $0x1  }
0x1: {  	s0 =	srdreg.scid  }
0x2: {  	s1 =	stileid.u32;
	s4 =	rddreg [dreg:$0x0];
	s2 =	simm.s32 $0x0  }
0x3: {  	s29 =	simm.s32 $0x19B30;
	s0 =	sand.u32 $0x1, s0;
	s1 =	sshll.u32 s1, $0x1  }
0x4: {  	p0 =	por $0x0, $0x0;
	[smem:$0x7FF] =	sst s2;
	s3 =	sor.u32 s0, s1  }
0x5: {  	s6 =	sadd.s32 $0x38600, s4;
	s7 =	sadd.s32 $0x35200, s4;
	s8 =	smul.u32 $0xCC0, s3  }
0x6: {  	s5 =	sadd.s32 $0x3BA00, s4;
	_ =	strace $0x80000047;
	s12 =	smul.u32 $0xCC00, s3  }
0x7: {  	s1 =	sadd.s32 $0x342600, s4;
	s0 =	ssub.s32 $0x2, s0;
	s3 =	smul.u32 $0x1980, s3  }
0x8: {  	s9 =	sshrl.u32 s8, $0x3;
	s11 =	sadd.s32 $0x198, s8;
	s14 =	sadd.s32 s1, s12  }
0x9: {  	s15 =	sadd.s32 $0x330, s8;
	s3 =	sadd.s32 s5, s3;
	s21 =	sadd.s32 $0x4C8, s8  }
0xa: {  	s10 =	sadd.s32 s6, s9;
	s9 =	sadd.s32 s7, s9;
	[dreg:$0x6] =	wrdreg s14  }
0xb: {  	s25 =	sshrl.u32 s11, $0x3;
	s16 =	sshrl.u32 s15, $0x3;
	[dreg:$0x7] =	wrdreg s3  }
0xc: {  	s19 =	sshll.u32 s11, $0x4;
	s20 =	sshll.u32 s11, $0x1;
	[dreg:$0x2] =	wrdreg s10  }
0xd: {  	s23 =	sshrl.u32 s21, $0x3;
	[dreg:$0x3] =	wrdreg s9;
	s26 =	sadd.s32 s6, s25  }
0xe: {  	s11 =	sshll.u32 s21, $0x1;
	s13 =	sadd.s32 s7, s25;
	[dreg:$0x4] =	wrdreg s26  }
0xf: {  	s17 =	sadd.s32 s6, s16;
	s18 =	sadd.s32 s7, s16;
	[dreg:$0x5] =	wrdreg s13  }
0x10: {  	s3 =	sadd.s32 s1, s19;
	s22 =	sadd.s32 s5, s20;
	[dreg:$0x8] =	wrdreg s17  }
0x11: {  	s24 =	sadd.s32 s6, s23;
	s9 =	sadd.s32 s7, s23;
	[dreg:$0x9] =	wrdreg s18  }
0x12: {  	s25 =	sshll.u32 s15, $0x4;
	s10 =	sshll.u32 s15, $0x1;
	[dreg:$0xa] =	wrdreg s3  }
0x13: {  	s19 =	sshll.u32 s21, $0x4;
	s20 =	sadd.s32 s5, s11;
	[dreg:$0xb] =	wrdreg s22  }
0x14: {  	s23 =	sadd.s32 $0x990, s8;
	[dreg:$0xc] =	wrdreg s24;
	s3 =	sadd.s32 $0x1BBC00, s4  }
0x15: {  	[dreg:$0xd] =	wrdreg s9;
	s9 =	sadd.s32 s1, s25;
	s26 =	sadd.s32 $0x660, s8  }
0x16: {  	s14 =	sadd.s32 s5, s10;
	s4 =	sadd.s32 $0x4400, s4;
	s18 =	sshrl.u32 s0, $0x1  }
0x17: {  	s13 =	sadd.s32 $0x7F8, s8;
	[dreg:$0x13] =	wrdreg s20;
	s12 =	sshrl.u32 s23, $0x3  }
0x18: {  	s10 =	simm.s32 $0x1B7E0;
	[dreg:$0xe] =	wrdreg s9;
	s15 =	sshrl.u32 s26, $0x3  }
0x19: {  	[dreg:$0xf] =	wrdreg s14;
	s9 =	sadd.s32 s1, s19;
	s21 =	sshrl.u32 s13, $0x3  }
0x1a: {  	s0 =	ssub.s32 s0, s18;
	s22 =	sshll.u32 s26, $0x4;
	s11 =	sshll.u32 s26, $0x1  }
0x1b: {  	s25 =	sadd.s32 s6, s12;
	s24 =	sadd.s32 s7, s12;
	s14 =	sshll.u32 s13, $0x4  }
0x1c: {  	s19 =	sshll.u32 s23, $0x4;
	s12 =	simm.s32 $0x19E60;
	s16 =	sadd.s32 s6, s15  }
0x1d: {  	s17 =	sadd.s32 s7, s15;
	[dreg:$0x12] =	wrdreg s9;
	s31 =	sadd.s32 s6, s21  }
0x1e: {  	s30 =	sadd.s32 s7, s21;
	s28 =	sadd.s32 s1, s22;
	s26 =	sadd.s32 s5, s11  }
0x1f: {  	s15 =	sshll.u32 s13, $0x1;
	s20 =	sadd.s32 s1, s14;
	s9 =	sadd.s32 s1, s19  }
0x20: {  	s21 =	sshll.u32 s23, $0x1;
	s0 =	smax.u32 s0, $0x1;
	s19 =	simm.s32 $0x198  }
0x21: {  	s11 =	simm.s32 $0xCF30;
	s13 =	simm.s32 $0x4;
	[dreg:$0x10] =	wrdreg s16  }
0x22: {  	[dreg:$0x11] =	wrdreg s17;
	s16 =	sadd.s32 $0xB28, s8;
	s18 =	sadd.s32 s5, s15  }
0x23: {  	s15 =	simm.s32 $0x330;
	p1 =	sne.s32 s0, $0x1;
	s8 =	sshrl.u32 s16, $0x3  }
.Ltmp0:
0x24: {  	s22 =	sshll.u32 s16, $0x4;
	s23 =	sshll.u32 s16, $0x1;
	(pc) =	sbr.rel @!p1 .LBB2_3-.Ltmp0, $4  }
0x25: {  	s16 =	simm.s32 $0x2;
	s17 =	sadd.s32 s6, s8;
	s14 =	sadd.s32 s7, s8  }
0x26: {  	s8 =	sadd.s32 s5, s21;
	s7 =	sadd.s32 s1, s22;
	s6 =	sadd.s32 s5, s23  }
0x27: {  	s5 =	simm.s32 $0x5;
	s21 =	simm.s32 $0x19CC8;
	s1 =	sadd.s32 $0xFFFFFFFF, s0  }
0x28: {  	s23 =	simm.s32 $0x1;
	s22 =	simm.s32 $0x3;
	s0 =	rddreg [dreg:$0x2]  }
0x29: {  	[tilespmem:s2], [sflag:$0x5] =	stream.linear.gather [hbm4b:s0+s2], $0x198, $0x38;
	[tilespmem:$0x1D160] =	vst v63  }
0x2a: {  	_ =	swait.ge [sflag:s5], $0x198  }
0x2b: {  	[sflag:s5] =	ssyncset.done $0x0  }
0x2c: {  	s0 =	rddreg [dreg:$0x3];
	[sflag:s5] =	ssyncadd.s32 $0xFFFFFE68  }
0x2d: {  	[tilespmem:s29], [sflag:$0x5] =	stream.linear.gather [hbm4b:s0+s2], $0x198, $0x38;
	[tilespmem:$0x1D160] =	vst v63  }
0x2e: {  	_ =	swait.ge [sflag:s5], $0x198  }
0x2f: {  	[sflag:s5] =	ssyncset.done $0x0  }
0x30: {  	[sflag:s5] =	ssyncadd.s32 $0xFFFFFE68  }
0x31: {  	[tilespmem:s15], [sflag:$0x1] =	stream.indirect.gather [hbm4b:s3+s19], $0x80, s2, s19, $0xb8;
	[tilespmem:$0x1D160] =	vst v63  }
0x32: {  	_ = 	snop  }
0x33: {  	[tilespmem:s12], [sflag:$0x3] =	stream.indirect.gather [hbm4b:s4+s19], $0x10, s29, s19, $0xb8;
	[tilespmem:$0x1D160] =	vst v63  }
0x34: {  	s0 =	rddreg [dreg:$0x4]  }
0x35: {  	[tilespmem:s19], [sflag:$0x5] =	stream.linear.gather [hbm4b:s0+s2], $0x198, $0x38;
	[tilespmem:$0x1D160] =	vst v63  }
0x36: {  	_ =	swait.ge [sflag:s5], $0x198  }
0x37: {  	[sflag:s5] =	ssyncset.done $0x0  }
0x38: {  	s0 =	rddreg [dreg:$0x5];
	[sflag:s5] =	ssyncadd.s32 $0xFFFFFE68  }
0x39: {  	[tilespmem:s21], [sflag:$0x5] =	stream.linear.gather [hbm4b:s0+s2], $0x198, $0x38;
	[tilespmem:$0x1D160] =	vst v63  }
0x3a: {  	_ =	swait.ge [sflag:s5], $0x198  }
0x3b: {  	[sflag:s5] =	ssyncset.done $0x0  }
0x3c: {  	[sflag:s5] =	ssyncadd.s32 $0xFFFFFE68  }
0x3d: {  	[tilespmem:s11], [sflag:$0x2] =	stream.indirect.gather [hbm4b:s3+s19], $0x80, s19, s19, $0xb8;
	[tilespmem:$0x1D160] =	vst v63  }
0x3e: {  	_ = 	snop  }
0x3f: {  	[tilespmem:s10], [sflag:$0x4] =	stream.indirect.gather [hbm4b:s4+s19], $0x10, s21, s19, $0xb8;
	[tilespmem:$0x1D160] =	vst v63  }
0x40: {  	_ =	swait.ge [sflag:s23], $0xCC00  }
0x41: {  	[sflag:s23] =	ssyncset.done $0x0  }
0x42: {  	[sflag:s23] =	ssyncadd.s32 $0xFFFF3400  }
0x43: {  	_ =	swait.ge [sflag:s22], $0x1980  }
0x44: {  	[sflag:s22] =	ssyncset.done $0x0  }
0x45: {  	s0 =	rddreg [dreg:$0x6];
	[sflag:s22] =	ssyncadd.s32 $0xFFFFE680  }
0x46: {  	[hbm4b:s0+s2] =	stream.linear.scatter [tilespmem:s15], [sflag:$0x5], $0xCC00, $0x38;
	[tilespmem:$0x1D160] =	vst v63  }
0x47: {  	_ =	swait.ge [sflag:s5], $0xCC00  }
0x48: {  	[sflag:s5] =	ssyncset.done $0x0  }
0x49: {  	s0 =	rddreg [dreg:$0x7];
	[sflag:s5] =	ssyncadd.s32 $0xFFFF3400  }
0x4a: {  	[hbm4b:s0+s2] =	stream.linear.scatter [tilespmem:s12], [sflag:$0x5], $0x1980, $0x38;
	[tilespmem:$0x1D160] =	vst v63  }
0x4b: {  	_ =	swait.ge [sflag:s5], $0x1980  }
0x4c: {  	[sflag:s5] =	ssyncset.done $0x0  }
0x4d: {  	s0 =	rddreg [dreg:$0x8];
	[sflag:s5] =	ssyncadd.s32 $0xFFFFE680  }
0x4e: {  	[tilespmem:s2], [sflag:$0x5] =	stream.linear.gather [hbm4b:s0+s2], $0x198, $0x38;
	[tilespmem:$0x1D160] =	vst v63  }
0x4f: {  	_ =	swait.ge [sflag:s5], $0x198  }
0x50: {  	[sflag:s5] =	ssyncset.done $0x0  }
0x51: {  	s0 =	rddreg [dreg:$0x9];
	[sflag:s5] =	ssyncadd.s32 $0xFFFFFE68  }
0x52: {  	[tilespmem:s29], [sflag:$0x5] =	stream.linear.gather [hbm4b:s0+s2], $0x198, $0x38;
	[tilespmem:$0x1D160] =	vst v63  }
0x53: {  	_ =	swait.ge [sflag:s5], $0x198  }
0x54: {  	[sflag:s5] =	ssyncset.done $0x0  }
0x55: {  	[sflag:s5] =	ssyncadd.s32 $0xFFFFFE68  }
0x56: {  	[tilespmem:s15], [sflag:$0x1] =	stream.indirect.gather [hbm4b:s3+s19], $0x80, s2, s19, $0xb8;
	[tilespmem:$0x1D160] =	vst v63  }
0x57: {  	_ = 	snop  }
0x58: {  	[tilespmem:s12], [sflag:$0x3] =	stream.indirect.gather [hbm4b:s4+s19], $0x10, s29, s19, $0xb8;
	[tilespmem:$0x1D160] =	vst v63  }
0x59: {  	_ =	swait.ge [sflag:s16], $0xCC00  }
0x5a: {  	[sflag:s16] =	ssyncset.done $0x0  }
0x5b: {  	[sflag:s16] =	ssyncadd.s32 $0xFFFF3400  }
0x5c: {  	_ =	swait.ge [sflag:s13], $0x1980  }
0x5d: {  	[sflag:s13] =	ssyncset.done $0x0  }
0x5e: {  	s0 =	rddreg [dreg:$0xa];
	[sflag:s13] =	ssyncadd.s32 $0xFFFFE680  }
0x5f: {  	[hbm4b:s0+s2] =	stream.linear.scatter [tilespmem:s11], [sflag:$0x5], $0xCC00, $0x38;
	[tilespmem:$0x1D160] =	vst v63  }
0x60: {  	_ =	swait.ge [sflag:s5], $0xCC00  }
0x61: {  	[sflag:s5] =	ssyncset.done $0x0  }
0x62: {  	s0 =	rddreg [dreg:$0xb];
	[sflag:s5] =	ssyncadd.s32 $0xFFFF3400  }
0x63: {  	[hbm4b:s0+s2] =	stream.linear.scatter [tilespmem:s10], [sflag:$0x5], $0x1980, $0x38;
	[tilespmem:$0x1D160] =	vst v63  }
0x64: {  	_ =	swait.ge [sflag:s5], $0x1980  }
0x65: {  	[sflag:s5] =	ssyncset.done $0x0  }
0x66: {  	s0 =	rddreg [dreg:$0xc];
	[sflag:s5] =	ssyncadd.s32 $0xFFFFE680  }
0x67: {  	[tilespmem:s19], [sflag:$0x5] =	stream.linear.gather [hbm4b:s0+s2], $0x198, $0x38;
	[tilespmem:$0x1D160] =	vst v63  }
0x68: {  	_ =	swait.ge [sflag:s5], $0x198  }
0x69: {  	[sflag:s5] =	ssyncset.done $0x0  }
0x6a: {  	s0 =	rddreg [dreg:$0xd];
	[sflag:s5] =	ssyncadd.s32 $0xFFFFFE68  }
0x6b: {  	[tilespmem:s21], [sflag:$0x5] =	stream.linear.gather [hbm4b:s0+s2], $0x198, $0x38;
	[tilespmem:$0x1D160] =	vst v63  }
0x6c: {  	_ =	swait.ge [sflag:s5], $0x198  }
0x6d: {  	[sflag:s5] =	ssyncset.done $0x0  }
0x6e: {  	[sflag:s5] =	ssyncadd.s32 $0xFFFFFE68  }
0x6f: {  	[tilespmem:s11], [sflag:$0x2] =	stream.indirect.gather [hbm4b:s3+s19], $0x80, s19, s19, $0xb8;
	[tilespmem:$0x1D160] =	vst v63  }
0x70: {  	_ = 	snop  }
0x71: {  	[tilespmem:s10], [sflag:$0x4] =	stream.indirect.gather [hbm4b:s4+s19], $0x10, s21, s19, $0xb8;
	[tilespmem:$0x1D160] =	vst v63  }
0x72: {  	_ =	swait.ge [sflag:s23], $0xCC00  }
0x73: {  	[sflag:s23] =	ssyncset.done $0x0  }
0x74: {  	[sflag:s23] =	ssyncadd.s32 $0xFFFF3400  }
0x75: {  	_ =	swait.ge [sflag:s22], $0x1980  }
0x76: {  	[sflag:s22] =	ssyncset.done $0x0  }
0x77: {  	s0 =	rddreg [dreg:$0xe];
	[sflag:s22] =	ssyncadd.s32 $0xFFFFE680  }
0x78: {  	[hbm4b:s0+s2] =	stream.linear.scatter [tilespmem:s15], [sflag:$0x5], $0xCC00, $0x38;
	[tilespmem:$0x1D160] =	vst v63  }
0x79: {  	_ =	swait.ge [sflag:s5], $0xCC00  }
0x7a: {  	[sflag:s5] =	ssyncset.done $0x0  }
0x7b: {  	s0 =	rddreg [dreg:$0xf];
	[sflag:s5] =	ssyncadd.s32 $0xFFFF3400  }
0x7c: {  	[hbm4b:s0+s2] =	stream.linear.scatter [tilespmem:s12], [sflag:$0x5], $0x1980, $0x38;
	[tilespmem:$0x1D160] =	vst v63  }
0x7d: {  	_ =	swait.ge [sflag:s5], $0x1980  }
0x7e: {  	[sflag:s5] =	ssyncset.done $0x0  }
0x7f: {  	s0 =	rddreg [dreg:$0x10];
	[sflag:s5] =	ssyncadd.s32 $0xFFFFE680  }
0x80: {  	[tilespmem:s2], [sflag:$0x5] =	stream.linear.gather [hbm4b:s0+s2], $0x198, $0x38;
	[tilespmem:$0x1D160] =	vst v63  }
0x81: {  	_ =	swait.ge [sflag:s5], $0x198  }
0x82: {  	[sflag:s5] =	ssyncset.done $0x0  }
0x83: {  	s0 =	rddreg [dreg:$0x11];
	[sflag:s5] =	ssyncadd.s32 $0xFFFFFE68  }
0x84: {  	[tilespmem:s29], [sflag:$0x5] =	stream.linear.gather [hbm4b:s0+s2], $0x198, $0x38;
	[tilespmem:$0x1D160] =	vst v63  }
0x85: {  	_ =	swait.ge [sflag:s5], $0x198  }
0x86: {  	[sflag:s5] =	ssyncset.done $0x0  }
0x87: {  	[sflag:s5] =	ssyncadd.s32 $0xFFFFFE68  }
0x88: {  	[tilespmem:s15], [sflag:$0x1] =	stream.indirect.gather [hbm4b:s3+s19], $0x80, s2, s19, $0xb8;
	[tilespmem:$0x1D160] =	vst v63  }
0x89: {  	_ = 	snop  }
0x8a: {  	[tilespmem:s12], [sflag:$0x3] =	stream.indirect.gather [hbm4b:s4+s19], $0x10, s29, s19, $0xb8;
	[tilespmem:$0x1D160] =	vst v63  }
0x8b: {  	_ =	swait.ge [sflag:s16], $0xCC00  }
0x8c: {  	[sflag:s16] =	ssyncset.done $0x0  }
0x8d: {  	[sflag:s16] =	ssyncadd.s32 $0xFFFF3400  }
0x8e: {  	_ =	swait.ge [sflag:s13], $0x1980  }
0x8f: {  	[sflag:s13] =	ssyncset.done $0x0  }
0x90: {  	s0 =	rddreg [dreg:$0x12];
	[sflag:s13] =	ssyncadd.s32 $0xFFFFE680  }
0x91: {  	[hbm4b:s0+s2] =	stream.linear.scatter [tilespmem:s11], [sflag:$0x5], $0xCC00, $0x38;
	[tilespmem:$0x1D160] =	vst v63  }
0x92: {  	_ =	swait.ge [sflag:s5], $0xCC00  }
0x93: {  	[sflag:s5] =	ssyncset.done $0x0  }
0x94: {  	s0 =	rddreg [dreg:$0x13];
	[sflag:s5] =	ssyncadd.s32 $0xFFFF3400  }
0x95: {  	[hbm4b:s0+s2] =	stream.linear.scatter [tilespmem:s10], [sflag:$0x5], $0x1980, $0x38;
	[tilespmem:$0x1D160] =	vst v63  }
0x96: {  	_ =	swait.ge [sflag:s5], $0x1980  }
0x97: {  	[sflag:s5] =	ssyncset.done $0x0  }
0x98: {  	[sflag:s5] =	ssyncadd.s32 $0xFFFFE680  }
0x99: {  	[tilespmem:s19], [sflag:$0x5] =	stream.linear.gather [hbm4b:s31+s2], $0x198, $0x38;
	[tilespmem:$0x1D160] =	vst v63  }
0x9a: {  	_ =	swait.ge [sflag:s5], $0x198  }
0x9b: {  	[sflag:s5] =	ssyncset.done $0x0  }
0x9c: {  	[sflag:s5] =	ssyncadd.s32 $0xFFFFFE68  }
0x9d: {  	[tilespmem:s21], [sflag:$0x5] =	stream.linear.gather [hbm4b:s30+s2], $0x198, $0x38;
	[tilespmem:$0x1D160] =	vst v63  }
0x9e: {  	_ =	swait.ge [sflag:s5], $0x198  }
0x9f: {  	[sflag:s5] =	ssyncset.done $0x0  }
0xa0: {  	[sflag:s5] =	ssyncadd.s32 $0xFFFFFE68  }
0xa1: {  	[tilespmem:s11], [sflag:$0x2] =	stream.indirect.gather [hbm4b:s3+s19], $0x80, s19, s19, $0xb8;
	[tilespmem:$0x1D160] =	vst v63  }
0xa2: {  	_ = 	snop  }
0xa3: {  	[tilespmem:s10], [sflag:$0x4] =	stream.indirect.gather [hbm4b:s4+s19], $0x10, s21, s19, $0xb8;
	[tilespmem:$0x1D160] =	vst v63  }
0xa4: {  	_ =	swait.ge [sflag:s23], $0xCC00  }
0xa5: {  	[sflag:s23] =	ssyncset.done $0x0  }
0xa6: {  	[sflag:s23] =	ssyncadd.s32 $0xFFFF3400  }
0xa7: {  	_ =	swait.ge [sflag:s22], $0x1980  }
0xa8: {  	[sflag:s22] =	ssyncset.done $0x0  }
0xa9: {  	[sflag:s22] =	ssyncadd.s32 $0xFFFFE680  }
0xaa: {  	[hbm4b:s28+s2] =	stream.linear.scatter [tilespmem:s15], [sflag:$0x5], $0xCC00, $0x38;
	[tilespmem:$0x1D160] =	vst v63  }
0xab: {  	_ =	swait.ge [sflag:s5], $0xCC00  }
0xac: {  	[sflag:s5] =	ssyncset.done $0x0  }
0xad: {  	[sflag:s5] =	ssyncadd.s32 $0xFFFF3400  }
0xae: {  	[hbm4b:s26+s2] =	stream.linear.scatter [tilespmem:s12], [sflag:$0x5], $0x1980, $0x38;
	[tilespmem:$0x1D160] =	vst v63  }
0xaf: {  	_ =	swait.ge [sflag:s5], $0x1980  }
0xb0: {  	[sflag:s5] =	ssyncset.done $0x0  }
0xb1: {  	[sflag:s5] =	ssyncadd.s32 $0xFFFFE680  }
0xb2: {  	[tilespmem:s2], [sflag:$0x5] =	stream.linear.gather [hbm4b:s25+s2], $0x198, $0x38;
	[tilespmem:$0x1D160] =	vst v63  }
0xb3: {  	_ =	swait.ge [sflag:s5], $0x198  }
0xb4: {  	[sflag:s5] =	ssyncset.done $0x0  }
0xb5: {  	[sflag:s5] =	ssyncadd.s32 $0xFFFFFE68  }
0xb6: {  	[tilespmem:s29], [sflag:$0x5] =	stream.linear.gather [hbm4b:s24+s2], $0x198, $0x38;
	[tilespmem:$0x1D160] =	vst v63  }
0xb7: {  	_ =	swait.ge [sflag:s5], $0x198  }
0xb8: {  	[sflag:s5] =	ssyncset.done $0x0  }
0xb9: {  	[sflag:s5] =	ssyncadd.s32 $0xFFFFFE68  }
0xba: {  	[tilespmem:s15], [sflag:$0x1] =	stream.indirect.gather [hbm4b:s3+s19], $0x80, s2, s19, $0xb8;
	[tilespmem:$0x1D160] =	vst v63  }
0xbb: {  	_ = 	snop  }
0xbc: {  	[tilespmem:s12], [sflag:$0x3] =	stream.indirect.gather [hbm4b:s4+s19], $0x10, s29, s19, $0xb8;
	[tilespmem:$0x1D160] =	vst v63  }
0xbd: {  	_ =	swait.ge [sflag:s16], $0xCC00  }
0xbe: {  	[sflag:s16] =	ssyncset.done $0x0  }
0xbf: {  	[sflag:s16] =	ssyncadd.s32 $0xFFFF3400  }
0xc0: {  	_ =	swait.ge [sflag:s13], $0x1980  }
0xc1: {  	[sflag:s13] =	ssyncset.done $0x0  }
0xc2: {  	[sflag:s13] =	ssyncadd.s32 $0xFFFFE680  }
0xc3: {  	[hbm4b:s20+s2] =	stream.linear.scatter [tilespmem:s11], [sflag:$0x5], $0xCC00, $0x38;
	[tilespmem:$0x1D160] =	vst v63  }
0xc4: {  	_ =	swait.ge [sflag:s5], $0xCC00  }
0xc5: {  	[sflag:s5] =	ssyncset.done $0x0  }
0xc6: {  	[sflag:s5] =	ssyncadd.s32 $0xFFFF3400  }
0xc7: {  	[hbm4b:s18+s2] =	stream.linear.scatter [tilespmem:s10], [sflag:$0x5], $0x1980, $0x38;
	[tilespmem:$0x1D160] =	vst v63  }
0xc8: {  	_ =	swait.ge [sflag:s5], $0x1980  }
0xc9: {  	[sflag:s5] =	ssyncset.done $0x0  }
0xca: {  	[sflag:s5] =	ssyncadd.s32 $0xFFFFE680  }
0xcb: {  	[tilespmem:s19], [sflag:$0x5] =	stream.linear.gather [hbm4b:s17+s2], $0x198, $0x38;
	[tilespmem:$0x1D160] =	vst v63  }
0xcc: {  	_ =	swait.ge [sflag:s5], $0x198  }
0xcd: {  	[sflag:s5] =	ssyncset.done $0x0  }
0xce: {  	[sflag:s5] =	ssyncadd.s32 $0xFFFFFE68  }
0xcf: {  	[tilespmem:s21], [sflag:$0x5] =	stream.linear.gather [hbm4b:s14+s2], $0x198, $0x38;
	[tilespmem:$0x1D160] =	vst v63  }
0xd0: {  	_ =	swait.ge [sflag:s5], $0x198  }
0xd1: {  	[sflag:s5] =	ssyncset.done $0x0  }
0xd2: {  	[sflag:s5] =	ssyncadd.s32 $0xFFFFFE68  }
0xd3: {  	[tilespmem:s11], [sflag:$0x2] =	stream.indirect.gather [hbm4b:s3+s19], $0x80, s19, s19, $0xb8;
	[tilespmem:$0x1D160] =	vst v63  }
0xd4: {  	_ = 	snop  }
0xd5: {  	[tilespmem:s10], [sflag:$0x4] =	stream.indirect.gather [hbm4b:s4+s19], $0x10, s21, s19, $0xb8;
	[tilespmem:$0x1D160] =	vst v63  }
0xd6: {  	_ =	swait.ge [sflag:s23], $0xCC00  }
0xd7: {  	[sflag:s23] =	ssyncset.done $0x0  }
0xd8: {  	[sflag:s23] =	ssyncadd.s32 $0xFFFF3400  }
0xd9: {  	_ =	swait.ge [sflag:s22], $0x1980  }
0xda: {  	[sflag:s22] =	ssyncset.done $0x0  }
0xdb: {  	[sflag:s22] =	ssyncadd.s32 $0xFFFFE680  }
0xdc: {  	[hbm4b:s9+s2] =	stream.linear.scatter [tilespmem:s15], [sflag:$0x5], $0xCC00, $0x38;
	[tilespmem:$0x1D160] =	vst v63  }
0xdd: {  	_ =	swait.ge [sflag:s5], $0xCC00  }
0xde: {  	[sflag:s5] =	ssyncset.done $0x0  }
0xdf: {  	[sflag:s5] =	ssyncadd.s32 $0xFFFF3400  }
0xe0: {  	[hbm4b:s8+s2] =	stream.linear.scatter [tilespmem:s12], [sflag:$0x5], $0x1980, $0x38;
	[tilespmem:$0x1D160] =	vst v63  }
0xe1: {  	_ =	swait.ge [sflag:s5], $0x1980  }
0xe2: {  	[sflag:s5] =	ssyncset.done $0x0  }
0xe3: {  	[sflag:s5] =	ssyncadd.s32 $0xFFFFE680  }
0xe4: {  	_ =	swait.ge [sflag:s16], $0xCC00  }
0xe5: {  	[sflag:s16] =	ssyncset.done $0x0  }
0xe6: {  	[sflag:s16] =	ssyncadd.s32 $0xFFFF3400  }
0xe7: {  	_ =	swait.ge [sflag:s13], $0x1980  }
0xe8: {  	[sflag:s13] =	ssyncset.done $0x0  }
0xe9: {  	[sflag:s13] =	ssyncadd.s32 $0xFFFFE680  }
0xea: {  	[hbm4b:s7+s2] =	stream.linear.scatter [tilespmem:s11], [sflag:$0x5], $0xCC00, $0x38;
	[tilespmem:$0x1D160] =	vst v63  }
0xeb: {  	p1 =	sne.s32 s1, $0x1;
	_ =	swait.ge [sflag:s5], $0xCC00  }
.Ltmp1:
0xec: {  	[sflag:s5] =	ssyncset.done $0x0;
	(pc) =	sbr.rel @!p1 .LBB2_3-.Ltmp1, $4  }
0xed: {  	[sflag:s5] =	ssyncadd.s32 $0xFFFF3400  }
0xee: {  	[hbm4b:s6+s2] =	stream.linear.scatter [tilespmem:s10], [sflag:$0x5], $0x1980, $0x38;
	[tilespmem:$0x1D160] =	vst v63  }
0xef: {  	s1 =	sadd.s32 $0xFFFFFFFF, s1;
	_ =	swait.ge [sflag:s5], $0x1980  }
0xf0: {  	p0 =	por $0x1, $0x1;
	s0 =	rddreg [dreg:$0x2];
	[sflag:s5] =	ssyncset.done $0x0  }
.LBB2_2:
0xf1: {  	[sflag:s5] =	ssyncadd.s32 $0xFFFFE680  }
0xf2: {  	[tilespmem:s2], [sflag:$0x5] =	stream.linear.gather [hbm4b:s0+s2], $0x198, $0x38;
	[tilespmem:$0x1D160] =	vst v63  }
0xf3: {  	_ =	swait.ge [sflag:s5], $0x198  }
0xf4: {  	[sflag:s5] =	ssyncset.done $0x0  }
0xf5: {  	s0 =	rddreg [dreg:$0x3];
	[sflag:s5] =	ssyncadd.s32 $0xFFFFFE68  }
0xf6: {  	[tilespmem:s29], [sflag:$0x5] =	stream.linear.gather [hbm4b:s0+s2], $0x198, $0x38;
	[tilespmem:$0x1D160] =	vst v63  }
0xf7: {  	_ =	swait.ge [sflag:s5], $0x198  }
0xf8: {  	[sflag:s5] =	ssyncset.done $0x0  }
0xf9: {  	[sflag:s5] =	ssyncadd.s32 $0xFFFFFE68  }
0xfa: {  	[tilespmem:s15], [sflag:$0x1] =	stream.indirect.gather [hbm4b:s3+s19], $0x80, s2, s19, $0xb8;
	[tilespmem:$0x1D160] =	vst v63  }
0xfb: {  	_ = 	snop  }
0xfc: {  	[tilespmem:s12], [sflag:$0x3] =	stream.indirect.gather [hbm4b:s4+s19], $0x10, s29, s19, $0xb8;
	[tilespmem:$0x1D160] =	vst v63  }
0xfd: {  	s0 =	rddreg [dreg:$0x4]  }
0xfe: {  	[tilespmem:s19], [sflag:$0x5] =	stream.linear.gather [hbm4b:s0+s2], $0x198, $0x38;
	[tilespmem:$0x1D160] =	vst v63  }
0xff: {  	_ =	swait.ge [sflag:s5], $0x198  }
0x100: {  	[sflag:s5] =	ssyncset.done $0x0  }
0x101: {  	s0 =	rddreg [dreg:$0x5];
	[sflag:s5] =	ssyncadd.s32 $0xFFFFFE68  }
0x102: {  	[tilespmem:s21], [sflag:$0x5] =	stream.linear.gather [hbm4b:s0+s2], $0x198, $0x38;
	[tilespmem:$0x1D160] =	vst v63  }
0x103: {  	_ =	swait.ge [sflag:s5], $0x198  }
0x104: {  	[sflag:s5] =	ssyncset.done $0x0  }
0x105: {  	[sflag:s5] =	ssyncadd.s32 $0xFFFFFE68  }
0x106: {  	[tilespmem:s11], [sflag:$0x2] =	stream.indirect.gather [hbm4b:s3+s19], $0x80, s19, s19, $0xb8;
	[tilespmem:$0x1D160] =	vst v63  }
0x107: {  	_ = 	snop  }
0x108: {  	[tilespmem:s10], [sflag:$0x4] =	stream.indirect.gather [hbm4b:s4+s19], $0x10, s21, s19, $0xb8;
	[tilespmem:$0x1D160] =	vst v63  }
0x109: {  	_ =	swait.ge [sflag:s23], $0xCC00  }
0x10a: {  	[sflag:s23] =	ssyncset.done $0x0  }
0x10b: {  	[sflag:s23] =	ssyncadd.s32 $0xFFFF3400  }
0x10c: {  	_ =	swait.ge [sflag:s22], $0x1980  }
0x10d: {  	[sflag:s22] =	ssyncset.done $0x0  }
0x10e: {  	s0 =	rddreg [dreg:$0x6];
	[sflag:s22] =	ssyncadd.s32 $0xFFFFE680  }
0x10f: {  	[hbm4b:s0+s2] =	stream.linear.scatter [tilespmem:s15], [sflag:$0x5], $0xCC00, $0x38;
	[tilespmem:$0x1D160] =	vst v63  }
0x110: {  	_ =	swait.ge [sflag:s5], $0xCC00  }
0x111: {  	[sflag:s5] =	ssyncset.done $0x0  }
0x112: {  	s0 =	rddreg [dreg:$0x7];
	[sflag:s5] =	ssyncadd.s32 $0xFFFF3400  }
0x113: {  	[hbm4b:s0+s2] =	stream.linear.scatter [tilespmem:s12], [sflag:$0x5], $0x1980, $0x38;
	[tilespmem:$0x1D160] =	vst v63  }
0x114: {  	_ =	swait.ge [sflag:s5], $0x1980  }
0x115: {  	[sflag:s5] =	ssyncset.done $0x0  }
0x116: {  	s0 =	rddreg [dreg:$0x8];
	[sflag:s5] =	ssyncadd.s32 $0xFFFFE680  }
0x117: {  	[tilespmem:s2], [sflag:$0x5] =	stream.linear.gather [hbm4b:s0+s2], $0x198, $0x38;
	[tilespmem:$0x1D160] =	vst v63  }
0x118: {  	_ =	swait.ge [sflag:s5], $0x198  }
0x119: {  	[sflag:s5] =	ssyncset.done $0x0  }
0x11a: {  	s0 =	rddreg [dreg:$0x9];
	[sflag:s5] =	ssyncadd.s32 $0xFFFFFE68  }
0x11b: {  	[tilespmem:s29], [sflag:$0x5] =	stream.linear.gather [hbm4b:s0+s2], $0x198, $0x38;
	[tilespmem:$0x1D160] =	vst v63  }
0x11c: {  	_ =	swait.ge [sflag:s5], $0x198  }
0x11d: {  	[sflag:s5] =	ssyncset.done $0x0  }
0x11e: {  	[sflag:s5] =	ssyncadd.s32 $0xFFFFFE68  }
0x11f: {  	[tilespmem:s15], [sflag:$0x1] =	stream.indirect.gather [hbm4b:s3+s19], $0x80, s2, s19, $0xb8;
	[tilespmem:$0x1D160] =	vst v63  }
0x120: {  	_ = 	snop  }
0x121: {  	[tilespmem:s12], [sflag:$0x3] =	stream.indirect.gather [hbm4b:s4+s19], $0x10, s29, s19, $0xb8;
	[tilespmem:$0x1D160] =	vst v63  }
0x122: {  	_ =	swait.ge [sflag:s16], $0xCC00  }
0x123: {  	[sflag:s16] =	ssyncset.done $0x0  }
0x124: {  	[sflag:s16] =	ssyncadd.s32 $0xFFFF3400  }
0x125: {  	_ =	swait.ge [sflag:s13], $0x1980  }
0x126: {  	[sflag:s13] =	ssyncset.done $0x0  }
0x127: {  	s0 =	rddreg [dreg:$0xa];
	[sflag:s13] =	ssyncadd.s32 $0xFFFFE680  }
0x128: {  	[hbm4b:s0+s2] =	stream.linear.scatter [tilespmem:s11], [sflag:$0x5], $0xCC00, $0x38;
	[tilespmem:$0x1D160] =	vst v63  }
0x129: {  	_ =	swait.ge [sflag:s5], $0xCC00  }
0x12a: {  	[sflag:s5] =	ssyncset.done $0x0  }
0x12b: {  	s0 =	rddreg [dreg:$0xb];
	[sflag:s5] =	ssyncadd.s32 $0xFFFF3400  }
0x12c: {  	[hbm4b:s0+s2] =	stream.linear.scatter [tilespmem:s10], [sflag:$0x5], $0x1980, $0x38;
	[tilespmem:$0x1D160] =	vst v63  }
0x12d: {  	_ =	swait.ge [sflag:s5], $0x1980  }
0x12e: {  	[sflag:s5] =	ssyncset.done $0x0  }
0x12f: {  	s0 =	rddreg [dreg:$0xc];
	[sflag:s5] =	ssyncadd.s32 $0xFFFFE680  }
0x130: {  	[tilespmem:s19], [sflag:$0x5] =	stream.linear.gather [hbm4b:s0+s2], $0x198, $0x38;
	[tilespmem:$0x1D160] =	vst v63  }
0x131: {  	_ =	swait.ge [sflag:s5], $0x198  }
0x132: {  	[sflag:s5] =	ssyncset.done $0x0  }
0x133: {  	s0 =	rddreg [dreg:$0xd];
	[sflag:s5] =	ssyncadd.s32 $0xFFFFFE68  }
0x134: {  	[tilespmem:s21], [sflag:$0x5] =	stream.linear.gather [hbm4b:s0+s2], $0x198, $0x38;
	[tilespmem:$0x1D160] =	vst v63  }
0x135: {  	_ =	swait.ge [sflag:s5], $0x198  }
0x136: {  	[sflag:s5] =	ssyncset.done $0x0  }
0x137: {  	[sflag:s5] =	ssyncadd.s32 $0xFFFFFE68  }
0x138: {  	[tilespmem:s11], [sflag:$0x2] =	stream.indirect.gather [hbm4b:s3+s19], $0x80, s19, s19, $0xb8;
	[tilespmem:$0x1D160] =	vst v63  }
0x139: {  	_ = 	snop  }
0x13a: {  	[tilespmem:s10], [sflag:$0x4] =	stream.indirect.gather [hbm4b:s4+s19], $0x10, s21, s19, $0xb8;
	[tilespmem:$0x1D160] =	vst v63  }
0x13b: {  	_ =	swait.ge [sflag:s23], $0xCC00  }
0x13c: {  	[sflag:s23] =	ssyncset.done $0x0  }
0x13d: {  	[sflag:s23] =	ssyncadd.s32 $0xFFFF3400  }
0x13e: {  	_ =	swait.ge [sflag:s22], $0x1980  }
0x13f: {  	[sflag:s22] =	ssyncset.done $0x0  }
0x140: {  	s0 =	rddreg [dreg:$0xe];
	[sflag:s22] =	ssyncadd.s32 $0xFFFFE680  }
0x141: {  	[hbm4b:s0+s2] =	stream.linear.scatter [tilespmem:s15], [sflag:$0x5], $0xCC00, $0x38;
	[tilespmem:$0x1D160] =	vst v63  }
0x142: {  	_ =	swait.ge [sflag:s5], $0xCC00  }
0x143: {  	[sflag:s5] =	ssyncset.done $0x0  }
0x144: {  	s0 =	rddreg [dreg:$0xf];
	[sflag:s5] =	ssyncadd.s32 $0xFFFF3400  }
0x145: {  	[hbm4b:s0+s2] =	stream.linear.scatter [tilespmem:s12], [sflag:$0x5], $0x1980, $0x38;
	[tilespmem:$0x1D160] =	vst v63  }
0x146: {  	_ =	swait.ge [sflag:s5], $0x1980  }
0x147: {  	[sflag:s5] =	ssyncset.done $0x0  }
0x148: {  	s0 =	rddreg [dreg:$0x10];
	[sflag:s5] =	ssyncadd.s32 $0xFFFFE680  }
0x149: {  	[tilespmem:s2], [sflag:$0x5] =	stream.linear.gather [hbm4b:s0+s2], $0x198, $0x38;
	[tilespmem:$0x1D160] =	vst v63  }
0x14a: {  	_ =	swait.ge [sflag:s5], $0x198  }
0x14b: {  	[sflag:s5] =	ssyncset.done $0x0  }
0x14c: {  	s0 =	rddreg [dreg:$0x11];
	[sflag:s5] =	ssyncadd.s32 $0xFFFFFE68  }
0x14d: {  	[tilespmem:s29], [sflag:$0x5] =	stream.linear.gather [hbm4b:s0+s2], $0x198, $0x38;
	[tilespmem:$0x1D160] =	vst v63  }
0x14e: {  	_ =	swait.ge [sflag:s5], $0x198  }
0x14f: {  	[sflag:s5] =	ssyncset.done $0x0  }
0x150: {  	[sflag:s5] =	ssyncadd.s32 $0xFFFFFE68  }
0x151: {  	[tilespmem:s15], [sflag:$0x1] =	stream.indirect.gather [hbm4b:s3+s19], $0x80, s2, s19, $0xb8;
	[tilespmem:$0x1D160] =	vst v63  }
0x152: {  	_ = 	snop  }
0x153: {  	[tilespmem:s12], [sflag:$0x3] =	stream.indirect.gather [hbm4b:s4+s19], $0x10, s29, s19, $0xb8;
	[tilespmem:$0x1D160] =	vst v63  }
0x154: {  	_ =	swait.ge [sflag:s16], $0xCC00  }
0x155: {  	[sflag:s16] =	ssyncset.done $0x0  }
0x156: {  	[sflag:s16] =	ssyncadd.s32 $0xFFFF3400  }
0x157: {  	_ =	swait.ge [sflag:s13], $0x1980  }
0x158: {  	[sflag:s13] =	ssyncset.done $0x0  }
0x159: {  	s0 =	rddreg [dreg:$0x12];
	[sflag:s13] =	ssyncadd.s32 $0xFFFFE680  }
0x15a: {  	[hbm4b:s0+s2] =	stream.linear.scatter [tilespmem:s11], [sflag:$0x5], $0xCC00, $0x38;
	[tilespmem:$0x1D160] =	vst v63  }
0x15b: {  	_ =	swait.ge [sflag:s5], $0xCC00  }
0x15c: {  	[sflag:s5] =	ssyncset.done $0x0  }
0x15d: {  	s0 =	rddreg [dreg:$0x13];
	[sflag:s5] =	ssyncadd.s32 $0xFFFF3400  }
0x15e: {  	[hbm4b:s0+s2] =	stream.linear.scatter [tilespmem:s10], [sflag:$0x5], $0x1980, $0x38;
	[tilespmem:$0x1D160] =	vst v63  }
0x15f: {  	_ =	swait.ge [sflag:s5], $0x1980  }
0x160: {  	[sflag:s5] =	ssyncset.done $0x0  }
0x161: {  	[sflag:s5] =	ssyncadd.s32 $0xFFFFE680  }
0x162: {  	[tilespmem:s19], [sflag:$0x5] =	stream.linear.gather [hbm4b:s31+s2], $0x198, $0x38;
	[tilespmem:$0x1D160] =	vst v63  }
0x163: {  	_ =	swait.ge [sflag:s5], $0x198  }
0x164: {  	[sflag:s5] =	ssyncset.done $0x0  }
0x165: {  	[sflag:s5] =	ssyncadd.s32 $0xFFFFFE68  }
0x166: {  	[tilespmem:s21], [sflag:$0x5] =	stream.linear.gather [hbm4b:s30+s2], $0x198, $0x38;
	[tilespmem:$0x1D160] =	vst v63  }
0x167: {  	_ =	swait.ge [sflag:s5], $0x198  }
0x168: {  	[sflag:s5] =	ssyncset.done $0x0  }
0x169: {  	[sflag:s5] =	ssyncadd.s32 $0xFFFFFE68  }
0x16a: {  	[tilespmem:s11], [sflag:$0x2] =	stream.indirect.gather [hbm4b:s3+s19], $0x80, s19, s19, $0xb8;
	[tilespmem:$0x1D160] =	vst v63  }
0x16b: {  	_ = 	snop  }
0x16c: {  	[tilespmem:s10], [sflag:$0x4] =	stream.indirect.gather [hbm4b:s4+s19], $0x10, s21, s19, $0xb8;
	[tilespmem:$0x1D160] =	vst v63  }
0x16d: {  	_ =	swait.ge [sflag:s23], $0xCC00  }
0x16e: {  	[sflag:s23] =	ssyncset.done $0x0  }
0x16f: {  	[sflag:s23] =	ssyncadd.s32 $0xFFFF3400  }
0x170: {  	_ =	swait.ge [sflag:s22], $0x1980  }
0x171: {  	[sflag:s22] =	ssyncset.done $0x0  }
0x172: {  	[sflag:s22] =	ssyncadd.s32 $0xFFFFE680  }
0x173: {  	[hbm4b:s28+s2] =	stream.linear.scatter [tilespmem:s15], [sflag:$0x5], $0xCC00, $0x38;
	[tilespmem:$0x1D160] =	vst v63  }
0x174: {  	_ =	swait.ge [sflag:s5], $0xCC00  }
0x175: {  	[sflag:s5] =	ssyncset.done $0x0  }
0x176: {  	[sflag:s5] =	ssyncadd.s32 $0xFFFF3400  }
0x177: {  	[hbm4b:s26+s2] =	stream.linear.scatter [tilespmem:s12], [sflag:$0x5], $0x1980, $0x38;
	[tilespmem:$0x1D160] =	vst v63  }
0x178: {  	_ =	swait.ge [sflag:s5], $0x1980  }
0x179: {  	[sflag:s5] =	ssyncset.done $0x0  }
0x17a: {  	[sflag:s5] =	ssyncadd.s32 $0xFFFFE680  }
0x17b: {  	[tilespmem:s2], [sflag:$0x5] =	stream.linear.gather [hbm4b:s25+s2], $0x198, $0x38;
	[tilespmem:$0x1D160] =	vst v63  }
0x17c: {  	_ =	swait.ge [sflag:s5], $0x198  }
0x17d: {  	[sflag:s5] =	ssyncset.done $0x0  }
0x17e: {  	[sflag:s5] =	ssyncadd.s32 $0xFFFFFE68  }
0x17f: {  	[tilespmem:s29], [sflag:$0x5] =	stream.linear.gather [hbm4b:s24+s2], $0x198, $0x38;
	[tilespmem:$0x1D160] =	vst v63  }
0x180: {  	_ =	swait.ge [sflag:s5], $0x198  }
0x181: {  	[sflag:s5] =	ssyncset.done $0x0  }
0x182: {  	[sflag:s5] =	ssyncadd.s32 $0xFFFFFE68  }
0x183: {  	[tilespmem:s15], [sflag:$0x1] =	stream.indirect.gather [hbm4b:s3+s19], $0x80, s2, s19, $0xb8;
	[tilespmem:$0x1D160] =	vst v63  }
0x184: {  	_ = 	snop  }
0x185: {  	[tilespmem:s12], [sflag:$0x3] =	stream.indirect.gather [hbm4b:s4+s19], $0x10, s29, s19, $0xb8;
	[tilespmem:$0x1D160] =	vst v63  }
0x186: {  	_ =	swait.ge [sflag:s16], $0xCC00  }
0x187: {  	[sflag:s16] =	ssyncset.done $0x0  }
0x188: {  	[sflag:s16] =	ssyncadd.s32 $0xFFFF3400  }
0x189: {  	_ =	swait.ge [sflag:s13], $0x1980  }
0x18a: {  	[sflag:s13] =	ssyncset.done $0x0  }
0x18b: {  	[sflag:s13] =	ssyncadd.s32 $0xFFFFE680  }
0x18c: {  	[hbm4b:s20+s2] =	stream.linear.scatter [tilespmem:s11], [sflag:$0x5], $0xCC00, $0x38;
	[tilespmem:$0x1D160] =	vst v63  }
0x18d: {  	_ =	swait.ge [sflag:s5], $0xCC00  }
0x18e: {  	[sflag:s5] =	ssyncset.done $0x0  }
0x18f: {  	[sflag:s5] =	ssyncadd.s32 $0xFFFF3400  }
0x190: {  	[hbm4b:s18+s2] =	stream.linear.scatter [tilespmem:s10], [sflag:$0x5], $0x1980, $0x38;
	[tilespmem:$0x1D160] =	vst v63  }
0x191: {  	_ =	swait.ge [sflag:s5], $0x1980  }
0x192: {  	[sflag:s5] =	ssyncset.done $0x0  }
0x193: {  	[sflag:s5] =	ssyncadd.s32 $0xFFFFE680  }
0x194: {  	[tilespmem:s19], [sflag:$0x5] =	stream.linear.gather [hbm4b:s17+s2], $0x198, $0x38;
	[tilespmem:$0x1D160] =	vst v63  }
0x195: {  	_ =	swait.ge [sflag:s5], $0x198  }
0x196: {  	[sflag:s5] =	ssyncset.done $0x0  }
0x197: {  	[sflag:s5] =	ssyncadd.s32 $0xFFFFFE68  }
0x198: {  	[tilespmem:s21], [sflag:$0x5] =	stream.linear.gather [hbm4b:s14+s2], $0x198, $0x38;
	[tilespmem:$0x1D160] =	vst v63  }
0x199: {  	_ =	swait.ge [sflag:s5], $0x198  }
0x19a: {  	[sflag:s5] =	ssyncset.done $0x0  }
0x19b: {  	[sflag:s5] =	ssyncadd.s32 $0xFFFFFE68  }
0x19c: {  	[tilespmem:s11], [sflag:$0x2] =	stream.indirect.gather [hbm4b:s3+s19], $0x80, s19, s19, $0xb8;
	[tilespmem:$0x1D160] =	vst v63  }
0x19d: {  	_ = 	snop  }
0x19e: {  	[tilespmem:s10], [sflag:$0x4] =	stream.indirect.gather [hbm4b:s4+s19], $0x10, s21, s19, $0xb8;
	[tilespmem:$0x1D160] =	vst v63  }
0x19f: {  	_ =	swait.ge [sflag:s23], $0xCC00  }
0x1a0: {  	[sflag:s23] =	ssyncset.done $0x0  }
0x1a1: {  	[sflag:s23] =	ssyncadd.s32 $0xFFFF3400  }
0x1a2: {  	_ =	swait.ge [sflag:s22], $0x1980  }
0x1a3: {  	[sflag:s22] =	ssyncset.done $0x0  }
0x1a4: {  	[sflag:s22] =	ssyncadd.s32 $0xFFFFE680  }
0x1a5: {  	[hbm4b:s9+s2] =	stream.linear.scatter [tilespmem:s15], [sflag:$0x5], $0xCC00, $0x38;
	[tilespmem:$0x1D160] =	vst v63  }
0x1a6: {  	_ =	swait.ge [sflag:s5], $0xCC00  }
0x1a7: {  	[sflag:s5] =	ssyncset.done $0x0  }
0x1a8: {  	[sflag:s5] =	ssyncadd.s32 $0xFFFF3400  }
0x1a9: {  	[hbm4b:s8+s2] =	stream.linear.scatter [tilespmem:s12], [sflag:$0x5], $0x1980, $0x38;
	[tilespmem:$0x1D160] =	vst v63  }
0x1aa: {  	_ =	swait.ge [sflag:s5], $0x1980  }
0x1ab: {  	[sflag:s5] =	ssyncset.done $0x0  }
0x1ac: {  	[sflag:s5] =	ssyncadd.s32 $0xFFFFE680  }
0x1ad: {  	_ =	swait.ge [sflag:s16], $0xCC00  }
0x1ae: {  	[sflag:s16] =	ssyncset.done $0x0  }
0x1af: {  	[sflag:s16] =	ssyncadd.s32 $0xFFFF3400  }
0x1b0: {  	_ =	swait.ge [sflag:s13], $0x1980  }
0x1b1: {  	[sflag:s13] =	ssyncset.done $0x0  }
0x1b2: {  	[sflag:s13] =	ssyncadd.s32 $0xFFFFE680  }
0x1b3: {  	[hbm4b:s7+s2] =	stream.linear.scatter [tilespmem:s11], [sflag:$0x5], $0xCC00, $0x38;
	[tilespmem:$0x1D160] =	vst v63  }
0x1b4: {  	p1 =	sne.s32 s1, $0x1;
	_ =	swait.ge [sflag:s5], $0xCC00  }
.Ltmp2:
0x1b5: {  	[sflag:s5] =	ssyncset.done $0x0;
	(pc) =	sbr.rel @p1 .LBB2_2-.Ltmp2, $4  }
0x1b6: {  	[sflag:s5] =	ssyncadd.s32 $0xFFFF3400  }
0x1b7: {  	[hbm4b:s6+s2] =	stream.linear.scatter [tilespmem:s10], [sflag:$0x5], $0x1980, $0x38;
	[tilespmem:$0x1D160] =	vst v63  }
0x1b8: {  	_ =	swait.ge [sflag:s5], $0x1980  }
0x1b9: {  	s1 =	sadd.s32 $0xFFFFFFFF, s1;
	s0 =	rddreg [dreg:$0x2];
	[sflag:s5] =	ssyncset.done $0x0  }
.LBB2_3:
0x1ba: {  	[sflag:s5] =	ssyncadd.s32 @p0 $0xFFFFE680  }
0x1bb: {  	[tilespmem:s2], [sflag:$0x5] =	stream.linear.gather [hbm4b:s0+s2], $0x198, $0x38;
	[tilespmem:$0x1D160] =	vst v63  }
0x1bc: {  	_ =	swait.ge [sflag:s5], $0x198  }
0x1bd: {  	[sflag:s5] =	ssyncset.done $0x0  }
0x1be: {  	s1 =	rddreg [dreg:$0x3];
	[sflag:s5] =	ssyncadd.s32 $0xFFFFFE68  }
0x1bf: {  	[tilespmem:s29], [sflag:$0x5] =	stream.linear.gather [hbm4b:s1+s2], $0x198, $0x38;
	[tilespmem:$0x1D160] =	vst v63  }
0x1c0: {  	_ =	swait.ge [sflag:s5], $0x198  }
0x1c1: {  	[sflag:s5] =	ssyncset.done $0x0  }
0x1c2: {  	[sflag:s5] =	ssyncadd.s32 $0xFFFFFE68  }
0x1c3: {  	[tilespmem:s15], [sflag:$0x1] =	stream.indirect.gather [hbm4b:s3+s19], $0x80, s2, s19, $0xb8;
	[tilespmem:$0x1D160] =	vst v63  }
0x1c4: {  	_ = 	snop  }
0x1c5: {  	[tilespmem:s12], [sflag:$0x3] =	stream.indirect.gather [hbm4b:s4+s19], $0x10, s29, s19, $0xb8;
	[tilespmem:$0x1D160] =	vst v63  }
0x1c6: {  	s1 =	rddreg [dreg:$0x4]  }
0x1c7: {  	[tilespmem:s19], [sflag:$0x5] =	stream.linear.gather [hbm4b:s1+s2], $0x198, $0x38;
	[tilespmem:$0x1D160] =	vst v63  }
0x1c8: {  	_ =	swait.ge [sflag:s5], $0x198  }
0x1c9: {  	[sflag:s5] =	ssyncset.done $0x0  }
0x1ca: {  	s1 =	rddreg [dreg:$0x5];
	[sflag:s5] =	ssyncadd.s32 $0xFFFFFE68  }
0x1cb: {  	[tilespmem:s21], [sflag:$0x5] =	stream.linear.gather [hbm4b:s1+s2], $0x198, $0x38;
	[tilespmem:$0x1D160] =	vst v63  }
0x1cc: {  	_ =	swait.ge [sflag:s5], $0x198  }
0x1cd: {  	[sflag:s5] =	ssyncset.done $0x0  }
0x1ce: {  	[sflag:s5] =	ssyncadd.s32 $0xFFFFFE68  }
0x1cf: {  	[tilespmem:s11], [sflag:$0x2] =	stream.indirect.gather [hbm4b:s3+s19], $0x80, s19, s19, $0xb8;
	[tilespmem:$0x1D160] =	vst v63  }
0x1d0: {  	_ = 	snop  }
0x1d1: {  	[tilespmem:s10], [sflag:$0x4] =	stream.indirect.gather [hbm4b:s4+s19], $0x10, s21, s19, $0xb8;
	[tilespmem:$0x1D160] =	vst v63  }
0x1d2: {  	_ =	swait.ge [sflag:s23], $0xCC00  }
0x1d3: {  	[sflag:s23] =	ssyncset.done $0x0  }
0x1d4: {  	[sflag:s23] =	ssyncadd.s32 $0xFFFF3400  }
0x1d5: {  	_ =	swait.ge [sflag:s22], $0x1980  }
0x1d6: {  	[sflag:s22] =	ssyncset.done $0x0  }
0x1d7: {  	s1 =	rddreg [dreg:$0x6];
	[sflag:s22] =	ssyncadd.s32 $0xFFFFE680  }
0x1d8: {  	[hbm4b:s1+s2] =	stream.linear.scatter [tilespmem:s15], [sflag:$0x5], $0xCC00, $0x38;
	[tilespmem:$0x1D160] =	vst v63  }
0x1d9: {  	_ =	swait.ge [sflag:s5], $0xCC00  }
0x1da: {  	[sflag:s5] =	ssyncset.done $0x0  }
0x1db: {  	s1 =	rddreg [dreg:$0x7];
	[sflag:s5] =	ssyncadd.s32 $0xFFFF3400  }
0x1dc: {  	[hbm4b:s1+s2] =	stream.linear.scatter [tilespmem:s12], [sflag:$0x5], $0x1980, $0x38;
	[tilespmem:$0x1D160] =	vst v63  }
0x1dd: {  	_ =	swait.ge [sflag:s5], $0x1980  }
0x1de: {  	[sflag:s5] =	ssyncset.done $0x0  }
0x1df: {  	s1 =	rddreg [dreg:$0x8];
	[sflag:s5] =	ssyncadd.s32 $0xFFFFE680  }
0x1e0: {  	[tilespmem:s2], [sflag:$0x5] =	stream.linear.gather [hbm4b:s1+s2], $0x198, $0x38;
	[tilespmem:$0x1D160] =	vst v63  }
0x1e1: {  	_ =	swait.ge [sflag:s5], $0x198  }
0x1e2: {  	[sflag:s5] =	ssyncset.done $0x0  }
0x1e3: {  	s1 =	rddreg [dreg:$0x9];
	[sflag:s5] =	ssyncadd.s32 $0xFFFFFE68  }
0x1e4: {  	[tilespmem:s29], [sflag:$0x5] =	stream.linear.gather [hbm4b:s1+s2], $0x198, $0x38;
	[tilespmem:$0x1D160] =	vst v63  }
0x1e5: {  	_ =	swait.ge [sflag:s5], $0x198  }
0x1e6: {  	[sflag:s5] =	ssyncset.done $0x0  }
0x1e7: {  	[sflag:s5] =	ssyncadd.s32 $0xFFFFFE68  }
0x1e8: {  	[tilespmem:s15], [sflag:$0x1] =	stream.indirect.gather [hbm4b:s3+s19], $0x80, s2, s19, $0xb8;
	[tilespmem:$0x1D160] =	vst v63  }
0x1e9: {  	_ = 	snop  }
0x1ea: {  	[tilespmem:s12], [sflag:$0x3] =	stream.indirect.gather [hbm4b:s4+s19], $0x10, s29, s19, $0xb8;
	[tilespmem:$0x1D160] =	vst v63  }
0x1eb: {  	_ =	swait.ge [sflag:s16], $0xCC00  }
0x1ec: {  	[sflag:s16] =	ssyncset.done $0x0  }
0x1ed: {  	[sflag:s16] =	ssyncadd.s32 $0xFFFF3400  }
0x1ee: {  	_ =	swait.ge [sflag:s13], $0x1980  }
0x1ef: {  	[sflag:s13] =	ssyncset.done $0x0  }
0x1f0: {  	s1 =	rddreg [dreg:$0xa];
	[sflag:s13] =	ssyncadd.s32 $0xFFFFE680  }
0x1f1: {  	[hbm4b:s1+s2] =	stream.linear.scatter [tilespmem:s11], [sflag:$0x5], $0xCC00, $0x38;
	[tilespmem:$0x1D160] =	vst v63  }
0x1f2: {  	_ =	swait.ge [sflag:s5], $0xCC00  }
0x1f3: {  	[sflag:s5] =	ssyncset.done $0x0  }
0x1f4: {  	s1 =	rddreg [dreg:$0xb];
	[sflag:s5] =	ssyncadd.s32 $0xFFFF3400  }
0x1f5: {  	[hbm4b:s1+s2] =	stream.linear.scatter [tilespmem:s10], [sflag:$0x5], $0x1980, $0x38;
	[tilespmem:$0x1D160] =	vst v63  }
0x1f6: {  	_ =	swait.ge [sflag:s5], $0x1980  }
0x1f7: {  	[sflag:s5] =	ssyncset.done $0x0  }
0x1f8: {  	s1 =	rddreg [dreg:$0xc];
	[sflag:s5] =	ssyncadd.s32 $0xFFFFE680  }
0x1f9: {  	[tilespmem:s19], [sflag:$0x5] =	stream.linear.gather [hbm4b:s1+s2], $0x198, $0x38;
	[tilespmem:$0x1D160] =	vst v63  }
0x1fa: {  	_ =	swait.ge [sflag:s5], $0x198  }
0x1fb: {  	[sflag:s5] =	ssyncset.done $0x0  }
0x1fc: {  	s1 =	rddreg [dreg:$0xd];
	[sflag:s5] =	ssyncadd.s32 $0xFFFFFE68  }
0x1fd: {  	[tilespmem:s21], [sflag:$0x5] =	stream.linear.gather [hbm4b:s1+s2], $0x198, $0x38;
	[tilespmem:$0x1D160] =	vst v63  }
0x1fe: {  	_ =	swait.ge [sflag:s5], $0x198  }
0x1ff: {  	[sflag:s5] =	ssyncset.done $0x0  }
0x200: {  	[sflag:s5] =	ssyncadd.s32 $0xFFFFFE68  }
0x201: {  	[tilespmem:s11], [sflag:$0x2] =	stream.indirect.gather [hbm4b:s3+s19], $0x80, s19, s19, $0xb8;
	[tilespmem:$0x1D160] =	vst v63  }
0x202: {  	_ = 	snop  }
0x203: {  	[tilespmem:s10], [sflag:$0x4] =	stream.indirect.gather [hbm4b:s4+s19], $0x10, s21, s19, $0xb8;
	[tilespmem:$0x1D160] =	vst v63  }
0x204: {  	_ =	swait.ge [sflag:s23], $0xCC00  }
0x205: {  	[sflag:s23] =	ssyncset.done $0x0  }
0x206: {  	[sflag:s23] =	ssyncadd.s32 $0xFFFF3400  }
0x207: {  	_ =	swait.ge [sflag:s22], $0x1980  }
0x208: {  	[sflag:s22] =	ssyncset.done $0x0  }
0x209: {  	s1 =	rddreg [dreg:$0xe];
	[sflag:s22] =	ssyncadd.s32 $0xFFFFE680  }
0x20a: {  	[hbm4b:s1+s2] =	stream.linear.scatter [tilespmem:s15], [sflag:$0x5], $0xCC00, $0x38;
	[tilespmem:$0x1D160] =	vst v63  }
0x20b: {  	_ =	swait.ge [sflag:s5], $0xCC00  }
0x20c: {  	[sflag:s5] =	ssyncset.done $0x0  }
0x20d: {  	s1 =	rddreg [dreg:$0xf];
	[sflag:s5] =	ssyncadd.s32 $0xFFFF3400  }
0x20e: {  	[hbm4b:s1+s2] =	stream.linear.scatter [tilespmem:s12], [sflag:$0x5], $0x1980, $0x38;
	[tilespmem:$0x1D160] =	vst v63  }
0x20f: {  	_ =	swait.ge [sflag:s5], $0x1980  }
0x210: {  	[sflag:s5] =	ssyncset.done $0x0  }
0x211: {  	s1 =	rddreg [dreg:$0x10];
	[sflag:s5] =	ssyncadd.s32 $0xFFFFE680  }
0x212: {  	[tilespmem:s2], [sflag:$0x5] =	stream.linear.gather [hbm4b:s1+s2], $0x198, $0x38;
	[tilespmem:$0x1D160] =	vst v63  }
0x213: {  	_ =	swait.ge [sflag:s5], $0x198  }
0x214: {  	[sflag:s5] =	ssyncset.done $0x0  }
0x215: {  	s1 =	rddreg [dreg:$0x11];
	[sflag:s5] =	ssyncadd.s32 $0xFFFFFE68  }
0x216: {  	[tilespmem:s29], [sflag:$0x5] =	stream.linear.gather [hbm4b:s1+s2], $0x198, $0x38;
	[tilespmem:$0x1D160] =	vst v63  }
0x217: {  	_ =	swait.ge [sflag:s5], $0x198  }
0x218: {  	[sflag:s5] =	ssyncset.done $0x0  }
0x219: {  	[sflag:s5] =	ssyncadd.s32 $0xFFFFFE68  }
0x21a: {  	[tilespmem:s15], [sflag:$0x1] =	stream.indirect.gather [hbm4b:s3+s19], $0x80, s2, s19, $0xb8;
	[tilespmem:$0x1D160] =	vst v63  }
0x21b: {  	_ = 	snop  }
0x21c: {  	[tilespmem:s12], [sflag:$0x3] =	stream.indirect.gather [hbm4b:s4+s19], $0x10, s29, s19, $0xb8;
	[tilespmem:$0x1D160] =	vst v63  }
0x21d: {  	_ =	swait.ge [sflag:s16], $0xCC00  }
0x21e: {  	[sflag:s16] =	ssyncset.done $0x0  }
0x21f: {  	[sflag:s16] =	ssyncadd.s32 $0xFFFF3400  }
0x220: {  	_ =	swait.ge [sflag:s13], $0x1980  }
0x221: {  	[sflag:s13] =	ssyncset.done $0x0  }
0x222: {  	s1 =	rddreg [dreg:$0x12];
	[sflag:s13] =	ssyncadd.s32 $0xFFFFE680  }
0x223: {  	[hbm4b:s1+s2] =	stream.linear.scatter [tilespmem:s11], [sflag:$0x5], $0xCC00, $0x38;
	[tilespmem:$0x1D160] =	vst v63  }
0x224: {  	_ =	swait.ge [sflag:s5], $0xCC00  }
0x225: {  	[sflag:s5] =	ssyncset.done $0x0  }
0x226: {  	s1 =	rddreg [dreg:$0x13];
	[sflag:s5] =	ssyncadd.s32 $0xFFFF3400  }
0x227: {  	[hbm4b:s1+s2] =	stream.linear.scatter [tilespmem:s10], [sflag:$0x5], $0x1980, $0x38;
	[tilespmem:$0x1D160] =	vst v63  }
0x228: {  	_ =	swait.ge [sflag:s5], $0x1980  }
0x229: {  	[sflag:s5] =	ssyncset.done $0x0  }
0x22a: {  	[sflag:s5] =	ssyncadd.s32 $0xFFFFE680  }
0x22b: {  	[tilespmem:s19], [sflag:$0x5] =	stream.linear.gather [hbm4b:s31+s2], $0x198, $0x38;
	[tilespmem:$0x1D160] =	vst v63  }
0x22c: {  	_ =	swait.ge [sflag:s5], $0x198  }
0x22d: {  	[sflag:s5] =	ssyncset.done $0x0  }
0x22e: {  	[sflag:s5] =	ssyncadd.s32 $0xFFFFFE68  }
0x22f: {  	[tilespmem:s21], [sflag:$0x5] =	stream.linear.gather [hbm4b:s30+s2], $0x198, $0x38;
	[tilespmem:$0x1D160] =	vst v63  }
0x230: {  	_ =	swait.ge [sflag:s5], $0x198  }
0x231: {  	[sflag:s5] =	ssyncset.done $0x0  }
0x232: {  	[sflag:s5] =	ssyncadd.s32 $0xFFFFFE68  }
0x233: {  	[tilespmem:s11], [sflag:$0x2] =	stream.indirect.gather [hbm4b:s3+s19], $0x80, s19, s19, $0xb8;
	[tilespmem:$0x1D160] =	vst v63  }
0x234: {  	_ = 	snop  }
0x235: {  	[tilespmem:s10], [sflag:$0x4] =	stream.indirect.gather [hbm4b:s4+s19], $0x10, s21, s19, $0xb8;
	[tilespmem:$0x1D160] =	vst v63  }
0x236: {  	_ =	swait.ge [sflag:s23], $0xCC00  }
0x237: {  	[sflag:s23] =	ssyncset.done $0x0  }
0x238: {  	[sflag:s23] =	ssyncadd.s32 $0xFFFF3400  }
0x239: {  	_ =	swait.ge [sflag:s22], $0x1980  }
0x23a: {  	[sflag:s22] =	ssyncset.done $0x0  }
0x23b: {  	[sflag:s22] =	ssyncadd.s32 $0xFFFFE680  }
0x23c: {  	[hbm4b:s28+s2] =	stream.linear.scatter [tilespmem:s15], [sflag:$0x5], $0xCC00, $0x38;
	[tilespmem:$0x1D160] =	vst v63  }
0x23d: {  	_ =	swait.ge [sflag:s5], $0xCC00  }
0x23e: {  	[sflag:s5] =	ssyncset.done $0x0  }
0x23f: {  	[sflag:s5] =	ssyncadd.s32 $0xFFFF3400  }
0x240: {  	[hbm4b:s26+s2] =	stream.linear.scatter [tilespmem:s12], [sflag:$0x5], $0x1980, $0x38;
	[tilespmem:$0x1D160] =	vst v63  }
0x241: {  	_ =	swait.ge [sflag:s5], $0x1980  }
0x242: {  	[sflag:s5] =	ssyncset.done $0x0  }
0x243: {  	[sflag:s5] =	ssyncadd.s32 $0xFFFFE680  }
0x244: {  	[tilespmem:s2], [sflag:$0x5] =	stream.linear.gather [hbm4b:s25+s2], $0x198, $0x38;
	[tilespmem:$0x1D160] =	vst v63  }
0x245: {  	_ =	swait.ge [sflag:s5], $0x198  }
0x246: {  	[sflag:s5] =	ssyncset.done $0x0  }
0x247: {  	[sflag:s5] =	ssyncadd.s32 $0xFFFFFE68  }
0x248: {  	[tilespmem:s29], [sflag:$0x5] =	stream.linear.gather [hbm4b:s24+s2], $0x198, $0x38;
	[tilespmem:$0x1D160] =	vst v63  }
0x249: {  	_ =	swait.ge [sflag:s5], $0x198  }
0x24a: {  	[sflag:s5] =	ssyncset.done $0x0  }
0x24b: {  	[sflag:s5] =	ssyncadd.s32 $0xFFFFFE68  }
0x24c: {  	[tilespmem:s15], [sflag:$0x1] =	stream.indirect.gather [hbm4b:s3+s19], $0x80, s2, s19, $0xb8;
	[tilespmem:$0x1D160] =	vst v63  }
0x24d: {  	_ = 	snop  }
0x24e: {  	[tilespmem:s12], [sflag:$0x3] =	stream.indirect.gather [hbm4b:s4+s19], $0x10, s29, s19, $0xb8;
	[tilespmem:$0x1D160] =	vst v63  }
0x24f: {  	_ =	swait.ge [sflag:s16], $0xCC00  }
0x250: {  	[sflag:s16] =	ssyncset.done $0x0  }
0x251: {  	[sflag:s16] =	ssyncadd.s32 $0xFFFF3400  }
0x252: {  	_ =	swait.ge [sflag:s13], $0x1980  }
0x253: {  	[sflag:s13] =	ssyncset.done $0x0  }
0x254: {  	[sflag:s13] =	ssyncadd.s32 $0xFFFFE680  }
0x255: {  	[hbm4b:s20+s2] =	stream.linear.scatter [tilespmem:s11], [sflag:$0x5], $0xCC00, $0x38;
	[tilespmem:$0x1D160] =	vst v63  }
0x256: {  	_ =	swait.ge [sflag:s5], $0xCC00  }
0x257: {  	[sflag:s5] =	ssyncset.done $0x0  }
0x258: {  	[sflag:s5] =	ssyncadd.s32 $0xFFFF3400  }
0x259: {  	[hbm4b:s18+s2] =	stream.linear.scatter [tilespmem:s10], [sflag:$0x5], $0x1980, $0x38;
	[tilespmem:$0x1D160] =	vst v63  }
0x25a: {  	_ =	swait.ge [sflag:s5], $0x1980  }
0x25b: {  	[sflag:s5] =	ssyncset.done $0x0  }
0x25c: {  	[sflag:s5] =	ssyncadd.s32 $0xFFFFE680  }
0x25d: {  	[tilespmem:s19], [sflag:$0x5] =	stream.linear.gather [hbm4b:s17+s2], $0x198, $0x38;
	[tilespmem:$0x1D160] =	vst v63  }
0x25e: {  	_ =	swait.ge [sflag:s5], $0x198  }
0x25f: {  	[sflag:s5] =	ssyncset.done $0x0  }
0x260: {  	[sflag:s5] =	ssyncadd.s32 $0xFFFFFE68  }
0x261: {  	[tilespmem:s21], [sflag:$0x5] =	stream.linear.gather [hbm4b:s14+s2], $0x198, $0x38;
	[tilespmem:$0x1D160] =	vst v63  }
0x262: {  	_ =	swait.ge [sflag:s5], $0x198  }
0x263: {  	[sflag:s5] =	ssyncset.done $0x0  }
0x264: {  	[sflag:s5] =	ssyncadd.s32 $0xFFFFFE68  }
0x265: {  	[tilespmem:s11], [sflag:$0x2] =	stream.indirect.gather [hbm4b:s3+s19], $0x80, s19, s19, $0xb8;
	[tilespmem:$0x1D160] =	vst v63  }
0x266: {  	_ = 	snop  }
0x267: {  	[tilespmem:s10], [sflag:$0x4] =	stream.indirect.gather [hbm4b:s4+s19], $0x10, s21, s19, $0xb8;
	[tilespmem:$0x1D160] =	vst v63  }
0x268: {  	_ =	swait.ge [sflag:s23], $0xCC00  }
0x269: {  	[sflag:s23] =	ssyncset.done $0x0  }
0x26a: {  	[sflag:s23] =	ssyncadd.s32 $0xFFFF3400  }
0x26b: {  	_ =	swait.ge [sflag:s22], $0x1980  }
0x26c: {  	[sflag:s22] =	ssyncset.done $0x0  }
0x26d: {  	[sflag:s22] =	ssyncadd.s32 $0xFFFFE680  }
0x26e: {  	[hbm4b:s9+s2] =	stream.linear.scatter [tilespmem:s15], [sflag:$0x5], $0xCC00, $0x38;
	[tilespmem:$0x1D160] =	vst v63  }
0x26f: {  	_ =	swait.ge [sflag:s5], $0xCC00  }
0x270: {  	[sflag:s5] =	ssyncset.done $0x0  }
0x271: {  	[sflag:s5] =	ssyncadd.s32 $0xFFFF3400  }
0x272: {  	[hbm4b:s8+s2] =	stream.linear.scatter [tilespmem:s12], [sflag:$0x5], $0x1980, $0x38;
	[tilespmem:$0x1D160] =	vst v63  }
0x273: {  	_ =	swait.ge [sflag:s5], $0x1980  }
0x274: {  	[sflag:s5] =	ssyncset.done $0x0  }
0x275: {  	[sflag:s5] =	ssyncadd.s32 $0xFFFFE680  }
0x276: {  	_ =	swait.ge [sflag:s16], $0xCC00  }
0x277: {  	[sflag:s16] =	ssyncset.done $0x0  }
0x278: {  	[sflag:s16] =	ssyncadd.s32 $0xFFFF3400  }
0x279: {  	_ =	swait.ge [sflag:s13], $0x1980  }
0x27a: {  	[sflag:s13] =	ssyncset.done $0x0  }
0x27b: {  	[sflag:s13] =	ssyncadd.s32 $0xFFFFE680  }
0x27c: {  	[hbm4b:s7+s2] =	stream.linear.scatter [tilespmem:s11], [sflag:$0x5], $0xCC00, $0x38;
	[tilespmem:$0x1D160] =	vst v63  }
0x27d: {  	_ =	swait.ge [sflag:s5], $0xCC00  }
0x27e: {  	[sflag:s5] =	ssyncset.done $0x0  }
0x27f: {  	[sflag:s5] =	ssyncadd.s32 $0xFFFF3400  }
0x280: {  	[hbm4b:s6+s2] =	stream.linear.scatter [tilespmem:s10], [sflag:$0x5], $0x1980, $0x38;
	[tilespmem:$0x1D160] =	vst v63  }
0x281: {  	_ =	swait.ge [sflag:s5], $0x1980  }
0x282: {  	[sflag:s5] =	ssyncset.done $0x0  }
0x283: {  	[sflag:s5] =	ssyncadd.s32 $0xFFFFE680  }
0x284: {  	_ =	sfence.sel $0x180000  }
0x285: {  	[bflag:$0x0] =	sbarrier.arrive $0xFFFF  }
0x286: {  	_ =	strace $0x90000047  }
0x287: {  	s31 =	stileid.u32;
	[bflag:$0x2] =	sbarrier.arrive $0xFFFF  }
0x288: {  	p0 =	sne.s32 s31, $0x0;
	s0 =	rddreg [dreg:$0x1]  }
0x289: {  	s0 =	sadd.s32 @!p0 $0x100000, s0  }
0x28a: {  	[sflag:s0] =	ssyncadd.tile.s32 @!p0 $0x1;
	_ =	shalt  }
.Lfunc_end2:
_tile_overlayer_lowered:
.L_overlay_start_2:
0x28b: {  	(tag) =	ssettag $0x2  }
0x28c: {  	s0 =	rddreg [dreg:$0x0];
	s2 =	stileid.u32  }
0x28d: {  	s1 =	rddreg [dreg:$0x1];
	p0 =	sne.s32 s2, $0x0  }
0x28e: {  	s3 =	rddreg [dreg:$0x2];
	[bflag:$0x3] =	sbarrier.arrive $0xFFFF;
	s2 =	simm.s32 @!p0 $0x1C05  }
0x28f: {  	[timem:s3], [sflag:s2] =	dma.local @!p0 [hbm:s0], s1  }
0x290: {  	s0 =	simm.s32 @!p0 $0x5  }
0x291: {  	_ =	swait.ge @!p0 [sflag:s0], s1  }
0x292: {  	s1 =	ssub.s32 @!p0 $0x0, s1;
	[sflag:s0] =	ssyncset.done @!p0 $0x0  }
0x293: {  	[sflag:s0] =	ssyncadd.s32 @!p0 s1  }
0x294: {  	[bflag:$0x3] =	sbarrier.arrive $0xFFFF  }
0x295: {  	_ =	shalt  }

</sc_bundles>
